<compile_context>
chip_gen: v7x
topology: tpu7x:2x2x1
jax: 0.10.2.dev20260603
libtpu: 0.0.44.dev20260713+nightly
codegen_flags: <defaults>
</compile_context>

<pallas_src>
import functools

import jax
import jax.numpy as jnp
from jax import lax
from jax.experimental import pallas as pl
from jax.experimental.pallas import tpu as pltpu
from jax.experimental.pallas import tpu_sc as plsc

N = 10000
DF = 128
H = 128
OUT = 64
E = 320000
E2 = 2 * E

NC = 2
NS = 16
NW = NC * NS
L = 16

NP = 10240
STRIPE = NP // NS
PAD_NODE = NP - 1

CB = 128
KCH = 80
KB2 = 158

BN = 1024

_mesh = plsc.VectorSubcoreMesh(core_axis_name="c", subcore_axis_name="s")
_sc_params = pltpu.CompilerParams(
    needs_layout_passes=False, use_tc_tiling_on_sc=False
)




@functools.partial(
    pl.kernel,
    out_type=jax.ShapeDtypeStruct((NW, NP), jnp.float32),
    mesh=_mesh,
    scratch_types=[
        pltpu.VMEM((KCH, CB), jnp.int32),
        pltpu.VMEM((NP,), jnp.float32),
    ],
    compiler_params=_sc_params,
)
def _deg_kernel(dst_hbm, degp_hbm, idx_v, deg_v):
    c = lax.axis_index("c")
    s = lax.axis_index("s")
    wid = s * NC + c
    pltpu.sync_copy(dst_hbm.at[wid], idx_v)
    zero = jnp.zeros((L,), jnp.float32)

    def zbody(i, carry):
        deg_v[pl.ds(i * L, L)] = zero
        return carry

    lax.fori_loop(0, NP // L, zbody, 0)
    ones = jnp.ones((L,), jnp.float32)

    def cbody(j, carry):
        for g in range(CB // L):
            idx16 = idx_v[j, pl.ds(g * L, L)]
            plsc.addupdate_scatter(deg_v, [idx16], ones)
        return carry

    lax.fori_loop(0, KCH, cbody, 0)
    pltpu.sync_copy(deg_v, degp_hbm.at[wid])




def _make_agg(dim, kch, cb, table_in_spmem):
    scratch = [
        pltpu.VMEM((kch, cb), jnp.int32),
        pltpu.VMEM((kch, cb), jnp.int32),
        pltpu.VMEM((cb, dim), jnp.float32),
        pltpu.VMEM((cb, dim), jnp.float32),
        pltpu.VMEM_SHARED((NP, dim), jnp.float32),
        pltpu.SemaphoreType.DMA,
        pltpu.SemaphoreType.DMA,
    ]
    if table_in_spmem:
        scratch.append(pltpu.VMEM_SHARED((NP, dim), jnp.float32))

    @functools.partial(
        pl.kernel,
        out_type=jax.ShapeDtypeStruct((NC, NP, dim), jnp.float32),
        mesh=_mesh,
        scratch_types=scratch,
        name=f"edge_agg_{dim}",
        compiler_params=_sc_params,
    )
    def agg(table_hbm, src_hbm, dst_hbm, zeros_hbm, out_hbm, src_v, dst_v,
            rows0, rows1, shared, sem0, sem1, *rest):
        c = lax.axis_index("c")
        s = lax.axis_index("s")
        wid = s * NC + c
        stripe = pl.ds(s * STRIPE, STRIPE)
        pltpu.sync_copy(zeros_hbm, shared.at[stripe])
        pltpu.sync_copy(src_hbm.at[wid], src_v)
        pltpu.sync_copy(dst_hbm.at[wid], dst_v)
        if table_in_spmem:
            table = rest[0]
            pltpu.sync_copy(table_hbm.at[stripe], table.at[stripe])
        else:
            table = table_hbm
        plsc.subcore_barrier()

        def gather(j, rows, sem):
            pltpu.async_copy(table.at[src_v.at[j]], rows, sem)

        def gwait(j, rows, sem):
            pltpu.make_async_copy(table.at[src_v.at[j]], rows, sem).wait()

        gather(0, rows0, sem0)

        def body(j, carry):
            gwait(j, rows0, sem0)
            gather(j + 1, rows1, sem1)
            pltpu.sync_copy(rows0, shared.at[dst_v.at[j]], add=True)
            gwait(j + 1, rows1, sem1)

            @pl.when(j + 2 < kch)
            def _():
                gather(j + 2, rows0, sem0)

            pltpu.sync_copy(rows1, shared.at[dst_v.at[j + 1]], add=True)
            return carry

        lax.fori_loop(0, kch // 2, lambda t, cc: body(t * 2, cc), 0)
        plsc.subcore_barrier()
        pltpu.sync_copy(shared.at[stripe], out_hbm.at[c, stripe])

    return agg


_agg_out = _make_agg(OUT, KCH, CB, True)




@functools.partial(
    pl.kernel,
    out_type=jax.ShapeDtypeStruct((NW, KB2 * CB), jnp.float32),
    mesh=_mesh,
    scratch_types=[
        pltpu.VMEM((KB2, CB), jnp.int32),
        pltpu.VMEM((KB2, CB), jnp.int32),
        pltpu.VMEM((CB, OUT), jnp.float32),
        pltpu.VMEM((CB, OUT), jnp.float32),
        pltpu.VMEM((CB, OUT), jnp.float32),
        pltpu.VMEM((CB, OUT), jnp.float32),
        pltpu.VMEM((CB,), jnp.float32),
        pltpu.VMEM((CB,), jnp.float32),
        pltpu.VMEM_SHARED((NP, OUT), jnp.float32),
        pltpu.SemaphoreType.DMA,
        pltpu.SemaphoreType.DMA,
        pltpu.SemaphoreType.DMA,
        pltpu.SemaphoreType.DMA,
    ],
    name="edge_decoder",
    compiler_params=_sc_params,
)
def _dec_kernel(latent_hbm, ia_hbm, ib_hbm, out_hbm, ia_v, ib_v,
                ra0, rb0, ra1, rb1, ob0, ob1, table,
                sem0, sem1, osem0, osem1):
    c = lax.axis_index("c")
    s = lax.axis_index("s")
    wid = s * NC + c
    stripe = pl.ds(s * STRIPE, STRIPE)
    pltpu.sync_copy(latent_hbm.at[stripe], table.at[stripe])
    pltpu.sync_copy(ia_hbm.at[wid], ia_v)
    pltpu.sync_copy(ib_hbm.at[wid], ib_v)
    plsc.subcore_barrier()
    iota = lax.iota(jnp.int32, L)

    def gather(j, ra, rb, sem):
        pltpu.async_copy(table.at[ia_v.at[j]], ra, sem)
        pltpu.async_copy(table.at[ib_v.at[j]], rb, sem)

    def gwait(j, ra, rb, sem):
        pltpu.make_async_copy(table.at[ia_v.at[j]], ra, sem).wait()
        pltpu.make_async_copy(table.at[ib_v.at[j]], rb, sem).wait()

    def owrite(j, ob, osem):
        pltpu.async_copy(ob, out_hbm.at[wid, pl.ds(j * CB, CB)], osem)

    def owait(j, ob, osem):
        pltpu.make_async_copy(
            ob, out_hbm.at[wid, pl.ds(j * CB, CB)], osem
        ).wait()

    def compute(j, ra, rb, ob):
        def group(g, gcarry):
            rowi = g * L + iota
            a0 = jnp.zeros((L,), jnp.float32)
            a1 = a0
            a2 = a0
            a3 = a0
            for d in range(0, OUT, 4):
                c0 = (iota + d) & (OUT - 1)
                c1 = (iota + (d + 1)) & (OUT - 1)
                c2 = (iota + (d + 2)) & (OUT - 1)
                c3 = (iota + (d + 3)) & (OUT - 1)
                a0 = a0 + plsc.load_gather(ra, [rowi, c0]) * plsc.load_gather(rb, [rowi, c0])
                a1 = a1 + plsc.load_gather(ra, [rowi, c1]) * plsc.load_gather(rb, [rowi, c1])
                a2 = a2 + plsc.load_gather(ra, [rowi, c2]) * plsc.load_gather(rb, [rowi, c2])
                a3 = a3 + plsc.load_gather(ra, [rowi, c3]) * plsc.load_gather(rb, [rowi, c3])
            ob[pl.ds(g * L, L)] = (a0 + a1) + (a2 + a3)
            return gcarry

        lax.fori_loop(0, CB // L, group, 0)

    gather(0, ra0, rb0, sem0)

    def body(j, carry):
        gwait(j, ra0, rb0, sem0)
        gather(j + 1, ra1, rb1, sem1)

        @pl.when(j >= 2)
        def _():
            owait(j - 2, ob0, osem0)

        compute(j, ra0, rb0, ob0)
        owrite(j, ob0, osem0)
        gwait(j + 1, ra1, rb1, sem1)

        @pl.when(j + 2 < KB2)
        def _():
            gather(j + 2, ra0, rb0, sem0)

        @pl.when(j >= 2)
        def _():
            owait(j - 1, ob1, osem1)

        compute(j + 1, ra1, rb1, ob1)
        owrite(j + 1, ob1, osem1)
        return carry

    lax.fori_loop(0, KB2 // 2, lambda t, cc: body(t * 2, cc), 0)
    owait(KB2 - 2, ob0, osem0)
    owait(KB2 - 1, ob1, osem1)




def _dinv_block(degp_blk, block_i):
    deg = jnp.sum(degp_blk, axis=0)[:, None] + 1.0
    rows = lax.broadcasted_iota(jnp.int32, (BN, 1), 0) + block_i * BN
    return jnp.where(rows < N, lax.rsqrt(deg), 0.0)


def _tc1_body(x_ref, w_ref, degp_ref, h1p_ref):
    i = pl.program_id(0)
    dinv = _dinv_block(degp_ref[...], i)
    h = jnp.dot(x_ref[...], w_ref[...], preferred_element_type=jnp.float32)
    h1p_ref[0, ...] = h[:, :OUT] * dinv
    h1p_ref[1, ...] = h[:, OUT:] * dinv


def _tc2_body(pa_ref, pb_ref, h1p_ref, degp_ref, w2_ref, b1_ref, h2p_ref):
    i = pl.program_id(0)
    dinv = _dinv_block(degp_ref[...], i)
    agg0 = pa_ref[0] + pa_ref[1] + h1p_ref[0]
    agg1 = pb_ref[0] + pb_ref[1] + h1p_ref[1]
    z10 = jnp.maximum(dinv * agg0 + b1_ref[:, :OUT], 0.0)
    z11 = jnp.maximum(dinv * agg1 + b1_ref[:, OUT:], 0.0)
    h2 = jnp.dot(z10, w2_ref[:OUT], preferred_element_type=jnp.float32)
    h2 = h2 + jnp.dot(z11, w2_ref[OUT:], preferred_element_type=jnp.float32)
    h2p_ref[...] = h2 * dinv


def _tc3_body(q_ref, h2p_ref, degp_ref, b2_ref, lat_ref):
    i = pl.program_id(0)
    dinv = _dinv_block(degp_ref[...], i)
    lat_ref[...] = dinv * (q_ref[0] + q_ref[1] + h2p_ref[...]) + b2_ref[...]


def _tc1(x_p, W1, degp):
    return pl.pallas_call(
        _tc1_body,
        grid=(NP // BN,),
        in_specs=[
            pl.BlockSpec((BN, DF), lambda i: (i, 0)),
            pl.BlockSpec((DF, H), lambda i: (0, 0)),
            pl.BlockSpec((NW, BN), lambda i: (0, i)),
        ],
        out_specs=pl.BlockSpec((2, BN, OUT), lambda i: (0, i, 0)),
        out_shape=jax.ShapeDtypeStruct((2, NP, OUT), jnp.float32),
    )(x_p, W1, degp)


def _tc2(pa, pb, h1p, degp, W2, b1):
    return pl.pallas_call(
        _tc2_body,
        grid=(NP // BN,),
        in_specs=[
            pl.BlockSpec((NC, BN, OUT), lambda i: (0, i, 0)),
            pl.BlockSpec((NC, BN, OUT), lambda i: (0, i, 0)),
            pl.BlockSpec((2, BN, OUT), lambda i: (0, i, 0)),
            pl.BlockSpec((NW, BN), lambda i: (0, i)),
            pl.BlockSpec((H, OUT), lambda i: (0, 0)),
            pl.BlockSpec((1, H), lambda i: (0, 0)),
        ],
        out_specs=pl.BlockSpec((BN, OUT), lambda i: (i, 0)),
        out_shape=jax.ShapeDtypeStruct((NP, OUT), jnp.float32),
    )(pa, pb, h1p, degp, W2, b1)


def _tc3(q, h2p, degp, b2):
    return pl.pallas_call(
        _tc3_body,
        grid=(NP // BN,),
        in_specs=[
            pl.BlockSpec((NC, BN, OUT), lambda i: (0, i, 0)),
            pl.BlockSpec((BN, OUT), lambda i: (i, 0)),
            pl.BlockSpec((NW, BN), lambda i: (0, i)),
            pl.BlockSpec((1, OUT), lambda i: (0, 0)),
        ],
        out_specs=pl.BlockSpec((BN, OUT), lambda i: (i, 0)),
        out_shape=jax.ShapeDtypeStruct((NP, OUT), jnp.float32),
    )(q, h2p, degp, b2)




def _pad_idx(idx, kch, cb):
    tot = NW * kch * cb
    p = jnp.full((tot,), PAD_NODE, jnp.int32).at[: idx.shape[0]].set(idx)
    return p.reshape(NW, kch, cb)


def kernel(x, edge_index, neg_edge, W1, b1, W2, b2):
    src2 = _pad_idx(edge_index[0], KCH, CB)
    dst2 = _pad_idx(edge_index[1], KCH, CB)

    x_p = jnp.zeros((NP, DF), jnp.float32).at[:N].set(x)
    zeros_o = jnp.zeros((STRIPE, OUT), jnp.float32)

    degp = _deg_kernel(dst2)
    h1p = _tc1(x_p, W1, degp)
    p1a = _agg_out(h1p[0], src2, dst2, zeros_o)
    p1b = _agg_out(h1p[1], src2, dst2, zeros_o)
    h2p = _tc2(p1a, p1b, h1p, degp, W2, b1.reshape(1, H))
    p2 = _agg_out(h2p, src2, dst2, zeros_o)
    latent = _tc3(p2, h2p, degp, b2.reshape(1, OUT))

    ia = _pad_idx(jnp.concatenate([edge_index[0], neg_edge[0]]), KB2, CB)
    ib = _pad_idx(jnp.concatenate([edge_index[1], neg_edge[1]]), KB2, CB)
    logits = _dec_kernel(latent, ia, ib)
    return logits.reshape(-1)[:E2]

# --- scband reference (transcript-rebuilt; emitter-appended) ---
"""Pipeline reference for scband-vgae-25331717112182 (READ-ONLY COPY).

The authoritative reference and input builder live on the scoring server;
editing this copy changes nothing except your own understanding.
"""

import jax, jax.numpy as jnp
import numpy as np

N_NODES = 10000
D_FEAT = 128
OUT_DIM = 64
N_EDGES = 320000


def gcn_conv(x, edge_index, W, b):
    # GCNConv with added self-loops and symmetric normalization D^-1/2 A D^-1/2
    N = x.shape[0]
    loop = jnp.arange(N, dtype=edge_index.dtype)
    src = jnp.concatenate([edge_index[0], loop])
    dst = jnp.concatenate([edge_index[1], loop])
    deg = jnp.zeros((N,), dtype=x.dtype).at[dst].add(1.0)
    dinv = jnp.where(deg > 0, jax.lax.rsqrt(jnp.maximum(deg, 1e-12)), 0.0)
    norm = dinv[src] * dinv[dst]
    h = x @ W
    msg = h[src] * norm[:, None]
    out = jnp.zeros((N, W.shape[1]), dtype=x.dtype).at[dst].add(msg)
    return out + b


def setup_inputs(seed: int = 0) -> dict:
    key = jax.random.key(seed)
    ks = jax.random.split(key, 8)
    x = jax.random.normal(ks[0], (N_NODES, D_FEAT), dtype=jnp.float32)
    edge_index = jax.random.randint(ks[1], (2, N_EDGES), 0, N_NODES, dtype=jnp.int32)
    neg_edge = jax.random.randint(ks[2], (2, N_EDGES), 0, N_NODES, dtype=jnp.int32)
    W1 = jax.random.normal(ks[3], (D_FEAT, 2 * OUT_DIM), dtype=jnp.float32) * (1.0 / np.sqrt(D_FEAT))
    b1 = jnp.zeros((2 * OUT_DIM,), dtype=jnp.float32)
    W2 = jax.random.normal(ks[4], (2 * OUT_DIM, OUT_DIM), dtype=jnp.float32) * (1.0 / np.sqrt(2 * OUT_DIM))
    b2 = jnp.zeros((OUT_DIM,), dtype=jnp.float32)
    return {"x": x, "edge_index": edge_index, "neg_edge": neg_edge, "W1": W1, "b1": b1, "W2": W2, "b2": b2}


def reference(x, edge_index, neg_edge, W1, b1, W2, b2):
    # encoder: two GCN convs with ReLU in between
    h = jax.nn.relu(gcn_conv(x, edge_index, W1, b1))
    latent = gcn_conv(h, edge_index, W2, b2)
    # decoder: inner-product logits on concatenated pos/neg edges
    ei = jnp.concatenate([edge_index, neg_edge], axis=-1)
    logits = jnp.sum(latent[ei[0]] * latent[ei[1]], axis=-1)
    return logits

if __name__ == "__main__":
    import jax
    _d = setup_inputs()
    print(jax.jit(kernel)(*tuple(_d.values())))

</pallas_src>

<mosaic_0001>
#map = affine_map<(d0, d1) -> (0, 0)>
#map1 = affine_map<(d0, d1) -> (0, 0, 0)>
module attributes {stable_mosaic.version = 14 : i64} {
  func.func @edge_agg_64(%arg0: i32, %arg1: i32, %arg2: memref<10240x64xf32, #tpu.memory_space<hbm>>, %arg3: memref<32x80x128xi32, #tpu.memory_space<hbm>>, %arg4: memref<32x80x128xi32, #tpu.memory_space<hbm>>, %arg5: memref<640x64xf32, #tpu.memory_space<hbm>>, %arg6: memref<2x10240x64xf32, #tpu.memory_space<hbm>>, %arg7: memref<80x128xi32, #tpu.memory_space<vmem>>, %arg8: memref<80x128xi32, #tpu.memory_space<vmem>>, %arg9: memref<128x64xf32, #tpu.memory_space<vmem>>, %arg10: memref<128x64xf32, #tpu.memory_space<vmem>>, %arg11: memref<10240x64xf32, #tpu.memory_space<vmem_shared>>, %arg12: memref<!tpu.dma_semaphore, #tpu.memory_space<semaphore_mem>>, %arg13: memref<!tpu.dma_semaphore, #tpu.memory_space<semaphore_mem>>, %arg14: memref<10240x64xf32, #tpu.memory_space<vmem_shared>>) attributes {dimension_semantics = [#tpu.dimension_semantics<core_parallel>, #tpu.dimension_semantics<subcore_parallel>], iteration_bounds = array<i64: 2, 16>, scalar_prefetch = 0 : i64, scratch_operands = 8 : i64, tpu.core_type = #tpu.core_type<sc_vector_subcore>, window_params = [{transform_indices = #map}, {transform_indices = #map1}, {transform_indices = #map1}, {transform_indices = #map}, {transform_indices = #map1}]} {
    %mul3A = arith.constant 2 : i32
    %mul3A_0 = arith.muli %arg1, %mul3A : i32
    %add3A = arith.addi %mul3A_0, %arg0 : i32
    %mul3A_1 = arith.constant 640 : i32
    %mul3A_2 = arith.muli %arg1, %mul3A_1 : i32
    "tpu.region"() ({
      %run_scoped3A = tpu.sem_alloc : memref<!tpu.dma_semaphore, #tpu.memory_space<semaphore_mem>>
      %dma_start3A_15 = arith.constant 0 : i32
      %dma_start3A_16 = tpu.memref_slice %arg11[%mul3A_2, %dma_start3A_15] : memref<10240x64xf32, #tpu.memory_space<vmem_shared>> -> memref<640x64xf32, #tpu.memory_space<vmem_shared>>
      tpu.enqueue_dma source(%arg5 : memref<640x64xf32, #tpu.memory_space<hbm>>) target(%dma_start3A_16 : memref<640x64xf32, #tpu.memory_space<vmem_shared>>) target_semaphore(%run_scoped3A : memref<!tpu.dma_semaphore, #tpu.memory_space<semaphore_mem>>)
      %dma_wait3A = arith.constant 0 : i32
      %dma_wait3A_17 = tpu.memref_slice %arg11[%mul3A_2, %dma_wait3A] : memref<10240x64xf32, #tpu.memory_space<vmem_shared>> -> memref<640x64xf32, #tpu.memory_space<vmem_shared>>
      tpu.wait_dma2 semaphore(%run_scoped3A : memref<!tpu.dma_semaphore, #tpu.memory_space<semaphore_mem>>) src(%arg5 : memref<640x64xf32, #tpu.memory_space<hbm>>) dst(%dma_wait3A_17 : memref<640x64xf32, #tpu.memory_space<vmem_shared>>)
      tpu.yield
    }) : () -> ()
    "tpu.region"() ({
      %run_scoped3A = tpu.sem_alloc : memref<!tpu.dma_semaphore, #tpu.memory_space<semaphore_mem>>
      %dma_start3A_15 = arith.constant 0 : i32
      %dma_start3A_16 = arith.constant 0 : i32
      %dma_start3A_17 = tpu.memref_slice %arg3[%add3A, %dma_start3A_15, %dma_start3A_16] : memref<32x80x128xi32, #tpu.memory_space<hbm>> -> memref<1x80x128xi32, #tpu.memory_space<hbm>>
      %dma_start3A_18 = tpu.memref_squeeze %dma_start3A_17 : memref<1x80x128xi32, #tpu.memory_space<hbm>> -> memref<80x128xi32, #tpu.memory_space<hbm>>
      %dma_start3A_19 = arith.constant 0 : i32
      %dma_start3A_20 = arith.constant 0 : i32
      %dma_start3A_21 = tpu.memref_slice %arg3[%add3A, %dma_start3A_19, %dma_start3A_20] : memref<32x80x128xi32, #tpu.memory_space<hbm>> -> memref<1x80x128xi32, #tpu.memory_space<hbm>>
      %dma_start3A_22 = tpu.memref_squeeze %dma_start3A_21 : memref<1x80x128xi32, #tpu.memory_space<hbm>> -> memref<80x128xi32, #tpu.memory_space<hbm>>
      tpu.enqueue_dma source(%dma_start3A_22 : memref<80x128xi32, #tpu.memory_space<hbm>>) target(%arg7 : memref<80x128xi32, #tpu.memory_space<vmem>>) target_semaphore(%run_scoped3A : memref<!tpu.dma_semaphore, #tpu.memory_space<semaphore_mem>>)
      %dma_wait3A = arith.constant 0 : i32
      %dma_wait3A_23 = arith.constant 0 : i32
      %dma_wait3A_24 = tpu.memref_slice %arg3[%add3A, %dma_wait3A, %dma_wait3A_23] : memref<32x80x128xi32, #tpu.memory_space<hbm>> -> memref<1x80x128xi32, #tpu.memory_space<hbm>>
      %dma_wait3A_25 = tpu.memref_squeeze %dma_wait3A_24 : memref<1x80x128xi32, #tpu.memory_space<hbm>> -> memref<80x128xi32, #tpu.memory_space<hbm>>
      %dma_wait3A_26 = arith.constant 0 : i32
      %dma_wait3A_27 = arith.constant 0 : i32
      %dma_wait3A_28 = tpu.memref_slice %arg3[%add3A, %dma_wait3A_26, %dma_wait3A_27] : memref<32x80x128xi32, #tpu.memory_space<hbm>> -> memref<1x80x128xi32, #tpu.memory_space<hbm>>
      %dma_wait3A_29 = tpu.memref_squeeze %dma_wait3A_28 : memref<1x80x128xi32, #tpu.memory_space<hbm>> -> memref<80x128xi32, #tpu.memory_space<hbm>>
      tpu.wait_dma2 semaphore(%run_scoped3A : memref<!tpu.dma_semaphore, #tpu.memory_space<semaphore_mem>>) src(%dma_wait3A_29 : memref<80x128xi32, #tpu.memory_space<hbm>>) dst(%arg7 : memref<80x128xi32, #tpu.memory_space<vmem>>)
      tpu.yield
    }) : () -> ()
    "tpu.region"() ({
      %run_scoped3A = tpu.sem_alloc : memref<!tpu.dma_semaphore, #tpu.memory_space<semaphore_mem>>
      %dma_start3A_15 = arith.constant 0 : i32
      %dma_start3A_16 = arith.constant 0 : i32
      %dma_start3A_17 = tpu.memref_slice %arg4[%add3A, %dma_start3A_15, %dma_start3A_16] : memref<32x80x128xi32, #tpu.memory_space<hbm>> -> memref<1x80x128xi32, #tpu.memory_space<hbm>>
      %dma_start3A_18 = tpu.memref_squeeze %dma_start3A_17 : memref<1x80x128xi32, #tpu.memory_space<hbm>> -> memref<80x128xi32, #tpu.memory_space<hbm>>
      %dma_start3A_19 = arith.constant 0 : i32
      %dma_start3A_20 = arith.constant 0 : i32
      %dma_start3A_21 = tpu.memref_slice %arg4[%add3A, %dma_start3A_19, %dma_start3A_20] : memref<32x80x128xi32, #tpu.memory_space<hbm>> -> memref<1x80x128xi32, #tpu.memory_space<hbm>>
      %dma_start3A_22 = tpu.memref_squeeze %dma_start3A_21 : memref<1x80x128xi32, #tpu.memory_space<hbm>> -> memref<80x128xi32, #tpu.memory_space<hbm>>
      tpu.enqueue_dma source(%dma_start3A_22 : memref<80x128xi32, #tpu.memory_space<hbm>>) target(%arg8 : memref<80x128xi32, #tpu.memory_space<vmem>>) target_semaphore(%run_scoped3A : memref<!tpu.dma_semaphore, #tpu.memory_space<semaphore_mem>>)
      %dma_wait3A = arith.constant 0 : i32
      %dma_wait3A_23 = arith.constant 0 : i32
      %dma_wait3A_24 = tpu.memref_slice %arg4[%add3A, %dma_wait3A, %dma_wait3A_23] : memref<32x80x128xi32, #tpu.memory_space<hbm>> -> memref<1x80x128xi32, #tpu.memory_space<hbm>>
      %dma_wait3A_25 = tpu.memref_squeeze %dma_wait3A_24 : memref<1x80x128xi32, #tpu.memory_space<hbm>> -> memref<80x128xi32, #tpu.memory_space<hbm>>
      %dma_wait3A_26 = arith.constant 0 : i32
      %dma_wait3A_27 = arith.constant 0 : i32
      %dma_wait3A_28 = tpu.memref_slice %arg4[%add3A, %dma_wait3A_26, %dma_wait3A_27] : memref<32x80x128xi32, #tpu.memory_space<hbm>> -> memref<1x80x128xi32, #tpu.memory_space<hbm>>
      %dma_wait3A_29 = tpu.memref_squeeze %dma_wait3A_28 : memref<1x80x128xi32, #tpu.memory_space<hbm>> -> memref<80x128xi32, #tpu.memory_space<hbm>>
      tpu.wait_dma2 semaphore(%run_scoped3A : memref<!tpu.dma_semaphore, #tpu.memory_space<semaphore_mem>>) src(%dma_wait3A_29 : memref<80x128xi32, #tpu.memory_space<hbm>>) dst(%arg8 : memref<80x128xi32, #tpu.memory_space<vmem>>)
      tpu.yield
    }) : () -> ()
    "tpu.region"() ({
      %run_scoped3A = tpu.sem_alloc : memref<!tpu.dma_semaphore, #tpu.memory_space<semaphore_mem>>
      %dma_start3A_15 = arith.constant 0 : i32
      %dma_start3A_16 = tpu.memref_slice %arg14[%mul3A_2, %dma_start3A_15] : memref<10240x64xf32, #tpu.memory_space<vmem_shared>> -> memref<640x64xf32, #tpu.memory_space<vmem_shared>>
      %dma_start3A_17 = arith.constant 0 : i32
      %dma_start3A_18 = tpu.memref_slice %arg2[%mul3A_2, %dma_start3A_17] : memref<10240x64xf32, #tpu.memory_space<hbm>> -> memref<640x64xf32, #tpu.memory_space<hbm>>
      tpu.enqueue_dma source(%dma_start3A_18 : memref<640x64xf32, #tpu.memory_space<hbm>>) target(%dma_start3A_16 : memref<640x64xf32, #tpu.memory_space<vmem_shared>>) target_semaphore(%run_scoped3A : memref<!tpu.dma_semaphore, #tpu.memory_space<semaphore_mem>>)
      %dma_wait3A = arith.constant 0 : i32
      %dma_wait3A_19 = tpu.memref_slice %arg14[%mul3A_2, %dma_wait3A] : memref<10240x64xf32, #tpu.memory_space<vmem_shared>> -> memref<640x64xf32, #tpu.memory_space<vmem_shared>>
      %dma_wait3A_20 = arith.constant 0 : i32
      %dma_wait3A_21 = tpu.memref_slice %arg2[%mul3A_2, %dma_wait3A_20] : memref<10240x64xf32, #tpu.memory_space<hbm>> -> memref<640x64xf32, #tpu.memory_space<hbm>>
      tpu.wait_dma2 semaphore(%run_scoped3A : memref<!tpu.dma_semaphore, #tpu.memory_space<semaphore_mem>>) src(%dma_wait3A_21 : memref<640x64xf32, #tpu.memory_space<hbm>>) dst(%dma_wait3A_19 : memref<640x64xf32, #tpu.memory_space<vmem_shared>>)
      tpu.yield
    }) : () -> ()
    %barrier3A = arith.constant 0 : index
    tpu.barrier barrier_id(%barrier3A)
    %dma_start3A = arith.constant 0 : i32
    %dma_start3A_3 = arith.constant 0 : i32
    %dma_start3A_4 = tpu.memref_slice %arg7[%dma_start3A, %dma_start3A_3] : memref<80x128xi32, #tpu.memory_space<vmem>> -> memref<1x128xi32, #tpu.memory_space<vmem>>
    %dma_start3A_5 = tpu.memref_squeeze %dma_start3A_4 : memref<1x128xi32, #tpu.memory_space<vmem>> -> memref<128xi32, #tpu.memory_space<vmem>>
    %dma_start3A_6 = arith.constant 0 : i32
    %dma_start3A_7 = arith.constant 0 : i32
    %dma_start3A_8 = tpu.memref_slice %arg14[%dma_start3A_6, %dma_start3A_7] : memref<10240x64xf32, #tpu.memory_space<vmem_shared>> -> memref<10240x64xf32, #tpu.memory_space<vmem_shared>>
    tpu.enqueue_indirect_dma source(%dma_start3A_8 : memref<10240x64xf32, #tpu.memory_space<vmem_shared>>) target(%arg9 : memref<128x64xf32, #tpu.memory_space<vmem>>) offsets(%dma_start3A_5 : memref<128xi32, #tpu.memory_space<vmem>>) semaphore(%arg12 : memref<!tpu.dma_semaphore, #tpu.memory_space<semaphore_mem>>)
    %scan3A = arith.constant 0 : i32
    %scan3A_9 = arith.constant 0 : i32
    %scan3A_10 = arith.constant 40 : i32
    %scan3A_11 = arith.addi %scan3A_9, %scan3A_10 : i32
    %scan3A_12 = arith.constant 1 : i32
    scf.for %scan3A_15 = %scan3A_9 to %scan3A_11 step %scan3A_12  : i32 {
      %mul3A_16 = arith.constant 2 : i32
      %mul3A_17 = arith.muli %scan3A_15, %mul3A_16 : i32
      %dma_wait3A = arith.constant 0 : i32
      %dma_wait3A_18 = tpu.memref_slice %arg7[%mul3A_17, %dma_wait3A] : memref<80x128xi32, #tpu.memory_space<vmem>> -> memref<1x128xi32, #tpu.memory_space<vmem>>
      %dma_wait3A_19 = tpu.memref_squeeze %dma_wait3A_18 : memref<1x128xi32, #tpu.memory_space<vmem>> -> memref<128xi32, #tpu.memory_space<vmem>>
      %dma_wait3A_20 = arith.constant 0 : i32
      %dma_wait3A_21 = arith.constant 0 : i32
      %dma_wait3A_22 = tpu.memref_slice %arg14[%dma_wait3A_20, %dma_wait3A_21] : memref<10240x64xf32, #tpu.memory_space<vmem_shared>> -> memref<10240x64xf32, #tpu.memory_space<vmem_shared>>
      tpu.wait_indirect_dma semaphore(%arg12 : memref<!tpu.dma_semaphore, #tpu.memory_space<semaphore_mem>>) src(%dma_wait3A_22 : memref<10240x64xf32, #tpu.memory_space<vmem_shared>>) dst(%arg9 : memref<128x64xf32, #tpu.memory_space<vmem>>)
      %add3A_23 = arith.constant 1 : i32
      %add3A_24 = arith.addi %mul3A_17, %add3A_23 : i32
      %dma_start3A_25 = arith.constant 0 : i32
      %dma_start3A_26 = tpu.memref_slice %arg7[%add3A_24, %dma_start3A_25] : memref<80x128xi32, #tpu.memory_space<vmem>> -> memref<1x128xi32, #tpu.memory_space<vmem>>
      %dma_start3A_27 = tpu.memref_squeeze %dma_start3A_26 : memref<1x128xi32, #tpu.memory_space<vmem>> -> memref<128xi32, #tpu.memory_space<vmem>>
      %dma_start3A_28 = arith.constant 0 : i32
      %dma_start3A_29 = arith.constant 0 : i32
      %dma_start3A_30 = tpu.memref_slice %arg14[%dma_start3A_28, %dma_start3A_29] : memref<10240x64xf32, #tpu.memory_space<vmem_shared>> -> memref<10240x64xf32, #tpu.memory_space<vmem_shared>>
      tpu.enqueue_indirect_dma source(%dma_start3A_30 : memref<10240x64xf32, #tpu.memory_space<vmem_shared>>) target(%arg10 : memref<128x64xf32, #tpu.memory_space<vmem>>) offsets(%dma_start3A_27 : memref<128xi32, #tpu.memory_space<vmem>>) semaphore(%arg13 : memref<!tpu.dma_semaphore, #tpu.memory_space<semaphore_mem>>)
      "tpu.region"() ({
        %run_scoped3A = tpu.sem_alloc : memref<!tpu.dma_semaphore, #tpu.memory_space<semaphore_mem>>
        %dma_start3A_45 = arith.constant 0 : i32
        %dma_start3A_46 = tpu.memref_slice %arg8[%mul3A_17, %dma_start3A_45] : memref<80x128xi32, #tpu.memory_space<vmem>> -> memref<1x128xi32, #tpu.memory_space<vmem>>
        %dma_start3A_47 = tpu.memref_squeeze %dma_start3A_46 : memref<1x128xi32, #tpu.memory_space<vmem>> -> memref<128xi32, #tpu.memory_space<vmem>>
        %dma_start3A_48 = arith.constant 0 : i32
        %dma_start3A_49 = arith.constant 0 : i32
        %dma_start3A_50 = tpu.memref_slice %arg11[%dma_start3A_48, %dma_start3A_49] : memref<10240x64xf32, #tpu.memory_space<vmem_shared>> -> memref<10240x64xf32, #tpu.memory_space<vmem_shared>>
        tpu.enqueue_indirect_dma source(%arg9 : memref<128x64xf32, #tpu.memory_space<vmem>>) target(%dma_start3A_50 : memref<10240x64xf32, #tpu.memory_space<vmem_shared>>) offsets(%dma_start3A_47 : memref<128xi32, #tpu.memory_space<vmem>>) semaphore(%run_scoped3A : memref<!tpu.dma_semaphore, #tpu.memory_space<semaphore_mem>>) {add = true}
        %dma_wait3A_51 = arith.constant 0 : i32
        %dma_wait3A_52 = tpu.memref_slice %arg8[%mul3A_17, %dma_wait3A_51] : memref<80x128xi32, #tpu.memory_space<vmem>> -> memref<1x128xi32, #tpu.memory_space<vmem>>
        %dma_wait3A_53 = tpu.memref_squeeze %dma_wait3A_52 : memref<1x128xi32, #tpu.memory_space<vmem>> -> memref<128xi32, #tpu.memory_space<vmem>>
        %dma_wait3A_54 = arith.constant 0 : i32
        %dma_wait3A_55 = arith.constant 0 : i32
        %dma_wait3A_56 = tpu.memref_slice %arg11[%dma_wait3A_54, %dma_wait3A_55] : memref<10240x64xf32, #tpu.memory_space<vmem_shared>> -> memref<10240x64xf32, #tpu.memory_space<vmem_shared>>
        tpu.wait_indirect_dma semaphore(%run_scoped3A : memref<!tpu.dma_semaphore, #tpu.memory_space<semaphore_mem>>) src(%arg9 : memref<128x64xf32, #tpu.memory_space<vmem>>) dst(%dma_wait3A_56 : memref<10240x64xf32, #tpu.memory_space<vmem_shared>>)
        tpu.yield
      }) : () -> ()
      %add3A_31 = arith.constant 1 : i32
      %add3A_32 = arith.addi %mul3A_17, %add3A_31 : i32
      %dma_wait3A_33 = arith.constant 0 : i32
      %dma_wait3A_34 = tpu.memref_slice %arg7[%add3A_32, %dma_wait3A_33] : memref<80x128xi32, #tpu.memory_space<vmem>> -> memref<1x128xi32, #tpu.memory_space<vmem>>
      %dma_wait3A_35 = tpu.memref_squeeze %dma_wait3A_34 : memref<1x128xi32, #tpu.memory_space<vmem>> -> memref<128xi32, #tpu.memory_space<vmem>>
      %dma_wait3A_36 = arith.constant 0 : i32
      %dma_wait3A_37 = arith.constant 0 : i32
      %dma_wait3A_38 = tpu.memref_slice %arg14[%dma_wait3A_36, %dma_wait3A_37] : memref<10240x64xf32, #tpu.memory_space<vmem_shared>> -> memref<10240x64xf32, #tpu.memory_space<vmem_shared>>
      tpu.wait_indirect_dma semaphore(%arg13 : memref<!tpu.dma_semaphore, #tpu.memory_space<semaphore_mem>>) src(%dma_wait3A_38 : memref<10240x64xf32, #tpu.memory_space<vmem_shared>>) dst(%arg10 : memref<128x64xf32, #tpu.memory_space<vmem>>)
      %add3A_39 = arith.constant 2 : i32
      %add3A_40 = arith.addi %mul3A_17, %add3A_39 : i32
      %lt3A = arith.constant 80 : i32
      %lt3A_41 = arith.cmpi slt, %add3A_40, %lt3A : i32
      %convert_element_type3A = arith.extui %lt3A_41 : i1 to i32
      %cond3A = arith.constant 0 : i32
      %cond3A_42 = arith.cmpi ne, %convert_element_type3A, %cond3A : i32
      scf.if %cond3A_42 {
        %add3A_45 = arith.constant 2 : i32
        %add3A_46 = arith.addi %mul3A_17, %add3A_45 : i32
        %dma_start3A_47 = arith.constant 0 : i32
        %dma_start3A_48 = tpu.memref_slice %arg7[%add3A_46, %dma_start3A_47] : memref<80x128xi32, #tpu.memory_space<vmem>> -> memref<1x128xi32, #tpu.memory_space<vmem>>
        %dma_start3A_49 = tpu.memref_squeeze %dma_start3A_48 : memref<1x128xi32, #tpu.memory_space<vmem>> -> memref<128xi32, #tpu.memory_space<vmem>>
        %dma_start3A_50 = arith.constant 0 : i32
        %dma_start3A_51 = arith.constant 0 : i32
        %dma_start3A_52 = tpu.memref_slice %arg14[%dma_start3A_50, %dma_start3A_51] : memref<10240x64xf32, #tpu.memory_space<vmem_shared>> -> memref<10240x64xf32, #tpu.memory_space<vmem_shared>>
        tpu.enqueue_indirect_dma source(%dma_start3A_52 : memref<10240x64xf32, #tpu.memory_space<vmem_shared>>) target(%arg9 : memref<128x64xf32, #tpu.memory_space<vmem>>) offsets(%dma_start3A_49 : memref<128xi32, #tpu.memory_space<vmem>>) semaphore(%arg12 : memref<!tpu.dma_semaphore, #tpu.memory_space<semaphore_mem>>)
      } else {
      }
      %add3A_43 = arith.constant 1 : i32
      %add3A_44 = arith.addi %mul3A_17, %add3A_43 : i32
      "tpu.region"() ({
        %run_scoped3A = tpu.sem_alloc : memref<!tpu.dma_semaphore, #tpu.memory_space<semaphore_mem>>
        %dma_start3A_45 = arith.constant 0 : i32
        %dma_start3A_46 = tpu.memref_slice %arg8[%add3A_44, %dma_start3A_45] : memref<80x128xi32, #tpu.memory_space<vmem>> -> memref<1x128xi32, #tpu.memory_space<vmem>>
        %dma_start3A_47 = tpu.memref_squeeze %dma_start3A_46 : memref<1x128xi32, #tpu.memory_space<vmem>> -> memref<128xi32, #tpu.memory_space<vmem>>
        %dma_start3A_48 = arith.constant 0 : i32
        %dma_start3A_49 = arith.constant 0 : i32
        %dma_start3A_50 = tpu.memref_slice %arg11[%dma_start3A_48, %dma_start3A_49] : memref<10240x64xf32, #tpu.memory_space<vmem_shared>> -> memref<10240x64xf32, #tpu.memory_space<vmem_shared>>
        tpu.enqueue_indirect_dma source(%arg10 : memref<128x64xf32, #tpu.memory_space<vmem>>) target(%dma_start3A_50 : memref<10240x64xf32, #tpu.memory_space<vmem_shared>>) offsets(%dma_start3A_47 : memref<128xi32, #tpu.memory_space<vmem>>) semaphore(%run_scoped3A : memref<!tpu.dma_semaphore, #tpu.memory_space<semaphore_mem>>) {add = true}
        %dma_wait3A_51 = arith.constant 0 : i32
        %dma_wait3A_52 = tpu.memref_slice %arg8[%add3A_44, %dma_wait3A_51] : memref<80x128xi32, #tpu.memory_space<vmem>> -> memref<1x128xi32, #tpu.memory_space<vmem>>
        %dma_wait3A_53 = tpu.memref_squeeze %dma_wait3A_52 : memref<1x128xi32, #tpu.memory_space<vmem>> -> memref<128xi32, #tpu.memory_space<vmem>>
        %dma_wait3A_54 = arith.constant 0 : i32
        %dma_wait3A_55 = arith.constant 0 : i32
        %dma_wait3A_56 = tpu.memref_slice %arg11[%dma_wait3A_54, %dma_wait3A_55] : memref<10240x64xf32, #tpu.memory_space<vmem_shared>> -> memref<10240x64xf32, #tpu.memory_space<vmem_shared>>
        tpu.wait_indirect_dma semaphore(%run_scoped3A : memref<!tpu.dma_semaphore, #tpu.memory_space<semaphore_mem>>) src(%arg10 : memref<128x64xf32, #tpu.memory_space<vmem>>) dst(%dma_wait3A_56 : memref<10240x64xf32, #tpu.memory_space<vmem_shared>>)
        tpu.yield
      }) : () -> ()
    }
    %scan3A_13 = arith.constant 40 : i32
    %barrier3A_14 = arith.constant 0 : index
    tpu.barrier barrier_id(%barrier3A_14)
    "tpu.region"() ({
      %run_scoped3A = tpu.sem_alloc : memref<!tpu.dma_semaphore, #tpu.memory_space<semaphore_mem>>
      %dma_start3A_15 = arith.constant 0 : i32
      %dma_start3A_16 = tpu.memref_slice %arg6[%arg0, %mul3A_2, %dma_start3A_15] : memref<2x10240x64xf32, #tpu.memory_space<hbm>> -> memref<1x640x64xf32, #tpu.memory_space<hbm>>
      %dma_start3A_17 = tpu.memref_squeeze %dma_start3A_16 : memref<1x640x64xf32, #tpu.memory_space<hbm>> -> memref<640x64xf32, #tpu.memory_space<hbm>>
      %dma_start3A_18 = arith.constant 0 : i32
      %dma_start3A_19 = tpu.memref_slice %arg11[%mul3A_2, %dma_start3A_18] : memref<10240x64xf32, #tpu.memory_space<vmem_shared>> -> memref<640x64xf32, #tpu.memory_space<vmem_shared>>
      tpu.enqueue_dma source(%dma_start3A_19 : memref<640x64xf32, #tpu.memory_space<vmem_shared>>) target(%dma_start3A_17 : memref<640x64xf32, #tpu.memory_space<hbm>>) target_semaphore(%run_scoped3A : memref<!tpu.dma_semaphore, #tpu.memory_space<semaphore_mem>>)
      %dma_wait3A = arith.constant 0 : i32
      %dma_wait3A_20 = tpu.memref_slice %arg6[%arg0, %mul3A_2, %dma_wait3A] : memref<2x10240x64xf32, #tpu.memory_space<hbm>> -> memref<1x640x64xf32, #tpu.memory_space<hbm>>
      %dma_wait3A_21 = tpu.memref_squeeze %dma_wait3A_20 : memref<1x640x64xf32, #tpu.memory_space<hbm>> -> memref<640x64xf32, #tpu.memory_space<hbm>>
      %dma_wait3A_22 = arith.constant 0 : i32
      %dma_wait3A_23 = tpu.memref_slice %arg11[%mul3A_2, %dma_wait3A_22] : memref<10240x64xf32, #tpu.memory_space<vmem_shared>> -> memref<640x64xf32, #tpu.memory_space<vmem_shared>>
      tpu.wait_dma2 semaphore(%run_scoped3A : memref<!tpu.dma_semaphore, #tpu.memory_space<semaphore_mem>>) src(%dma_wait3A_23 : memref<640x64xf32, #tpu.memory_space<vmem_shared>>) dst(%dma_wait3A_21 : memref<640x64xf32, #tpu.memory_space<hbm>>)
      tpu.yield
    }) : () -> ()
    return
  }
}

#map = affine_map<(d0, d1) -> (0, 0, 0)>
#map1 = affine_map<(d0, d1) -> (0, 0)>
module attributes {stable_mosaic.version = 14 : i64} {
  func.func @_deg_kernel(%arg0: i32, %arg1: i32, %arg2: memref<32x80x128xi32, #tpu.memory_space<hbm>>, %arg3: memref<32x10240xf32, #tpu.memory_space<hbm>>, %arg4: memref<80x128xi32, #tpu.memory_space<vmem>>, %arg5: memref<10240xf32, #tpu.memory_space<vmem>>) attributes {dimension_semantics = [#tpu.dimension_semantics<core_parallel>, #tpu.dimension_semantics<subcore_parallel>], iteration_bounds = array<i64: 2, 16>, scalar_prefetch = 0 : i64, scratch_operands = 2 : i64, tpu.core_type = #tpu.core_type<sc_vector_subcore>, window_params = [{transform_indices = #map}, {transform_indices = #map1}]} {
    %mul3A = arith.constant 2 : i32
    %mul3A_0 = arith.muli %arg1, %mul3A : i32
    %add3A = arith.addi %mul3A_0, %arg0 : i32
    "tpu.region"() ({
      %run_scoped3A = tpu.sem_alloc : memref<!tpu.dma_semaphore, #tpu.memory_space<semaphore_mem>>
      %dma_start3A = arith.constant 0 : i32
      %dma_start3A_15 = arith.constant 0 : i32
      %dma_start3A_16 = tpu.memref_slice %arg2[%add3A, %dma_start3A, %dma_start3A_15] : memref<32x80x128xi32, #tpu.memory_space<hbm>> -> memref<1x80x128xi32, #tpu.memory_space<hbm>>
      %dma_start3A_17 = tpu.memref_squeeze %dma_start3A_16 : memref<1x80x128xi32, #tpu.memory_space<hbm>> -> memref<80x128xi32, #tpu.memory_space<hbm>>
      %dma_start3A_18 = arith.constant 0 : i32
      %dma_start3A_19 = arith.constant 0 : i32
      %dma_start3A_20 = tpu.memref_slice %arg2[%add3A, %dma_start3A_18, %dma_start3A_19] : memref<32x80x128xi32, #tpu.memory_space<hbm>> -> memref<1x80x128xi32, #tpu.memory_space<hbm>>
      %dma_start3A_21 = tpu.memref_squeeze %dma_start3A_20 : memref<1x80x128xi32, #tpu.memory_space<hbm>> -> memref<80x128xi32, #tpu.memory_space<hbm>>
      tpu.enqueue_dma source(%dma_start3A_21 : memref<80x128xi32, #tpu.memory_space<hbm>>) target(%arg4 : memref<80x128xi32, #tpu.memory_space<vmem>>) target_semaphore(%run_scoped3A : memref<!tpu.dma_semaphore, #tpu.memory_space<semaphore_mem>>)
      %dma_wait3A = arith.constant 0 : i32
      %dma_wait3A_22 = arith.constant 0 : i32
      %dma_wait3A_23 = tpu.memref_slice %arg2[%add3A, %dma_wait3A, %dma_wait3A_22] : memref<32x80x128xi32, #tpu.memory_space<hbm>> -> memref<1x80x128xi32, #tpu.memory_space<hbm>>
      %dma_wait3A_24 = tpu.memref_squeeze %dma_wait3A_23 : memref<1x80x128xi32, #tpu.memory_space<hbm>> -> memref<80x128xi32, #tpu.memory_space<hbm>>
      %dma_wait3A_25 = arith.constant 0 : i32
      %dma_wait3A_26 = arith.constant 0 : i32
      %dma_wait3A_27 = tpu.memref_slice %arg2[%add3A, %dma_wait3A_25, %dma_wait3A_26] : memref<32x80x128xi32, #tpu.memory_space<hbm>> -> memref<1x80x128xi32, #tpu.memory_space<hbm>>
      %dma_wait3A_28 = tpu.memref_squeeze %dma_wait3A_27 : memref<1x80x128xi32, #tpu.memory_space<hbm>> -> memref<80x128xi32, #tpu.memory_space<hbm>>
      tpu.wait_dma2 semaphore(%run_scoped3A : memref<!tpu.dma_semaphore, #tpu.memory_space<semaphore_mem>>) src(%dma_wait3A_28 : memref<80x128xi32, #tpu.memory_space<hbm>>) dst(%arg4 : memref<80x128xi32, #tpu.memory_space<vmem>>)
      tpu.yield
    }) : () -> ()
    %broadcast_in_dim3A = arith.constant 0.000000e+00 : f32
    %broadcast_in_dim3A_1 = vector.broadcast %broadcast_in_dim3A : f32 to vector<16xf32>
    %scan3A = arith.constant 0 : i32
    %scan3A_2 = arith.constant 0 : i32
    %scan3A_3 = arith.constant 640 : i32
    %scan3A_4 = arith.addi %scan3A_2, %scan3A_3 : i32
    %scan3A_5 = arith.constant 1 : i32
    scf.for %scan3A_15 = %scan3A_2 to %scan3A_4 step %scan3A_5  : i32 {
      %mul3A_16 = arith.constant 16 : i32
      %mul3A_17 = arith.muli %scan3A_15, %mul3A_16 : i32
      %swap3A = arith.index_cast %mul3A_17 : i32 to index
      %swap3A_18 = tpu.vector_load %arg5[%swap3A] {strides = array<i32>} : memref<10240xf32, #tpu.memory_space<vmem>>, vector<16xf32>,
      tpu.vector_store %arg5[%swap3A], %broadcast_in_dim3A_1 {strides = array<i32>} : memref<10240xf32, #tpu.memory_space<vmem>>, vector<16xf32>,
    }
    %scan3A_6 = arith.constant 640 : i32
    %broadcast_in_dim3A_7 = arith.constant 1.000000e+00 : f32
    %broadcast_in_dim3A_8 = vector.broadcast %broadcast_in_dim3A_7 : f32 to vector<16xf32>
    %scan3A_9 = arith.constant 0 : i32
    %scan3A_10 = arith.constant 0 : i32
    %scan3A_11 = arith.constant 80 : i32
    %scan3A_12 = arith.addi %scan3A_10, %scan3A_11 : i32
    %scan3A_13 = arith.constant 1 : i32
    scf.for %scan3A_15 = %scan3A_10 to %scan3A_12 step %scan3A_13  : i32 {
      %get3A = arith.index_cast %scan3A_15 : i32 to index
      %get3A_16 = arith.constant 0 : index
      %get3A_17 = tpu.vector_load %arg4[%get3A, %get3A_16] {strides = array<i32>} : memref<80x128xi32, #tpu.memory_space<vmem>>, vector<16xi32>,
      tpu.vector_store_idx %arg5[%get3A_17], %broadcast_in_dim3A_8 {add = true} : memref<10240xf32, #tpu.memory_space<vmem>>[vector<16xi32>], vector<16xf32>,
      %get3A_18 = arith.index_cast %scan3A_15 : i32 to index
      %get3A_19 = arith.constant 16 : index
      %get3A_20 = tpu.vector_load %arg4[%get3A_18, %get3A_19] {strides = array<i32>} : memref<80x128xi32, #tpu.memory_space<vmem>>, vector<16xi32>,
      tpu.vector_store_idx %arg5[%get3A_20], %broadcast_in_dim3A_8 {add = true} : memref<10240xf32, #tpu.memory_space<vmem>>[vector<16xi32>], vector<16xf32>,
      %get3A_21 = arith.index_cast %scan3A_15 : i32 to index
      %get3A_22 = arith.constant 32 : index
      %get3A_23 = tpu.vector_load %arg4[%get3A_21, %get3A_22] {strides = array<i32>} : memref<80x128xi32, #tpu.memory_space<vmem>>, vector<16xi32>,
      tpu.vector_store_idx %arg5[%get3A_23], %broadcast_in_dim3A_8 {add = true} : memref<10240xf32, #tpu.memory_space<vmem>>[vector<16xi32>], vector<16xf32>,
      %get3A_24 = arith.index_cast %scan3A_15 : i32 to index
      %get3A_25 = arith.constant 48 : index
      %get3A_26 = tpu.vector_load %arg4[%get3A_24, %get3A_25] {strides = array<i32>} : memref<80x128xi32, #tpu.memory_space<vmem>>, vector<16xi32>,
      tpu.vector_store_idx %arg5[%get3A_26], %broadcast_in_dim3A_8 {add = true} : memref<10240xf32, #tpu.memory_space<vmem>>[vector<16xi32>], vector<16xf32>,
      %get3A_27 = arith.index_cast %scan3A_15 : i32 to index
      %get3A_28 = arith.constant 64 : index
      %get3A_29 = tpu.vector_load %arg4[%get3A_27, %get3A_28] {strides = array<i32>} : memref<80x128xi32, #tpu.memory_space<vmem>>, vector<16xi32>,
      tpu.vector_store_idx %arg5[%get3A_29], %broadcast_in_dim3A_8 {add = true} : memref<10240xf32, #tpu.memory_space<vmem>>[vector<16xi32>], vector<16xf32>,
      %get3A_30 = arith.index_cast %scan3A_15 : i32 to index
      %get3A_31 = arith.constant 80 : index
      %get3A_32 = tpu.vector_load %arg4[%get3A_30, %get3A_31] {strides = array<i32>} : memref<80x128xi32, #tpu.memory_space<vmem>>, vector<16xi32>,
      tpu.vector_store_idx %arg5[%get3A_32], %broadcast_in_dim3A_8 {add = true} : memref<10240xf32, #tpu.memory_space<vmem>>[vector<16xi32>], vector<16xf32>,
      %get3A_33 = arith.index_cast %scan3A_15 : i32 to index
      %get3A_34 = arith.constant 96 : index
      %get3A_35 = tpu.vector_load %arg4[%get3A_33, %get3A_34] {strides = array<i32>} : memref<80x128xi32, #tpu.memory_space<vmem>>, vector<16xi32>,
      tpu.vector_store_idx %arg5[%get3A_35], %broadcast_in_dim3A_8 {add = true} : memref<10240xf32, #tpu.memory_space<vmem>>[vector<16xi32>], vector<16xf32>,
      %get3A_36 = arith.index_cast %scan3A_15 : i32 to index
      %get3A_37 = arith.constant 112 : index
      %get3A_38 = tpu.vector_load %arg4[%get3A_36, %get3A_37] {strides = array<i32>} : memref<80x128xi32, #tpu.memory_space<vmem>>, vector<16xi32>,
      tpu.vector_store_idx %arg5[%get3A_38], %broadcast_in_dim3A_8 {add = true} : memref<10240xf32, #tpu.memory_space<vmem>>[vector<16xi32>], vector<16xf32>,
    }
    %scan3A_14 = arith.constant 80 : i32
    "tpu.region"() ({
      %run_scoped3A = tpu.sem_alloc : memref<!tpu.dma_semaphore, #tpu.memory_space<semaphore_mem>>
      %dma_start3A = arith.constant 0 : i32
      %dma_start3A_15 = tpu.memref_slice %arg3[%add3A, %dma_start3A] : memref<32x10240xf32, #tpu.memory_space<hbm>> -> memref<1x10240xf32, #tpu.memory_space<hbm>>
      %dma_start3A_16 = tpu.memref_squeeze %dma_start3A_15 : memref<1x10240xf32, #tpu.memory_space<hbm>> -> memref<10240xf32, #tpu.memory_space<hbm>>
      %dma_start3A_17 = arith.constant 0 : i32
      %dma_start3A_18 = tpu.memref_slice %arg3[%add3A, %dma_start3A_17] : memref<32x10240xf32, #tpu.memory_space<hbm>> -> memref<1x10240xf32, #tpu.memory_space<hbm>>
      %dma_start3A_19 = tpu.memref_squeeze %dma_start3A_18 : memref<1x10240xf32, #tpu.memory_space<hbm>> -> memref<10240xf32, #tpu.memory_space<hbm>>
      tpu.enqueue_dma source(%arg5 : memref<10240xf32, #tpu.memory_space<vmem>>) target(%dma_start3A_19 : memref<10240xf32, #tpu.memory_space<hbm>>) target_semaphore(%run_scoped3A : memref<!tpu.dma_semaphore, #tpu.memory_space<semaphore_mem>>)
      %dma_wait3A = arith.constant 0 : i32
      %dma_wait3A_20 = tpu.memref_slice %arg3[%add3A, %dma_wait3A] : memref<32x10240xf32, #tpu.memory_space<hbm>> -> memref<1x10240xf32, #tpu.memory_space<hbm>>
      %dma_wait3A_21 = tpu.memref_squeeze %dma_wait3A_20 : memref<1x10240xf32, #tpu.memory_space<hbm>> -> memref<10240xf32, #tpu.memory_space<hbm>>
      %dma_wait3A_22 = arith.constant 0 : i32
      %dma_wait3A_23 = tpu.memref_slice %arg3[%add3A, %dma_wait3A_22] : memref<32x10240xf32, #tpu.memory_space<hbm>> -> memref<1x10240xf32, #tpu.memory_space<hbm>>
      %dma_wait3A_24 = tpu.memref_squeeze %dma_wait3A_23 : memref<1x10240xf32, #tpu.memory_space<hbm>> -> memref<10240xf32, #tpu.memory_space<hbm>>
      tpu.wait_dma2 semaphore(%run_scoped3A : memref<!tpu.dma_semaphore, #tpu.memory_space<semaphore_mem>>) src(%arg5 : memref<10240xf32, #tpu.memory_space<vmem>>) dst(%dma_wait3A_24 : memref<10240xf32, #tpu.memory_space<hbm>>)
      tpu.yield
    }) : () -> ()
    return
  }
}

#map = affine_map<(d0, d1) -> (0, 0)>
#map1 = affine_map<(d0, d1) -> (0, 0, 0)>
module attributes {stable_mosaic.version = 14 : i64} {
  func.func @edge_agg_64(%arg0: i32, %arg1: i32, %arg2: memref<10240x64xf32, #tpu.memory_space<hbm>>, %arg3: memref<32x80x128xi32, #tpu.memory_space<hbm>>, %arg4: memref<32x80x128xi32, #tpu.memory_space<hbm>>, %arg5: memref<640x64xf32, #tpu.memory_space<hbm>>, %arg6: memref<2x10240x64xf32, #tpu.memory_space<hbm>>, %arg7: memref<80x128xi32, #tpu.memory_space<vmem>>, %arg8: memref<80x128xi32, #tpu.memory_space<vmem>>, %arg9: memref<128x64xf32, #tpu.memory_space<vmem>>, %arg10: memref<128x64xf32, #tpu.memory_space<vmem>>, %arg11: memref<10240x64xf32, #tpu.memory_space<vmem_shared>>, %arg12: memref<!tpu.dma_semaphore, #tpu.memory_space<semaphore_mem>>, %arg13: memref<!tpu.dma_semaphore, #tpu.memory_space<semaphore_mem>>, %arg14: memref<10240x64xf32, #tpu.memory_space<vmem_shared>>) attributes {dimension_semantics = [#tpu.dimension_semantics<core_parallel>, #tpu.dimension_semantics<subcore_parallel>], iteration_bounds = array<i64: 2, 16>, scalar_prefetch = 0 : i64, scratch_operands = 8 : i64, tpu.core_type = #tpu.core_type<sc_vector_subcore>, window_params = [{transform_indices = #map}, {transform_indices = #map1}, {transform_indices = #map1}, {transform_indices = #map}, {transform_indices = #map1}]} {
    %mul3A = arith.constant 2 : i32
    %mul3A_0 = arith.muli %arg1, %mul3A : i32
    %add3A = arith.addi %mul3A_0, %arg0 : i32
    %mul3A_1 = arith.constant 640 : i32
    %mul3A_2 = arith.muli %arg1, %mul3A_1 : i32
    "tpu.region"() ({
      %run_scoped3A = tpu.sem_alloc : memref<!tpu.dma_semaphore, #tpu.memory_space<semaphore_mem>>
      %dma_start3A_15 = arith.constant 0 : i32
      %dma_start3A_16 = tpu.memref_slice %arg11[%mul3A_2, %dma_start3A_15] : memref<10240x64xf32, #tpu.memory_space<vmem_shared>> -> memref<640x64xf32, #tpu.memory_space<vmem_shared>>
      tpu.enqueue_dma source(%arg5 : memref<640x64xf32, #tpu.memory_space<hbm>>) target(%dma_start3A_16 : memref<640x64xf32, #tpu.memory_space<vmem_shared>>) target_semaphore(%run_scoped3A : memref<!tpu.dma_semaphore, #tpu.memory_space<semaphore_mem>>)
      %dma_wait3A = arith.constant 0 : i32
      %dma_wait3A_17 = tpu.memref_slice %arg11[%mul3A_2, %dma_wait3A] : memref<10240x64xf32, #tpu.memory_space<vmem_shared>> -> memref<640x64xf32, #tpu.memory_space<vmem_shared>>
      tpu.wait_dma2 semaphore(%run_scoped3A : memref<!tpu.dma_semaphore, #tpu.memory_space<semaphore_mem>>) src(%arg5 : memref<640x64xf32, #tpu.memory_space<hbm>>) dst(%dma_wait3A_17 : memref<640x64xf32, #tpu.memory_space<vmem_shared>>)
      tpu.yield
    }) : () -> ()
    "tpu.region"() ({
      %run_scoped3A = tpu.sem_alloc : memref<!tpu.dma_semaphore, #tpu.memory_space<semaphore_mem>>
      %dma_start3A_15 = arith.constant 0 : i32
      %dma_start3A_16 = arith.constant 0 : i32
      %dma_start3A_17 = tpu.memref_slice %arg3[%add3A, %dma_start3A_15, %dma_start3A_16] : memref<32x80x128xi32, #tpu.memory_space<hbm>> -> memref<1x80x128xi32, #tpu.memory_space<hbm>>
      %dma_start3A_18 = tpu.memref_squeeze %dma_start3A_17 : memref<1x80x128xi32, #tpu.memory_space<hbm>> -> memref<80x128xi32, #tpu.memory_space<hbm>>
      %dma_start3A_19 = arith.constant 0 : i32
      %dma_start3A_20 = arith.constant 0 : i32
      %dma_start3A_21 = tpu.memref_slice %arg3[%add3A, %dma_start3A_19, %dma_start3A_20] : memref<32x80x128xi32, #tpu.memory_space<hbm>> -> memref<1x80x128xi32, #tpu.memory_space<hbm>>
      %dma_start3A_22 = tpu.memref_squeeze %dma_start3A_21 : memref<1x80x128xi32, #tpu.memory_space<hbm>> -> memref<80x128xi32, #tpu.memory_space<hbm>>
      tpu.enqueue_dma source(%dma_start3A_22 : memref<80x128xi32, #tpu.memory_space<hbm>>) target(%arg7 : memref<80x128xi32, #tpu.memory_space<vmem>>) target_semaphore(%run_scoped3A : memref<!tpu.dma_semaphore, #tpu.memory_space<semaphore_mem>>)
      %dma_wait3A = arith.constant 0 : i32
      %dma_wait3A_23 = arith.constant 0 : i32
      %dma_wait3A_24 = tpu.memref_slice %arg3[%add3A, %dma_wait3A, %dma_wait3A_23] : memref<32x80x128xi32, #tpu.memory_space<hbm>> -> memref<1x80x128xi32, #tpu.memory_space<hbm>>
      %dma_wait3A_25 = tpu.memref_squeeze %dma_wait3A_24 : memref<1x80x128xi32, #tpu.memory_space<hbm>> -> memref<80x128xi32, #tpu.memory_space<hbm>>
      %dma_wait3A_26 = arith.constant 0 : i32
      %dma_wait3A_27 = arith.constant 0 : i32
      %dma_wait3A_28 = tpu.memref_slice %arg3[%add3A, %dma_wait3A_26, %dma_wait3A_27] : memref<32x80x128xi32, #tpu.memory_space<hbm>> -> memref<1x80x128xi32, #tpu.memory_space<hbm>>
      %dma_wait3A_29 = tpu.memref_squeeze %dma_wait3A_28 : memref<1x80x128xi32, #tpu.memory_space<hbm>> -> memref<80x128xi32, #tpu.memory_space<hbm>>
      tpu.wait_dma2 semaphore(%run_scoped3A : memref<!tpu.dma_semaphore, #tpu.memory_space<semaphore_mem>>) src(%dma_wait3A_29 : memref<80x128xi32, #tpu.memory_space<hbm>>) dst(%arg7 : memref<80x128xi32, #tpu.memory_space<vmem>>)
      tpu.yield
    }) : () -> ()
    "tpu.region"() ({
      %run_scoped3A = tpu.sem_alloc : memref<!tpu.dma_semaphore, #tpu.memory_space<semaphore_mem>>
      %dma_start3A_15 = arith.constant 0 : i32
      %dma_start3A_16 = arith.constant 0 : i32
      %dma_start3A_17 = tpu.memref_slice %arg4[%add3A, %dma_start3A_15, %dma_start3A_16] : memref<32x80x128xi32, #tpu.memory_space<hbm>> -> memref<1x80x128xi32, #tpu.memory_space<hbm>>
      %dma_start3A_18 = tpu.memref_squeeze %dma_start3A_17 : memref<1x80x128xi32, #tpu.memory_space<hbm>> -> memref<80x128xi32, #tpu.memory_space<hbm>>
      %dma_start3A_19 = arith.constant 0 : i32
      %dma_start3A_20 = arith.constant 0 : i32
      %dma_start3A_21 = tpu.memref_slice %arg4[%add3A, %dma_start3A_19, %dma_start3A_20] : memref<32x80x128xi32, #tpu.memory_space<hbm>> -> memref<1x80x128xi32, #tpu.memory_space<hbm>>
      %dma_start3A_22 = tpu.memref_squeeze %dma_start3A_21 : memref<1x80x128xi32, #tpu.memory_space<hbm>> -> memref<80x128xi32, #tpu.memory_space<hbm>>
      tpu.enqueue_dma source(%dma_start3A_22 : memref<80x128xi32, #tpu.memory_space<hbm>>) target(%arg8 : memref<80x128xi32, #tpu.memory_space<vmem>>) target_semaphore(%run_scoped3A : memref<!tpu.dma_semaphore, #tpu.memory_space<semaphore_mem>>)
      %dma_wait3A = arith.constant 0 : i32
      %dma_wait3A_23 = arith.constant 0 : i32
      %dma_wait3A_24 = tpu.memref_slice %arg4[%add3A, %dma_wait3A, %dma_wait3A_23] : memref<32x80x128xi32, #tpu.memory_space<hbm>> -> memref<1x80x128xi32, #tpu.memory_space<hbm>>
      %dma_wait3A_25 = tpu.memref_squeeze %dma_wait3A_24 : memref<1x80x128xi32, #tpu.memory_space<hbm>> -> memref<80x128xi32, #tpu.memory_space<hbm>>
      %dma_wait3A_26 = arith.constant 0 : i32
      %dma_wait3A_27 = arith.constant 0 : i32
      %dma_wait3A_28 = tpu.memref_slice %arg4[%add3A, %dma_wait3A_26, %dma_wait3A_27] : memref<32x80x128xi32, #tpu.memory_space<hbm>> -> memref<1x80x128xi32, #tpu.memory_space<hbm>>
      %dma_wait3A_29 = tpu.memref_squeeze %dma_wait3A_28 : memref<1x80x128xi32, #tpu.memory_space<hbm>> -> memref<80x128xi32, #tpu.memory_space<hbm>>
      tpu.wait_dma2 semaphore(%run_scoped3A : memref<!tpu.dma_semaphore, #tpu.memory_space<semaphore_mem>>) src(%dma_wait3A_29 : memref<80x128xi32, #tpu.memory_space<hbm>>) dst(%arg8 : memref<80x128xi32, #tpu.memory_space<vmem>>)
      tpu.yield
    }) : () -> ()
    "tpu.region"() ({
      %run_scoped3A = tpu.sem_alloc : memref<!tpu.dma_semaphore, #tpu.memory_space<semaphore_mem>>
      %dma_start3A_15 = arith.constant 0 : i32
      %dma_start3A_16 = tpu.memref_slice %arg14[%mul3A_2, %dma_start3A_15] : memref<10240x64xf32, #tpu.memory_space<vmem_shared>> -> memref<640x64xf32, #tpu.memory_space<vmem_shared>>
      %dma_start3A_17 = arith.constant 0 : i32
      %dma_start3A_18 = tpu.memref_slice %arg2[%mul3A_2, %dma_start3A_17] : memref<10240x64xf32, #tpu.memory_space<hbm>> -> memref<640x64xf32, #tpu.memory_space<hbm>>
      tpu.enqueue_dma source(%dma_start3A_18 : memref<640x64xf32, #tpu.memory_space<hbm>>) target(%dma_start3A_16 : memref<640x64xf32, #tpu.memory_space<vmem_shared>>) target_semaphore(%run_scoped3A : memref<!tpu.dma_semaphore, #tpu.memory_space<semaphore_mem>>)
      %dma_wait3A = arith.constant 0 : i32
      %dma_wait3A_19 = tpu.memref_slice %arg14[%mul3A_2, %dma_wait3A] : memref<10240x64xf32, #tpu.memory_space<vmem_shared>> -> memref<640x64xf32, #tpu.memory_space<vmem_shared>>
      %dma_wait3A_20 = arith.constant 0 : i32
      %dma_wait3A_21 = tpu.memref_slice %arg2[%mul3A_2, %dma_wait3A_20] : memref<10240x64xf32, #tpu.memory_space<hbm>> -> memref<640x64xf32, #tpu.memory_space<hbm>>
      tpu.wait_dma2 semaphore(%run_scoped3A : memref<!tpu.dma_semaphore, #tpu.memory_space<semaphore_mem>>) src(%dma_wait3A_21 : memref<640x64xf32, #tpu.memory_space<hbm>>) dst(%dma_wait3A_19 : memref<640x64xf32, #tpu.memory_space<vmem_shared>>)
      tpu.yield
    }) : () -> ()
    %barrier3A = arith.constant 0 : index
    tpu.barrier barrier_id(%barrier3A)
    %dma_start3A = arith.constant 0 : i32
    %dma_start3A_3 = arith.constant 0 : i32
    %dma_start3A_4 = tpu.memref_slice %arg7[%dma_start3A, %dma_start3A_3] : memref<80x128xi32, #tpu.memory_space<vmem>> -> memref<1x128xi32, #tpu.memory_space<vmem>>
    %dma_start3A_5 = tpu.memref_squeeze %dma_start3A_4 : memref<1x128xi32, #tpu.memory_space<vmem>> -> memref<128xi32, #tpu.memory_space<vmem>>
    %dma_start3A_6 = arith.constant 0 : i32
    %dma_start3A_7 = arith.constant 0 : i32
    %dma_start3A_8 = tpu.memref_slice %arg14[%dma_start3A_6, %dma_start3A_7] : memref<10240x64xf32, #tpu.memory_space<vmem_shared>> -> memref<10240x64xf32, #tpu.memory_space<vmem_shared>>
    tpu.enqueue_indirect_dma source(%dma_start3A_8 : memref<10240x64xf32, #tpu.memory_space<vmem_shared>>) target(%arg9 : memref<128x64xf32, #tpu.memory_space<vmem>>) offsets(%dma_start3A_5 : memref<128xi32, #tpu.memory_space<vmem>>) semaphore(%arg12 : memref<!tpu.dma_semaphore, #tpu.memory_space<semaphore_mem>>)
    %scan3A = arith.constant 0 : i32
    %scan3A_9 = arith.constant 0 : i32
    %scan3A_10 = arith.constant 40 : i32
    %scan3A_11 = arith.addi %scan3A_9, %scan3A_10 : i32
    %scan3A_12 = arith.constant 1 : i32
    scf.for %scan3A_15 = %scan3A_9 to %scan3A_11 step %scan3A_12  : i32 {
      %mul3A_16 = arith.constant 2 : i32
      %mul3A_17 = arith.muli %scan3A_15, %mul3A_16 : i32
      %dma_wait3A = arith.constant 0 : i32
      %dma_wait3A_18 = tpu.memref_slice %arg7[%mul3A_17, %dma_wait3A] : memref<80x128xi32, #tpu.memory_space<vmem>> -> memref<1x128xi32, #tpu.memory_space<vmem>>
      %dma_wait3A_19 = tpu.memref_squeeze %dma_wait3A_18 : memref<1x128xi32, #tpu.memory_space<vmem>> -> memref<128xi32, #tpu.memory_space<vmem>>
      %dma_wait3A_20 = arith.constant 0 : i32
      %dma_wait3A_21 = arith.constant 0 : i32
      %dma_wait3A_22 = tpu.memref_slice %arg14[%dma_wait3A_20, %dma_wait3A_21] : memref<10240x64xf32, #tpu.memory_space<vmem_shared>> -> memref<10240x64xf32, #tpu.memory_space<vmem_shared>>
      tpu.wait_indirect_dma semaphore(%arg12 : memref<!tpu.dma_semaphore, #tpu.memory_space<semaphore_mem>>) src(%dma_wait3A_22 : memref<10240x64xf32, #tpu.memory_space<vmem_shared>>) dst(%arg9 : memref<128x64xf32, #tpu.memory_space<vmem>>)
      %add3A_23 = arith.constant 1 : i32
      %add3A_24 = arith.addi %mul3A_17, %add3A_23 : i32
      %dma_start3A_25 = arith.constant 0 : i32
      %dma_start3A_26 = tpu.memref_slice %arg7[%add3A_24, %dma_start3A_25] : memref<80x128xi32, #tpu.memory_space<vmem>> -> memref<1x128xi32, #tpu.memory_space<vmem>>
      %dma_start3A_27 = tpu.memref_squeeze %dma_start3A_26 : memref<1x128xi32, #tpu.memory_space<vmem>> -> memref<128xi32, #tpu.memory_space<vmem>>
      %dma_start3A_28 = arith.constant 0 : i32
      %dma_start3A_29 = arith.constant 0 : i32
      %dma_start3A_30 = tpu.memref_slice %arg14[%dma_start3A_28, %dma_start3A_29] : memref<10240x64xf32, #tpu.memory_space<vmem_shared>> -> memref<10240x64xf32, #tpu.memory_space<vmem_shared>>
      tpu.enqueue_indirect_dma source(%dma_start3A_30 : memref<10240x64xf32, #tpu.memory_space<vmem_shared>>) target(%arg10 : memref<128x64xf32, #tpu.memory_space<vmem>>) offsets(%dma_start3A_27 : memref<128xi32, #tpu.memory_space<vmem>>) semaphore(%arg13 : memref<!tpu.dma_semaphore, #tpu.memory_space<semaphore_mem>>)
      "tpu.region"() ({
        %run_scoped3A = tpu.sem_alloc : memref<!tpu.dma_semaphore, #tpu.memory_space<semaphore_mem>>
        %dma_start3A_45 = arith.constant 0 : i32
        %dma_start3A_46 = tpu.memref_slice %arg8[%mul3A_17, %dma_start3A_45] : memref<80x128xi32, #tpu.memory_space<vmem>> -> memref<1x128xi32, #tpu.memory_space<vmem>>
        %dma_start3A_47 = tpu.memref_squeeze %dma_start3A_46 : memref<1x128xi32, #tpu.memory_space<vmem>> -> memref<128xi32, #tpu.memory_space<vmem>>
        %dma_start3A_48 = arith.constant 0 : i32
        %dma_start3A_49 = arith.constant 0 : i32
        %dma_start3A_50 = tpu.memref_slice %arg11[%dma_start3A_48, %dma_start3A_49] : memref<10240x64xf32, #tpu.memory_space<vmem_shared>> -> memref<10240x64xf32, #tpu.memory_space<vmem_shared>>
        tpu.enqueue_indirect_dma source(%arg9 : memref<128x64xf32, #tpu.memory_space<vmem>>) target(%dma_start3A_50 : memref<10240x64xf32, #tpu.memory_space<vmem_shared>>) offsets(%dma_start3A_47 : memref<128xi32, #tpu.memory_space<vmem>>) semaphore(%run_scoped3A : memref<!tpu.dma_semaphore, #tpu.memory_space<semaphore_mem>>) {add = true}
        %dma_wait3A_51 = arith.constant 0 : i32
        %dma_wait3A_52 = tpu.memref_slice %arg8[%mul3A_17, %dma_wait3A_51] : memref<80x128xi32, #tpu.memory_space<vmem>> -> memref<1x128xi32, #tpu.memory_space<vmem>>
        %dma_wait3A_53 = tpu.memref_squeeze %dma_wait3A_52 : memref<1x128xi32, #tpu.memory_space<vmem>> -> memref<128xi32, #tpu.memory_space<vmem>>
        %dma_wait3A_54 = arith.constant 0 : i32
        %dma_wait3A_55 = arith.constant 0 : i32
        %dma_wait3A_56 = tpu.memref_slice %arg11[%dma_wait3A_54, %dma_wait3A_55] : memref<10240x64xf32, #tpu.memory_space<vmem_shared>> -> memref<10240x64xf32, #tpu.memory_space<vmem_shared>>
        tpu.wait_indirect_dma semaphore(%run_scoped3A : memref<!tpu.dma_semaphore, #tpu.memory_space<semaphore_mem>>) src(%arg9 : memref<128x64xf32, #tpu.memory_space<vmem>>) dst(%dma_wait3A_56 : memref<10240x64xf32, #tpu.memory_space<vmem_shared>>)
        tpu.yield
      }) : () -> ()
      %add3A_31 = arith.constant 1 : i32
      %add3A_32 = arith.addi %mul3A_17, %add3A_31 : i32
      %dma_wait3A_33 = arith.constant 0 : i32
      %dma_wait3A_34 = tpu.memref_slice %arg7[%add3A_32, %dma_wait3A_33] : memref<80x128xi32, #tpu.memory_space<vmem>> -> memref<1x128xi32, #tpu.memory_space<vmem>>
      %dma_wait3A_35 = tpu.memref_squeeze %dma_wait3A_34 : memref<1x128xi32, #tpu.memory_space<vmem>> -> memref<128xi32, #tpu.memory_space<vmem>>
      %dma_wait3A_36 = arith.constant 0 : i32
      %dma_wait3A_37 = arith.constant 0 : i32
      %dma_wait3A_38 = tpu.memref_slice %arg14[%dma_wait3A_36, %dma_wait3A_37] : memref<10240x64xf32, #tpu.memory_space<vmem_shared>> -> memref<10240x64xf32, #tpu.memory_space<vmem_shared>>
      tpu.wait_indirect_dma semaphore(%arg13 : memref<!tpu.dma_semaphore, #tpu.memory_space<semaphore_mem>>) src(%dma_wait3A_38 : memref<10240x64xf32, #tpu.memory_space<vmem_shared>>) dst(%arg10 : memref<128x64xf32, #tpu.memory_space<vmem>>)
      %add3A_39 = arith.constant 2 : i32
      %add3A_40 = arith.addi %mul3A_17, %add3A_39 : i32
      %lt3A = arith.constant 80 : i32
      %lt3A_41 = arith.cmpi slt, %add3A_40, %lt3A : i32
      %convert_element_type3A = arith.extui %lt3A_41 : i1 to i32
      %cond3A = arith.constant 0 : i32
      %cond3A_42 = arith.cmpi ne, %convert_element_type3A, %cond3A : i32
      scf.if %cond3A_42 {
        %add3A_45 = arith.constant 2 : i32
        %add3A_46 = arith.addi %mul3A_17, %add3A_45 : i32
        %dma_start3A_47 = arith.constant 0 : i32
        %dma_start3A_48 = tpu.memref_slice %arg7[%add3A_46, %dma_start3A_47] : memref<80x128xi32, #tpu.memory_space<vmem>> -> memref<1x128xi32, #tpu.memory_space<vmem>>
        %dma_start3A_49 = tpu.memref_squeeze %dma_start3A_48 : memref<1x128xi32, #tpu.memory_space<vmem>> -> memref<128xi32, #tpu.memory_space<vmem>>
        %dma_start3A_50 = arith.constant 0 : i32
        %dma_start3A_51 = arith.constant 0 : i32
        %dma_start3A_52 = tpu.memref_slice %arg14[%dma_start3A_50, %dma_start3A_51] : memref<10240x64xf32, #tpu.memory_space<vmem_shared>> -> memref<10240x64xf32, #tpu.memory_space<vmem_shared>>
        tpu.enqueue_indirect_dma source(%dma_start3A_52 : memref<10240x64xf32, #tpu.memory_space<vmem_shared>>) target(%arg9 : memref<128x64xf32, #tpu.memory_space<vmem>>) offsets(%dma_start3A_49 : memref<128xi32, #tpu.memory_space<vmem>>) semaphore(%arg12 : memref<!tpu.dma_semaphore, #tpu.memory_space<semaphore_mem>>)
      } else {
      }
      %add3A_43 = arith.constant 1 : i32
      %add3A_44 = arith.addi %mul3A_17, %add3A_43 : i32
      "tpu.region"() ({
        %run_scoped3A = tpu.sem_alloc : memref<!tpu.dma_semaphore, #tpu.memory_space<semaphore_mem>>
        %dma_start3A_45 = arith.constant 0 : i32
        %dma_start3A_46 = tpu.memref_slice %arg8[%add3A_44, %dma_start3A_45] : memref<80x128xi32, #tpu.memory_space<vmem>> -> memref<1x128xi32, #tpu.memory_space<vmem>>
        %dma_start3A_47 = tpu.memref_squeeze %dma_start3A_46 : memref<1x128xi32, #tpu.memory_space<vmem>> -> memref<128xi32, #tpu.memory_space<vmem>>
        %dma_start3A_48 = arith.constant 0 : i32
        %dma_start3A_49 = arith.constant 0 : i32
        %dma_start3A_50 = tpu.memref_slice %arg11[%dma_start3A_48, %dma_start3A_49] : memref<10240x64xf32, #tpu.memory_space<vmem_shared>> -> memref<10240x64xf32, #tpu.memory_space<vmem_shared>>
        tpu.enqueue_indirect_dma source(%arg10 : memref<128x64xf32, #tpu.memory_space<vmem>>) target(%dma_start3A_50 : memref<10240x64xf32, #tpu.memory_space<vmem_shared>>) offsets(%dma_start3A_47 : memref<128xi32, #tpu.memory_space<vmem>>) semaphore(%run_scoped3A : memref<!tpu.dma_semaphore, #tpu.memory_space<semaphore_mem>>) {add = true}
        %dma_wait3A_51 = arith.constant 0 : i32
        %dma_wait3A_52 = tpu.memref_slice %arg8[%add3A_44, %dma_wait3A_51] : memref<80x128xi32, #tpu.memory_space<vmem>> -> memref<1x128xi32, #tpu.memory_space<vmem>>
        %dma_wait3A_53 = tpu.memref_squeeze %dma_wait3A_52 : memref<1x128xi32, #tpu.memory_space<vmem>> -> memref<128xi32, #tpu.memory_space<vmem>>
        %dma_wait3A_54 = arith.constant 0 : i32
        %dma_wait3A_55 = arith.constant 0 : i32
        %dma_wait3A_56 = tpu.memref_slice %arg11[%dma_wait3A_54, %dma_wait3A_55] : memref<10240x64xf32, #tpu.memory_space<vmem_shared>> -> memref<10240x64xf32, #tpu.memory_space<vmem_shared>>
        tpu.wait_indirect_dma semaphore(%run_scoped3A : memref<!tpu.dma_semaphore, #tpu.memory_space<semaphore_mem>>) src(%arg10 : memref<128x64xf32, #tpu.memory_space<vmem>>) dst(%dma_wait3A_56 : memref<10240x64xf32, #tpu.memory_space<vmem_shared>>)
        tpu.yield
      }) : () -> ()
    }
    %scan3A_13 = arith.constant 40 : i32
    %barrier3A_14 = arith.constant 0 : index
    tpu.barrier barrier_id(%barrier3A_14)
    "tpu.region"() ({
      %run_scoped3A = tpu.sem_alloc : memref<!tpu.dma_semaphore, #tpu.memory_space<semaphore_mem>>
      %dma_start3A_15 = arith.constant 0 : i32
      %dma_start3A_16 = tpu.memref_slice %arg6[%arg0, %mul3A_2, %dma_start3A_15] : memref<2x10240x64xf32, #tpu.memory_space<hbm>> -> memref<1x640x64xf32, #tpu.memory_space<hbm>>
      %dma_start3A_17 = tpu.memref_squeeze %dma_start3A_16 : memref<1x640x64xf32, #tpu.memory_space<hbm>> -> memref<640x64xf32, #tpu.memory_space<hbm>>
      %dma_start3A_18 = arith.constant 0 : i32
      %dma_start3A_19 = tpu.memref_slice %arg11[%mul3A_2, %dma_start3A_18] : memref<10240x64xf32, #tpu.memory_space<vmem_shared>> -> memref<640x64xf32, #tpu.memory_space<vmem_shared>>
      tpu.enqueue_dma source(%dma_start3A_19 : memref<640x64xf32, #tpu.memory_space<vmem_shared>>) target(%dma_start3A_17 : memref<640x64xf32, #tpu.memory_space<hbm>>) target_semaphore(%run_scoped3A : memref<!tpu.dma_semaphore, #tpu.memory_space<semaphore_mem>>)
      %dma_wait3A = arith.constant 0 : i32
      %dma_wait3A_20 = tpu.memref_slice %arg6[%arg0, %mul3A_2, %dma_wait3A] : memref<2x10240x64xf32, #tpu.memory_space<hbm>> -> memref<1x640x64xf32, #tpu.memory_space<hbm>>
      %dma_wait3A_21 = tpu.memref_squeeze %dma_wait3A_20 : memref<1x640x64xf32, #tpu.memory_space<hbm>> -> memref<640x64xf32, #tpu.memory_space<hbm>>
      %dma_wait3A_22 = arith.constant 0 : i32
      %dma_wait3A_23 = tpu.memref_slice %arg11[%mul3A_2, %dma_wait3A_22] : memref<10240x64xf32, #tpu.memory_space<vmem_shared>> -> memref<640x64xf32, #tpu.memory_space<vmem_shared>>
      tpu.wait_dma2 semaphore(%run_scoped3A : memref<!tpu.dma_semaphore, #tpu.memory_space<semaphore_mem>>) src(%dma_wait3A_23 : memref<640x64xf32, #tpu.memory_space<vmem_shared>>) dst(%dma_wait3A_21 : memref<640x64xf32, #tpu.memory_space<hbm>>)
      tpu.yield
    }) : () -> ()
    return
  }
}

#map = affine_map<(d0, d1) -> (0, 0)>
#map1 = affine_map<(d0, d1) -> (0, 0, 0)>
module attributes {stable_mosaic.version = 14 : i64} {
  func.func @edge_agg_64(%arg0: i32, %arg1: i32, %arg2: memref<10240x64xf32, #tpu.memory_space<hbm>>, %arg3: memref<32x80x128xi32, #tpu.memory_space<hbm>>, %arg4: memref<32x80x128xi32, #tpu.memory_space<hbm>>, %arg5: memref<640x64xf32, #tpu.memory_space<hbm>>, %arg6: memref<2x10240x64xf32, #tpu.memory_space<hbm>>, %arg7: memref<80x128xi32, #tpu.memory_space<vmem>>, %arg8: memref<80x128xi32, #tpu.memory_space<vmem>>, %arg9: memref<128x64xf32, #tpu.memory_space<vmem>>, %arg10: memref<128x64xf32, #tpu.memory_space<vmem>>, %arg11: memref<10240x64xf32, #tpu.memory_space<vmem_shared>>, %arg12: memref<!tpu.dma_semaphore, #tpu.memory_space<semaphore_mem>>, %arg13: memref<!tpu.dma_semaphore, #tpu.memory_space<semaphore_mem>>, %arg14: memref<10240x64xf32, #tpu.memory_space<vmem_shared>>) attributes {dimension_semantics = [#tpu.dimension_semantics<core_parallel>, #tpu.dimension_semantics<subcore_parallel>], iteration_bounds = array<i64: 2, 16>, scalar_prefetch = 0 : i64, scratch_operands = 8 : i64, tpu.core_type = #tpu.core_type<sc_vector_subcore>, window_params = [{transform_indices = #map}, {transform_indices = #map1}, {transform_indices = #map1}, {transform_indices = #map}, {transform_indices = #map1}]} {
    %mul3A = arith.constant 2 : i32
    %mul3A_0 = arith.muli %arg1, %mul3A : i32
    %add3A = arith.addi %mul3A_0, %arg0 : i32
    %mul3A_1 = arith.constant 640 : i32
    %mul3A_2 = arith.muli %arg1, %mul3A_1 : i32
    "tpu.region"() ({
      %run_scoped3A = tpu.sem_alloc : memref<!tpu.dma_semaphore, #tpu.memory_space<semaphore_mem>>
      %dma_start3A_15 = arith.constant 0 : i32
      %dma_start3A_16 = tpu.memref_slice %arg11[%mul3A_2, %dma_start3A_15] : memref<10240x64xf32, #tpu.memory_space<vmem_shared>> -> memref<640x64xf32, #tpu.memory_space<vmem_shared>>
      tpu.enqueue_dma source(%arg5 : memref<640x64xf32, #tpu.memory_space<hbm>>) target(%dma_start3A_16 : memref<640x64xf32, #tpu.memory_space<vmem_shared>>) target_semaphore(%run_scoped3A : memref<!tpu.dma_semaphore, #tpu.memory_space<semaphore_mem>>)
      %dma_wait3A = arith.constant 0 : i32
      %dma_wait3A_17 = tpu.memref_slice %arg11[%mul3A_2, %dma_wait3A] : memref<10240x64xf32, #tpu.memory_space<vmem_shared>> -> memref<640x64xf32, #tpu.memory_space<vmem_shared>>
      tpu.wait_dma2 semaphore(%run_scoped3A : memref<!tpu.dma_semaphore, #tpu.memory_space<semaphore_mem>>) src(%arg5 : memref<640x64xf32, #tpu.memory_space<hbm>>) dst(%dma_wait3A_17 : memref<640x64xf32, #tpu.memory_space<vmem_shared>>)
      tpu.yield
    }) : () -> ()
    "tpu.region"() ({
      %run_scoped3A = tpu.sem_alloc : memref<!tpu.dma_semaphore, #tpu.memory_space<semaphore_mem>>
      %dma_start3A_15 = arith.constant 0 : i32
      %dma_start3A_16 = arith.constant 0 : i32
      %dma_start3A_17 = tpu.memref_slice %arg3[%add3A, %dma_start3A_15, %dma_start3A_16] : memref<32x80x128xi32, #tpu.memory_space<hbm>> -> memref<1x80x128xi32, #tpu.memory_space<hbm>>
      %dma_start3A_18 = tpu.memref_squeeze %dma_start3A_17 : memref<1x80x128xi32, #tpu.memory_space<hbm>> -> memref<80x128xi32, #tpu.memory_space<hbm>>
      %dma_start3A_19 = arith.constant 0 : i32
      %dma_start3A_20 = arith.constant 0 : i32
      %dma_start3A_21 = tpu.memref_slice %arg3[%add3A, %dma_start3A_19, %dma_start3A_20] : memref<32x80x128xi32, #tpu.memory_space<hbm>> -> memref<1x80x128xi32, #tpu.memory_space<hbm>>
      %dma_start3A_22 = tpu.memref_squeeze %dma_start3A_21 : memref<1x80x128xi32, #tpu.memory_space<hbm>> -> memref<80x128xi32, #tpu.memory_space<hbm>>
      tpu.enqueue_dma source(%dma_start3A_22 : memref<80x128xi32, #tpu.memory_space<hbm>>) target(%arg7 : memref<80x128xi32, #tpu.memory_space<vmem>>) target_semaphore(%run_scoped3A : memref<!tpu.dma_semaphore, #tpu.memory_space<semaphore_mem>>)
      %dma_wait3A = arith.constant 0 : i32
      %dma_wait3A_23 = arith.constant 0 : i32
      %dma_wait3A_24 = tpu.memref_slice %arg3[%add3A, %dma_wait3A, %dma_wait3A_23] : memref<32x80x128xi32, #tpu.memory_space<hbm>> -> memref<1x80x128xi32, #tpu.memory_space<hbm>>
      %dma_wait3A_25 = tpu.memref_squeeze %dma_wait3A_24 : memref<1x80x128xi32, #tpu.memory_space<hbm>> -> memref<80x128xi32, #tpu.memory_space<hbm>>
      %dma_wait3A_26 = arith.constant 0 : i32
      %dma_wait3A_27 = arith.constant 0 : i32
      %dma_wait3A_28 = tpu.memref_slice %arg3[%add3A, %dma_wait3A_26, %dma_wait3A_27] : memref<32x80x128xi32, #tpu.memory_space<hbm>> -> memref<1x80x128xi32, #tpu.memory_space<hbm>>
      %dma_wait3A_29 = tpu.memref_squeeze %dma_wait3A_28 : memref<1x80x128xi32, #tpu.memory_space<hbm>> -> memref<80x128xi32, #tpu.memory_space<hbm>>
      tpu.wait_dma2 semaphore(%run_scoped3A : memref<!tpu.dma_semaphore, #tpu.memory_space<semaphore_mem>>) src(%dma_wait3A_29 : memref<80x128xi32, #tpu.memory_space<hbm>>) dst(%arg7 : memref<80x128xi32, #tpu.memory_space<vmem>>)
      tpu.yield
    }) : () -> ()
    "tpu.region"() ({
      %run_scoped3A = tpu.sem_alloc : memref<!tpu.dma_semaphore, #tpu.memory_space<semaphore_mem>>
      %dma_start3A_15 = arith.constant 0 : i32
      %dma_start3A_16 = arith.constant 0 : i32
      %dma_start3A_17 = tpu.memref_slice %arg4[%add3A, %dma_start3A_15, %dma_start3A_16] : memref<32x80x128xi32, #tpu.memory_space<hbm>> -> memref<1x80x128xi32, #tpu.memory_space<hbm>>
      %dma_start3A_18 = tpu.memref_squeeze %dma_start3A_17 : memref<1x80x128xi32, #tpu.memory_space<hbm>> -> memref<80x128xi32, #tpu.memory_space<hbm>>
      %dma_start3A_19 = arith.constant 0 : i32
      %dma_start3A_20 = arith.constant 0 : i32
      %dma_start3A_21 = tpu.memref_slice %arg4[%add3A, %dma_start3A_19, %dma_start3A_20] : memref<32x80x128xi32, #tpu.memory_space<hbm>> -> memref<1x80x128xi32, #tpu.memory_space<hbm>>
      %dma_start3A_22 = tpu.memref_squeeze %dma_start3A_21 : memref<1x80x128xi32, #tpu.memory_space<hbm>> -> memref<80x128xi32, #tpu.memory_space<hbm>>
      tpu.enqueue_dma source(%dma_start3A_22 : memref<80x128xi32, #tpu.memory_space<hbm>>) target(%arg8 : memref<80x128xi32, #tpu.memory_space<vmem>>) target_semaphore(%run_scoped3A : memref<!tpu.dma_semaphore, #tpu.memory_space<semaphore_mem>>)
      %dma_wait3A = arith.constant 0 : i32
      %dma_wait3A_23 = arith.constant 0 : i32
      %dma_wait3A_24 = tpu.memref_slice %arg4[%add3A, %dma_wait3A, %dma_wait3A_23] : memref<32x80x128xi32, #tpu.memory_space<hbm>> -> memref<1x80x128xi32, #tpu.memory_space<hbm>>
      %dma_wait3A_25 = tpu.memref_squeeze %dma_wait3A_24 : memref<1x80x128xi32, #tpu.memory_space<hbm>> -> memref<80x128xi32, #tpu.memory_space<hbm>>
      %dma_wait3A_26 = arith.constant 0 : i32
      %dma_wait3A_27 = arith.constant 0 : i32
      %dma_wait3A_28 = tpu.memref_slice %arg4[%add3A, %dma_wait3A_26, %dma_wait3A_27] : memref<32x80x128xi32, #tpu.memory_space<hbm>> -> memref<1x80x128xi32, #tpu.memory_space<hbm>>
      %dma_wait3A_29 = tpu.memref_squeeze %dma_wait3A_28 : memref<1x80x128xi32, #tpu.memory_space<hbm>> -> memref<80x128xi32, #tpu.memory_space<hbm>>
      tpu.wait_dma2 semaphore(%run_scoped3A : memref<!tpu.dma_semaphore, #tpu.memory_space<semaphore_mem>>) src(%dma_wait3A_29 : memref<80x128xi32, #tpu.memory_space<hbm>>) dst(%arg8 : memref<80x128xi32, #tpu.memory_space<vmem>>)
      tpu.yield
    }) : () -> ()
    "tpu.region"() ({
      %run_scoped3A = tpu.sem_alloc : memref<!tpu.dma_semaphore, #tpu.memory_space<semaphore_mem>>
      %dma_start3A_15 = arith.constant 0 : i32
      %dma_start3A_16 = tpu.memref_slice %arg14[%mul3A_2, %dma_start3A_15] : memref<10240x64xf32, #tpu.memory_space<vmem_shared>> -> memref<640x64xf32, #tpu.memory_space<vmem_shared>>
      %dma_start3A_17 = arith.constant 0 : i32
      %dma_start3A_18 = tpu.memref_slice %arg2[%mul3A_2, %dma_start3A_17] : memref<10240x64xf32, #tpu.memory_space<hbm>> -> memref<640x64xf32, #tpu.memory_space<hbm>>
      tpu.enqueue_dma source(%dma_start3A_18 : memref<640x64xf32, #tpu.memory_space<hbm>>) target(%dma_start3A_16 : memref<640x64xf32, #tpu.memory_space<vmem_shared>>) target_semaphore(%run_scoped3A : memref<!tpu.dma_semaphore, #tpu.memory_space<semaphore_mem>>)
      %dma_wait3A = arith.constant 0 : i32
      %dma_wait3A_19 = tpu.memref_slice %arg14[%mul3A_2, %dma_wait3A] : memref<10240x64xf32, #tpu.memory_space<vmem_shared>> -> memref<640x64xf32, #tpu.memory_space<vmem_shared>>
      %dma_wait3A_20 = arith.constant 0 : i32
      %dma_wait3A_21 = tpu.memref_slice %arg2[%mul3A_2, %dma_wait3A_20] : memref<10240x64xf32, #tpu.memory_space<hbm>> -> memref<640x64xf32, #tpu.memory_space<hbm>>
      tpu.wait_dma2 semaphore(%run_scoped3A : memref<!tpu.dma_semaphore, #tpu.memory_space<semaphore_mem>>) src(%dma_wait3A_21 : memref<640x64xf32, #tpu.memory_space<hbm>>) dst(%dma_wait3A_19 : memref<640x64xf32, #tpu.memory_space<vmem_shared>>)
      tpu.yield
    }) : () -> ()
    %barrier3A = arith.constant 0 : index
    tpu.barrier barrier_id(%barrier3A)
    %dma_start3A = arith.constant 0 : i32
    %dma_start3A_3 = arith.constant 0 : i32
    %dma_start3A_4 = tpu.memref_slice %arg7[%dma_start3A, %dma_start3A_3] : memref<80x128xi32, #tpu.memory_space<vmem>> -> memref<1x128xi32, #tpu.memory_space<vmem>>
    %dma_start3A_5 = tpu.memref_squeeze %dma_start3A_4 : memref<1x128xi32, #tpu.memory_space<vmem>> -> memref<128xi32, #tpu.memory_space<vmem>>
    %dma_start3A_6 = arith.constant 0 : i32
    %dma_start3A_7 = arith.constant 0 : i32
    %dma_start3A_8 = tpu.memref_slice %arg14[%dma_start3A_6, %dma_start3A_7] : memref<10240x64xf32, #tpu.memory_space<vmem_shared>> -> memref<10240x64xf32, #tpu.memory_space<vmem_shared>>
    tpu.enqueue_indirect_dma source(%dma_start3A_8 : memref<10240x64xf32, #tpu.memory_space<vmem_shared>>) target(%arg9 : memref<128x64xf32, #tpu.memory_space<vmem>>) offsets(%dma_start3A_5 : memref<128xi32, #tpu.memory_space<vmem>>) semaphore(%arg12 : memref<!tpu.dma_semaphore, #tpu.memory_space<semaphore_mem>>)
    %scan3A = arith.constant 0 : i32
    %scan3A_9 = arith.constant 0 : i32
    %scan3A_10 = arith.constant 40 : i32
    %scan3A_11 = arith.addi %scan3A_9, %scan3A_10 : i32
    %scan3A_12 = arith.constant 1 : i32
    scf.for %scan3A_15 = %scan3A_9 to %scan3A_11 step %scan3A_12  : i32 {
      %mul3A_16 = arith.constant 2 : i32
      %mul3A_17 = arith.muli %scan3A_15, %mul3A_16 : i32
      %dma_wait3A = arith.constant 0 : i32
      %dma_wait3A_18 = tpu.memref_slice %arg7[%mul3A_17, %dma_wait3A] : memref<80x128xi32, #tpu.memory_space<vmem>> -> memref<1x128xi32, #tpu.memory_space<vmem>>
      %dma_wait3A_19 = tpu.memref_squeeze %dma_wait3A_18 : memref<1x128xi32, #tpu.memory_space<vmem>> -> memref<128xi32, #tpu.memory_space<vmem>>
      %dma_wait3A_20 = arith.constant 0 : i32
      %dma_wait3A_21 = arith.constant 0 : i32
      %dma_wait3A_22 = tpu.memref_slice %arg14[%dma_wait3A_20, %dma_wait3A_21] : memref<10240x64xf32, #tpu.memory_space<vmem_shared>> -> memref<10240x64xf32, #tpu.memory_space<vmem_shared>>
      tpu.wait_indirect_dma semaphore(%arg12 : memref<!tpu.dma_semaphore, #tpu.memory_space<semaphore_mem>>) src(%dma_wait3A_22 : memref<10240x64xf32, #tpu.memory_space<vmem_shared>>) dst(%arg9 : memref<128x64xf32, #tpu.memory_space<vmem>>)
      %add3A_23 = arith.constant 1 : i32
      %add3A_24 = arith.addi %mul3A_17, %add3A_23 : i32
      %dma_start3A_25 = arith.constant 0 : i32
      %dma_start3A_26 = tpu.memref_slice %arg7[%add3A_24, %dma_start3A_25] : memref<80x128xi32, #tpu.memory_space<vmem>> -> memref<1x128xi32, #tpu.memory_space<vmem>>
      %dma_start3A_27 = tpu.memref_squeeze %dma_start3A_26 : memref<1x128xi32, #tpu.memory_space<vmem>> -> memref<128xi32, #tpu.memory_space<vmem>>
      %dma_start3A_28 = arith.constant 0 : i32
      %dma_start3A_29 = arith.constant 0 : i32
      %dma_start3A_30 = tpu.memref_slice %arg14[%dma_start3A_28, %dma_start3A_29] : memref<10240x64xf32, #tpu.memory_space<vmem_shared>> -> memref<10240x64xf32, #tpu.memory_space<vmem_shared>>
      tpu.enqueue_indirect_dma source(%dma_start3A_30 : memref<10240x64xf32, #tpu.memory_space<vmem_shared>>) target(%arg10 : memref<128x64xf32, #tpu.memory_space<vmem>>) offsets(%dma_start3A_27 : memref<128xi32, #tpu.memory_space<vmem>>) semaphore(%arg13 : memref<!tpu.dma_semaphore, #tpu.memory_space<semaphore_mem>>)
      "tpu.region"() ({
        %run_scoped3A = tpu.sem_alloc : memref<!tpu.dma_semaphore, #tpu.memory_space<semaphore_mem>>
        %dma_start3A_45 = arith.constant 0 : i32
        %dma_start3A_46 = tpu.memref_slice %arg8[%mul3A_17, %dma_start3A_45] : memref<80x128xi32, #tpu.memory_space<vmem>> -> memref<1x128xi32, #tpu.memory_space<vmem>>
        %dma_start3A_47 = tpu.memref_squeeze %dma_start3A_46 : memref<1x128xi32, #tpu.memory_space<vmem>> -> memref<128xi32, #tpu.memory_space<vmem>>
        %dma_start3A_48 = arith.constant 0 : i32
        %dma_start3A_49 = arith.constant 0 : i32
        %dma_start3A_50 = tpu.memref_slice %arg11[%dma_start3A_48, %dma_start3A_49] : memref<10240x64xf32, #tpu.memory_space<vmem_shared>> -> memref<10240x64xf32, #tpu.memory_space<vmem_shared>>
        tpu.enqueue_indirect_dma source(%arg9 : memref<128x64xf32, #tpu.memory_space<vmem>>) target(%dma_start3A_50 : memref<10240x64xf32, #tpu.memory_space<vmem_shared>>) offsets(%dma_start3A_47 : memref<128xi32, #tpu.memory_space<vmem>>) semaphore(%run_scoped3A : memref<!tpu.dma_semaphore, #tpu.memory_space<semaphore_mem>>) {add = true}
        %dma_wait3A_51 = arith.constant 0 : i32
        %dma_wait3A_52 = tpu.memref_slice %arg8[%mul3A_17, %dma_wait3A_51] : memref<80x128xi32, #tpu.memory_space<vmem>> -> memref<1x128xi32, #tpu.memory_space<vmem>>
        %dma_wait3A_53 = tpu.memref_squeeze %dma_wait3A_52 : memref<1x128xi32, #tpu.memory_space<vmem>> -> memref<128xi32, #tpu.memory_space<vmem>>
        %dma_wait3A_54 = arith.constant 0 : i32
        %dma_wait3A_55 = arith.constant 0 : i32
        %dma_wait3A_56 = tpu.memref_slice %arg11[%dma_wait3A_54, %dma_wait3A_55] : memref<10240x64xf32, #tpu.memory_space<vmem_shared>> -> memref<10240x64xf32, #tpu.memory_space<vmem_shared>>
        tpu.wait_indirect_dma semaphore(%run_scoped3A : memref<!tpu.dma_semaphore, #tpu.memory_space<semaphore_mem>>) src(%arg9 : memref<128x64xf32, #tpu.memory_space<vmem>>) dst(%dma_wait3A_56 : memref<10240x64xf32, #tpu.memory_space<vmem_shared>>)
        tpu.yield
      }) : () -> ()
      %add3A_31 = arith.constant 1 : i32
      %add3A_32 = arith.addi %mul3A_17, %add3A_31 : i32
      %dma_wait3A_33 = arith.constant 0 : i32
      %dma_wait3A_34 = tpu.memref_slice %arg7[%add3A_32, %dma_wait3A_33] : memref<80x128xi32, #tpu.memory_space<vmem>> -> memref<1x128xi32, #tpu.memory_space<vmem>>
      %dma_wait3A_35 = tpu.memref_squeeze %dma_wait3A_34 : memref<1x128xi32, #tpu.memory_space<vmem>> -> memref<128xi32, #tpu.memory_space<vmem>>
      %dma_wait3A_36 = arith.constant 0 : i32
      %dma_wait3A_37 = arith.constant 0 : i32
      %dma_wait3A_38 = tpu.memref_slice %arg14[%dma_wait3A_36, %dma_wait3A_37] : memref<10240x64xf32, #tpu.memory_space<vmem_shared>> -> memref<10240x64xf32, #tpu.memory_space<vmem_shared>>
      tpu.wait_indirect_dma semaphore(%arg13 : memref<!tpu.dma_semaphore, #tpu.memory_space<semaphore_mem>>) src(%dma_wait3A_38 : memref<10240x64xf32, #tpu.memory_space<vmem_shared>>) dst(%arg10 : memref<128x64xf32, #tpu.memory_space<vmem>>)
      %add3A_39 = arith.constant 2 : i32
      %add3A_40 = arith.addi %mul3A_17, %add3A_39 : i32
      %lt3A = arith.constant 80 : i32
      %lt3A_41 = arith.cmpi slt, %add3A_40, %lt3A : i32
      %convert_element_type3A = arith.extui %lt3A_41 : i1 to i32
      %cond3A = arith.constant 0 : i32
      %cond3A_42 = arith.cmpi ne, %convert_element_type3A, %cond3A : i32
      scf.if %cond3A_42 {
        %add3A_45 = arith.constant 2 : i32
        %add3A_46 = arith.addi %mul3A_17, %add3A_45 : i32
        %dma_start3A_47 = arith.constant 0 : i32
        %dma_start3A_48 = tpu.memref_slice %arg7[%add3A_46, %dma_start3A_47] : memref<80x128xi32, #tpu.memory_space<vmem>> -> memref<1x128xi32, #tpu.memory_space<vmem>>
        %dma_start3A_49 = tpu.memref_squeeze %dma_start3A_48 : memref<1x128xi32, #tpu.memory_space<vmem>> -> memref<128xi32, #tpu.memory_space<vmem>>
        %dma_start3A_50 = arith.constant 0 : i32
        %dma_start3A_51 = arith.constant 0 : i32
        %dma_start3A_52 = tpu.memref_slice %arg14[%dma_start3A_50, %dma_start3A_51] : memref<10240x64xf32, #tpu.memory_space<vmem_shared>> -> memref<10240x64xf32, #tpu.memory_space<vmem_shared>>
        tpu.enqueue_indirect_dma source(%dma_start3A_52 : memref<10240x64xf32, #tpu.memory_space<vmem_shared>>) target(%arg9 : memref<128x64xf32, #tpu.memory_space<vmem>>) offsets(%dma_start3A_49 : memref<128xi32, #tpu.memory_space<vmem>>) semaphore(%arg12 : memref<!tpu.dma_semaphore, #tpu.memory_space<semaphore_mem>>)
      } else {
      }
      %add3A_43 = arith.constant 1 : i32
      %add3A_44 = arith.addi %mul3A_17, %add3A_43 : i32
      "tpu.region"() ({
        %run_scoped3A = tpu.sem_alloc : memref<!tpu.dma_semaphore, #tpu.memory_space<semaphore_mem>>
        %dma_start3A_45 = arith.constant 0 : i32
        %dma_start3A_46 = tpu.memref_slice %arg8[%add3A_44, %dma_start3A_45] : memref<80x128xi32, #tpu.memory_space<vmem>> -> memref<1x128xi32, #tpu.memory_space<vmem>>
        %dma_start3A_47 = tpu.memref_squeeze %dma_start3A_46 : memref<1x128xi32, #tpu.memory_space<vmem>> -> memref<128xi32, #tpu.memory_space<vmem>>
        %dma_start3A_48 = arith.constant 0 : i32
        %dma_start3A_49 = arith.constant 0 : i32
        %dma_start3A_50 = tpu.memref_slice %arg11[%dma_start3A_48, %dma_start3A_49] : memref<10240x64xf32, #tpu.memory_space<vmem_shared>> -> memref<10240x64xf32, #tpu.memory_space<vmem_shared>>
        tpu.enqueue_indirect_dma source(%arg10 : memref<128x64xf32, #tpu.memory_space<vmem>>) target(%dma_start3A_50 : memref<10240x64xf32, #tpu.memory_space<vmem_shared>>) offsets(%dma_start3A_47 : memref<128xi32, #tpu.memory_space<vmem>>) semaphore(%run_scoped3A : memref<!tpu.dma_semaphore, #tpu.memory_space<semaphore_mem>>) {add = true}
        %dma_wait3A_51 = arith.constant 0 : i32
        %dma_wait3A_52 = tpu.memref_slice %arg8[%add3A_44, %dma_wait3A_51] : memref<80x128xi32, #tpu.memory_space<vmem>> -> memref<1x128xi32, #tpu.memory_space<vmem>>
        %dma_wait3A_53 = tpu.memref_squeeze %dma_wait3A_52 : memref<1x128xi32, #tpu.memory_space<vmem>> -> memref<128xi32, #tpu.memory_space<vmem>>
        %dma_wait3A_54 = arith.constant 0 : i32
        %dma_wait3A_55 = arith.constant 0 : i32
        %dma_wait3A_56 = tpu.memref_slice %arg11[%dma_wait3A_54, %dma_wait3A_55] : memref<10240x64xf32, #tpu.memory_space<vmem_shared>> -> memref<10240x64xf32, #tpu.memory_space<vmem_shared>>
        tpu.wait_indirect_dma semaphore(%run_scoped3A : memref<!tpu.dma_semaphore, #tpu.memory_space<semaphore_mem>>) src(%arg10 : memref<128x64xf32, #tpu.memory_space<vmem>>) dst(%dma_wait3A_56 : memref<10240x64xf32, #tpu.memory_space<vmem_shared>>)
        tpu.yield
      }) : () -> ()
    }
    %scan3A_13 = arith.constant 40 : i32
    %barrier3A_14 = arith.constant 0 : index
    tpu.barrier barrier_id(%barrier3A_14)
    "tpu.region"() ({
      %run_scoped3A = tpu.sem_alloc : memref<!tpu.dma_semaphore, #tpu.memory_space<semaphore_mem>>
      %dma_start3A_15 = arith.constant 0 : i32
      %dma_start3A_16 = tpu.memref_slice %arg6[%arg0, %mul3A_2, %dma_start3A_15] : memref<2x10240x64xf32, #tpu.memory_space<hbm>> -> memref<1x640x64xf32, #tpu.memory_space<hbm>>
      %dma_start3A_17 = tpu.memref_squeeze %dma_start3A_16 : memref<1x640x64xf32, #tpu.memory_space<hbm>> -> memref<640x64xf32, #tpu.memory_space<hbm>>
      %dma_start3A_18 = arith.constant 0 : i32
      %dma_start3A_19 = tpu.memref_slice %arg11[%mul3A_2, %dma_start3A_18] : memref<10240x64xf32, #tpu.memory_space<vmem_shared>> -> memref<640x64xf32, #tpu.memory_space<vmem_shared>>
      tpu.enqueue_dma source(%dma_start3A_19 : memref<640x64xf32, #tpu.memory_space<vmem_shared>>) target(%dma_start3A_17 : memref<640x64xf32, #tpu.memory_space<hbm>>) target_semaphore(%run_scoped3A : memref<!tpu.dma_semaphore, #tpu.memory_space<semaphore_mem>>)
      %dma_wait3A = arith.constant 0 : i32
      %dma_wait3A_20 = tpu.memref_slice %arg6[%arg0, %mul3A_2, %dma_wait3A] : memref<2x10240x64xf32, #tpu.memory_space<hbm>> -> memref<1x640x64xf32, #tpu.memory_space<hbm>>
      %dma_wait3A_21 = tpu.memref_squeeze %dma_wait3A_20 : memref<1x640x64xf32, #tpu.memory_space<hbm>> -> memref<640x64xf32, #tpu.memory_space<hbm>>
      %dma_wait3A_22 = arith.constant 0 : i32
      %dma_wait3A_23 = tpu.memref_slice %arg11[%mul3A_2, %dma_wait3A_22] : memref<10240x64xf32, #tpu.memory_space<vmem_shared>> -> memref<640x64xf32, #tpu.memory_space<vmem_shared>>
      tpu.wait_dma2 semaphore(%run_scoped3A : memref<!tpu.dma_semaphore, #tpu.memory_space<semaphore_mem>>) src(%dma_wait3A_23 : memref<640x64xf32, #tpu.memory_space<vmem_shared>>) dst(%dma_wait3A_21 : memref<640x64xf32, #tpu.memory_space<hbm>>)
      tpu.yield
    }) : () -> ()
    return
  }
}

#map = affine_map<(d0, d1) -> (0, 0)>
#map1 = affine_map<(d0, d1) -> (0, 0, 0)>
module attributes {stable_mosaic.version = 14 : i64} {
  func.func @edge_decoder(%arg0: i32, %arg1: i32, %arg2: memref<10240x64xf32, #tpu.memory_space<hbm>>, %arg3: memref<32x158x128xi32, #tpu.memory_space<hbm>>, %arg4: memref<32x158x128xi32, #tpu.memory_space<hbm>>, %arg5: memref<32x20224xf32, #tpu.memory_space<hbm>>, %arg6: memref<158x128xi32, #tpu.memory_space<vmem>>, %arg7: memref<158x128xi32, #tpu.memory_space<vmem>>, %arg8: memref<128x64xf32, #tpu.memory_space<vmem>>, %arg9: memref<128x64xf32, #tpu.memory_space<vmem>>, %arg10: memref<128x64xf32, #tpu.memory_space<vmem>>, %arg11: memref<128x64xf32, #tpu.memory_space<vmem>>, %arg12: memref<128xf32, #tpu.memory_space<vmem>>, %arg13: memref<128xf32, #tpu.memory_space<vmem>>, %arg14: memref<10240x64xf32, #tpu.memory_space<vmem_shared>>, %arg15: memref<!tpu.dma_semaphore, #tpu.memory_space<semaphore_mem>>, %arg16: memref<!tpu.dma_semaphore, #tpu.memory_space<semaphore_mem>>, %arg17: memref<!tpu.dma_semaphore, #tpu.memory_space<semaphore_mem>>, %arg18: memref<!tpu.dma_semaphore, #tpu.memory_space<semaphore_mem>>) attributes {dimension_semantics = [#tpu.dimension_semantics<core_parallel>, #tpu.dimension_semantics<subcore_parallel>], iteration_bounds = array<i64: 2, 16>, scalar_prefetch = 0 : i64, scratch_operands = 13 : i64, tpu.core_type = #tpu.core_type<sc_vector_subcore>, window_params = [{transform_indices = #map}, {transform_indices = #map1}, {transform_indices = #map1}, {transform_indices = #map}]} {
    %mul3A = arith.constant 2 : i32
    %mul3A_0 = arith.muli %arg1, %mul3A : i32
    %add3A = arith.addi %mul3A_0, %arg0 : i32
    %mul3A_1 = arith.constant 640 : i32
    %mul3A_2 = arith.muli %arg1, %mul3A_1 : i32
    "tpu.region"() ({
      %run_scoped3A = tpu.sem_alloc : memref<!tpu.dma_semaphore, #tpu.memory_space<semaphore_mem>>
      %dma_start3A_32 = arith.constant 0 : i32
      %dma_start3A_33 = tpu.memref_slice %arg14[%mul3A_2, %dma_start3A_32] : memref<10240x64xf32, #tpu.memory_space<vmem_shared>> -> memref<640x64xf32, #tpu.memory_space<vmem_shared>>
      %dma_start3A_34 = arith.constant 0 : i32
      %dma_start3A_35 = tpu.memref_slice %arg2[%mul3A_2, %dma_start3A_34] : memref<10240x64xf32, #tpu.memory_space<hbm>> -> memref<640x64xf32, #tpu.memory_space<hbm>>
      tpu.enqueue_dma source(%dma_start3A_35 : memref<640x64xf32, #tpu.memory_space<hbm>>) target(%dma_start3A_33 : memref<640x64xf32, #tpu.memory_space<vmem_shared>>) target_semaphore(%run_scoped3A : memref<!tpu.dma_semaphore, #tpu.memory_space<semaphore_mem>>)
      %dma_wait3A_36 = arith.constant 0 : i32
      %dma_wait3A_37 = tpu.memref_slice %arg14[%mul3A_2, %dma_wait3A_36] : memref<10240x64xf32, #tpu.memory_space<vmem_shared>> -> memref<640x64xf32, #tpu.memory_space<vmem_shared>>
      %dma_wait3A_38 = arith.constant 0 : i32
      %dma_wait3A_39 = tpu.memref_slice %arg2[%mul3A_2, %dma_wait3A_38] : memref<10240x64xf32, #tpu.memory_space<hbm>> -> memref<640x64xf32, #tpu.memory_space<hbm>>
      tpu.wait_dma2 semaphore(%run_scoped3A : memref<!tpu.dma_semaphore, #tpu.memory_space<semaphore_mem>>) src(%dma_wait3A_39 : memref<640x64xf32, #tpu.memory_space<hbm>>) dst(%dma_wait3A_37 : memref<640x64xf32, #tpu.memory_space<vmem_shared>>)
      tpu.yield
    }) : () -> ()
    "tpu.region"() ({
      %run_scoped3A = tpu.sem_alloc : memref<!tpu.dma_semaphore, #tpu.memory_space<semaphore_mem>>
      %dma_start3A_32 = arith.constant 0 : i32
      %dma_start3A_33 = arith.constant 0 : i32
      %dma_start3A_34 = tpu.memref_slice %arg3[%add3A, %dma_start3A_32, %dma_start3A_33] : memref<32x158x128xi32, #tpu.memory_space<hbm>> -> memref<1x158x128xi32, #tpu.memory_space<hbm>>
      %dma_start3A_35 = tpu.memref_squeeze %dma_start3A_34 : memref<1x158x128xi32, #tpu.memory_space<hbm>> -> memref<158x128xi32, #tpu.memory_space<hbm>>
      %dma_start3A_36 = arith.constant 0 : i32
      %dma_start3A_37 = arith.constant 0 : i32
      %dma_start3A_38 = tpu.memref_slice %arg3[%add3A, %dma_start3A_36, %dma_start3A_37] : memref<32x158x128xi32, #tpu.memory_space<hbm>> -> memref<1x158x128xi32, #tpu.memory_space<hbm>>
      %dma_start3A_39 = tpu.memref_squeeze %dma_start3A_38 : memref<1x158x128xi32, #tpu.memory_space<hbm>> -> memref<158x128xi32, #tpu.memory_space<hbm>>
      tpu.enqueue_dma source(%dma_start3A_39 : memref<158x128xi32, #tpu.memory_space<hbm>>) target(%arg6 : memref<158x128xi32, #tpu.memory_space<vmem>>) target_semaphore(%run_scoped3A : memref<!tpu.dma_semaphore, #tpu.memory_space<semaphore_mem>>)
      %dma_wait3A_40 = arith.constant 0 : i32
      %dma_wait3A_41 = arith.constant 0 : i32
      %dma_wait3A_42 = tpu.memref_slice %arg3[%add3A, %dma_wait3A_40, %dma_wait3A_41] : memref<32x158x128xi32, #tpu.memory_space<hbm>> -> memref<1x158x128xi32, #tpu.memory_space<hbm>>
      %dma_wait3A_43 = tpu.memref_squeeze %dma_wait3A_42 : memref<1x158x128xi32, #tpu.memory_space<hbm>> -> memref<158x128xi32, #tpu.memory_space<hbm>>
      %dma_wait3A_44 = arith.constant 0 : i32
      %dma_wait3A_45 = arith.constant 0 : i32
      %dma_wait3A_46 = tpu.memref_slice %arg3[%add3A, %dma_wait3A_44, %dma_wait3A_45] : memref<32x158x128xi32, #tpu.memory_space<hbm>> -> memref<1x158x128xi32, #tpu.memory_space<hbm>>
      %dma_wait3A_47 = tpu.memref_squeeze %dma_wait3A_46 : memref<1x158x128xi32, #tpu.memory_space<hbm>> -> memref<158x128xi32, #tpu.memory_space<hbm>>
      tpu.wait_dma2 semaphore(%run_scoped3A : memref<!tpu.dma_semaphore, #tpu.memory_space<semaphore_mem>>) src(%dma_wait3A_47 : memref<158x128xi32, #tpu.memory_space<hbm>>) dst(%arg6 : memref<158x128xi32, #tpu.memory_space<vmem>>)
      tpu.yield
    }) : () -> ()
    "tpu.region"() ({
      %run_scoped3A = tpu.sem_alloc : memref<!tpu.dma_semaphore, #tpu.memory_space<semaphore_mem>>
      %dma_start3A_32 = arith.constant 0 : i32
      %dma_start3A_33 = arith.constant 0 : i32
      %dma_start3A_34 = tpu.memref_slice %arg4[%add3A, %dma_start3A_32, %dma_start3A_33] : memref<32x158x128xi32, #tpu.memory_space<hbm>> -> memref<1x158x128xi32, #tpu.memory_space<hbm>>
      %dma_start3A_35 = tpu.memref_squeeze %dma_start3A_34 : memref<1x158x128xi32, #tpu.memory_space<hbm>> -> memref<158x128xi32, #tpu.memory_space<hbm>>
      %dma_start3A_36 = arith.constant 0 : i32
      %dma_start3A_37 = arith.constant 0 : i32
      %dma_start3A_38 = tpu.memref_slice %arg4[%add3A, %dma_start3A_36, %dma_start3A_37] : memref<32x158x128xi32, #tpu.memory_space<hbm>> -> memref<1x158x128xi32, #tpu.memory_space<hbm>>
      %dma_start3A_39 = tpu.memref_squeeze %dma_start3A_38 : memref<1x158x128xi32, #tpu.memory_space<hbm>> -> memref<158x128xi32, #tpu.memory_space<hbm>>
      tpu.enqueue_dma source(%dma_start3A_39 : memref<158x128xi32, #tpu.memory_space<hbm>>) target(%arg7 : memref<158x128xi32, #tpu.memory_space<vmem>>) target_semaphore(%run_scoped3A : memref<!tpu.dma_semaphore, #tpu.memory_space<semaphore_mem>>)
      %dma_wait3A_40 = arith.constant 0 : i32
      %dma_wait3A_41 = arith.constant 0 : i32
      %dma_wait3A_42 = tpu.memref_slice %arg4[%add3A, %dma_wait3A_40, %dma_wait3A_41] : memref<32x158x128xi32, #tpu.memory_space<hbm>> -> memref<1x158x128xi32, #tpu.memory_space<hbm>>
      %dma_wait3A_43 = tpu.memref_squeeze %dma_wait3A_42 : memref<1x158x128xi32, #tpu.memory_space<hbm>> -> memref<158x128xi32, #tpu.memory_space<hbm>>
      %dma_wait3A_44 = arith.constant 0 : i32
      %dma_wait3A_45 = arith.constant 0 : i32
      %dma_wait3A_46 = tpu.memref_slice %arg4[%add3A, %dma_wait3A_44, %dma_wait3A_45] : memref<32x158x128xi32, #tpu.memory_space<hbm>> -> memref<1x158x128xi32, #tpu.memory_space<hbm>>
      %dma_wait3A_47 = tpu.memref_squeeze %dma_wait3A_46 : memref<1x158x128xi32, #tpu.memory_space<hbm>> -> memref<158x128xi32, #tpu.memory_space<hbm>>
      tpu.wait_dma2 semaphore(%run_scoped3A : memref<!tpu.dma_semaphore, #tpu.memory_space<semaphore_mem>>) src(%dma_wait3A_47 : memref<158x128xi32, #tpu.memory_space<hbm>>) dst(%arg7 : memref<158x128xi32, #tpu.memory_space<vmem>>)
      tpu.yield
    }) : () -> ()
    %barrier3A = arith.constant 0 : index
    tpu.barrier barrier_id(%barrier3A)
    %iota3A = tpu.iota {dimensions = array<i32: 0>} : vector<16xi32>
    %dma_start3A = arith.constant 0 : i32
    %dma_start3A_3 = arith.constant 0 : i32
    %dma_start3A_4 = tpu.memref_slice %arg6[%dma_start3A, %dma_start3A_3] : memref<158x128xi32, #tpu.memory_space<vmem>> -> memref<1x128xi32, #tpu.memory_space<vmem>>
    %dma_start3A_5 = tpu.memref_squeeze %dma_start3A_4 : memref<1x128xi32, #tpu.memory_space<vmem>> -> memref<128xi32, #tpu.memory_space<vmem>>
    %dma_start3A_6 = arith.constant 0 : i32
    %dma_start3A_7 = arith.constant 0 : i32
    %dma_start3A_8 = tpu.memref_slice %arg14[%dma_start3A_6, %dma_start3A_7] : memref<10240x64xf32, #tpu.memory_space<vmem_shared>> -> memref<10240x64xf32, #tpu.memory_space<vmem_shared>>
    tpu.enqueue_indirect_dma source(%dma_start3A_8 : memref<10240x64xf32, #tpu.memory_space<vmem_shared>>) target(%arg8 : memref<128x64xf32, #tpu.memory_space<vmem>>) offsets(%dma_start3A_5 : memref<128xi32, #tpu.memory_space<vmem>>) semaphore(%arg15 : memref<!tpu.dma_semaphore, #tpu.memory_space<semaphore_mem>>)
    %dma_start3A_9 = arith.constant 0 : i32
    %dma_start3A_10 = arith.constant 0 : i32
    %dma_start3A_11 = tpu.memref_slice %arg7[%dma_start3A_9, %dma_start3A_10] : memref<158x128xi32, #tpu.memory_space<vmem>> -> memref<1x128xi32, #tpu.memory_space<vmem>>
    %dma_start3A_12 = tpu.memref_squeeze %dma_start3A_11 : memref<1x128xi32, #tpu.memory_space<vmem>> -> memref<128xi32, #tpu.memory_space<vmem>>
    %dma_start3A_13 = arith.constant 0 : i32
    %dma_start3A_14 = arith.constant 0 : i32
    %dma_start3A_15 = tpu.memref_slice %arg14[%dma_start3A_13, %dma_start3A_14] : memref<10240x64xf32, #tpu.memory_space<vmem_shared>> -> memref<10240x64xf32, #tpu.memory_space<vmem_shared>>
    tpu.enqueue_indirect_dma source(%dma_start3A_15 : memref<10240x64xf32, #tpu.memory_space<vmem_shared>>) target(%arg9 : memref<128x64xf32, #tpu.memory_space<vmem>>) offsets(%dma_start3A_12 : memref<128xi32, #tpu.memory_space<vmem>>) semaphore(%arg15 : memref<!tpu.dma_semaphore, #tpu.memory_space<semaphore_mem>>)
    %scan3A = arith.constant 0 : i32
    %scan3A_16 = arith.constant 0 : i32
    %scan3A_17 = arith.constant 79 : i32
    %scan3A_18 = arith.addi %scan3A_16, %scan3A_17 : i32
    %scan3A_19 = arith.constant 1 : i32
    scf.for %scan3A_32 = %scan3A_16 to %scan3A_18 step %scan3A_19  : i32 {
      %mul3A_33 = arith.constant 2 : i32
      %mul3A_34 = arith.muli %scan3A_32, %mul3A_33 : i32
      %dma_wait3A_35 = arith.constant 0 : i32
      %dma_wait3A_36 = tpu.memref_slice %arg6[%mul3A_34, %dma_wait3A_35] : memref<158x128xi32, #tpu.memory_space<vmem>> -> memref<1x128xi32, #tpu.memory_space<vmem>>
      %dma_wait3A_37 = tpu.memref_squeeze %dma_wait3A_36 : memref<1x128xi32, #tpu.memory_space<vmem>> -> memref<128xi32, #tpu.memory_space<vmem>>
      %dma_wait3A_38 = arith.constant 0 : i32
      %dma_wait3A_39 = arith.constant 0 : i32
      %dma_wait3A_40 = tpu.memref_slice %arg14[%dma_wait3A_38, %dma_wait3A_39] : memref<10240x64xf32, #tpu.memory_space<vmem_shared>> -> memref<10240x64xf32, #tpu.memory_space<vmem_shared>>
      tpu.wait_indirect_dma semaphore(%arg15 : memref<!tpu.dma_semaphore, #tpu.memory_space<semaphore_mem>>) src(%dma_wait3A_40 : memref<10240x64xf32, #tpu.memory_space<vmem_shared>>) dst(%arg8 : memref<128x64xf32, #tpu.memory_space<vmem>>)
      %dma_wait3A_41 = arith.constant 0 : i32
      %dma_wait3A_42 = tpu.memref_slice %arg7[%mul3A_34, %dma_wait3A_41] : memref<158x128xi32, #tpu.memory_space<vmem>> -> memref<1x128xi32, #tpu.memory_space<vmem>>
      %dma_wait3A_43 = tpu.memref_squeeze %dma_wait3A_42 : memref<1x128xi32, #tpu.memory_space<vmem>> -> memref<128xi32, #tpu.memory_space<vmem>>
      %dma_wait3A_44 = arith.constant 0 : i32
      %dma_wait3A_45 = arith.constant 0 : i32
      %dma_wait3A_46 = tpu.memref_slice %arg14[%dma_wait3A_44, %dma_wait3A_45] : memref<10240x64xf32, #tpu.memory_space<vmem_shared>> -> memref<10240x64xf32, #tpu.memory_space<vmem_shared>>
      tpu.wait_indirect_dma semaphore(%arg15 : memref<!tpu.dma_semaphore, #tpu.memory_space<semaphore_mem>>) src(%dma_wait3A_46 : memref<10240x64xf32, #tpu.memory_space<vmem_shared>>) dst(%arg9 : memref<128x64xf32, #tpu.memory_space<vmem>>)
      %add3A_47 = arith.constant 1 : i32
      %add3A_48 = arith.addi %mul3A_34, %add3A_47 : i32
      %dma_start3A_49 = arith.constant 0 : i32
      %dma_start3A_50 = tpu.memref_slice %arg6[%add3A_48, %dma_start3A_49] : memref<158x128xi32, #tpu.memory_space<vmem>> -> memref<1x128xi32, #tpu.memory_space<vmem>>
      %dma_start3A_51 = tpu.memref_squeeze %dma_start3A_50 : memref<1x128xi32, #tpu.memory_space<vmem>> -> memref<128xi32, #tpu.memory_space<vmem>>
      %dma_start3A_52 = arith.constant 0 : i32
      %dma_start3A_53 = arith.constant 0 : i32
      %dma_start3A_54 = tpu.memref_slice %arg14[%dma_start3A_52, %dma_start3A_53] : memref<10240x64xf32, #tpu.memory_space<vmem_shared>> -> memref<10240x64xf32, #tpu.memory_space<vmem_shared>>
      tpu.enqueue_indirect_dma source(%dma_start3A_54 : memref<10240x64xf32, #tpu.memory_space<vmem_shared>>) target(%arg10 : memref<128x64xf32, #tpu.memory_space<vmem>>) offsets(%dma_start3A_51 : memref<128xi32, #tpu.memory_space<vmem>>) semaphore(%arg16 : memref<!tpu.dma_semaphore, #tpu.memory_space<semaphore_mem>>)
      %dma_start3A_55 = arith.constant 0 : i32
      %dma_start3A_56 = tpu.memref_slice %arg7[%add3A_48, %dma_start3A_55] : memref<158x128xi32, #tpu.memory_space<vmem>> -> memref<1x128xi32, #tpu.memory_space<vmem>>
      %dma_start3A_57 = tpu.memref_squeeze %dma_start3A_56 : memref<1x128xi32, #tpu.memory_space<vmem>> -> memref<128xi32, #tpu.memory_space<vmem>>
      %dma_start3A_58 = arith.constant 0 : i32
      %dma_start3A_59 = arith.constant 0 : i32
      %dma_start3A_60 = tpu.memref_slice %arg14[%dma_start3A_58, %dma_start3A_59] : memref<10240x64xf32, #tpu.memory_space<vmem_shared>> -> memref<10240x64xf32, #tpu.memory_space<vmem_shared>>
      tpu.enqueue_indirect_dma source(%dma_start3A_60 : memref<10240x64xf32, #tpu.memory_space<vmem_shared>>) target(%arg11 : memref<128x64xf32, #tpu.memory_space<vmem>>) offsets(%dma_start3A_57 : memref<128xi32, #tpu.memory_space<vmem>>) semaphore(%arg16 : memref<!tpu.dma_semaphore, #tpu.memory_space<semaphore_mem>>)
      %ge3A = arith.constant 2 : i32
      %ge3A_61 = arith.cmpi sge, %mul3A_34, %ge3A : i32
      %convert_element_type3A = arith.extui %ge3A_61 : i1 to i32
      %cond3A = arith.constant 0 : i32
      %cond3A_62 = arith.cmpi ne, %convert_element_type3A, %cond3A : i32
      scf.if %cond3A_62 {
        %sub3A = arith.constant 2 : i32
        %sub3A_116 = arith.subi %mul3A_34, %sub3A : i32
        %mul3A_117 = arith.constant 128 : i32
        %mul3A_118 = arith.muli %sub3A_116, %mul3A_117 : i32
        %dma_wait3A_119 = tpu.memref_slice %arg5[%add3A, %mul3A_118] : memref<32x20224xf32, #tpu.memory_space<hbm>> -> memref<1x128xf32, #tpu.memory_space<hbm>>
        %dma_wait3A_120 = tpu.memref_squeeze %dma_wait3A_119 : memref<1x128xf32, #tpu.memory_space<hbm>> -> memref<128xf32, #tpu.memory_space<hbm>>
        %dma_wait3A_121 = tpu.memref_slice %arg5[%add3A, %mul3A_118] : memref<32x20224xf32, #tpu.memory_space<hbm>> -> memref<1x128xf32, #tpu.memory_space<hbm>>
        %dma_wait3A_122 = tpu.memref_squeeze %dma_wait3A_121 : memref<1x128xf32, #tpu.memory_space<hbm>> -> memref<128xf32, #tpu.memory_space<hbm>>
        tpu.wait_dma2 semaphore(%arg17 : memref<!tpu.dma_semaphore, #tpu.memory_space<semaphore_mem>>) src(%arg12 : memref<128xf32, #tpu.memory_space<vmem>>) dst(%dma_wait3A_122 : memref<128xf32, #tpu.memory_space<hbm>>)
      } else {
      }
      %scan3A_63 = arith.constant 0 : i32
      %scan3A_64 = arith.constant 0 : i32
      %scan3A_65 = arith.constant 8 : i32
      %scan3A_66 = arith.addi %scan3A_64, %scan3A_65 : i32
      %scan3A_67 = arith.constant 1 : i32
      scf.for %scan3A_116 = %scan3A_64 to %scan3A_66 step %scan3A_67  : i32 {
        %mul3A_117 = arith.constant 16 : i32
        %mul3A_118 = arith.muli %scan3A_116, %mul3A_117 : i32
        %add3A_119 = vector.broadcast %mul3A_118 : i32 to vector<16xi32>
        %add3A_120 = arith.addi %add3A_119, %iota3A : vector<16xi32>
        %broadcast_in_dim3A = arith.constant 0.000000e+00 : f32
        %broadcast_in_dim3A_121 = vector.broadcast %broadcast_in_dim3A : f32 to vector<16xf32>
        %add3A_122 = arith.constant 0 : i32
        %add3A_123 = vector.broadcast %add3A_122 : i32 to vector<16xi32>
        %add3A_124 = arith.addi %iota3A, %add3A_123 : vector<16xi32>
        %and3A = arith.constant 63 : i32
        %and3A_125 = vector.broadcast %and3A : i32 to vector<16xi32>
        %and3A_126 = arith.andi %add3A_124, %and3A_125 : vector<16xi32>
        %add3A_127 = arith.constant 1 : i32
        %add3A_128 = vector.broadcast %add3A_127 : i32 to vector<16xi32>
        %add3A_129 = arith.addi %iota3A, %add3A_128 : vector<16xi32>
        %and3A_130 = arith.constant 63 : i32
        %and3A_131 = vector.broadcast %and3A_130 : i32 to vector<16xi32>
        %and3A_132 = arith.andi %add3A_129, %and3A_131 : vector<16xi32>
        %add3A_133 = arith.constant 2 : i32
        %add3A_134 = vector.broadcast %add3A_133 : i32 to vector<16xi32>
        %add3A_135 = arith.addi %iota3A, %add3A_134 : vector<16xi32>
        %and3A_136 = arith.constant 63 : i32
        %and3A_137 = vector.broadcast %and3A_136 : i32 to vector<16xi32>
        %and3A_138 = arith.andi %add3A_135, %and3A_137 : vector<16xi32>
        %add3A_139 = arith.constant 3 : i32
        %add3A_140 = vector.broadcast %add3A_139 : i32 to vector<16xi32>
        %add3A_141 = arith.addi %iota3A, %add3A_140 : vector<16xi32>
        %and3A_142 = arith.constant 63 : i32
        %and3A_143 = vector.broadcast %and3A_142 : i32 to vector<16xi32>
        %and3A_144 = arith.andi %add3A_141, %and3A_143 : vector<16xi32>
        %gather3A = tpu.vector_load_idx %arg8[%add3A_120, %and3A_126] : memref<128x64xf32, #tpu.memory_space<vmem>>[vector<16xi32>, vector<16xi32>], vector<16xf32>,
        %gather3A_145 = tpu.vector_load_idx %arg9[%add3A_120, %and3A_126] : memref<128x64xf32, #tpu.memory_space<vmem>>[vector<16xi32>, vector<16xi32>], vector<16xf32>,
        %mul3A_146 = arith.mulf %gather3A, %gather3A_145 : vector<16xf32>
        %add3A_147 = arith.addf %broadcast_in_dim3A_121, %mul3A_146 : vector<16xf32>
        %gather3A_148 = tpu.vector_load_idx %arg8[%add3A_120, %and3A_132] : memref<128x64xf32, #tpu.memory_space<vmem>>[vector<16xi32>, vector<16xi32>], vector<16xf32>,
        %gather3A_149 = tpu.vector_load_idx %arg9[%add3A_120, %and3A_132] : memref<128x64xf32, #tpu.memory_space<vmem>>[vector<16xi32>, vector<16xi32>], vector<16xf32>,
        %mul3A_150 = arith.mulf %gather3A_148, %gather3A_149 : vector<16xf32>
        %add3A_151 = arith.addf %broadcast_in_dim3A_121, %mul3A_150 : vector<16xf32>
        %gather3A_152 = tpu.vector_load_idx %arg8[%add3A_120, %and3A_138] : memref<128x64xf32, #tpu.memory_space<vmem>>[vector<16xi32>, vector<16xi32>], vector<16xf32>,
        %gather3A_153 = tpu.vector_load_idx %arg9[%add3A_120, %and3A_138] : memref<128x64xf32, #tpu.memory_space<vmem>>[vector<16xi32>, vector<16xi32>], vector<16xf32>,
        %mul3A_154 = arith.mulf %gather3A_152, %gather3A_153 : vector<16xf32>
        %add3A_155 = arith.addf %broadcast_in_dim3A_121, %mul3A_154 : vector<16xf32>
        %gather3A_156 = tpu.vector_load_idx %arg8[%add3A_120, %and3A_144] : memref<128x64xf32, #tpu.memory_space<vmem>>[vector<16xi32>, vector<16xi32>], vector<16xf32>,
        %gather3A_157 = tpu.vector_load_idx %arg9[%add3A_120, %and3A_144] : memref<128x64xf32, #tpu.memory_space<vmem>>[vector<16xi32>, vector<16xi32>], vector<16xf32>,
        %mul3A_158 = arith.mulf %gather3A_156, %gather3A_157 : vector<16xf32>
        %add3A_159 = arith.addf %broadcast_in_dim3A_121, %mul3A_158 : vector<16xf32>
        %add3A_160 = arith.constant 4 : i32
        %add3A_161 = vector.broadcast %add3A_160 : i32 to vector<16xi32>
        %add3A_162 = arith.addi %iota3A, %add3A_161 : vector<16xi32>
        %and3A_163 = arith.constant 63 : i32
        %and3A_164 = vector.broadcast %and3A_163 : i32 to vector<16xi32>
        %and3A_165 = arith.andi %add3A_162, %and3A_164 : vector<16xi32>
        %add3A_166 = arith.constant 5 : i32
        %add3A_167 = vector.broadcast %add3A_166 : i32 to vector<16xi32>
        %add3A_168 = arith.addi %iota3A, %add3A_167 : vector<16xi32>
        %and3A_169 = arith.constant 63 : i32
        %and3A_170 = vector.broadcast %and3A_169 : i32 to vector<16xi32>
        %and3A_171 = arith.andi %add3A_168, %and3A_170 : vector<16xi32>
        %add3A_172 = arith.constant 6 : i32
        %add3A_173 = vector.broadcast %add3A_172 : i32 to vector<16xi32>
        %add3A_174 = arith.addi %iota3A, %add3A_173 : vector<16xi32>
        %and3A_175 = arith.constant 63 : i32
        %and3A_176 = vector.broadcast %and3A_175 : i32 to vector<16xi32>
        %and3A_177 = arith.andi %add3A_174, %and3A_176 : vector<16xi32>
        %add3A_178 = arith.constant 7 : i32
        %add3A_179 = vector.broadcast %add3A_178 : i32 to vector<16xi32>
        %add3A_180 = arith.addi %iota3A, %add3A_179 : vector<16xi32>
        %and3A_181 = arith.constant 63 : i32
        %and3A_182 = vector.broadcast %and3A_181 : i32 to vector<16xi32>
        %and3A_183 = arith.andi %add3A_180, %and3A_182 : vector<16xi32>
        %gather3A_184 = tpu.vector_load_idx %arg8[%add3A_120, %and3A_165] : memref<128x64xf32, #tpu.memory_space<vmem>>[vector<16xi32>, vector<16xi32>], vector<16xf32>,
        %gather3A_185 = tpu.vector_load_idx %arg9[%add3A_120, %and3A_165] : memref<128x64xf32, #tpu.memory_space<vmem>>[vector<16xi32>, vector<16xi32>], vector<16xf32>,
        %mul3A_186 = arith.mulf %gather3A_184, %gather3A_185 : vector<16xf32>
        %add3A_187 = arith.addf %add3A_147, %mul3A_186 : vector<16xf32>
        %gather3A_188 = tpu.vector_load_idx %arg8[%add3A_120, %and3A_171] : memref<128x64xf32, #tpu.memory_space<vmem>>[vector<16xi32>, vector<16xi32>], vector<16xf32>,
        %gather3A_189 = tpu.vector_load_idx %arg9[%add3A_120, %and3A_171] : memref<128x64xf32, #tpu.memory_space<vmem>>[vector<16xi32>, vector<16xi32>], vector<16xf32>,
        %mul3A_190 = arith.mulf %gather3A_188, %gather3A_189 : vector<16xf32>
        %add3A_191 = arith.addf %add3A_151, %mul3A_190 : vector<16xf32>
        %gather3A_192 = tpu.vector_load_idx %arg8[%add3A_120, %and3A_177] : memref<128x64xf32, #tpu.memory_space<vmem>>[vector<16xi32>, vector<16xi32>], vector<16xf32>,
        %gather3A_193 = tpu.vector_load_idx %arg9[%add3A_120, %and3A_177] : memref<128x64xf32, #tpu.memory_space<vmem>>[vector<16xi32>, vector<16xi32>], vector<16xf32>,
        %mul3A_194 = arith.mulf %gather3A_192, %gather3A_193 : vector<16xf32>
        %add3A_195 = arith.addf %add3A_155, %mul3A_194 : vector<16xf32>
        %gather3A_196 = tpu.vector_load_idx %arg8[%add3A_120, %and3A_183] : memref<128x64xf32, #tpu.memory_space<vmem>>[vector<16xi32>, vector<16xi32>], vector<16xf32>,
        %gather3A_197 = tpu.vector_load_idx %arg9[%add3A_120, %and3A_183] : memref<128x64xf32, #tpu.memory_space<vmem>>[vector<16xi32>, vector<16xi32>], vector<16xf32>,
        %mul3A_198 = arith.mulf %gather3A_196, %gather3A_197 : vector<16xf32>
        %add3A_199 = arith.addf %add3A_159, %mul3A_198 : vector<16xf32>
        %add3A_200 = arith.constant 8 : i32
        %add3A_201 = vector.broadcast %add3A_200 : i32 to vector<16xi32>
        %add3A_202 = arith.addi %iota3A, %add3A_201 : vector<16xi32>
        %and3A_203 = arith.constant 63 : i32
        %and3A_204 = vector.broadcast %and3A_203 : i32 to vector<16xi32>
        %and3A_205 = arith.andi %add3A_202, %and3A_204 : vector<16xi32>
        %add3A_206 = arith.constant 9 : i32
        %add3A_207 = vector.broadcast %add3A_206 : i32 to vector<16xi32>
        %add3A_208 = arith.addi %iota3A, %add3A_207 : vector<16xi32>
        %and3A_209 = arith.constant 63 : i32
        %and3A_210 = vector.broadcast %and3A_209 : i32 to vector<16xi32>
        %and3A_211 = arith.andi %add3A_208, %and3A_210 : vector<16xi32>
        %add3A_212 = arith.constant 10 : i32
        %add3A_213 = vector.broadcast %add3A_212 : i32 to vector<16xi32>
        %add3A_214 = arith.addi %iota3A, %add3A_213 : vector<16xi32>
        %and3A_215 = arith.constant 63 : i32
        %and3A_216 = vector.broadcast %and3A_215 : i32 to vector<16xi32>
        %and3A_217 = arith.andi %add3A_214, %and3A_216 : vector<16xi32>
        %add3A_218 = arith.constant 11 : i32
        %add3A_219 = vector.broadcast %add3A_218 : i32 to vector<16xi32>
        %add3A_220 = arith.addi %iota3A, %add3A_219 : vector<16xi32>
        %and3A_221 = arith.constant 63 : i32
        %and3A_222 = vector.broadcast %and3A_221 : i32 to vector<16xi32>
        %and3A_223 = arith.andi %add3A_220, %and3A_222 : vector<16xi32>
        %gather3A_224 = tpu.vector_load_idx %arg8[%add3A_120, %and3A_205] : memref<128x64xf32, #tpu.memory_space<vmem>>[vector<16xi32>, vector<16xi32>], vector<16xf32>,
        %gather3A_225 = tpu.vector_load_idx %arg9[%add3A_120, %and3A_205] : memref<128x64xf32, #tpu.memory_space<vmem>>[vector<16xi32>, vector<16xi32>], vector<16xf32>,
        %mul3A_226 = arith.mulf %gather3A_224, %gather3A_225 : vector<16xf32>
        %add3A_227 = arith.addf %add3A_187, %mul3A_226 : vector<16xf32>
        %gather3A_228 = tpu.vector_load_idx %arg8[%add3A_120, %and3A_211] : memref<128x64xf32, #tpu.memory_space<vmem>>[vector<16xi32>, vector<16xi32>], vector<16xf32>,
        %gather3A_229 = tpu.vector_load_idx %arg9[%add3A_120, %and3A_211] : memref<128x64xf32, #tpu.memory_space<vmem>>[vector<16xi32>, vector<16xi32>], vector<16xf32>,
        %mul3A_230 = arith.mulf %gather3A_228, %gather3A_229 : vector<16xf32>
        %add3A_231 = arith.addf %add3A_191, %mul3A_230 : vector<16xf32>
        %gather3A_232 = tpu.vector_load_idx %arg8[%add3A_120, %and3A_217] : memref<128x64xf32, #tpu.memory_space<vmem>>[vector<16xi32>, vector<16xi32>], vector<16xf32>,
        %gather3A_233 = tpu.vector_load_idx %arg9[%add3A_120, %and3A_217] : memref<128x64xf32, #tpu.memory_space<vmem>>[vector<16xi32>, vector<16xi32>], vector<16xf32>,
        %mul3A_234 = arith.mulf %gather3A_232, %gather3A_233 : vector<16xf32>
        %add3A_235 = arith.addf %add3A_195, %mul3A_234 : vector<16xf32>
        %gather3A_236 = tpu.vector_load_idx %arg8[%add3A_120, %and3A_223] : memref<128x64xf32, #tpu.memory_space<vmem>>[vector<16xi32>, vector<16xi32>], vector<16xf32>,
        %gather3A_237 = tpu.vector_load_idx %arg9[%add3A_120, %and3A_223] : memref<128x64xf32, #tpu.memory_space<vmem>>[vector<16xi32>, vector<16xi32>], vector<16xf32>,
        %mul3A_238 = arith.mulf %gather3A_236, %gather3A_237 : vector<16xf32>
        %add3A_239 = arith.addf %add3A_199, %mul3A_238 : vector<16xf32>
        %add3A_240 = arith.constant 12 : i32
        %add3A_241 = vector.broadcast %add3A_240 : i32 to vector<16xi32>
        %add3A_242 = arith.addi %iota3A, %add3A_241 : vector<16xi32>
        %and3A_243 = arith.constant 63 : i32
        %and3A_244 = vector.broadcast %and3A_243 : i32 to vector<16xi32>
        %and3A_245 = arith.andi %add3A_242, %and3A_244 : vector<16xi32>
        %add3A_246 = arith.constant 13 : i32
        %add3A_247 = vector.broadcast %add3A_246 : i32 to vector<16xi32>
        %add3A_248 = arith.addi %iota3A, %add3A_247 : vector<16xi32>
        %and3A_249 = arith.constant 63 : i32
        %and3A_250 = vector.broadcast %and3A_249 : i32 to vector<16xi32>
        %and3A_251 = arith.andi %add3A_248, %and3A_250 : vector<16xi32>
        %add3A_252 = arith.constant 14 : i32
        %add3A_253 = vector.broadcast %add3A_252 : i32 to vector<16xi32>
        %add3A_254 = arith.addi %iota3A, %add3A_253 : vector<16xi32>
        %and3A_255 = arith.constant 63 : i32
        %and3A_256 = vector.broadcast %and3A_255 : i32 to vector<16xi32>
        %and3A_257 = arith.andi %add3A_254, %and3A_256 : vector<16xi32>
        %add3A_258 = arith.constant 15 : i32
        %add3A_259 = vector.broadcast %add3A_258 : i32 to vector<16xi32>
        %add3A_260 = arith.addi %iota3A, %add3A_259 : vector<16xi32>
        %and3A_261 = arith.constant 63 : i32
        %and3A_262 = vector.broadcast %and3A_261 : i32 to vector<16xi32>
        %and3A_263 = arith.andi %add3A_260, %and3A_262 : vector<16xi32>
        %gather3A_264 = tpu.vector_load_idx %arg8[%add3A_120, %and3A_245] : memref<128x64xf32, #tpu.memory_space<vmem>>[vector<16xi32>, vector<16xi32>], vector<16xf32>,
        %gather3A_265 = tpu.vector_load_idx %arg9[%add3A_120, %and3A_245] : memref<128x64xf32, #tpu.memory_space<vmem>>[vector<16xi32>, vector<16xi32>], vector<16xf32>,
        %mul3A_266 = arith.mulf %gather3A_264, %gather3A_265 : vector<16xf32>
        %add3A_267 = arith.addf %add3A_227, %mul3A_266 : vector<16xf32>
        %gather3A_268 = tpu.vector_load_idx %arg8[%add3A_120, %and3A_251] : memref<128x64xf32, #tpu.memory_space<vmem>>[vector<16xi32>, vector<16xi32>], vector<16xf32>,
        %gather3A_269 = tpu.vector_load_idx %arg9[%add3A_120, %and3A_251] : memref<128x64xf32, #tpu.memory_space<vmem>>[vector<16xi32>, vector<16xi32>], vector<16xf32>,
        %mul3A_270 = arith.mulf %gather3A_268, %gather3A_269 : vector<16xf32>
        %add3A_271 = arith.addf %add3A_231, %mul3A_270 : vector<16xf32>
        %gather3A_272 = tpu.vector_load_idx %arg8[%add3A_120, %and3A_257] : memref<128x64xf32, #tpu.memory_space<vmem>>[vector<16xi32>, vector<16xi32>], vector<16xf32>,
        %gather3A_273 = tpu.vector_load_idx %arg9[%add3A_120, %and3A_257] : memref<128x64xf32, #tpu.memory_space<vmem>>[vector<16xi32>, vector<16xi32>], vector<16xf32>,
        %mul3A_274 = arith.mulf %gather3A_272, %gather3A_273 : vector<16xf32>
        %add3A_275 = arith.addf %add3A_235, %mul3A_274 : vector<16xf32>
        %gather3A_276 = tpu.vector_load_idx %arg8[%add3A_120, %and3A_263] : memref<128x64xf32, #tpu.memory_space<vmem>>[vector<16xi32>, vector<16xi32>], vector<16xf32>,
        %gather3A_277 = tpu.vector_load_idx %arg9[%add3A_120, %and3A_263] : memref<128x64xf32, #tpu.memory_space<vmem>>[vector<16xi32>, vector<16xi32>], vector<16xf32>,
        %mul3A_278 = arith.mulf %gather3A_276, %gather3A_277 : vector<16xf32>
        %add3A_279 = arith.addf %add3A_239, %mul3A_278 : vector<16xf32>
        %add3A_280 = arith.constant 16 : i32
        %add3A_281 = vector.broadcast %add3A_280 : i32 to vector<16xi32>
        %add3A_282 = arith.addi %iota3A, %add3A_281 : vector<16xi32>
        %and3A_283 = arith.constant 63 : i32
        %and3A_284 = vector.broadcast %and3A_283 : i32 to vector<16xi32>
        %and3A_285 = arith.andi %add3A_282, %and3A_284 : vector<16xi32>
        %add3A_286 = arith.constant 17 : i32
        %add3A_287 = vector.broadcast %add3A_286 : i32 to vector<16xi32>
        %add3A_288 = arith.addi %iota3A, %add3A_287 : vector<16xi32>
        %and3A_289 = arith.constant 63 : i32
        %and3A_290 = vector.broadcast %and3A_289 : i32 to vector<16xi32>
        %and3A_291 = arith.andi %add3A_288, %and3A_290 : vector<16xi32>
        %add3A_292 = arith.constant 18 : i32
        %add3A_293 = vector.broadcast %add3A_292 : i32 to vector<16xi32>
        %add3A_294 = arith.addi %iota3A, %add3A_293 : vector<16xi32>
        %and3A_295 = arith.constant 63 : i32
        %and3A_296 = vector.broadcast %and3A_295 : i32 to vector<16xi32>
        %and3A_297 = arith.andi %add3A_294, %and3A_296 : vector<16xi32>
        %add3A_298 = arith.constant 19 : i32
        %add3A_299 = vector.broadcast %add3A_298 : i32 to vector<16xi32>
        %add3A_300 = arith.addi %iota3A, %add3A_299 : vector<16xi32>
        %and3A_301 = arith.constant 63 : i32
        %and3A_302 = vector.broadcast %and3A_301 : i32 to vector<16xi32>
        %and3A_303 = arith.andi %add3A_300, %and3A_302 : vector<16xi32>
        %gather3A_304 = tpu.vector_load_idx %arg8[%add3A_120, %and3A_285] : memref<128x64xf32, #tpu.memory_space<vmem>>[vector<16xi32>, vector<16xi32>], vector<16xf32>,
        %gather3A_305 = tpu.vector_load_idx %arg9[%add3A_120, %and3A_285] : memref<128x64xf32, #tpu.memory_space<vmem>>[vector<16xi32>, vector<16xi32>], vector<16xf32>,
        %mul3A_306 = arith.mulf %gather3A_304, %gather3A_305 : vector<16xf32>
        %add3A_307 = arith.addf %add3A_267, %mul3A_306 : vector<16xf32>
        %gather3A_308 = tpu.vector_load_idx %arg8[%add3A_120, %and3A_291] : memref<128x64xf32, #tpu.memory_space<vmem>>[vector<16xi32>, vector<16xi32>], vector<16xf32>,
        %gather3A_309 = tpu.vector_load_idx %arg9[%add3A_120, %and3A_291] : memref<128x64xf32, #tpu.memory_space<vmem>>[vector<16xi32>, vector<16xi32>], vector<16xf32>,
        %mul3A_310 = arith.mulf %gather3A_308, %gather3A_309 : vector<16xf32>
        %add3A_311 = arith.addf %add3A_271, %mul3A_310 : vector<16xf32>
        %gather3A_312 = tpu.vector_load_idx %arg8[%add3A_120, %and3A_297] : memref<128x64xf32, #tpu.memory_space<vmem>>[vector<16xi32>, vector<16xi32>], vector<16xf32>,
        %gather3A_313 = tpu.vector_load_idx %arg9[%add3A_120, %and3A_297] : memref<128x64xf32, #tpu.memory_space<vmem>>[vector<16xi32>, vector<16xi32>], vector<16xf32>,
        %mul3A_314 = arith.mulf %gather3A_312, %gather3A_313 : vector<16xf32>
        %add3A_315 = arith.addf %add3A_275, %mul3A_314 : vector<16xf32>
        %gather3A_316 = tpu.vector_load_idx %arg8[%add3A_120, %and3A_303] : memref<128x64xf32, #tpu.memory_space<vmem>>[vector<16xi32>, vector<16xi32>], vector<16xf32>,
        %gather3A_317 = tpu.vector_load_idx %arg9[%add3A_120, %and3A_303] : memref<128x64xf32, #tpu.memory_space<vmem>>[vector<16xi32>, vector<16xi32>], vector<16xf32>,
        %mul3A_318 = arith.mulf %gather3A_316, %gather3A_317 : vector<16xf32>
        %add3A_319 = arith.addf %add3A_279, %mul3A_318 : vector<16xf32>
        %add3A_320 = arith.constant 20 : i32
        %add3A_321 = vector.broadcast %add3A_320 : i32 to vector<16xi32>
        %add3A_322 = arith.addi %iota3A, %add3A_321 : vector<16xi32>
        %and3A_323 = arith.constant 63 : i32
        %and3A_324 = vector.broadcast %and3A_323 : i32 to vector<16xi32>
        %and3A_325 = arith.andi %add3A_322, %and3A_324 : vector<16xi32>
        %add3A_326 = arith.constant 21 : i32
        %add3A_327 = vector.broadcast %add3A_326 : i32 to vector<16xi32>
        %add3A_328 = arith.addi %iota3A, %add3A_327 : vector<16xi32>
        %and3A_329 = arith.constant 63 : i32
        %and3A_330 = vector.broadcast %and3A_329 : i32 to vector<16xi32>
        %and3A_331 = arith.andi %add3A_328, %and3A_330 : vector<16xi32>
        %add3A_332 = arith.constant 22 : i32
        %add3A_333 = vector.broadcast %add3A_332 : i32 to vector<16xi32>
        %add3A_334 = arith.addi %iota3A, %add3A_333 : vector<16xi32>
        %and3A_335 = arith.constant 63 : i32
        %and3A_336 = vector.broadcast %and3A_335 : i32 to vector<16xi32>
        %and3A_337 = arith.andi %add3A_334, %and3A_336 : vector<16xi32>
        %add3A_338 = arith.constant 23 : i32
        %add3A_339 = vector.broadcast %add3A_338 : i32 to vector<16xi32>
        %add3A_340 = arith.addi %iota3A, %add3A_339 : vector<16xi32>
        %and3A_341 = arith.constant 63 : i32
        %and3A_342 = vector.broadcast %and3A_341 : i32 to vector<16xi32>
        %and3A_343 = arith.andi %add3A_340, %and3A_342 : vector<16xi32>
        %gather3A_344 = tpu.vector_load_idx %arg8[%add3A_120, %and3A_325] : memref<128x64xf32, #tpu.memory_space<vmem>>[vector<16xi32>, vector<16xi32>], vector<16xf32>,
        %gather3A_345 = tpu.vector_load_idx %arg9[%add3A_120, %and3A_325] : memref<128x64xf32, #tpu.memory_space<vmem>>[vector<16xi32>, vector<16xi32>], vector<16xf32>,
        %mul3A_346 = arith.mulf %gather3A_344, %gather3A_345 : vector<16xf32>
        %add3A_347 = arith.addf %add3A_307, %mul3A_346 : vector<16xf32>
        %gather3A_348 = tpu.vector_load_idx %arg8[%add3A_120, %and3A_331] : memref<128x64xf32, #tpu.memory_space<vmem>>[vector<16xi32>, vector<16xi32>], vector<16xf32>,
        %gather3A_349 = tpu.vector_load_idx %arg9[%add3A_120, %and3A_331] : memref<128x64xf32, #tpu.memory_space<vmem>>[vector<16xi32>, vector<16xi32>], vector<16xf32>,
        %mul3A_350 = arith.mulf %gather3A_348, %gather3A_349 : vector<16xf32>
        %add3A_351 = arith.addf %add3A_311, %mul3A_350 : vector<16xf32>
        %gather3A_352 = tpu.vector_load_idx %arg8[%add3A_120, %and3A_337] : memref<128x64xf32, #tpu.memory_space<vmem>>[vector<16xi32>, vector<16xi32>], vector<16xf32>,
        %gather3A_353 = tpu.vector_load_idx %arg9[%add3A_120, %and3A_337] : memref<128x64xf32, #tpu.memory_space<vmem>>[vector<16xi32>, vector<16xi32>], vector<16xf32>,
        %mul3A_354 = arith.mulf %gather3A_352, %gather3A_353 : vector<16xf32>
        %add3A_355 = arith.addf %add3A_315, %mul3A_354 : vector<16xf32>
        %gather3A_356 = tpu.vector_load_idx %arg8[%add3A_120, %and3A_343] : memref<128x64xf32, #tpu.memory_space<vmem>>[vector<16xi32>, vector<16xi32>], vector<16xf32>,
        %gather3A_357 = tpu.vector_load_idx %arg9[%add3A_120, %and3A_343] : memref<128x64xf32, #tpu.memory_space<vmem>>[vector<16xi32>, vector<16xi32>], vector<16xf32>,
        %mul3A_358 = arith.mulf %gather3A_356, %gather3A_357 : vector<16xf32>
        %add3A_359 = arith.addf %add3A_319, %mul3A_358 : vector<16xf32>
        %add3A_360 = arith.constant 24 : i32
        %add3A_361 = vector.broadcast %add3A_360 : i32 to vector<16xi32>
        %add3A_362 = arith.addi %iota3A, %add3A_361 : vector<16xi32>
        %and3A_363 = arith.constant 63 : i32
        %and3A_364 = vector.broadcast %and3A_363 : i32 to vector<16xi32>
        %and3A_365 = arith.andi %add3A_362, %and3A_364 : vector<16xi32>
        %add3A_366 = arith.constant 25 : i32
        %add3A_367 = vector.broadcast %add3A_366 : i32 to vector<16xi32>
        %add3A_368 = arith.addi %iota3A, %add3A_367 : vector<16xi32>
        %and3A_369 = arith.constant 63 : i32
        %and3A_370 = vector.broadcast %and3A_369 : i32 to vector<16xi32>
        %and3A_371 = arith.andi %add3A_368, %and3A_370 : vector<16xi32>
        %add3A_372 = arith.constant 26 : i32
        %add3A_373 = vector.broadcast %add3A_372 : i32 to vector<16xi32>
        %add3A_374 = arith.addi %iota3A, %add3A_373 : vector<16xi32>
        %and3A_375 = arith.constant 63 : i32
        %and3A_376 = vector.broadcast %and3A_375 : i32 to vector<16xi32>
        %and3A_377 = arith.andi %add3A_374, %and3A_376 : vector<16xi32>
        %add3A_378 = arith.constant 27 : i32
        %add3A_379 = vector.broadcast %add3A_378 : i32 to vector<16xi32>
        %add3A_380 = arith.addi %iota3A, %add3A_379 : vector<16xi32>
        %and3A_381 = arith.constant 63 : i32
        %and3A_382 = vector.broadcast %and3A_381 : i32 to vector<16xi32>
        %and3A_383 = arith.andi %add3A_380, %and3A_382 : vector<16xi32>
        %gather3A_384 = tpu.vector_load_idx %arg8[%add3A_120, %and3A_365] : memref<128x64xf32, #tpu.memory_space<vmem>>[vector<16xi32>, vector<16xi32>], vector<16xf32>,
        %gather3A_385 = tpu.vector_load_idx %arg9[%add3A_120, %and3A_365] : memref<128x64xf32, #tpu.memory_space<vmem>>[vector<16xi32>, vector<16xi32>], vector<16xf32>,
        %mul3A_386 = arith.mulf %gather3A_384, %gather3A_385 : vector<16xf32>
        %add3A_387 = arith.addf %add3A_347, %mul3A_386 : vector<16xf32>
        %gather3A_388 = tpu.vector_load_idx %arg8[%add3A_120, %and3A_371] : memref<128x64xf32, #tpu.memory_space<vmem>>[vector<16xi32>, vector<16xi32>], vector<16xf32>,
        %gather3A_389 = tpu.vector_load_idx %arg9[%add3A_120, %and3A_371] : memref<128x64xf32, #tpu.memory_space<vmem>>[vector<16xi32>, vector<16xi32>], vector<16xf32>,
        %mul3A_390 = arith.mulf %gather3A_388, %gather3A_389 : vector<16xf32>
        %add3A_391 = arith.addf %add3A_351, %mul3A_390 : vector<16xf32>
        %gather3A_392 = tpu.vector_load_idx %arg8[%add3A_120, %and3A_377] : memref<128x64xf32, #tpu.memory_space<vmem>>[vector<16xi32>, vector<16xi32>], vector<16xf32>,
        %gather3A_393 = tpu.vector_load_idx %arg9[%add3A_120, %and3A_377] : memref<128x64xf32, #tpu.memory_space<vmem>>[vector<16xi32>, vector<16xi32>], vector<16xf32>,
        %mul3A_394 = arith.mulf %gather3A_392, %gather3A_393 : vector<16xf32>
        %add3A_395 = arith.addf %add3A_355, %mul3A_394 : vector<16xf32>
        %gather3A_396 = tpu.vector_load_idx %arg8[%add3A_120, %and3A_383] : memref<128x64xf32, #tpu.memory_space<vmem>>[vector<16xi32>, vector<16xi32>], vector<16xf32>,
        %gather3A_397 = tpu.vector_load_idx %arg9[%add3A_120, %and3A_383] : memref<128x64xf32, #tpu.memory_space<vmem>>[vector<16xi32>, vector<16xi32>], vector<16xf32>,
        %mul3A_398 = arith.mulf %gather3A_396, %gather3A_397 : vector<16xf32>
        %add3A_399 = arith.addf %add3A_359, %mul3A_398 : vector<16xf32>
        %add3A_400 = arith.constant 28 : i32
        %add3A_401 = vector.broadcast %add3A_400 : i32 to vector<16xi32>
        %add3A_402 = arith.addi %iota3A, %add3A_401 : vector<16xi32>
        %and3A_403 = arith.constant 63 : i32
        %and3A_404 = vector.broadcast %and3A_403 : i32 to vector<16xi32>
        %and3A_405 = arith.andi %add3A_402, %and3A_404 : vector<16xi32>
        %add3A_406 = arith.constant 29 : i32
        %add3A_407 = vector.broadcast %add3A_406 : i32 to vector<16xi32>
        %add3A_408 = arith.addi %iota3A, %add3A_407 : vector<16xi32>
        %and3A_409 = arith.constant 63 : i32
        %and3A_410 = vector.broadcast %and3A_409 : i32 to vector<16xi32>
        %and3A_411 = arith.andi %add3A_408, %and3A_410 : vector<16xi32>
        %add3A_412 = arith.constant 30 : i32
        %add3A_413 = vector.broadcast %add3A_412 : i32 to vector<16xi32>
        %add3A_414 = arith.addi %iota3A, %add3A_413 : vector<16xi32>
        %and3A_415 = arith.constant 63 : i32
        %and3A_416 = vector.broadcast %and3A_415 : i32 to vector<16xi32>
        %and3A_417 = arith.andi %add3A_414, %and3A_416 : vector<16xi32>
        %add3A_418 = arith.constant 31 : i32
        %add3A_419 = vector.broadcast %add3A_418 : i32 to vector<16xi32>
        %add3A_420 = arith.addi %iota3A, %add3A_419 : vector<16xi32>
        %and3A_421 = arith.constant 63 : i32
        %and3A_422 = vector.broadcast %and3A_421 : i32 to vector<16xi32>
        %and3A_423 = arith.andi %add3A_420, %and3A_422 : vector<16xi32>
        %gather3A_424 = tpu.vector_load_idx %arg8[%add3A_120, %and3A_405] : memref<128x64xf32, #tpu.memory_space<vmem>>[vector<16xi32>, vector<16xi32>], vector<16xf32>,
        %gather3A_425 = tpu.vector_load_idx %arg9[%add3A_120, %and3A_405] : memref<128x64xf32, #tpu.memory_space<vmem>>[vector<16xi32>, vector<16xi32>], vector<16xf32>,
        %mul3A_426 = arith.mulf %gather3A_424, %gather3A_425 : vector<16xf32>
        %add3A_427 = arith.addf %add3A_387, %mul3A_426 : vector<16xf32>
        %gather3A_428 = tpu.vector_load_idx %arg8[%add3A_120, %and3A_411] : memref<128x64xf32, #tpu.memory_space<vmem>>[vector<16xi32>, vector<16xi32>], vector<16xf32>,
        %gather3A_429 = tpu.vector_load_idx %arg9[%add3A_120, %and3A_411] : memref<128x64xf32, #tpu.memory_space<vmem>>[vector<16xi32>, vector<16xi32>], vector<16xf32>,
        %mul3A_430 = arith.mulf %gather3A_428, %gather3A_429 : vector<16xf32>
        %add3A_431 = arith.addf %add3A_391, %mul3A_430 : vector<16xf32>
        %gather3A_432 = tpu.vector_load_idx %arg8[%add3A_120, %and3A_417] : memref<128x64xf32, #tpu.memory_space<vmem>>[vector<16xi32>, vector<16xi32>], vector<16xf32>,
        %gather3A_433 = tpu.vector_load_idx %arg9[%add3A_120, %and3A_417] : memref<128x64xf32, #tpu.memory_space<vmem>>[vector<16xi32>, vector<16xi32>], vector<16xf32>,
        %mul3A_434 = arith.mulf %gather3A_432, %gather3A_433 : vector<16xf32>
        %add3A_435 = arith.addf %add3A_395, %mul3A_434 : vector<16xf32>
        %gather3A_436 = tpu.vector_load_idx %arg8[%add3A_120, %and3A_423] : memref<128x64xf32, #tpu.memory_space<vmem>>[vector<16xi32>, vector<16xi32>], vector<16xf32>,
        %gather3A_437 = tpu.vector_load_idx %arg9[%add3A_120, %and3A_423] : memref<128x64xf32, #tpu.memory_space<vmem>>[vector<16xi32>, vector<16xi32>], vector<16xf32>,
        %mul3A_438 = arith.mulf %gather3A_436, %gather3A_437 : vector<16xf32>
        %add3A_439 = arith.addf %add3A_399, %mul3A_438 : vector<16xf32>
        %add3A_440 = arith.constant 32 : i32
        %add3A_441 = vector.broadcast %add3A_440 : i32 to vector<16xi32>
        %add3A_442 = arith.addi %iota3A, %add3A_441 : vector<16xi32>
        %and3A_443 = arith.constant 63 : i32
        %and3A_444 = vector.broadcast %and3A_443 : i32 to vector<16xi32>
        %and3A_445 = arith.andi %add3A_442, %and3A_444 : vector<16xi32>
        %add3A_446 = arith.constant 33 : i32
        %add3A_447 = vector.broadcast %add3A_446 : i32 to vector<16xi32>
        %add3A_448 = arith.addi %iota3A, %add3A_447 : vector<16xi32>
        %and3A_449 = arith.constant 63 : i32
        %and3A_450 = vector.broadcast %and3A_449 : i32 to vector<16xi32>
        %and3A_451 = arith.andi %add3A_448, %and3A_450 : vector<16xi32>
        %add3A_452 = arith.constant 34 : i32
        %add3A_453 = vector.broadcast %add3A_452 : i32 to vector<16xi32>
        %add3A_454 = arith.addi %iota3A, %add3A_453 : vector<16xi32>
        %and3A_455 = arith.constant 63 : i32
        %and3A_456 = vector.broadcast %and3A_455 : i32 to vector<16xi32>
        %and3A_457 = arith.andi %add3A_454, %and3A_456 : vector<16xi32>
        %add3A_458 = arith.constant 35 : i32
        %add3A_459 = vector.broadcast %add3A_458 : i32 to vector<16xi32>
        %add3A_460 = arith.addi %iota3A, %add3A_459 : vector<16xi32>
        %and3A_461 = arith.constant 63 : i32
        %and3A_462 = vector.broadcast %and3A_461 : i32 to vector<16xi32>
        %and3A_463 = arith.andi %add3A_460, %and3A_462 : vector<16xi32>
        %gather3A_464 = tpu.vector_load_idx %arg8[%add3A_120, %and3A_445] : memref<128x64xf32, #tpu.memory_space<vmem>>[vector<16xi32>, vector<16xi32>], vector<16xf32>,
        %gather3A_465 = tpu.vector_load_idx %arg9[%add3A_120, %and3A_445] : memref<128x64xf32, #tpu.memory_space<vmem>>[vector<16xi32>, vector<16xi32>], vector<16xf32>,
        %mul3A_466 = arith.mulf %gather3A_464, %gather3A_465 : vector<16xf32>
        %add3A_467 = arith.addf %add3A_427, %mul3A_466 : vector<16xf32>
        %gather3A_468 = tpu.vector_load_idx %arg8[%add3A_120, %and3A_451] : memref<128x64xf32, #tpu.memory_space<vmem>>[vector<16xi32>, vector<16xi32>], vector<16xf32>,
        %gather3A_469 = tpu.vector_load_idx %arg9[%add3A_120, %and3A_451] : memref<128x64xf32, #tpu.memory_space<vmem>>[vector<16xi32>, vector<16xi32>], vector<16xf32>,
        %mul3A_470 = arith.mulf %gather3A_468, %gather3A_469 : vector<16xf32>
        %add3A_471 = arith.addf %add3A_431, %mul3A_470 : vector<16xf32>
        %gather3A_472 = tpu.vector_load_idx %arg8[%add3A_120, %and3A_457] : memref<128x64xf32, #tpu.memory_space<vmem>>[vector<16xi32>, vector<16xi32>], vector<16xf32>,
        %gather3A_473 = tpu.vector_load_idx %arg9[%add3A_120, %and3A_457] : memref<128x64xf32, #tpu.memory_space<vmem>>[vector<16xi32>, vector<16xi32>], vector<16xf32>,
        %mul3A_474 = arith.mulf %gather3A_472, %gather3A_473 : vector<16xf32>
        %add3A_475 = arith.addf %add3A_435, %mul3A_474 : vector<16xf32>
        %gather3A_476 = tpu.vector_load_idx %arg8[%add3A_120, %and3A_463] : memref<128x64xf32, #tpu.memory_space<vmem>>[vector<16xi32>, vector<16xi32>], vector<16xf32>,
        %gather3A_477 = tpu.vector_load_idx %arg9[%add3A_120, %and3A_463] : memref<128x64xf32, #tpu.memory_space<vmem>>[vector<16xi32>, vector<16xi32>], vector<16xf32>,
        %mul3A_478 = arith.mulf %gather3A_476, %gather3A_477 : vector<16xf32>
        %add3A_479 = arith.addf %add3A_439, %mul3A_478 : vector<16xf32>
        %add3A_480 = arith.constant 36 : i32
        %add3A_481 = vector.broadcast %add3A_480 : i32 to vector<16xi32>
        %add3A_482 = arith.addi %iota3A, %add3A_481 : vector<16xi32>
        %and3A_483 = arith.constant 63 : i32
        %and3A_484 = vector.broadcast %and3A_483 : i32 to vector<16xi32>
        %and3A_485 = arith.andi %add3A_482, %and3A_484 : vector<16xi32>
        %add3A_486 = arith.constant 37 : i32
        %add3A_487 = vector.broadcast %add3A_486 : i32 to vector<16xi32>
        %add3A_488 = arith.addi %iota3A, %add3A_487 : vector<16xi32>
        %and3A_489 = arith.constant 63 : i32
        %and3A_490 = vector.broadcast %and3A_489 : i32 to vector<16xi32>
        %and3A_491 = arith.andi %add3A_488, %and3A_490 : vector<16xi32>
        %add3A_492 = arith.constant 38 : i32
        %add3A_493 = vector.broadcast %add3A_492 : i32 to vector<16xi32>
        %add3A_494 = arith.addi %iota3A, %add3A_493 : vector<16xi32>
        %and3A_495 = arith.constant 63 : i32
        %and3A_496 = vector.broadcast %and3A_495 : i32 to vector<16xi32>
        %and3A_497 = arith.andi %add3A_494, %and3A_496 : vector<16xi32>
        %add3A_498 = arith.constant 39 : i32
        %add3A_499 = vector.broadcast %add3A_498 : i32 to vector<16xi32>
        %add3A_500 = arith.addi %iota3A, %add3A_499 : vector<16xi32>
        %and3A_501 = arith.constant 63 : i32
        %and3A_502 = vector.broadcast %and3A_501 : i32 to vector<16xi32>
        %and3A_503 = arith.andi %add3A_500, %and3A_502 : vector<16xi32>
        %gather3A_504 = tpu.vector_load_idx %arg8[%add3A_120, %and3A_485] : memref<128x64xf32, #tpu.memory_space<vmem>>[vector<16xi32>, vector<16xi32>], vector<16xf32>,
        %gather3A_505 = tpu.vector_load_idx %arg9[%add3A_120, %and3A_485] : memref<128x64xf32, #tpu.memory_space<vmem>>[vector<16xi32>, vector<16xi32>], vector<16xf32>,
        %mul3A_506 = arith.mulf %gather3A_504, %gather3A_505 : vector<16xf32>
        %add3A_507 = arith.addf %add3A_467, %mul3A_506 : vector<16xf32>
        %gather3A_508 = tpu.vector_load_idx %arg8[%add3A_120, %and3A_491] : memref<128x64xf32, #tpu.memory_space<vmem>>[vector<16xi32>, vector<16xi32>], vector<16xf32>,
        %gather3A_509 = tpu.vector_load_idx %arg9[%add3A_120, %and3A_491] : memref<128x64xf32, #tpu.memory_space<vmem>>[vector<16xi32>, vector<16xi32>], vector<16xf32>,
        %mul3A_510 = arith.mulf %gather3A_508, %gather3A_509 : vector<16xf32>
        %add3A_511 = arith.addf %add3A_471, %mul3A_510 : vector<16xf32>
        %gather3A_512 = tpu.vector_load_idx %arg8[%add3A_120, %and3A_497] : memref<128x64xf32, #tpu.memory_space<vmem>>[vector<16xi32>, vector<16xi32>], vector<16xf32>,
        %gather3A_513 = tpu.vector_load_idx %arg9[%add3A_120, %and3A_497] : memref<128x64xf32, #tpu.memory_space<vmem>>[vector<16xi32>, vector<16xi32>], vector<16xf32>,
        %mul3A_514 = arith.mulf %gather3A_512, %gather3A_513 : vector<16xf32>
        %add3A_515 = arith.addf %add3A_475, %mul3A_514 : vector<16xf32>
        %gather3A_516 = tpu.vector_load_idx %arg8[%add3A_120, %and3A_503] : memref<128x64xf32, #tpu.memory_space<vmem>>[vector<16xi32>, vector<16xi32>], vector<16xf32>,
        %gather3A_517 = tpu.vector_load_idx %arg9[%add3A_120, %and3A_503] : memref<128x64xf32, #tpu.memory_space<vmem>>[vector<16xi32>, vector<16xi32>], vector<16xf32>,
        %mul3A_518 = arith.mulf %gather3A_516, %gather3A_517 : vector<16xf32>
        %add3A_519 = arith.addf %add3A_479, %mul3A_518 : vector<16xf32>
        %add3A_520 = arith.constant 40 : i32
        %add3A_521 = vector.broadcast %add3A_520 : i32 to vector<16xi32>
        %add3A_522 = arith.addi %iota3A, %add3A_521 : vector<16xi32>
        %and3A_523 = arith.constant 63 : i32
        %and3A_524 = vector.broadcast %and3A_523 : i32 to vector<16xi32>
        %and3A_525 = arith.andi %add3A_522, %and3A_524 : vector<16xi32>
        %add3A_526 = arith.constant 41 : i32
        %add3A_527 = vector.broadcast %add3A_526 : i32 to vector<16xi32>
        %add3A_528 = arith.addi %iota3A, %add3A_527 : vector<16xi32>
        %and3A_529 = arith.constant 63 : i32
        %and3A_530 = vector.broadcast %and3A_529 : i32 to vector<16xi32>
        %and3A_531 = arith.andi %add3A_528, %and3A_530 : vector<16xi32>
        %add3A_532 = arith.constant 42 : i32
        %add3A_533 = vector.broadcast %add3A_532 : i32 to vector<16xi32>
        %add3A_534 = arith.addi %iota3A, %add3A_533 : vector<16xi32>
        %and3A_535 = arith.constant 63 : i32
        %and3A_536 = vector.broadcast %and3A_535 : i32 to vector<16xi32>
        %and3A_537 = arith.andi %add3A_534, %and3A_536 : vector<16xi32>
        %add3A_538 = arith.constant 43 : i32
        %add3A_539 = vector.broadcast %add3A_538 : i32 to vector<16xi32>
        %add3A_540 = arith.addi %iota3A, %add3A_539 : vector<16xi32>
        %and3A_541 = arith.constant 63 : i32
        %and3A_542 = vector.broadcast %and3A_541 : i32 to vector<16xi32>
        %and3A_543 = arith.andi %add3A_540, %and3A_542 : vector<16xi32>
        %gather3A_544 = tpu.vector_load_idx %arg8[%add3A_120, %and3A_525] : memref<128x64xf32, #tpu.memory_space<vmem>>[vector<16xi32>, vector<16xi32>], vector<16xf32>,
        %gather3A_545 = tpu.vector_load_idx %arg9[%add3A_120, %and3A_525] : memref<128x64xf32, #tpu.memory_space<vmem>>[vector<16xi32>, vector<16xi32>], vector<16xf32>,
        %mul3A_546 = arith.mulf %gather3A_544, %gather3A_545 : vector<16xf32>
        %add3A_547 = arith.addf %add3A_507, %mul3A_546 : vector<16xf32>
        %gather3A_548 = tpu.vector_load_idx %arg8[%add3A_120, %and3A_531] : memref<128x64xf32, #tpu.memory_space<vmem>>[vector<16xi32>, vector<16xi32>], vector<16xf32>,
        %gather3A_549 = tpu.vector_load_idx %arg9[%add3A_120, %and3A_531] : memref<128x64xf32, #tpu.memory_space<vmem>>[vector<16xi32>, vector<16xi32>], vector<16xf32>,
        %mul3A_550 = arith.mulf %gather3A_548, %gather3A_549 : vector<16xf32>
        %add3A_551 = arith.addf %add3A_511, %mul3A_550 : vector<16xf32>
        %gather3A_552 = tpu.vector_load_idx %arg8[%add3A_120, %and3A_537] : memref<128x64xf32, #tpu.memory_space<vmem>>[vector<16xi32>, vector<16xi32>], vector<16xf32>,
        %gather3A_553 = tpu.vector_load_idx %arg9[%add3A_120, %and3A_537] : memref<128x64xf32, #tpu.memory_space<vmem>>[vector<16xi32>, vector<16xi32>], vector<16xf32>,
        %mul3A_554 = arith.mulf %gather3A_552, %gather3A_553 : vector<16xf32>
        %add3A_555 = arith.addf %add3A_515, %mul3A_554 : vector<16xf32>
        %gather3A_556 = tpu.vector_load_idx %arg8[%add3A_120, %and3A_543] : memref<128x64xf32, #tpu.memory_space<vmem>>[vector<16xi32>, vector<16xi32>], vector<16xf32>,
        %gather3A_557 = tpu.vector_load_idx %arg9[%add3A_120, %and3A_543] : memref<128x64xf32, #tpu.memory_space<vmem>>[vector<16xi32>, vector<16xi32>], vector<16xf32>,
        %mul3A_558 = arith.mulf %gather3A_556, %gather3A_557 : vector<16xf32>
        %add3A_559 = arith.addf %add3A_519, %mul3A_558 : vector<16xf32>
        %add3A_560 = arith.constant 44 : i32
        %add3A_561 = vector.broadcast %add3A_560 : i32 to vector<16xi32>
        %add3A_562 = arith.addi %iota3A, %add3A_561 : vector<16xi32>
        %and3A_563 = arith.constant 63 : i32
        %and3A_564 = vector.broadcast %and3A_563 : i32 to vector<16xi32>
        %and3A_565 = arith.andi %add3A_562, %and3A_564 : vector<16xi32>
        %add3A_566 = arith.constant 45 : i32
        %add3A_567 = vector.broadcast %add3A_566 : i32 to vector<16xi32>
        %add3A_568 = arith.addi %iota3A, %add3A_567 : vector<16xi32>
        %and3A_569 = arith.constant 63 : i32
        %and3A_570 = vector.broadcast %and3A_569 : i32 to vector<16xi32>
        %and3A_571 = arith.andi %add3A_568, %and3A_570 : vector<16xi32>
        %add3A_572 = arith.constant 46 : i32
        %add3A_573 = vector.broadcast %add3A_572 : i32 to vector<16xi32>
        %add3A_574 = arith.addi %iota3A, %add3A_573 : vector<16xi32>
        %and3A_575 = arith.constant 63 : i32
        %and3A_576 = vector.broadcast %and3A_575 : i32 to vector<16xi32>
        %and3A_577 = arith.andi %add3A_574, %and3A_576 : vector<16xi32>
        %add3A_578 = arith.constant 47 : i32
        %add3A_579 = vector.broadcast %add3A_578 : i32 to vector<16xi32>
        %add3A_580 = arith.addi %iota3A, %add3A_579 : vector<16xi32>
        %and3A_581 = arith.constant 63 : i32
        %and3A_582 = vector.broadcast %and3A_581 : i32 to vector<16xi32>
        %and3A_583 = arith.andi %add3A_580, %and3A_582 : vector<16xi32>
        %gather3A_584 = tpu.vector_load_idx %arg8[%add3A_120, %and3A_565] : memref<128x64xf32, #tpu.memory_space<vmem>>[vector<16xi32>, vector<16xi32>], vector<16xf32>,
        %gather3A_585 = tpu.vector_load_idx %arg9[%add3A_120, %and3A_565] : memref<128x64xf32, #tpu.memory_space<vmem>>[vector<16xi32>, vector<16xi32>], vector<16xf32>,
        %mul3A_586 = arith.mulf %gather3A_584, %gather3A_585 : vector<16xf32>
        %add3A_587 = arith.addf %add3A_547, %mul3A_586 : vector<16xf32>
        %gather3A_588 = tpu.vector_load_idx %arg8[%add3A_120, %and3A_571] : memref<128x64xf32, #tpu.memory_space<vmem>>[vector<16xi32>, vector<16xi32>], vector<16xf32>,
        %gather3A_589 = tpu.vector_load_idx %arg9[%add3A_120, %and3A_571] : memref<128x64xf32, #tpu.memory_space<vmem>>[vector<16xi32>, vector<16xi32>], vector<16xf32>,
        %mul3A_590 = arith.mulf %gather3A_588, %gather3A_589 : vector<16xf32>
        %add3A_591 = arith.addf %add3A_551, %mul3A_590 : vector<16xf32>
        %gather3A_592 = tpu.vector_load_idx %arg8[%add3A_120, %and3A_577] : memref<128x64xf32, #tpu.memory_space<vmem>>[vector<16xi32>, vector<16xi32>], vector<16xf32>,
        %gather3A_593 = tpu.vector_load_idx %arg9[%add3A_120, %and3A_577] : memref<128x64xf32, #tpu.memory_space<vmem>>[vector<16xi32>, vector<16xi32>], vector<16xf32>,
        %mul3A_594 = arith.mulf %gather3A_592, %gather3A_593 : vector<16xf32>
        %add3A_595 = arith.addf %add3A_555, %mul3A_594 : vector<16xf32>
        %gather3A_596 = tpu.vector_load_idx %arg8[%add3A_120, %and3A_583] : memref<128x64xf32, #tpu.memory_space<vmem>>[vector<16xi32>, vector<16xi32>], vector<16xf32>,
        %gather3A_597 = tpu.vector_load_idx %arg9[%add3A_120, %and3A_583] : memref<128x64xf32, #tpu.memory_space<vmem>>[vector<16xi32>, vector<16xi32>], vector<16xf32>,
        %mul3A_598 = arith.mulf %gather3A_596, %gather3A_597 : vector<16xf32>
        %add3A_599 = arith.addf %add3A_559, %mul3A_598 : vector<16xf32>
        %add3A_600 = arith.constant 48 : i32
        %add3A_601 = vector.broadcast %add3A_600 : i32 to vector<16xi32>
        %add3A_602 = arith.addi %iota3A, %add3A_601 : vector<16xi32>
        %and3A_603 = arith.constant 63 : i32
        %and3A_604 = vector.broadcast %and3A_603 : i32 to vector<16xi32>
        %and3A_605 = arith.andi %add3A_602, %and3A_604 : vector<16xi32>
        %add3A_606 = arith.constant 49 : i32
        %add3A_607 = vector.broadcast %add3A_606 : i32 to vector<16xi32>
        %add3A_608 = arith.addi %iota3A, %add3A_607 : vector<16xi32>
        %and3A_609 = arith.constant 63 : i32
        %and3A_610 = vector.broadcast %and3A_609 : i32 to vector<16xi32>
        %and3A_611 = arith.andi %add3A_608, %and3A_610 : vector<16xi32>
        %add3A_612 = arith.constant 50 : i32
        %add3A_613 = vector.broadcast %add3A_612 : i32 to vector<16xi32>
        %add3A_614 = arith.addi %iota3A, %add3A_613 : vector<16xi32>
        %and3A_615 = arith.constant 63 : i32
        %and3A_616 = vector.broadcast %and3A_615 : i32 to vector<16xi32>
        %and3A_617 = arith.andi %add3A_614, %and3A_616 : vector<16xi32>
        %add3A_618 = arith.constant 51 : i32
        %add3A_619 = vector.broadcast %add3A_618 : i32 to vector<16xi32>
        %add3A_620 = arith.addi %iota3A, %add3A_619 : vector<16xi32>
        %and3A_621 = arith.constant 63 : i32
        %and3A_622 = vector.broadcast %and3A_621 : i32 to vector<16xi32>
        %and3A_623 = arith.andi %add3A_620, %and3A_622 : vector<16xi32>
        %gather3A_624 = tpu.vector_load_idx %arg8[%add3A_120, %and3A_605] : memref<128x64xf32, #tpu.memory_space<vmem>>[vector<16xi32>, vector<16xi32>], vector<16xf32>,
        %gather3A_625 = tpu.vector_load_idx %arg9[%add3A_120, %and3A_605] : memref<128x64xf32, #tpu.memory_space<vmem>>[vector<16xi32>, vector<16xi32>], vector<16xf32>,
        %mul3A_626 = arith.mulf %gather3A_624, %gather3A_625 : vector<16xf32>
        %add3A_627 = arith.addf %add3A_587, %mul3A_626 : vector<16xf32>
        %gather3A_628 = tpu.vector_load_idx %arg8[%add3A_120, %and3A_611] : memref<128x64xf32, #tpu.memory_space<vmem>>[vector<16xi32>, vector<16xi32>], vector<16xf32>,
        %gather3A_629 = tpu.vector_load_idx %arg9[%add3A_120, %and3A_611] : memref<128x64xf32, #tpu.memory_space<vmem>>[vector<16xi32>, vector<16xi32>], vector<16xf32>,
        %mul3A_630 = arith.mulf %gather3A_628, %gather3A_629 : vector<16xf32>
        %add3A_631 = arith.addf %add3A_591, %mul3A_630 : vector<16xf32>
        %gather3A_632 = tpu.vector_load_idx %arg8[%add3A_120, %and3A_617] : memref<128x64xf32, #tpu.memory_space<vmem>>[vector<16xi32>, vector<16xi32>], vector<16xf32>,
        %gather3A_633 = tpu.vector_load_idx %arg9[%add3A_120, %and3A_617] : memref<128x64xf32, #tpu.memory_space<vmem>>[vector<16xi32>, vector<16xi32>], vector<16xf32>,
        %mul3A_634 = arith.mulf %gather3A_632, %gather3A_633 : vector<16xf32>
        %add3A_635 = arith.addf %add3A_595, %mul3A_634 : vector<16xf32>
        %gather3A_636 = tpu.vector_load_idx %arg8[%add3A_120, %and3A_623] : memref<128x64xf32, #tpu.memory_space<vmem>>[vector<16xi32>, vector<16xi32>], vector<16xf32>,
        %gather3A_637 = tpu.vector_load_idx %arg9[%add3A_120, %and3A_623] : memref<128x64xf32, #tpu.memory_space<vmem>>[vector<16xi32>, vector<16xi32>], vector<16xf32>,
        %mul3A_638 = arith.mulf %gather3A_636, %gather3A_637 : vector<16xf32>
        %add3A_639 = arith.addf %add3A_599, %mul3A_638 : vector<16xf32>
        %add3A_640 = arith.constant 52 : i32
        %add3A_641 = vector.broadcast %add3A_640 : i32 to vector<16xi32>
        %add3A_642 = arith.addi %iota3A, %add3A_641 : vector<16xi32>
        %and3A_643 = arith.constant 63 : i32
        %and3A_644 = vector.broadcast %and3A_643 : i32 to vector<16xi32>
        %and3A_645 = arith.andi %add3A_642, %and3A_644 : vector<16xi32>
        %add3A_646 = arith.constant 53 : i32
        %add3A_647 = vector.broadcast %add3A_646 : i32 to vector<16xi32>
        %add3A_648 = arith.addi %iota3A, %add3A_647 : vector<16xi32>
        %and3A_649 = arith.constant 63 : i32
        %and3A_650 = vector.broadcast %and3A_649 : i32 to vector<16xi32>
        %and3A_651 = arith.andi %add3A_648, %and3A_650 : vector<16xi32>
        %add3A_652 = arith.constant 54 : i32
        %add3A_653 = vector.broadcast %add3A_652 : i32 to vector<16xi32>
        %add3A_654 = arith.addi %iota3A, %add3A_653 : vector<16xi32>
        %and3A_655 = arith.constant 63 : i32
        %and3A_656 = vector.broadcast %and3A_655 : i32 to vector<16xi32>
        %and3A_657 = arith.andi %add3A_654, %and3A_656 : vector<16xi32>
        %add3A_658 = arith.constant 55 : i32
        %add3A_659 = vector.broadcast %add3A_658 : i32 to vector<16xi32>
        %add3A_660 = arith.addi %iota3A, %add3A_659 : vector<16xi32>
        %and3A_661 = arith.constant 63 : i32
        %and3A_662 = vector.broadcast %and3A_661 : i32 to vector<16xi32>
        %and3A_663 = arith.andi %add3A_660, %and3A_662 : vector<16xi32>
        %gather3A_664 = tpu.vector_load_idx %arg8[%add3A_120, %and3A_645] : memref<128x64xf32, #tpu.memory_space<vmem>>[vector<16xi32>, vector<16xi32>], vector<16xf32>,
        %gather3A_665 = tpu.vector_load_idx %arg9[%add3A_120, %and3A_645] : memref<128x64xf32, #tpu.memory_space<vmem>>[vector<16xi32>, vector<16xi32>], vector<16xf32>,
        %mul3A_666 = arith.mulf %gather3A_664, %gather3A_665 : vector<16xf32>
        %add3A_667 = arith.addf %add3A_627, %mul3A_666 : vector<16xf32>
        %gather3A_668 = tpu.vector_load_idx %arg8[%add3A_120, %and3A_651] : memref<128x64xf32, #tpu.memory_space<vmem>>[vector<16xi32>, vector<16xi32>], vector<16xf32>,
        %gather3A_669 = tpu.vector_load_idx %arg9[%add3A_120, %and3A_651] : memref<128x64xf32, #tpu.memory_space<vmem>>[vector<16xi32>, vector<16xi32>], vector<16xf32>,
        %mul3A_670 = arith.mulf %gather3A_668, %gather3A_669 : vector<16xf32>
        %add3A_671 = arith.addf %add3A_631, %mul3A_670 : vector<16xf32>
        %gather3A_672 = tpu.vector_load_idx %arg8[%add3A_120, %and3A_657] : memref<128x64xf32, #tpu.memory_space<vmem>>[vector<16xi32>, vector<16xi32>], vector<16xf32>,
        %gather3A_673 = tpu.vector_load_idx %arg9[%add3A_120, %and3A_657] : memref<128x64xf32, #tpu.memory_space<vmem>>[vector<16xi32>, vector<16xi32>], vector<16xf32>,
        %mul3A_674 = arith.mulf %gather3A_672, %gather3A_673 : vector<16xf32>
        %add3A_675 = arith.addf %add3A_635, %mul3A_674 : vector<16xf32>
        %gather3A_676 = tpu.vector_load_idx %arg8[%add3A_120, %and3A_663] : memref<128x64xf32, #tpu.memory_space<vmem>>[vector<16xi32>, vector<16xi32>], vector<16xf32>,
        %gather3A_677 = tpu.vector_load_idx %arg9[%add3A_120, %and3A_663] : memref<128x64xf32, #tpu.memory_space<vmem>>[vector<16xi32>, vector<16xi32>], vector<16xf32>,
        %mul3A_678 = arith.mulf %gather3A_676, %gather3A_677 : vector<16xf32>
        %add3A_679 = arith.addf %add3A_639, %mul3A_678 : vector<16xf32>
        %add3A_680 = arith.constant 56 : i32
        %add3A_681 = vector.broadcast %add3A_680 : i32 to vector<16xi32>
        %add3A_682 = arith.addi %iota3A, %add3A_681 : vector<16xi32>
        %and3A_683 = arith.constant 63 : i32
        %and3A_684 = vector.broadcast %and3A_683 : i32 to vector<16xi32>
        %and3A_685 = arith.andi %add3A_682, %and3A_684 : vector<16xi32>
        %add3A_686 = arith.constant 57 : i32
        %add3A_687 = vector.broadcast %add3A_686 : i32 to vector<16xi32>
        %add3A_688 = arith.addi %iota3A, %add3A_687 : vector<16xi32>
        %and3A_689 = arith.constant 63 : i32
        %and3A_690 = vector.broadcast %and3A_689 : i32 to vector<16xi32>
        %and3A_691 = arith.andi %add3A_688, %and3A_690 : vector<16xi32>
        %add3A_692 = arith.constant 58 : i32
        %add3A_693 = vector.broadcast %add3A_692 : i32 to vector<16xi32>
        %add3A_694 = arith.addi %iota3A, %add3A_693 : vector<16xi32>
        %and3A_695 = arith.constant 63 : i32
        %and3A_696 = vector.broadcast %and3A_695 : i32 to vector<16xi32>
        %and3A_697 = arith.andi %add3A_694, %and3A_696 : vector<16xi32>
        %add3A_698 = arith.constant 59 : i32
        %add3A_699 = vector.broadcast %add3A_698 : i32 to vector<16xi32>
        %add3A_700 = arith.addi %iota3A, %add3A_699 : vector<16xi32>
        %and3A_701 = arith.constant 63 : i32
        %and3A_702 = vector.broadcast %and3A_701 : i32 to vector<16xi32>
        %and3A_703 = arith.andi %add3A_700, %and3A_702 : vector<16xi32>
        %gather3A_704 = tpu.vector_load_idx %arg8[%add3A_120, %and3A_685] : memref<128x64xf32, #tpu.memory_space<vmem>>[vector<16xi32>, vector<16xi32>], vector<16xf32>,
        %gather3A_705 = tpu.vector_load_idx %arg9[%add3A_120, %and3A_685] : memref<128x64xf32, #tpu.memory_space<vmem>>[vector<16xi32>, vector<16xi32>], vector<16xf32>,
        %mul3A_706 = arith.mulf %gather3A_704, %gather3A_705 : vector<16xf32>
        %add3A_707 = arith.addf %add3A_667, %mul3A_706 : vector<16xf32>
        %gather3A_708 = tpu.vector_load_idx %arg8[%add3A_120, %and3A_691] : memref<128x64xf32, #tpu.memory_space<vmem>>[vector<16xi32>, vector<16xi32>], vector<16xf32>,
        %gather3A_709 = tpu.vector_load_idx %arg9[%add3A_120, %and3A_691] : memref<128x64xf32, #tpu.memory_space<vmem>>[vector<16xi32>, vector<16xi32>], vector<16xf32>,
        %mul3A_710 = arith.mulf %gather3A_708, %gather3A_709 : vector<16xf32>
        %add3A_711 = arith.addf %add3A_671, %mul3A_710 : vector<16xf32>
        %gather3A_712 = tpu.vector_load_idx %arg8[%add3A_120, %and3A_697] : memref<128x64xf32, #tpu.memory_space<vmem>>[vector<16xi32>, vector<16xi32>], vector<16xf32>,
        %gather3A_713 = tpu.vector_load_idx %arg9[%add3A_120, %and3A_697] : memref<128x64xf32, #tpu.memory_space<vmem>>[vector<16xi32>, vector<16xi32>], vector<16xf32>,
        %mul3A_714 = arith.mulf %gather3A_712, %gather3A_713 : vector<16xf32>
        %add3A_715 = arith.addf %add3A_675, %mul3A_714 : vector<16xf32>
        %gather3A_716 = tpu.vector_load_idx %arg8[%add3A_120, %and3A_703] : memref<128x64xf32, #tpu.memory_space<vmem>>[vector<16xi32>, vector<16xi32>], vector<16xf32>,
        %gather3A_717 = tpu.vector_load_idx %arg9[%add3A_120, %and3A_703] : memref<128x64xf32, #tpu.memory_space<vmem>>[vector<16xi32>, vector<16xi32>], vector<16xf32>,
        %mul3A_718 = arith.mulf %gather3A_716, %gather3A_717 : vector<16xf32>
        %add3A_719 = arith.addf %add3A_679, %mul3A_718 : vector<16xf32>
        %add3A_720 = arith.constant 60 : i32
        %add3A_721 = vector.broadcast %add3A_720 : i32 to vector<16xi32>
        %add3A_722 = arith.addi %iota3A, %add3A_721 : vector<16xi32>
        %and3A_723 = arith.constant 63 : i32
        %and3A_724 = vector.broadcast %and3A_723 : i32 to vector<16xi32>
        %and3A_725 = arith.andi %add3A_722, %and3A_724 : vector<16xi32>
        %add3A_726 = arith.constant 61 : i32
        %add3A_727 = vector.broadcast %add3A_726 : i32 to vector<16xi32>
        %add3A_728 = arith.addi %iota3A, %add3A_727 : vector<16xi32>
        %and3A_729 = arith.constant 63 : i32
        %and3A_730 = vector.broadcast %and3A_729 : i32 to vector<16xi32>
        %and3A_731 = arith.andi %add3A_728, %and3A_730 : vector<16xi32>
        %add3A_732 = arith.constant 62 : i32
        %add3A_733 = vector.broadcast %add3A_732 : i32 to vector<16xi32>
        %add3A_734 = arith.addi %iota3A, %add3A_733 : vector<16xi32>
        %and3A_735 = arith.constant 63 : i32
        %and3A_736 = vector.broadcast %and3A_735 : i32 to vector<16xi32>
        %and3A_737 = arith.andi %add3A_734, %and3A_736 : vector<16xi32>
        %add3A_738 = arith.constant 63 : i32
        %add3A_739 = vector.broadcast %add3A_738 : i32 to vector<16xi32>
        %add3A_740 = arith.addi %iota3A, %add3A_739 : vector<16xi32>
        %and3A_741 = arith.constant 63 : i32
        %and3A_742 = vector.broadcast %and3A_741 : i32 to vector<16xi32>
        %and3A_743 = arith.andi %add3A_740, %and3A_742 : vector<16xi32>
        %gather3A_744 = tpu.vector_load_idx %arg8[%add3A_120, %and3A_725] : memref<128x64xf32, #tpu.memory_space<vmem>>[vector<16xi32>, vector<16xi32>], vector<16xf32>,
        %gather3A_745 = tpu.vector_load_idx %arg9[%add3A_120, %and3A_725] : memref<128x64xf32, #tpu.memory_space<vmem>>[vector<16xi32>, vector<16xi32>], vector<16xf32>,
        %mul3A_746 = arith.mulf %gather3A_744, %gather3A_745 : vector<16xf32>
        %add3A_747 = arith.addf %add3A_707, %mul3A_746 : vector<16xf32>
        %gather3A_748 = tpu.vector_load_idx %arg8[%add3A_120, %and3A_731] : memref<128x64xf32, #tpu.memory_space<vmem>>[vector<16xi32>, vector<16xi32>], vector<16xf32>,
        %gather3A_749 = tpu.vector_load_idx %arg9[%add3A_120, %and3A_731] : memref<128x64xf32, #tpu.memory_space<vmem>>[vector<16xi32>, vector<16xi32>], vector<16xf32>,
        %mul3A_750 = arith.mulf %gather3A_748, %gather3A_749 : vector<16xf32>
        %add3A_751 = arith.addf %add3A_711, %mul3A_750 : vector<16xf32>
        %gather3A_752 = tpu.vector_load_idx %arg8[%add3A_120, %and3A_737] : memref<128x64xf32, #tpu.memory_space<vmem>>[vector<16xi32>, vector<16xi32>], vector<16xf32>,
        %gather3A_753 = tpu.vector_load_idx %arg9[%add3A_120, %and3A_737] : memref<128x64xf32, #tpu.memory_space<vmem>>[vector<16xi32>, vector<16xi32>], vector<16xf32>,
        %mul3A_754 = arith.mulf %gather3A_752, %gather3A_753 : vector<16xf32>
        %add3A_755 = arith.addf %add3A_715, %mul3A_754 : vector<16xf32>
        %gather3A_756 = tpu.vector_load_idx %arg8[%add3A_120, %and3A_743] : memref<128x64xf32, #tpu.memory_space<vmem>>[vector<16xi32>, vector<16xi32>], vector<16xf32>,
        %gather3A_757 = tpu.vector_load_idx %arg9[%add3A_120, %and3A_743] : memref<128x64xf32, #tpu.memory_space<vmem>>[vector<16xi32>, vector<16xi32>], vector<16xf32>,
        %mul3A_758 = arith.mulf %gather3A_756, %gather3A_757 : vector<16xf32>
        %add3A_759 = arith.addf %add3A_719, %mul3A_758 : vector<16xf32>
        %add3A_760 = arith.addf %add3A_747, %add3A_751 : vector<16xf32>
        %add3A_761 = arith.addf %add3A_755, %add3A_759 : vector<16xf32>
        %add3A_762 = arith.addf %add3A_760, %add3A_761 : vector<16xf32>
        %mul3A_763 = arith.constant 16 : i32
        %mul3A_764 = arith.muli %scan3A_116, %mul3A_763 : i32
        %swap3A = arith.index_cast %mul3A_764 : i32 to index
        %swap3A_765 = tpu.vector_load %arg12[%swap3A] {strides = array<i32>} : memref<128xf32, #tpu.memory_space<vmem>>, vector<16xf32>,
        tpu.vector_store %arg12[%swap3A], %add3A_762 {strides = array<i32>} : memref<128xf32, #tpu.memory_space<vmem>>, vector<16xf32>,
      }
      %scan3A_68 = arith.constant 8 : i32
      %mul3A_69 = arith.constant 128 : i32
      %mul3A_70 = arith.muli %mul3A_34, %mul3A_69 : i32
      %dma_start3A_71 = tpu.memref_slice %arg5[%add3A, %mul3A_70] : memref<32x20224xf32, #tpu.memory_space<hbm>> -> memref<1x128xf32, #tpu.memory_space<hbm>>
      %dma_start3A_72 = tpu.memref_squeeze %dma_start3A_71 : memref<1x128xf32, #tpu.memory_space<hbm>> -> memref<128xf32, #tpu.memory_space<hbm>>
      %dma_start3A_73 = tpu.memref_slice %arg5[%add3A, %mul3A_70] : memref<32x20224xf32, #tpu.memory_space<hbm>> -> memref<1x128xf32, #tpu.memory_space<hbm>>
      %dma_start3A_74 = tpu.memref_squeeze %dma_start3A_73 : memref<1x128xf32, #tpu.memory_space<hbm>> -> memref<128xf32, #tpu.memory_space<hbm>>
      tpu.enqueue_dma source(%arg12 : memref<128xf32, #tpu.memory_space<vmem>>) target(%dma_start3A_74 : memref<128xf32, #tpu.memory_space<hbm>>) target_semaphore(%arg17 : memref<!tpu.dma_semaphore, #tpu.memory_space<semaphore_mem>>)
      %add3A_75 = arith.constant 1 : i32
      %add3A_76 = arith.addi %mul3A_34, %add3A_75 : i32
      %dma_wait3A_77 = arith.constant 0 : i32
      %dma_wait3A_78 = tpu.memref_slice %arg6[%add3A_76, %dma_wait3A_77] : memref<158x128xi32, #tpu.memory_space<vmem>> -> memref<1x128xi32, #tpu.memory_space<vmem>>
      %dma_wait3A_79 = tpu.memref_squeeze %dma_wait3A_78 : memref<1x128xi32, #tpu.memory_space<vmem>> -> memref<128xi32, #tpu.memory_space<vmem>>
      %dma_wait3A_80 = arith.constant 0 : i32
      %dma_wait3A_81 = arith.constant 0 : i32
      %dma_wait3A_82 = tpu.memref_slice %arg14[%dma_wait3A_80, %dma_wait3A_81] : memref<10240x64xf32, #tpu.memory_space<vmem_shared>> -> memref<10240x64xf32, #tpu.memory_space<vmem_shared>>
      tpu.wait_indirect_dma semaphore(%arg16 : memref<!tpu.dma_semaphore, #tpu.memory_space<semaphore_mem>>) src(%dma_wait3A_82 : memref<10240x64xf32, #tpu.memory_space<vmem_shared>>) dst(%arg10 : memref<128x64xf32, #tpu.memory_space<vmem>>)
      %dma_wait3A_83 = arith.constant 0 : i32
      %dma_wait3A_84 = tpu.memref_slice %arg7[%add3A_76, %dma_wait3A_83] : memref<158x128xi32, #tpu.memory_space<vmem>> -> memref<1x128xi32, #tpu.memory_space<vmem>>
      %dma_wait3A_85 = tpu.memref_squeeze %dma_wait3A_84 : memref<1x128xi32, #tpu.memory_space<vmem>> -> memref<128xi32, #tpu.memory_space<vmem>>
      %dma_wait3A_86 = arith.constant 0 : i32
      %dma_wait3A_87 = arith.constant 0 : i32
      %dma_wait3A_88 = tpu.memref_slice %arg14[%dma_wait3A_86, %dma_wait3A_87] : memref<10240x64xf32, #tpu.memory_space<vmem_shared>> -> memref<10240x64xf32, #tpu.memory_space<vmem_shared>>
      tpu.wait_indirect_dma semaphore(%arg16 : memref<!tpu.dma_semaphore, #tpu.memory_space<semaphore_mem>>) src(%dma_wait3A_88 : memref<10240x64xf32, #tpu.memory_space<vmem_shared>>) dst(%arg11 : memref<128x64xf32, #tpu.memory_space<vmem>>)
      %add3A_89 = arith.constant 2 : i32
      %add3A_90 = arith.addi %mul3A_34, %add3A_89 : i32
      %lt3A = arith.constant 158 : i32
      %lt3A_91 = arith.cmpi slt, %add3A_90, %lt3A : i32
      %convert_element_type3A_92 = arith.extui %lt3A_91 : i1 to i32
      %cond3A_93 = arith.constant 0 : i32
      %cond3A_94 = arith.cmpi ne, %convert_element_type3A_92, %cond3A_93 : i32
      scf.if %cond3A_94 {
        %add3A_116 = arith.constant 2 : i32
        %add3A_117 = arith.addi %mul3A_34, %add3A_116 : i32
        %dma_start3A_118 = arith.constant 0 : i32
        %dma_start3A_119 = tpu.memref_slice %arg6[%add3A_117, %dma_start3A_118] : memref<158x128xi32, #tpu.memory_space<vmem>> -> memref<1x128xi32, #tpu.memory_space<vmem>>
        %dma_start3A_120 = tpu.memref_squeeze %dma_start3A_119 : memref<1x128xi32, #tpu.memory_space<vmem>> -> memref<128xi32, #tpu.memory_space<vmem>>
        %dma_start3A_121 = arith.constant 0 : i32
        %dma_start3A_122 = arith.constant 0 : i32
        %dma_start3A_123 = tpu.memref_slice %arg14[%dma_start3A_121, %dma_start3A_122] : memref<10240x64xf32, #tpu.memory_space<vmem_shared>> -> memref<10240x64xf32, #tpu.memory_space<vmem_shared>>
        tpu.enqueue_indirect_dma source(%dma_start3A_123 : memref<10240x64xf32, #tpu.memory_space<vmem_shared>>) target(%arg8 : memref<128x64xf32, #tpu.memory_space<vmem>>) offsets(%dma_start3A_120 : memref<128xi32, #tpu.memory_space<vmem>>) semaphore(%arg15 : memref<!tpu.dma_semaphore, #tpu.memory_space<semaphore_mem>>)
        %dma_start3A_124 = arith.constant 0 : i32
        %dma_start3A_125 = tpu.memref_slice %arg7[%add3A_117, %dma_start3A_124] : memref<158x128xi32, #tpu.memory_space<vmem>> -> memref<1x128xi32, #tpu.memory_space<vmem>>
        %dma_start3A_126 = tpu.memref_squeeze %dma_start3A_125 : memref<1x128xi32, #tpu.memory_space<vmem>> -> memref<128xi32, #tpu.memory_space<vmem>>
        %dma_start3A_127 = arith.constant 0 : i32
        %dma_start3A_128 = arith.constant 0 : i32
        %dma_start3A_129 = tpu.memref_slice %arg14[%dma_start3A_127, %dma_start3A_128] : memref<10240x64xf32, #tpu.memory_space<vmem_shared>> -> memref<10240x64xf32, #tpu.memory_space<vmem_shared>>
        tpu.enqueue_indirect_dma source(%dma_start3A_129 : memref<10240x64xf32, #tpu.memory_space<vmem_shared>>) target(%arg9 : memref<128x64xf32, #tpu.memory_space<vmem>>) offsets(%dma_start3A_126 : memref<128xi32, #tpu.memory_space<vmem>>) semaphore(%arg15 : memref<!tpu.dma_semaphore, #tpu.memory_space<semaphore_mem>>)
      } else {
      }
      %ge3A_95 = arith.constant 2 : i32
      %ge3A_96 = arith.cmpi sge, %mul3A_34, %ge3A_95 : i32
      %convert_element_type3A_97 = arith.extui %ge3A_96 : i1 to i32
      %cond3A_98 = arith.constant 0 : i32
      %cond3A_99 = arith.cmpi ne, %convert_element_type3A_97, %cond3A_98 : i32
      scf.if %cond3A_99 {
        %sub3A = arith.constant 1 : i32
        %sub3A_116 = arith.subi %mul3A_34, %sub3A : i32
        %mul3A_117 = arith.constant 128 : i32
        %mul3A_118 = arith.muli %sub3A_116, %mul3A_117 : i32
        %dma_wait3A_119 = tpu.memref_slice %arg5[%add3A, %mul3A_118] : memref<32x20224xf32, #tpu.memory_space<hbm>> -> memref<1x128xf32, #tpu.memory_space<hbm>>
        %dma_wait3A_120 = tpu.memref_squeeze %dma_wait3A_119 : memref<1x128xf32, #tpu.memory_space<hbm>> -> memref<128xf32, #tpu.memory_space<hbm>>
        %dma_wait3A_121 = tpu.memref_slice %arg5[%add3A, %mul3A_118] : memref<32x20224xf32, #tpu.memory_space<hbm>> -> memref<1x128xf32, #tpu.memory_space<hbm>>
        %dma_wait3A_122 = tpu.memref_squeeze %dma_wait3A_121 : memref<1x128xf32, #tpu.memory_space<hbm>> -> memref<128xf32, #tpu.memory_space<hbm>>
        tpu.wait_dma2 semaphore(%arg18 : memref<!tpu.dma_semaphore, #tpu.memory_space<semaphore_mem>>) src(%arg13 : memref<128xf32, #tpu.memory_space<vmem>>) dst(%dma_wait3A_122 : memref<128xf32, #tpu.memory_space<hbm>>)
      } else {
      }
      %add3A_100 = arith.constant 1 : i32
      %add3A_101 = arith.addi %mul3A_34, %add3A_100 : i32
      %scan3A_102 = arith.constant 0 : i32
      %scan3A_103 = arith.constant 0 : i32
      %scan3A_104 = arith.constant 8 : i32
      %scan3A_105 = arith.addi %scan3A_103, %scan3A_104 : i32
      %scan3A_106 = arith.constant 1 : i32
      scf.for %scan3A_116 = %scan3A_103 to %scan3A_105 step %scan3A_106  : i32 {
        %mul3A_117 = arith.constant 16 : i32
        %mul3A_118 = arith.muli %scan3A_116, %mul3A_117 : i32
        %add3A_119 = vector.broadcast %mul3A_118 : i32 to vector<16xi32>
        %add3A_120 = arith.addi %add3A_119, %iota3A : vector<16xi32>
        %broadcast_in_dim3A = arith.constant 0.000000e+00 : f32
        %broadcast_in_dim3A_121 = vector.broadcast %broadcast_in_dim3A : f32 to vector<16xf32>
        %add3A_122 = arith.constant 0 : i32
        %add3A_123 = vector.broadcast %add3A_122 : i32 to vector<16xi32>
        %add3A_124 = arith.addi %iota3A, %add3A_123 : vector<16xi32>
        %and3A = arith.constant 63 : i32
        %and3A_125 = vector.broadcast %and3A : i32 to vector<16xi32>
        %and3A_126 = arith.andi %add3A_124, %and3A_125 : vector<16xi32>
        %add3A_127 = arith.constant 1 : i32
        %add3A_128 = vector.broadcast %add3A_127 : i32 to vector<16xi32>
        %add3A_129 = arith.addi %iota3A, %add3A_128 : vector<16xi32>
        %and3A_130 = arith.constant 63 : i32
        %and3A_131 = vector.broadcast %and3A_130 : i32 to vector<16xi32>
        %and3A_132 = arith.andi %add3A_129, %and3A_131 : vector<16xi32>
        %add3A_133 = arith.constant 2 : i32
        %add3A_134 = vector.broadcast %add3A_133 : i32 to vector<16xi32>
        %add3A_135 = arith.addi %iota3A, %add3A_134 : vector<16xi32>
        %and3A_136 = arith.constant 63 : i32
        %and3A_137 = vector.broadcast %and3A_136 : i32 to vector<16xi32>
        %and3A_138 = arith.andi %add3A_135, %and3A_137 : vector<16xi32>
        %add3A_139 = arith.constant 3 : i32
        %add3A_140 = vector.broadcast %add3A_139 : i32 to vector<16xi32>
        %add3A_141 = arith.addi %iota3A, %add3A_140 : vector<16xi32>
        %and3A_142 = arith.constant 63 : i32
        %and3A_143 = vector.broadcast %and3A_142 : i32 to vector<16xi32>
        %and3A_144 = arith.andi %add3A_141, %and3A_143 : vector<16xi32>
        %gather3A = tpu.vector_load_idx %arg10[%add3A_120, %and3A_126] : memref<128x64xf32, #tpu.memory_space<vmem>>[vector<16xi32>, vector<16xi32>], vector<16xf32>,
        %gather3A_145 = tpu.vector_load_idx %arg11[%add3A_120, %and3A_126] : memref<128x64xf32, #tpu.memory_space<vmem>>[vector<16xi32>, vector<16xi32>], vector<16xf32>,
        %mul3A_146 = arith.mulf %gather3A, %gather3A_145 : vector<16xf32>
        %add3A_147 = arith.addf %broadcast_in_dim3A_121, %mul3A_146 : vector<16xf32>
        %gather3A_148 = tpu.vector_load_idx %arg10[%add3A_120, %and3A_132] : memref<128x64xf32, #tpu.memory_space<vmem>>[vector<16xi32>, vector<16xi32>], vector<16xf32>,
        %gather3A_149 = tpu.vector_load_idx %arg11[%add3A_120, %and3A_132] : memref<128x64xf32, #tpu.memory_space<vmem>>[vector<16xi32>, vector<16xi32>], vector<16xf32>,
        %mul3A_150 = arith.mulf %gather3A_148, %gather3A_149 : vector<16xf32>
        %add3A_151 = arith.addf %broadcast_in_dim3A_121, %mul3A_150 : vector<16xf32>
        %gather3A_152 = tpu.vector_load_idx %arg10[%add3A_120, %and3A_138] : memref<128x64xf32, #tpu.memory_space<vmem>>[vector<16xi32>, vector<16xi32>], vector<16xf32>,
        %gather3A_153 = tpu.vector_load_idx %arg11[%add3A_120, %and3A_138] : memref<128x64xf32, #tpu.memory_space<vmem>>[vector<16xi32>, vector<16xi32>], vector<16xf32>,
        %mul3A_154 = arith.mulf %gather3A_152, %gather3A_153 : vector<16xf32>
        %add3A_155 = arith.addf %broadcast_in_dim3A_121, %mul3A_154 : vector<16xf32>
        %gather3A_156 = tpu.vector_load_idx %arg10[%add3A_120, %and3A_144] : memref<128x64xf32, #tpu.memory_space<vmem>>[vector<16xi32>, vector<16xi32>], vector<16xf32>,
        %gather3A_157 = tpu.vector_load_idx %arg11[%add3A_120, %and3A_144] : memref<128x64xf32, #tpu.memory_space<vmem>>[vector<16xi32>, vector<16xi32>], vector<16xf32>,
        %mul3A_158 = arith.mulf %gather3A_156, %gather3A_157 : vector<16xf32>
        %add3A_159 = arith.addf %broadcast_in_dim3A_121, %mul3A_158 : vector<16xf32>
        %add3A_160 = arith.constant 4 : i32
        %add3A_161 = vector.broadcast %add3A_160 : i32 to vector<16xi32>
        %add3A_162 = arith.addi %iota3A, %add3A_161 : vector<16xi32>
        %and3A_163 = arith.constant 63 : i32
        %and3A_164 = vector.broadcast %and3A_163 : i32 to vector<16xi32>
        %and3A_165 = arith.andi %add3A_162, %and3A_164 : vector<16xi32>
        %add3A_166 = arith.constant 5 : i32
        %add3A_167 = vector.broadcast %add3A_166 : i32 to vector<16xi32>
        %add3A_168 = arith.addi %iota3A, %add3A_167 : vector<16xi32>
        %and3A_169 = arith.constant 63 : i32
        %and3A_170 = vector.broadcast %and3A_169 : i32 to vector<16xi32>
        %and3A_171 = arith.andi %add3A_168, %and3A_170 : vector<16xi32>
        %add3A_172 = arith.constant 6 : i32
        %add3A_173 = vector.broadcast %add3A_172 : i32 to vector<16xi32>
        %add3A_174 = arith.addi %iota3A, %add3A_173 : vector<16xi32>
        %and3A_175 = arith.constant 63 : i32
        %and3A_176 = vector.broadcast %and3A_175 : i32 to vector<16xi32>
        %and3A_177 = arith.andi %add3A_174, %and3A_176 : vector<16xi32>
        %add3A_178 = arith.constant 7 : i32
        %add3A_179 = vector.broadcast %add3A_178 : i32 to vector<16xi32>
        %add3A_180 = arith.addi %iota3A, %add3A_179 : vector<16xi32>
        %and3A_181 = arith.constant 63 : i32
        %and3A_182 = vector.broadcast %and3A_181 : i32 to vector<16xi32>
        %and3A_183 = arith.andi %add3A_180, %and3A_182 : vector<16xi32>
        %gather3A_184 = tpu.vector_load_idx %arg10[%add3A_120, %and3A_165] : memref<128x64xf32, #tpu.memory_space<vmem>>[vector<16xi32>, vector<16xi32>], vector<16xf32>,
        %gather3A_185 = tpu.vector_load_idx %arg11[%add3A_120, %and3A_165] : memref<128x64xf32, #tpu.memory_space<vmem>>[vector<16xi32>, vector<16xi32>], vector<16xf32>,
        %mul3A_186 = arith.mulf %gather3A_184, %gather3A_185 : vector<16xf32>
        %add3A_187 = arith.addf %add3A_147, %mul3A_186 : vector<16xf32>
        %gather3A_188 = tpu.vector_load_idx %arg10[%add3A_120, %and3A_171] : memref<128x64xf32, #tpu.memory_space<vmem>>[vector<16xi32>, vector<16xi32>], vector<16xf32>,
        %gather3A_189 = tpu.vector_load_idx %arg11[%add3A_120, %and3A_171] : memref<128x64xf32, #tpu.memory_space<vmem>>[vector<16xi32>, vector<16xi32>], vector<16xf32>,
        %mul3A_190 = arith.mulf %gather3A_188, %gather3A_189 : vector<16xf32>
        %add3A_191 = arith.addf %add3A_151, %mul3A_190 : vector<16xf32>
        %gather3A_192 = tpu.vector_load_idx %arg10[%add3A_120, %and3A_177] : memref<128x64xf32, #tpu.memory_space<vmem>>[vector<16xi32>, vector<16xi32>], vector<16xf32>,
        %gather3A_193 = tpu.vector_load_idx %arg11[%add3A_120, %and3A_177] : memref<128x64xf32, #tpu.memory_space<vmem>>[vector<16xi32>, vector<16xi32>], vector<16xf32>,
        %mul3A_194 = arith.mulf %gather3A_192, %gather3A_193 : vector<16xf32>
        %add3A_195 = arith.addf %add3A_155, %mul3A_194 : vector<16xf32>
        %gather3A_196 = tpu.vector_load_idx %arg10[%add3A_120, %and3A_183] : memref<128x64xf32, #tpu.memory_space<vmem>>[vector<16xi32>, vector<16xi32>], vector<16xf32>,
        %gather3A_197 = tpu.vector_load_idx %arg11[%add3A_120, %and3A_183] : memref<128x64xf32, #tpu.memory_space<vmem>>[vector<16xi32>, vector<16xi32>], vector<16xf32>,
        %mul3A_198 = arith.mulf %gather3A_196, %gather3A_197 : vector<16xf32>
        %add3A_199 = arith.addf %add3A_159, %mul3A_198 : vector<16xf32>
        %add3A_200 = arith.constant 8 : i32
        %add3A_201 = vector.broadcast %add3A_200 : i32 to vector<16xi32>
        %add3A_202 = arith.addi %iota3A, %add3A_201 : vector<16xi32>
        %and3A_203 = arith.constant 63 : i32
        %and3A_204 = vector.broadcast %and3A_203 : i32 to vector<16xi32>
        %and3A_205 = arith.andi %add3A_202, %and3A_204 : vector<16xi32>
        %add3A_206 = arith.constant 9 : i32
        %add3A_207 = vector.broadcast %add3A_206 : i32 to vector<16xi32>
        %add3A_208 = arith.addi %iota3A, %add3A_207 : vector<16xi32>
        %and3A_209 = arith.constant 63 : i32
        %and3A_210 = vector.broadcast %and3A_209 : i32 to vector<16xi32>
        %and3A_211 = arith.andi %add3A_208, %and3A_210 : vector<16xi32>
        %add3A_212 = arith.constant 10 : i32
        %add3A_213 = vector.broadcast %add3A_212 : i32 to vector<16xi32>
        %add3A_214 = arith.addi %iota3A, %add3A_213 : vector<16xi32>
        %and3A_215 = arith.constant 63 : i32
        %and3A_216 = vector.broadcast %and3A_215 : i32 to vector<16xi32>
        %and3A_217 = arith.andi %add3A_214, %and3A_216 : vector<16xi32>
        %add3A_218 = arith.constant 11 : i32
        %add3A_219 = vector.broadcast %add3A_218 : i32 to vector<16xi32>
        %add3A_220 = arith.addi %iota3A, %add3A_219 : vector<16xi32>
        %and3A_221 = arith.constant 63 : i32
        %and3A_222 = vector.broadcast %and3A_221 : i32 to vector<16xi32>
        %and3A_223 = arith.andi %add3A_220, %and3A_222 : vector<16xi32>
        %gather3A_224 = tpu.vector_load_idx %arg10[%add3A_120, %and3A_205] : memref<128x64xf32, #tpu.memory_space<vmem>>[vector<16xi32>, vector<16xi32>], vector<16xf32>,
        %gather3A_225 = tpu.vector_load_idx %arg11[%add3A_120, %and3A_205] : memref<128x64xf32, #tpu.memory_space<vmem>>[vector<16xi32>, vector<16xi32>], vector<16xf32>,
        %mul3A_226 = arith.mulf %gather3A_224, %gather3A_225 : vector<16xf32>
        %add3A_227 = arith.addf %add3A_187, %mul3A_226 : vector<16xf32>
        %gather3A_228 = tpu.vector_load_idx %arg10[%add3A_120, %and3A_211] : memref<128x64xf32, #tpu.memory_space<vmem>>[vector<16xi32>, vector<16xi32>], vector<16xf32>,
        %gather3A_229 = tpu.vector_load_idx %arg11[%add3A_120, %and3A_211] : memref<128x64xf32, #tpu.memory_space<vmem>>[vector<16xi32>, vector<16xi32>], vector<16xf32>,
        %mul3A_230 = arith.mulf %gather3A_228, %gather3A_229 : vector<16xf32>
        %add3A_231 = arith.addf %add3A_191, %mul3A_230 : vector<16xf32>
        %gather3A_232 = tpu.vector_load_idx %arg10[%add3A_120, %and3A_217] : memref<128x64xf32, #tpu.memory_space<vmem>>[vector<16xi32>, vector<16xi32>], vector<16xf32>,
        %gather3A_233 = tpu.vector_load_idx %arg11[%add3A_120, %and3A_217] : memref<128x64xf32, #tpu.memory_space<vmem>>[vector<16xi32>, vector<16xi32>], vector<16xf32>,
        %mul3A_234 = arith.mulf %gather3A_232, %gather3A_233 : vector<16xf32>
        %add3A_235 = arith.addf %add3A_195, %mul3A_234 : vector<16xf32>
        %gather3A_236 = tpu.vector_load_idx %arg10[%add3A_120, %and3A_223] : memref<128x64xf32, #tpu.memory_space<vmem>>[vector<16xi32>, vector<16xi32>], vector<16xf32>,
        %gather3A_237 = tpu.vector_load_idx %arg11[%add3A_120, %and3A_223] : memref<128x64xf32, #tpu.memory_space<vmem>>[vector<16xi32>, vector<16xi32>], vector<16xf32>,
        %mul3A_238 = arith.mulf %gather3A_236, %gather3A_237 : vector<16xf32>
        %add3A_239 = arith.addf %add3A_199, %mul3A_238 : vector<16xf32>
        %add3A_240 = arith.constant 12 : i32
        %add3A_241 = vector.broadcast %add3A_240 : i32 to vector<16xi32>
        %add3A_242 = arith.addi %iota3A, %add3A_241 : vector<16xi32>
        %and3A_243 = arith.constant 63 : i32
        %and3A_244 = vector.broadcast %and3A_243 : i32 to vector<16xi32>
        %and3A_245 = arith.andi %add3A_242, %and3A_244 : vector<16xi32>
        %add3A_246 = arith.constant 13 : i32
        %add3A_247 = vector.broadcast %add3A_246 : i32 to vector<16xi32>
        %add3A_248 = arith.addi %iota3A, %add3A_247 : vector<16xi32>
        %and3A_249 = arith.constant 63 : i32
        %and3A_250 = vector.broadcast %and3A_249 : i32 to vector<16xi32>
        %and3A_251 = arith.andi %add3A_248, %and3A_250 : vector<16xi32>
        %add3A_252 = arith.constant 14 : i32
        %add3A_253 = vector.broadcast %add3A_252 : i32 to vector<16xi32>
        %add3A_254 = arith.addi %iota3A, %add3A_253 : vector<16xi32>
        %and3A_255 = arith.constant 63 : i32
        %and3A_256 = vector.broadcast %and3A_255 : i32 to vector<16xi32>
        %and3A_257 = arith.andi %add3A_254, %and3A_256 : vector<16xi32>
        %add3A_258 = arith.constant 15 : i32
        %add3A_259 = vector.broadcast %add3A_258 : i32 to vector<16xi32>
        %add3A_260 = arith.addi %iota3A, %add3A_259 : vector<16xi32>
        %and3A_261 = arith.constant 63 : i32
        %and3A_262 = vector.broadcast %and3A_261 : i32 to vector<16xi32>
        %and3A_263 = arith.andi %add3A_260, %and3A_262 : vector<16xi32>
        %gather3A_264 = tpu.vector_load_idx %arg10[%add3A_120, %and3A_245] : memref<128x64xf32, #tpu.memory_space<vmem>>[vector<16xi32>, vector<16xi32>], vector<16xf32>,
        %gather3A_265 = tpu.vector_load_idx %arg11[%add3A_120, %and3A_245] : memref<128x64xf32, #tpu.memory_space<vmem>>[vector<16xi32>, vector<16xi32>], vector<16xf32>,
        %mul3A_266 = arith.mulf %gather3A_264, %gather3A_265 : vector<16xf32>
        %add3A_267 = arith.addf %add3A_227, %mul3A_266 : vector<16xf32>
        %gather3A_268 = tpu.vector_load_idx %arg10[%add3A_120, %and3A_251] : memref<128x64xf32, #tpu.memory_space<vmem>>[vector<16xi32>, vector<16xi32>], vector<16xf32>,
        %gather3A_269 = tpu.vector_load_idx %arg11[%add3A_120, %and3A_251] : memref<128x64xf32, #tpu.memory_space<vmem>>[vector<16xi32>, vector<16xi32>], vector<16xf32>,
        %mul3A_270 = arith.mulf %gather3A_268, %gather3A_269 : vector<16xf32>
        %add3A_271 = arith.addf %add3A_231, %mul3A_270 : vector<16xf32>
        %gather3A_272 = tpu.vector_load_idx %arg10[%add3A_120, %and3A_257] : memref<128x64xf32, #tpu.memory_space<vmem>>[vector<16xi32>, vector<16xi32>], vector<16xf32>,
        %gather3A_273 = tpu.vector_load_idx %arg11[%add3A_120, %and3A_257] : memref<128x64xf32, #tpu.memory_space<vmem>>[vector<16xi32>, vector<16xi32>], vector<16xf32>,
        %mul3A_274 = arith.mulf %gather3A_272, %gather3A_273 : vector<16xf32>
        %add3A_275 = arith.addf %add3A_235, %mul3A_274 : vector<16xf32>
        %gather3A_276 = tpu.vector_load_idx %arg10[%add3A_120, %and3A_263] : memref<128x64xf32, #tpu.memory_space<vmem>>[vector<16xi32>, vector<16xi32>], vector<16xf32>,
        %gather3A_277 = tpu.vector_load_idx %arg11[%add3A_120, %and3A_263] : memref<128x64xf32, #tpu.memory_space<vmem>>[vector<16xi32>, vector<16xi32>], vector<16xf32>,
        %mul3A_278 = arith.mulf %gather3A_276, %gather3A_277 : vector<16xf32>
        %add3A_279 = arith.addf %add3A_239, %mul3A_278 : vector<16xf32>
        %add3A_280 = arith.constant 16 : i32
        %add3A_281 = vector.broadcast %add3A_280 : i32 to vector<16xi32>
        %add3A_282 = arith.addi %iota3A, %add3A_281 : vector<16xi32>
        %and3A_283 = arith.constant 63 : i32
        %and3A_284 = vector.broadcast %and3A_283 : i32 to vector<16xi32>
        %and3A_285 = arith.andi %add3A_282, %and3A_284 : vector<16xi32>
        %add3A_286 = arith.constant 17 : i32
        %add3A_287 = vector.broadcast %add3A_286 : i32 to vector<16xi32>
        %add3A_288 = arith.addi %iota3A, %add3A_287 : vector<16xi32>
        %and3A_289 = arith.constant 63 : i32
        %and3A_290 = vector.broadcast %and3A_289 : i32 to vector<16xi32>
        %and3A_291 = arith.andi %add3A_288, %and3A_290 : vector<16xi32>
        %add3A_292 = arith.constant 18 : i32
        %add3A_293 = vector.broadcast %add3A_292 : i32 to vector<16xi32>
        %add3A_294 = arith.addi %iota3A, %add3A_293 : vector<16xi32>
        %and3A_295 = arith.constant 63 : i32
        %and3A_296 = vector.broadcast %and3A_295 : i32 to vector<16xi32>
        %and3A_297 = arith.andi %add3A_294, %and3A_296 : vector<16xi32>
        %add3A_298 = arith.constant 19 : i32
        %add3A_299 = vector.broadcast %add3A_298 : i32 to vector<16xi32>
        %add3A_300 = arith.addi %iota3A, %add3A_299 : vector<16xi32>
        %and3A_301 = arith.constant 63 : i32
        %and3A_302 = vector.broadcast %and3A_301 : i32 to vector<16xi32>
        %and3A_303 = arith.andi %add3A_300, %and3A_302 : vector<16xi32>
        %gather3A_304 = tpu.vector_load_idx %arg10[%add3A_120, %and3A_285] : memref<128x64xf32, #tpu.memory_space<vmem>>[vector<16xi32>, vector<16xi32>], vector<16xf32>,
        %gather3A_305 = tpu.vector_load_idx %arg11[%add3A_120, %and3A_285] : memref<128x64xf32, #tpu.memory_space<vmem>>[vector<16xi32>, vector<16xi32>], vector<16xf32>,
        %mul3A_306 = arith.mulf %gather3A_304, %gather3A_305 : vector<16xf32>
        %add3A_307 = arith.addf %add3A_267, %mul3A_306 : vector<16xf32>
        %gather3A_308 = tpu.vector_load_idx %arg10[%add3A_120, %and3A_291] : memref<128x64xf32, #tpu.memory_space<vmem>>[vector<16xi32>, vector<16xi32>], vector<16xf32>,
        %gather3A_309 = tpu.vector_load_idx %arg11[%add3A_120, %and3A_291] : memref<128x64xf32, #tpu.memory_space<vmem>>[vector<16xi32>, vector<16xi32>], vector<16xf32>,
        %mul3A_310 = arith.mulf %gather3A_308, %gather3A_309 : vector<16xf32>
        %add3A_311 = arith.addf %add3A_271, %mul3A_310 : vector<16xf32>
        %gather3A_312 = tpu.vector_load_idx %arg10[%add3A_120, %and3A_297] : memref<128x64xf32, #tpu.memory_space<vmem>>[vector<16xi32>, vector<16xi32>], vector<16xf32>,
        %gather3A_313 = tpu.vector_load_idx %arg11[%add3A_120, %and3A_297] : memref<128x64xf32, #tpu.memory_space<vmem>>[vector<16xi32>, vector<16xi32>], vector<16xf32>,
        %mul3A_314 = arith.mulf %gather3A_312, %gather3A_313 : vector<16xf32>
        %add3A_315 = arith.addf %add3A_275, %mul3A_314 : vector<16xf32>
        %gather3A_316 = tpu.vector_load_idx %arg10[%add3A_120, %and3A_303] : memref<128x64xf32, #tpu.memory_space<vmem>>[vector<16xi32>, vector<16xi32>], vector<16xf32>,
        %gather3A_317 = tpu.vector_load_idx %arg11[%add3A_120, %and3A_303] : memref<128x64xf32, #tpu.memory_space<vmem>>[vector<16xi32>, vector<16xi32>], vector<16xf32>,
        %mul3A_318 = arith.mulf %gather3A_316, %gather3A_317 : vector<16xf32>
        %add3A_319 = arith.addf %add3A_279, %mul3A_318 : vector<16xf32>
        %add3A_320 = arith.constant 20 : i32
        %add3A_321 = vector.broadcast %add3A_320 : i32 to vector<16xi32>
        %add3A_322 = arith.addi %iota3A, %add3A_321 : vector<16xi32>
        %and3A_323 = arith.constant 63 : i32
        %and3A_324 = vector.broadcast %and3A_323 : i32 to vector<16xi32>
        %and3A_325 = arith.andi %add3A_322, %and3A_324 : vector<16xi32>
        %add3A_326 = arith.constant 21 : i32
        %add3A_327 = vector.broadcast %add3A_326 : i32 to vector<16xi32>
        %add3A_328 = arith.addi %iota3A, %add3A_327 : vector<16xi32>
        %and3A_329 = arith.constant 63 : i32
        %and3A_330 = vector.broadcast %and3A_329 : i32 to vector<16xi32>
        %and3A_331 = arith.andi %add3A_328, %and3A_330 : vector<16xi32>
        %add3A_332 = arith.constant 22 : i32
        %add3A_333 = vector.broadcast %add3A_332 : i32 to vector<16xi32>
        %add3A_334 = arith.addi %iota3A, %add3A_333 : vector<16xi32>
        %and3A_335 = arith.constant 63 : i32
        %and3A_336 = vector.broadcast %and3A_335 : i32 to vector<16xi32>
        %and3A_337 = arith.andi %add3A_334, %and3A_336 : vector<16xi32>
        %add3A_338 = arith.constant 23 : i32
        %add3A_339 = vector.broadcast %add3A_338 : i32 to vector<16xi32>
        %add3A_340 = arith.addi %iota3A, %add3A_339 : vector<16xi32>
        %and3A_341 = arith.constant 63 : i32
        %and3A_342 = vector.broadcast %and3A_341 : i32 to vector<16xi32>
        %and3A_343 = arith.andi %add3A_340, %and3A_342 : vector<16xi32>
        %gather3A_344 = tpu.vector_load_idx %arg10[%add3A_120, %and3A_325] : memref<128x64xf32, #tpu.memory_space<vmem>>[vector<16xi32>, vector<16xi32>], vector<16xf32>,
        %gather3A_345 = tpu.vector_load_idx %arg11[%add3A_120, %and3A_325] : memref<128x64xf32, #tpu.memory_space<vmem>>[vector<16xi32>, vector<16xi32>], vector<16xf32>,
        %mul3A_346 = arith.mulf %gather3A_344, %gather3A_345 : vector<16xf32>
        %add3A_347 = arith.addf %add3A_307, %mul3A_346 : vector<16xf32>
        %gather3A_348 = tpu.vector_load_idx %arg10[%add3A_120, %and3A_331] : memref<128x64xf32, #tpu.memory_space<vmem>>[vector<16xi32>, vector<16xi32>], vector<16xf32>,
        %gather3A_349 = tpu.vector_load_idx %arg11[%add3A_120, %and3A_331] : memref<128x64xf32, #tpu.memory_space<vmem>>[vector<16xi32>, vector<16xi32>], vector<16xf32>,
        %mul3A_350 = arith.mulf %gather3A_348, %gather3A_349 : vector<16xf32>
        %add3A_351 = arith.addf %add3A_311, %mul3A_350 : vector<16xf32>
        %gather3A_352 = tpu.vector_load_idx %arg10[%add3A_120, %and3A_337] : memref<128x64xf32, #tpu.memory_space<vmem>>[vector<16xi32>, vector<16xi32>], vector<16xf32>,
        %gather3A_353 = tpu.vector_load_idx %arg11[%add3A_120, %and3A_337] : memref<128x64xf32, #tpu.memory_space<vmem>>[vector<16xi32>, vector<16xi32>], vector<16xf32>,
        %mul3A_354 = arith.mulf %gather3A_352, %gather3A_353 : vector<16xf32>
        %add3A_355 = arith.addf %add3A_315, %mul3A_354 : vector<16xf32>
        %gather3A_356 = tpu.vector_load_idx %arg10[%add3A_120, %and3A_343] : memref<128x64xf32, #tpu.memory_space<vmem>>[vector<16xi32>, vector<16xi32>], vector<16xf32>,
        %gather3A_357 = tpu.vector_load_idx %arg11[%add3A_120, %and3A_343] : memref<128x64xf32, #tpu.memory_space<vmem>>[vector<16xi32>, vector<16xi32>], vector<16xf32>,
        %mul3A_358 = arith.mulf %gather3A_356, %gather3A_357 : vector<16xf32>
        %add3A_359 = arith.addf %add3A_319, %mul3A_358 : vector<16xf32>
        %add3A_360 = arith.constant 24 : i32
        %add3A_361 = vector.broadcast %add3A_360 : i32 to vector<16xi32>
        %add3A_362 = arith.addi %iota3A, %add3A_361 : vector<16xi32>
        %and3A_363 = arith.constant 63 : i32
        %and3A_364 = vector.broadcast %and3A_363 : i32 to vector<16xi32>
        %and3A_365 = arith.andi %add3A_362, %and3A_364 : vector<16xi32>
        %add3A_366 = arith.constant 25 : i32
        %add3A_367 = vector.broadcast %add3A_366 : i32 to vector<16xi32>
        %add3A_368 = arith.addi %iota3A, %add3A_367 : vector<16xi32>
        %and3A_369 = arith.constant 63 : i32
        %and3A_370 = vector.broadcast %and3A_369 : i32 to vector<16xi32>
        %and3A_371 = arith.andi %add3A_368, %and3A_370 : vector<16xi32>
        %add3A_372 = arith.constant 26 : i32
        %add3A_373 = vector.broadcast %add3A_372 : i32 to vector<16xi32>
        %add3A_374 = arith.addi %iota3A, %add3A_373 : vector<16xi32>
        %and3A_375 = arith.constant 63 : i32
        %and3A_376 = vector.broadcast %and3A_375 : i32 to vector<16xi32>
        %and3A_377 = arith.andi %add3A_374, %and3A_376 : vector<16xi32>
        %add3A_378 = arith.constant 27 : i32
        %add3A_379 = vector.broadcast %add3A_378 : i32 to vector<16xi32>
        %add3A_380 = arith.addi %iota3A, %add3A_379 : vector<16xi32>
        %and3A_381 = arith.constant 63 : i32
        %and3A_382 = vector.broadcast %and3A_381 : i32 to vector<16xi32>
        %and3A_383 = arith.andi %add3A_380, %and3A_382 : vector<16xi32>
        %gather3A_384 = tpu.vector_load_idx %arg10[%add3A_120, %and3A_365] : memref<128x64xf32, #tpu.memory_space<vmem>>[vector<16xi32>, vector<16xi32>], vector<16xf32>,
        %gather3A_385 = tpu.vector_load_idx %arg11[%add3A_120, %and3A_365] : memref<128x64xf32, #tpu.memory_space<vmem>>[vector<16xi32>, vector<16xi32>], vector<16xf32>,
        %mul3A_386 = arith.mulf %gather3A_384, %gather3A_385 : vector<16xf32>
        %add3A_387 = arith.addf %add3A_347, %mul3A_386 : vector<16xf32>
        %gather3A_388 = tpu.vector_load_idx %arg10[%add3A_120, %and3A_371] : memref<128x64xf32, #tpu.memory_space<vmem>>[vector<16xi32>, vector<16xi32>], vector<16xf32>,
        %gather3A_389 = tpu.vector_load_idx %arg11[%add3A_120, %and3A_371] : memref<128x64xf32, #tpu.memory_space<vmem>>[vector<16xi32>, vector<16xi32>], vector<16xf32>,
        %mul3A_390 = arith.mulf %gather3A_388, %gather3A_389 : vector<16xf32>
        %add3A_391 = arith.addf %add3A_351, %mul3A_390 : vector<16xf32>
        %gather3A_392 = tpu.vector_load_idx %arg10[%add3A_120, %and3A_377] : memref<128x64xf32, #tpu.memory_space<vmem>>[vector<16xi32>, vector<16xi32>], vector<16xf32>,
        %gather3A_393 = tpu.vector_load_idx %arg11[%add3A_120, %and3A_377] : memref<128x64xf32, #tpu.memory_space<vmem>>[vector<16xi32>, vector<16xi32>], vector<16xf32>,
        %mul3A_394 = arith.mulf %gather3A_392, %gather3A_393 : vector<16xf32>
        %add3A_395 = arith.addf %add3A_355, %mul3A_394 : vector<16xf32>
        %gather3A_396 = tpu.vector_load_idx %arg10[%add3A_120, %and3A_383] : memref<128x64xf32, #tpu.memory_space<vmem>>[vector<16xi32>, vector<16xi32>], vector<16xf32>,
        %gather3A_397 = tpu.vector_load_idx %arg11[%add3A_120, %and3A_383] : memref<128x64xf32, #tpu.memory_space<vmem>>[vector<16xi32>, vector<16xi32>], vector<16xf32>,
        %mul3A_398 = arith.mulf %gather3A_396, %gather3A_397 : vector<16xf32>
        %add3A_399 = arith.addf %add3A_359, %mul3A_398 : vector<16xf32>
        %add3A_400 = arith.constant 28 : i32
        %add3A_401 = vector.broadcast %add3A_400 : i32 to vector<16xi32>
        %add3A_402 = arith.addi %iota3A, %add3A_401 : vector<16xi32>
        %and3A_403 = arith.constant 63 : i32
        %and3A_404 = vector.broadcast %and3A_403 : i32 to vector<16xi32>
        %and3A_405 = arith.andi %add3A_402, %and3A_404 : vector<16xi32>
        %add3A_406 = arith.constant 29 : i32
        %add3A_407 = vector.broadcast %add3A_406 : i32 to vector<16xi32>
        %add3A_408 = arith.addi %iota3A, %add3A_407 : vector<16xi32>
        %and3A_409 = arith.constant 63 : i32
        %and3A_410 = vector.broadcast %and3A_409 : i32 to vector<16xi32>
        %and3A_411 = arith.andi %add3A_408, %and3A_410 : vector<16xi32>
        %add3A_412 = arith.constant 30 : i32
        %add3A_413 = vector.broadcast %add3A_412 : i32 to vector<16xi32>
        %add3A_414 = arith.addi %iota3A, %add3A_413 : vector<16xi32>
        %and3A_415 = arith.constant 63 : i32
        %and3A_416 = vector.broadcast %and3A_415 : i32 to vector<16xi32>
        %and3A_417 = arith.andi %add3A_414, %and3A_416 : vector<16xi32>
        %add3A_418 = arith.constant 31 : i32
        %add3A_419 = vector.broadcast %add3A_418 : i32 to vector<16xi32>
        %add3A_420 = arith.addi %iota3A, %add3A_419 : vector<16xi32>
        %and3A_421 = arith.constant 63 : i32
        %and3A_422 = vector.broadcast %and3A_421 : i32 to vector<16xi32>
        %and3A_423 = arith.andi %add3A_420, %and3A_422 : vector<16xi32>
        %gather3A_424 = tpu.vector_load_idx %arg10[%add3A_120, %and3A_405] : memref<128x64xf32, #tpu.memory_space<vmem>>[vector<16xi32>, vector<16xi32>], vector<16xf32>,
        %gather3A_425 = tpu.vector_load_idx %arg11[%add3A_120, %and3A_405] : memref<128x64xf32, #tpu.memory_space<vmem>>[vector<16xi32>, vector<16xi32>], vector<16xf32>,
        %mul3A_426 = arith.mulf %gather3A_424, %gather3A_425 : vector<16xf32>
        %add3A_427 = arith.addf %add3A_387, %mul3A_426 : vector<16xf32>
        %gather3A_428 = tpu.vector_load_idx %arg10[%add3A_120, %and3A_411] : memref<128x64xf32, #tpu.memory_space<vmem>>[vector<16xi32>, vector<16xi32>], vector<16xf32>,
        %gather3A_429 = tpu.vector_load_idx %arg11[%add3A_120, %and3A_411] : memref<128x64xf32, #tpu.memory_space<vmem>>[vector<16xi32>, vector<16xi32>], vector<16xf32>,
        %mul3A_430 = arith.mulf %gather3A_428, %gather3A_429 : vector<16xf32>
        %add3A_431 = arith.addf %add3A_391, %mul3A_430 : vector<16xf32>
        %gather3A_432 = tpu.vector_load_idx %arg10[%add3A_120, %and3A_417] : memref<128x64xf32, #tpu.memory_space<vmem>>[vector<16xi32>, vector<16xi32>], vector<16xf32>,
        %gather3A_433 = tpu.vector_load_idx %arg11[%add3A_120, %and3A_417] : memref<128x64xf32, #tpu.memory_space<vmem>>[vector<16xi32>, vector<16xi32>], vector<16xf32>,
        %mul3A_434 = arith.mulf %gather3A_432, %gather3A_433 : vector<16xf32>
        %add3A_435 = arith.addf %add3A_395, %mul3A_434 : vector<16xf32>
        %gather3A_436 = tpu.vector_load_idx %arg10[%add3A_120, %and3A_423] : memref<128x64xf32, #tpu.memory_space<vmem>>[vector<16xi32>, vector<16xi32>], vector<16xf32>,
        %gather3A_437 = tpu.vector_load_idx %arg11[%add3A_120, %and3A_423] : memref<128x64xf32, #tpu.memory_space<vmem>>[vector<16xi32>, vector<16xi32>], vector<16xf32>,
        %mul3A_438 = arith.mulf %gather3A_436, %gather3A_437 : vector<16xf32>
        %add3A_439 = arith.addf %add3A_399, %mul3A_438 : vector<16xf32>
        %add3A_440 = arith.constant 32 : i32
        %add3A_441 = vector.broadcast %add3A_440 : i32 to vector<16xi32>
        %add3A_442 = arith.addi %iota3A, %add3A_441 : vector<16xi32>
        %and3A_443 = arith.constant 63 : i32
        %and3A_444 = vector.broadcast %and3A_443 : i32 to vector<16xi32>
        %and3A_445 = arith.andi %add3A_442, %and3A_444 : vector<16xi32>
        %add3A_446 = arith.constant 33 : i32
        %add3A_447 = vector.broadcast %add3A_446 : i32 to vector<16xi32>
        %add3A_448 = arith.addi %iota3A, %add3A_447 : vector<16xi32>
        %and3A_449 = arith.constant 63 : i32
        %and3A_450 = vector.broadcast %and3A_449 : i32 to vector<16xi32>
        %and3A_451 = arith.andi %add3A_448, %and3A_450 : vector<16xi32>
        %add3A_452 = arith.constant 34 : i32
        %add3A_453 = vector.broadcast %add3A_452 : i32 to vector<16xi32>
        %add3A_454 = arith.addi %iota3A, %add3A_453 : vector<16xi32>
        %and3A_455 = arith.constant 63 : i32
        %and3A_456 = vector.broadcast %and3A_455 : i32 to vector<16xi32>
        %and3A_457 = arith.andi %add3A_454, %and3A_456 : vector<16xi32>
        %add3A_458 = arith.constant 35 : i32
        %add3A_459 = vector.broadcast %add3A_458 : i32 to vector<16xi32>
        %add3A_460 = arith.addi %iota3A, %add3A_459 : vector<16xi32>
        %and3A_461 = arith.constant 63 : i32
        %and3A_462 = vector.broadcast %and3A_461 : i32 to vector<16xi32>
        %and3A_463 = arith.andi %add3A_460, %and3A_462 : vector<16xi32>
        %gather3A_464 = tpu.vector_load_idx %arg10[%add3A_120, %and3A_445] : memref<128x64xf32, #tpu.memory_space<vmem>>[vector<16xi32>, vector<16xi32>], vector<16xf32>,
        %gather3A_465 = tpu.vector_load_idx %arg11[%add3A_120, %and3A_445] : memref<128x64xf32, #tpu.memory_space<vmem>>[vector<16xi32>, vector<16xi32>], vector<16xf32>,
        %mul3A_466 = arith.mulf %gather3A_464, %gather3A_465 : vector<16xf32>
        %add3A_467 = arith.addf %add3A_427, %mul3A_466 : vector<16xf32>
        %gather3A_468 = tpu.vector_load_idx %arg10[%add3A_120, %and3A_451] : memref<128x64xf32, #tpu.memory_space<vmem>>[vector<16xi32>, vector<16xi32>], vector<16xf32>,
        %gather3A_469 = tpu.vector_load_idx %arg11[%add3A_120, %and3A_451] : memref<128x64xf32, #tpu.memory_space<vmem>>[vector<16xi32>, vector<16xi32>], vector<16xf32>,
        %mul3A_470 = arith.mulf %gather3A_468, %gather3A_469 : vector<16xf32>
        %add3A_471 = arith.addf %add3A_431, %mul3A_470 : vector<16xf32>
        %gather3A_472 = tpu.vector_load_idx %arg10[%add3A_120, %and3A_457] : memref<128x64xf32, #tpu.memory_space<vmem>>[vector<16xi32>, vector<16xi32>], vector<16xf32>,
        %gather3A_473 = tpu.vector_load_idx %arg11[%add3A_120, %and3A_457] : memref<128x64xf32, #tpu.memory_space<vmem>>[vector<16xi32>, vector<16xi32>], vector<16xf32>,
        %mul3A_474 = arith.mulf %gather3A_472, %gather3A_473 : vector<16xf32>
        %add3A_475 = arith.addf %add3A_435, %mul3A_474 : vector<16xf32>
        %gather3A_476 = tpu.vector_load_idx %arg10[%add3A_120, %and3A_463] : memref<128x64xf32, #tpu.memory_space<vmem>>[vector<16xi32>, vector<16xi32>], vector<16xf32>,
        %gather3A_477 = tpu.vector_load_idx %arg11[%add3A_120, %and3A_463] : memref<128x64xf32, #tpu.memory_space<vmem>>[vector<16xi32>, vector<16xi32>], vector<16xf32>,
        %mul3A_478 = arith.mulf %gather3A_476, %gather3A_477 : vector<16xf32>
        %add3A_479 = arith.addf %add3A_439, %mul3A_478 : vector<16xf32>
        %add3A_480 = arith.constant 36 : i32
        %add3A_481 = vector.broadcast %add3A_480 : i32 to vector<16xi32>
        %add3A_482 = arith.addi %iota3A, %add3A_481 : vector<16xi32>
        %and3A_483 = arith.constant 63 : i32
        %and3A_484 = vector.broadcast %and3A_483 : i32 to vector<16xi32>
        %and3A_485 = arith.andi %add3A_482, %and3A_484 : vector<16xi32>
        %add3A_486 = arith.constant 37 : i32
        %add3A_487 = vector.broadcast %add3A_486 : i32 to vector<16xi32>
        %add3A_488 = arith.addi %iota3A, %add3A_487 : vector<16xi32>
        %and3A_489 = arith.constant 63 : i32
        %and3A_490 = vector.broadcast %and3A_489 : i32 to vector<16xi32>
        %and3A_491 = arith.andi %add3A_488, %and3A_490 : vector<16xi32>
        %add3A_492 = arith.constant 38 : i32
        %add3A_493 = vector.broadcast %add3A_492 : i32 to vector<16xi32>
        %add3A_494 = arith.addi %iota3A, %add3A_493 : vector<16xi32>
        %and3A_495 = arith.constant 63 : i32
        %and3A_496 = vector.broadcast %and3A_495 : i32 to vector<16xi32>
        %and3A_497 = arith.andi %add3A_494, %and3A_496 : vector<16xi32>
        %add3A_498 = arith.constant 39 : i32
        %add3A_499 = vector.broadcast %add3A_498 : i32 to vector<16xi32>
        %add3A_500 = arith.addi %iota3A, %add3A_499 : vector<16xi32>
        %and3A_501 = arith.constant 63 : i32
        %and3A_502 = vector.broadcast %and3A_501 : i32 to vector<16xi32>
        %and3A_503 = arith.andi %add3A_500, %and3A_502 : vector<16xi32>
        %gather3A_504 = tpu.vector_load_idx %arg10[%add3A_120, %and3A_485] : memref<128x64xf32, #tpu.memory_space<vmem>>[vector<16xi32>, vector<16xi32>], vector<16xf32>,
        %gather3A_505 = tpu.vector_load_idx %arg11[%add3A_120, %and3A_485] : memref<128x64xf32, #tpu.memory_space<vmem>>[vector<16xi32>, vector<16xi32>], vector<16xf32>,
        %mul3A_506 = arith.mulf %gather3A_504, %gather3A_505 : vector<16xf32>
        %add3A_507 = arith.addf %add3A_467, %mul3A_506 : vector<16xf32>
        %gather3A_508 = tpu.vector_load_idx %arg10[%add3A_120, %and3A_491] : memref<128x64xf32, #tpu.memory_space<vmem>>[vector<16xi32>, vector<16xi32>], vector<16xf32>,
        %gather3A_509 = tpu.vector_load_idx %arg11[%add3A_120, %and3A_491] : memref<128x64xf32, #tpu.memory_space<vmem>>[vector<16xi32>, vector<16xi32>], vector<16xf32>,
        %mul3A_510 = arith.mulf %gather3A_508, %gather3A_509 : vector<16xf32>
        %add3A_511 = arith.addf %add3A_471, %mul3A_510 : vector<16xf32>
        %gather3A_512 = tpu.vector_load_idx %arg10[%add3A_120, %and3A_497] : memref<128x64xf32, #tpu.memory_space<vmem>>[vector<16xi32>, vector<16xi32>], vector<16xf32>,
        %gather3A_513 = tpu.vector_load_idx %arg11[%add3A_120, %and3A_497] : memref<128x64xf32, #tpu.memory_space<vmem>>[vector<16xi32>, vector<16xi32>], vector<16xf32>,
        %mul3A_514 = arith.mulf %gather3A_512, %gather3A_513 : vector<16xf32>
        %add3A_515 = arith.addf %add3A_475, %mul3A_514 : vector<16xf32>
        %gather3A_516 = tpu.vector_load_idx %arg10[%add3A_120, %and3A_503] : memref<128x64xf32, #tpu.memory_space<vmem>>[vector<16xi32>, vector<16xi32>], vector<16xf32>,
        %gather3A_517 = tpu.vector_load_idx %arg11[%add3A_120, %and3A_503] : memref<128x64xf32, #tpu.memory_space<vmem>>[vector<16xi32>, vector<16xi32>], vector<16xf32>,
        %mul3A_518 = arith.mulf %gather3A_516, %gather3A_517 : vector<16xf32>
        %add3A_519 = arith.addf %add3A_479, %mul3A_518 : vector<16xf32>
        %add3A_520 = arith.constant 40 : i32
        %add3A_521 = vector.broadcast %add3A_520 : i32 to vector<16xi32>
        %add3A_522 = arith.addi %iota3A, %add3A_521 : vector<16xi32>
        %and3A_523 = arith.constant 63 : i32
        %and3A_524 = vector.broadcast %and3A_523 : i32 to vector<16xi32>
        %and3A_525 = arith.andi %add3A_522, %and3A_524 : vector<16xi32>
        %add3A_526 = arith.constant 41 : i32
        %add3A_527 = vector.broadcast %add3A_526 : i32 to vector<16xi32>
        %add3A_528 = arith.addi %iota3A, %add3A_527 : vector<16xi32>
        %and3A_529 = arith.constant 63 : i32
        %and3A_530 = vector.broadcast %and3A_529 : i32 to vector<16xi32>
        %and3A_531 = arith.andi %add3A_528, %and3A_530 : vector<16xi32>
        %add3A_532 = arith.constant 42 : i32
        %add3A_533 = vector.broadcast %add3A_532 : i32 to vector<16xi32>
        %add3A_534 = arith.addi %iota3A, %add3A_533 : vector<16xi32>
        %and3A_535 = arith.constant 63 : i32
        %and3A_536 = vector.broadcast %and3A_535 : i32 to vector<16xi32>
        %and3A_537 = arith.andi %add3A_534, %and3A_536 : vector<16xi32>
        %add3A_538 = arith.constant 43 : i32
        %add3A_539 = vector.broadcast %add3A_538 : i32 to vector<16xi32>
        %add3A_540 = arith.addi %iota3A, %add3A_539 : vector<16xi32>
        %and3A_541 = arith.constant 63 : i32
        %and3A_542 = vector.broadcast %and3A_541 : i32 to vector<16xi32>
        %and3A_543 = arith.andi %add3A_540, %and3A_542 : vector<16xi32>
        %gather3A_544 = tpu.vector_load_idx %arg10[%add3A_120, %and3A_525] : memref<128x64xf32, #tpu.memory_space<vmem>>[vector<16xi32>, vector<16xi32>], vector<16xf32>,
        %gather3A_545 = tpu.vector_load_idx %arg11[%add3A_120, %and3A_525] : memref<128x64xf32, #tpu.memory_space<vmem>>[vector<16xi32>, vector<16xi32>], vector<16xf32>,
        %mul3A_546 = arith.mulf %gather3A_544, %gather3A_545 : vector<16xf32>
        %add3A_547 = arith.addf %add3A_507, %mul3A_546 : vector<16xf32>
        %gather3A_548 = tpu.vector_load_idx %arg10[%add3A_120, %and3A_531] : memref<128x64xf32, #tpu.memory_space<vmem>>[vector<16xi32>, vector<16xi32>], vector<16xf32>,
        %gather3A_549 = tpu.vector_load_idx %arg11[%add3A_120, %and3A_531] : memref<128x64xf32, #tpu.memory_space<vmem>>[vector<16xi32>, vector<16xi32>], vector<16xf32>,
        %mul3A_550 = arith.mulf %gather3A_548, %gather3A_549 : vector<16xf32>
        %add3A_551 = arith.addf %add3A_511, %mul3A_550 : vector<16xf32>
        %gather3A_552 = tpu.vector_load_idx %arg10[%add3A_120, %and3A_537] : memref<128x64xf32, #tpu.memory_space<vmem>>[vector<16xi32>, vector<16xi32>], vector<16xf32>,
        %gather3A_553 = tpu.vector_load_idx %arg11[%add3A_120, %and3A_537] : memref<128x64xf32, #tpu.memory_space<vmem>>[vector<16xi32>, vector<16xi32>], vector<16xf32>,
        %mul3A_554 = arith.mulf %gather3A_552, %gather3A_553 : vector<16xf32>
        %add3A_555 = arith.addf %add3A_515, %mul3A_554 : vector<16xf32>
        %gather3A_556 = tpu.vector_load_idx %arg10[%add3A_120, %and3A_543] : memref<128x64xf32, #tpu.memory_space<vmem>>[vector<16xi32>, vector<16xi32>], vector<16xf32>,
        %gather3A_557 = tpu.vector_load_idx %arg11[%add3A_120, %and3A_543] : memref<128x64xf32, #tpu.memory_space<vmem>>[vector<16xi32>, vector<16xi32>], vector<16xf32>,
        %mul3A_558 = arith.mulf %gather3A_556, %gather3A_557 : vector<16xf32>
        %add3A_559 = arith.addf %add3A_519, %mul3A_558 : vector<16xf32>
        %add3A_560 = arith.constant 44 : i32
        %add3A_561 = vector.broadcast %add3A_560 : i32 to vector<16xi32>
        %add3A_562 = arith.addi %iota3A, %add3A_561 : vector<16xi32>
        %and3A_563 = arith.constant 63 : i32
        %and3A_564 = vector.broadcast %and3A_563 : i32 to vector<16xi32>
        %and3A_565 = arith.andi %add3A_562, %and3A_564 : vector<16xi32>
        %add3A_566 = arith.constant 45 : i32
        %add3A_567 = vector.broadcast %add3A_566 : i32 to vector<16xi32>
        %add3A_568 = arith.addi %iota3A, %add3A_567 : vector<16xi32>
        %and3A_569 = arith.constant 63 : i32
        %and3A_570 = vector.broadcast %and3A_569 : i32 to vector<16xi32>
        %and3A_571 = arith.andi %add3A_568, %and3A_570 : vector<16xi32>
        %add3A_572 = arith.constant 46 : i32
        %add3A_573 = vector.broadcast %add3A_572 : i32 to vector<16xi32>
        %add3A_574 = arith.addi %iota3A, %add3A_573 : vector<16xi32>
        %and3A_575 = arith.constant 63 : i32
        %and3A_576 = vector.broadcast %and3A_575 : i32 to vector<16xi32>
        %and3A_577 = arith.andi %add3A_574, %and3A_576 : vector<16xi32>
        %add3A_578 = arith.constant 47 : i32
        %add3A_579 = vector.broadcast %add3A_578 : i32 to vector<16xi32>
        %add3A_580 = arith.addi %iota3A, %add3A_579 : vector<16xi32>
        %and3A_581 = arith.constant 63 : i32
        %and3A_582 = vector.broadcast %and3A_581 : i32 to vector<16xi32>
        %and3A_583 = arith.andi %add3A_580, %and3A_582 : vector<16xi32>
        %gather3A_584 = tpu.vector_load_idx %arg10[%add3A_120, %and3A_565] : memref<128x64xf32, #tpu.memory_space<vmem>>[vector<16xi32>, vector<16xi32>], vector<16xf32>,
        %gather3A_585 = tpu.vector_load_idx %arg11[%add3A_120, %and3A_565] : memref<128x64xf32, #tpu.memory_space<vmem>>[vector<16xi32>, vector<16xi32>], vector<16xf32>,
        %mul3A_586 = arith.mulf %gather3A_584, %gather3A_585 : vector<16xf32>
        %add3A_587 = arith.addf %add3A_547, %mul3A_586 : vector<16xf32>
        %gather3A_588 = tpu.vector_load_idx %arg10[%add3A_120, %and3A_571] : memref<128x64xf32, #tpu.memory_space<vmem>>[vector<16xi32>, vector<16xi32>], vector<16xf32>,
        %gather3A_589 = tpu.vector_load_idx %arg11[%add3A_120, %and3A_571] : memref<128x64xf32, #tpu.memory_space<vmem>>[vector<16xi32>, vector<16xi32>], vector<16xf32>,
        %mul3A_590 = arith.mulf %gather3A_588, %gather3A_589 : vector<16xf32>
        %add3A_591 = arith.addf %add3A_551, %mul3A_590 : vector<16xf32>
        %gather3A_592 = tpu.vector_load_idx %arg10[%add3A_120, %and3A_577] : memref<128x64xf32, #tpu.memory_space<vmem>>[vector<16xi32>, vector<16xi32>], vector<16xf32>,
        %gather3A_593 = tpu.vector_load_idx %arg11[%add3A_120, %and3A_577] : memref<128x64xf32, #tpu.memory_space<vmem>>[vector<16xi32>, vector<16xi32>], vector<16xf32>,
        %mul3A_594 = arith.mulf %gather3A_592, %gather3A_593 : vector<16xf32>
        %add3A_595 = arith.addf %add3A_555, %mul3A_594 : vector<16xf32>
        %gather3A_596 = tpu.vector_load_idx %arg10[%add3A_120, %and3A_583] : memref<128x64xf32, #tpu.memory_space<vmem>>[vector<16xi32>, vector<16xi32>], vector<16xf32>,
        %gather3A_597 = tpu.vector_load_idx %arg11[%add3A_120, %and3A_583] : memref<128x64xf32, #tpu.memory_space<vmem>>[vector<16xi32>, vector<16xi32>], vector<16xf32>,
        %mul3A_598 = arith.mulf %gather3A_596, %gather3A_597 : vector<16xf32>
        %add3A_599 = arith.addf %add3A_559, %mul3A_598 : vector<16xf32>
        %add3A_600 = arith.constant 48 : i32
        %add3A_601 = vector.broadcast %add3A_600 : i32 to vector<16xi32>
        %add3A_602 = arith.addi %iota3A, %add3A_601 : vector<16xi32>
        %and3A_603 = arith.constant 63 : i32
        %and3A_604 = vector.broadcast %and3A_603 : i32 to vector<16xi32>
        %and3A_605 = arith.andi %add3A_602, %and3A_604 : vector<16xi32>
        %add3A_606 = arith.constant 49 : i32
        %add3A_607 = vector.broadcast %add3A_606 : i32 to vector<16xi32>
        %add3A_608 = arith.addi %iota3A, %add3A_607 : vector<16xi32>
        %and3A_609 = arith.constant 63 : i32
        %and3A_610 = vector.broadcast %and3A_609 : i32 to vector<16xi32>
        %and3A_611 = arith.andi %add3A_608, %and3A_610 : vector<16xi32>
        %add3A_612 = arith.constant 50 : i32
        %add3A_613 = vector.broadcast %add3A_612 : i32 to vector<16xi32>
        %add3A_614 = arith.addi %iota3A, %add3A_613 : vector<16xi32>
        %and3A_615 = arith.constant 63 : i32
        %and3A_616 = vector.broadcast %and3A_615 : i32 to vector<16xi32>
        %and3A_617 = arith.andi %add3A_614, %and3A_616 : vector<16xi32>
        %add3A_618 = arith.constant 51 : i32
        %add3A_619 = vector.broadcast %add3A_618 : i32 to vector<16xi32>
        %add3A_620 = arith.addi %iota3A, %add3A_619 : vector<16xi32>
        %and3A_621 = arith.constant 63 : i32
        %and3A_622 = vector.broadcast %and3A_621 : i32 to vector<16xi32>
        %and3A_623 = arith.andi %add3A_620, %and3A_622 : vector<16xi32>
        %gather3A_624 = tpu.vector_load_idx %arg10[%add3A_120, %and3A_605] : memref<128x64xf32, #tpu.memory_space<vmem>>[vector<16xi32>, vector<16xi32>], vector<16xf32>,
        %gather3A_625 = tpu.vector_load_idx %arg11[%add3A_120, %and3A_605] : memref<128x64xf32, #tpu.memory_space<vmem>>[vector<16xi32>, vector<16xi32>], vector<16xf32>,
        %mul3A_626 = arith.mulf %gather3A_624, %gather3A_625 : vector<16xf32>
        %add3A_627 = arith.addf %add3A_587, %mul3A_626 : vector<16xf32>
        %gather3A_628 = tpu.vector_load_idx %arg10[%add3A_120, %and3A_611] : memref<128x64xf32, #tpu.memory_space<vmem>>[vector<16xi32>, vector<16xi32>], vector<16xf32>,
        %gather3A_629 = tpu.vector_load_idx %arg11[%add3A_120, %and3A_611] : memref<128x64xf32, #tpu.memory_space<vmem>>[vector<16xi32>, vector<16xi32>], vector<16xf32>,
        %mul3A_630 = arith.mulf %gather3A_628, %gather3A_629 : vector<16xf32>
        %add3A_631 = arith.addf %add3A_591, %mul3A_630 : vector<16xf32>
        %gather3A_632 = tpu.vector_load_idx %arg10[%add3A_120, %and3A_617] : memref<128x64xf32, #tpu.memory_space<vmem>>[vector<16xi32>, vector<16xi32>], vector<16xf32>,
        %gather3A_633 = tpu.vector_load_idx %arg11[%add3A_120, %and3A_617] : memref<128x64xf32, #tpu.memory_space<vmem>>[vector<16xi32>, vector<16xi32>], vector<16xf32>,
        %mul3A_634 = arith.mulf %gather3A_632, %gather3A_633 : vector<16xf32>
        %add3A_635 = arith.addf %add3A_595, %mul3A_634 : vector<16xf32>
        %gather3A_636 = tpu.vector_load_idx %arg10[%add3A_120, %and3A_623] : memref<128x64xf32, #tpu.memory_space<vmem>>[vector<16xi32>, vector<16xi32>], vector<16xf32>,
        %gather3A_637 = tpu.vector_load_idx %arg11[%add3A_120, %and3A_623] : memref<128x64xf32, #tpu.memory_space<vmem>>[vector<16xi32>, vector<16xi32>], vector<16xf32>,
        %mul3A_638 = arith.mulf %gather3A_636, %gather3A_637 : vector<16xf32>
        %add3A_639 = arith.addf %add3A_599, %mul3A_638 : vector<16xf32>
        %add3A_640 = arith.constant 52 : i32
        %add3A_641 = vector.broadcast %add3A_640 : i32 to vector<16xi32>
        %add3A_642 = arith.addi %iota3A, %add3A_641 : vector<16xi32>
        %and3A_643 = arith.constant 63 : i32
        %and3A_644 = vector.broadcast %and3A_643 : i32 to vector<16xi32>
        %and3A_645 = arith.andi %add3A_642, %and3A_644 : vector<16xi32>
        %add3A_646 = arith.constant 53 : i32
        %add3A_647 = vector.broadcast %add3A_646 : i32 to vector<16xi32>
        %add3A_648 = arith.addi %iota3A, %add3A_647 : vector<16xi32>
        %and3A_649 = arith.constant 63 : i32
        %and3A_650 = vector.broadcast %and3A_649 : i32 to vector<16xi32>
        %and3A_651 = arith.andi %add3A_648, %and3A_650 : vector<16xi32>
        %add3A_652 = arith.constant 54 : i32
        %add3A_653 = vector.broadcast %add3A_652 : i32 to vector<16xi32>
        %add3A_654 = arith.addi %iota3A, %add3A_653 : vector<16xi32>
        %and3A_655 = arith.constant 63 : i32
        %and3A_656 = vector.broadcast %and3A_655 : i32 to vector<16xi32>
        %and3A_657 = arith.andi %add3A_654, %and3A_656 : vector<16xi32>
        %add3A_658 = arith.constant 55 : i32
        %add3A_659 = vector.broadcast %add3A_658 : i32 to vector<16xi32>
        %add3A_660 = arith.addi %iota3A, %add3A_659 : vector<16xi32>
        %and3A_661 = arith.constant 63 : i32
        %and3A_662 = vector.broadcast %and3A_661 : i32 to vector<16xi32>
        %and3A_663 = arith.andi %add3A_660, %and3A_662 : vector<16xi32>
        %gather3A_664 = tpu.vector_load_idx %arg10[%add3A_120, %and3A_645] : memref<128x64xf32, #tpu.memory_space<vmem>>[vector<16xi32>, vector<16xi32>], vector<16xf32>,
        %gather3A_665 = tpu.vector_load_idx %arg11[%add3A_120, %and3A_645] : memref<128x64xf32, #tpu.memory_space<vmem>>[vector<16xi32>, vector<16xi32>], vector<16xf32>,
        %mul3A_666 = arith.mulf %gather3A_664, %gather3A_665 : vector<16xf32>
        %add3A_667 = arith.addf %add3A_627, %mul3A_666 : vector<16xf32>
        %gather3A_668 = tpu.vector_load_idx %arg10[%add3A_120, %and3A_651] : memref<128x64xf32, #tpu.memory_space<vmem>>[vector<16xi32>, vector<16xi32>], vector<16xf32>,
        %gather3A_669 = tpu.vector_load_idx %arg11[%add3A_120, %and3A_651] : memref<128x64xf32, #tpu.memory_space<vmem>>[vector<16xi32>, vector<16xi32>], vector<16xf32>,
        %mul3A_670 = arith.mulf %gather3A_668, %gather3A_669 : vector<16xf32>
        %add3A_671 = arith.addf %add3A_631, %mul3A_670 : vector<16xf32>
        %gather3A_672 = tpu.vector_load_idx %arg10[%add3A_120, %and3A_657] : memref<128x64xf32, #tpu.memory_space<vmem>>[vector<16xi32>, vector<16xi32>], vector<16xf32>,
        %gather3A_673 = tpu.vector_load_idx %arg11[%add3A_120, %and3A_657] : memref<128x64xf32, #tpu.memory_space<vmem>>[vector<16xi32>, vector<16xi32>], vector<16xf32>,
        %mul3A_674 = arith.mulf %gather3A_672, %gather3A_673 : vector<16xf32>
        %add3A_675 = arith.addf %add3A_635, %mul3A_674 : vector<16xf32>
        %gather3A_676 = tpu.vector_load_idx %arg10[%add3A_120, %and3A_663] : memref<128x64xf32, #tpu.memory_space<vmem>>[vector<16xi32>, vector<16xi32>], vector<16xf32>,
        %gather3A_677 = tpu.vector_load_idx %arg11[%add3A_120, %and3A_663] : memref<128x64xf32, #tpu.memory_space<vmem>>[vector<16xi32>, vector<16xi32>], vector<16xf32>,
        %mul3A_678 = arith.mulf %gather3A_676, %gather3A_677 : vector<16xf32>
        %add3A_679 = arith.addf %add3A_639, %mul3A_678 : vector<16xf32>
        %add3A_680 = arith.constant 56 : i32
        %add3A_681 = vector.broadcast %add3A_680 : i32 to vector<16xi32>
        %add3A_682 = arith.addi %iota3A, %add3A_681 : vector<16xi32>
        %and3A_683 = arith.constant 63 : i32
        %and3A_684 = vector.broadcast %and3A_683 : i32 to vector<16xi32>
        %and3A_685 = arith.andi %add3A_682, %and3A_684 : vector<16xi32>
        %add3A_686 = arith.constant 57 : i32
        %add3A_687 = vector.broadcast %add3A_686 : i32 to vector<16xi32>
        %add3A_688 = arith.addi %iota3A, %add3A_687 : vector<16xi32>
        %and3A_689 = arith.constant 63 : i32
        %and3A_690 = vector.broadcast %and3A_689 : i32 to vector<16xi32>
        %and3A_691 = arith.andi %add3A_688, %and3A_690 : vector<16xi32>
        %add3A_692 = arith.constant 58 : i32
        %add3A_693 = vector.broadcast %add3A_692 : i32 to vector<16xi32>
        %add3A_694 = arith.addi %iota3A, %add3A_693 : vector<16xi32>
        %and3A_695 = arith.constant 63 : i32
        %and3A_696 = vector.broadcast %and3A_695 : i32 to vector<16xi32>
        %and3A_697 = arith.andi %add3A_694, %and3A_696 : vector<16xi32>
        %add3A_698 = arith.constant 59 : i32
        %add3A_699 = vector.broadcast %add3A_698 : i32 to vector<16xi32>
        %add3A_700 = arith.addi %iota3A, %add3A_699 : vector<16xi32>
        %and3A_701 = arith.constant 63 : i32
        %and3A_702 = vector.broadcast %and3A_701 : i32 to vector<16xi32>
        %and3A_703 = arith.andi %add3A_700, %and3A_702 : vector<16xi32>
        %gather3A_704 = tpu.vector_load_idx %arg10[%add3A_120, %and3A_685] : memref<128x64xf32, #tpu.memory_space<vmem>>[vector<16xi32>, vector<16xi32>], vector<16xf32>,
        %gather3A_705 = tpu.vector_load_idx %arg11[%add3A_120, %and3A_685] : memref<128x64xf32, #tpu.memory_space<vmem>>[vector<16xi32>, vector<16xi32>], vector<16xf32>,
        %mul3A_706 = arith.mulf %gather3A_704, %gather3A_705 : vector<16xf32>
        %add3A_707 = arith.addf %add3A_667, %mul3A_706 : vector<16xf32>
        %gather3A_708 = tpu.vector_load_idx %arg10[%add3A_120, %and3A_691] : memref<128x64xf32, #tpu.memory_space<vmem>>[vector<16xi32>, vector<16xi32>], vector<16xf32>,
        %gather3A_709 = tpu.vector_load_idx %arg11[%add3A_120, %and3A_691] : memref<128x64xf32, #tpu.memory_space<vmem>>[vector<16xi32>, vector<16xi32>], vector<16xf32>,
        %mul3A_710 = arith.mulf %gather3A_708, %gather3A_709 : vector<16xf32>
        %add3A_711 = arith.addf %add3A_671, %mul3A_710 : vector<16xf32>
        %gather3A_712 = tpu.vector_load_idx %arg10[%add3A_120, %and3A_697] : memref<128x64xf32, #tpu.memory_space<vmem>>[vector<16xi32>, vector<16xi32>], vector<16xf32>,
        %gather3A_713 = tpu.vector_load_idx %arg11[%add3A_120, %and3A_697] : memref<128x64xf32, #tpu.memory_space<vmem>>[vector<16xi32>, vector<16xi32>], vector<16xf32>,
        %mul3A_714 = arith.mulf %gather3A_712, %gather3A_713 : vector<16xf32>
        %add3A_715 = arith.addf %add3A_675, %mul3A_714 : vector<16xf32>
        %gather3A_716 = tpu.vector_load_idx %arg10[%add3A_120, %and3A_703] : memref<128x64xf32, #tpu.memory_space<vmem>>[vector<16xi32>, vector<16xi32>], vector<16xf32>,
        %gather3A_717 = tpu.vector_load_idx %arg11[%add3A_120, %and3A_703] : memref<128x64xf32, #tpu.memory_space<vmem>>[vector<16xi32>, vector<16xi32>], vector<16xf32>,
        %mul3A_718 = arith.mulf %gather3A_716, %gather3A_717 : vector<16xf32>
        %add3A_719 = arith.addf %add3A_679, %mul3A_718 : vector<16xf32>
        %add3A_720 = arith.constant 60 : i32
        %add3A_721 = vector.broadcast %add3A_720 : i32 to vector<16xi32>
        %add3A_722 = arith.addi %iota3A, %add3A_721 : vector<16xi32>
        %and3A_723 = arith.constant 63 : i32
        %and3A_724 = vector.broadcast %and3A_723 : i32 to vector<16xi32>
        %and3A_725 = arith.andi %add3A_722, %and3A_724 : vector<16xi32>
        %add3A_726 = arith.constant 61 : i32
        %add3A_727 = vector.broadcast %add3A_726 : i32 to vector<16xi32>
        %add3A_728 = arith.addi %iota3A, %add3A_727 : vector<16xi32>
        %and3A_729 = arith.constant 63 : i32
        %and3A_730 = vector.broadcast %and3A_729 : i32 to vector<16xi32>
        %and3A_731 = arith.andi %add3A_728, %and3A_730 : vector<16xi32>
        %add3A_732 = arith.constant 62 : i32
        %add3A_733 = vector.broadcast %add3A_732 : i32 to vector<16xi32>
        %add3A_734 = arith.addi %iota3A, %add3A_733 : vector<16xi32>
        %and3A_735 = arith.constant 63 : i32
        %and3A_736 = vector.broadcast %and3A_735 : i32 to vector<16xi32>
        %and3A_737 = arith.andi %add3A_734, %and3A_736 : vector<16xi32>
        %add3A_738 = arith.constant 63 : i32
        %add3A_739 = vector.broadcast %add3A_738 : i32 to vector<16xi32>
        %add3A_740 = arith.addi %iota3A, %add3A_739 : vector<16xi32>
        %and3A_741 = arith.constant 63 : i32
        %and3A_742 = vector.broadcast %and3A_741 : i32 to vector<16xi32>
        %and3A_743 = arith.andi %add3A_740, %and3A_742 : vector<16xi32>
        %gather3A_744 = tpu.vector_load_idx %arg10[%add3A_120, %and3A_725] : memref<128x64xf32, #tpu.memory_space<vmem>>[vector<16xi32>, vector<16xi32>], vector<16xf32>,
        %gather3A_745 = tpu.vector_load_idx %arg11[%add3A_120, %and3A_725] : memref<128x64xf32, #tpu.memory_space<vmem>>[vector<16xi32>, vector<16xi32>], vector<16xf32>,
        %mul3A_746 = arith.mulf %gather3A_744, %gather3A_745 : vector<16xf32>
        %add3A_747 = arith.addf %add3A_707, %mul3A_746 : vector<16xf32>
        %gather3A_748 = tpu.vector_load_idx %arg10[%add3A_120, %and3A_731] : memref<128x64xf32, #tpu.memory_space<vmem>>[vector<16xi32>, vector<16xi32>], vector<16xf32>,
        %gather3A_749 = tpu.vector_load_idx %arg11[%add3A_120, %and3A_731] : memref<128x64xf32, #tpu.memory_space<vmem>>[vector<16xi32>, vector<16xi32>], vector<16xf32>,
        %mul3A_750 = arith.mulf %gather3A_748, %gather3A_749 : vector<16xf32>
        %add3A_751 = arith.addf %add3A_711, %mul3A_750 : vector<16xf32>
        %gather3A_752 = tpu.vector_load_idx %arg10[%add3A_120, %and3A_737] : memref<128x64xf32, #tpu.memory_space<vmem>>[vector<16xi32>, vector<16xi32>], vector<16xf32>,
        %gather3A_753 = tpu.vector_load_idx %arg11[%add3A_120, %and3A_737] : memref<128x64xf32, #tpu.memory_space<vmem>>[vector<16xi32>, vector<16xi32>], vector<16xf32>,
        %mul3A_754 = arith.mulf %gather3A_752, %gather3A_753 : vector<16xf32>
        %add3A_755 = arith.addf %add3A_715, %mul3A_754 : vector<16xf32>
        %gather3A_756 = tpu.vector_load_idx %arg10[%add3A_120, %and3A_743] : memref<128x64xf32, #tpu.memory_space<vmem>>[vector<16xi32>, vector<16xi32>], vector<16xf32>,
        %gather3A_757 = tpu.vector_load_idx %arg11[%add3A_120, %and3A_743] : memref<128x64xf32, #tpu.memory_space<vmem>>[vector<16xi32>, vector<16xi32>], vector<16xf32>,
        %mul3A_758 = arith.mulf %gather3A_756, %gather3A_757 : vector<16xf32>
        %add3A_759 = arith.addf %add3A_719, %mul3A_758 : vector<16xf32>
        %add3A_760 = arith.addf %add3A_747, %add3A_751 : vector<16xf32>
        %add3A_761 = arith.addf %add3A_755, %add3A_759 : vector<16xf32>
        %add3A_762 = arith.addf %add3A_760, %add3A_761 : vector<16xf32>
        %mul3A_763 = arith.constant 16 : i32
        %mul3A_764 = arith.muli %scan3A_116, %mul3A_763 : i32
        %swap3A = arith.index_cast %mul3A_764 : i32 to index
        %swap3A_765 = tpu.vector_load %arg13[%swap3A] {strides = array<i32>} : memref<128xf32, #tpu.memory_space<vmem>>, vector<16xf32>,
        tpu.vector_store %arg13[%swap3A], %add3A_762 {strides = array<i32>} : memref<128xf32, #tpu.memory_space<vmem>>, vector<16xf32>,
      }
      %scan3A_107 = arith.constant 8 : i32
      %add3A_108 = arith.constant 1 : i32
      %add3A_109 = arith.addi %mul3A_34, %add3A_108 : i32
      %mul3A_110 = arith.constant 128 : i32
      %mul3A_111 = arith.muli %add3A_109, %mul3A_110 : i32
      %dma_start3A_112 = tpu.memref_slice %arg5[%add3A, %mul3A_111] : memref<32x20224xf32, #tpu.memory_space<hbm>> -> memref<1x128xf32, #tpu.memory_space<hbm>>
      %dma_start3A_113 = tpu.memref_squeeze %dma_start3A_112 : memref<1x128xf32, #tpu.memory_space<hbm>> -> memref<128xf32, #tpu.memory_space<hbm>>
      %dma_start3A_114 = tpu.memref_slice %arg5[%add3A, %mul3A_111] : memref<32x20224xf32, #tpu.memory_space<hbm>> -> memref<1x128xf32, #tpu.memory_space<hbm>>
      %dma_start3A_115 = tpu.memref_squeeze %dma_start3A_114 : memref<1x128xf32, #tpu.memory_space<hbm>> -> memref<128xf32, #tpu.memory_space<hbm>>
      tpu.enqueue_dma source(%arg13 : memref<128xf32, #tpu.memory_space<vmem>>) target(%dma_start3A_115 : memref<128xf32, #tpu.memory_space<hbm>>) target_semaphore(%arg18 : memref<!tpu.dma_semaphore, #tpu.memory_space<semaphore_mem>>)
    }
    %scan3A_20 = arith.constant 79 : i32
    %dma_wait3A = arith.constant 19968 : i32
    %dma_wait3A_21 = tpu.memref_slice %arg5[%add3A, %dma_wait3A] : memref<32x20224xf32, #tpu.memory_space<hbm>> -> memref<1x128xf32, #tpu.memory_space<hbm>>
    %dma_wait3A_22 = tpu.memref_squeeze %dma_wait3A_21 : memref<1x128xf32, #tpu.memory_space<hbm>> -> memref<128xf32, #tpu.memory_space<hbm>>
    %dma_wait3A_23 = arith.constant 19968 : i32
    %dma_wait3A_24 = tpu.memref_slice %arg5[%add3A, %dma_wait3A_23] : memref<32x20224xf32, #tpu.memory_space<hbm>> -> memref<1x128xf32, #tpu.memory_space<hbm>>
    %dma_wait3A_25 = tpu.memref_squeeze %dma_wait3A_24 : memref<1x128xf32, #tpu.memory_space<hbm>> -> memref<128xf32, #tpu.memory_space<hbm>>
    tpu.wait_dma2 semaphore(%arg17 : memref<!tpu.dma_semaphore, #tpu.memory_space<semaphore_mem>>) src(%arg12 : memref<128xf32, #tpu.memory_space<vmem>>) dst(%dma_wait3A_25 : memref<128xf32, #tpu.memory_space<hbm>>)
    %dma_wait3A_26 = arith.constant 20096 : i32
    %dma_wait3A_27 = tpu.memref_slice %arg5[%add3A, %dma_wait3A_26] : memref<32x20224xf32, #tpu.memory_space<hbm>> -> memref<1x128xf32, #tpu.memory_space<hbm>>
    %dma_wait3A_28 = tpu.memref_squeeze %dma_wait3A_27 : memref<1x128xf32, #tpu.memory_space<hbm>> -> memref<128xf32, #tpu.memory_space<hbm>>
    %dma_wait3A_29 = arith.constant 20096 : i32
    %dma_wait3A_30 = tpu.memref_slice %arg5[%add3A, %dma_wait3A_29] : memref<32x20224xf32, #tpu.memory_space<hbm>> -> memref<1x128xf32, #tpu.memory_space<hbm>>
    %dma_wait3A_31 = tpu.memref_squeeze %dma_wait3A_30 : memref<1x128xf32, #tpu.memory_space<hbm>> -> memref<128xf32, #tpu.memory_space<hbm>>
    tpu.wait_dma2 semaphore(%arg18 : memref<!tpu.dma_semaphore, #tpu.memory_space<semaphore_mem>>) src(%arg13 : memref<128xf32, #tpu.memory_space<vmem>>) dst(%dma_wait3A_31 : memref<128xf32, #tpu.memory_space<hbm>>)
    return
  }
}

module attributes {stable_mosaic.version = 14 : i64} {
  func.func @_tc1_body(%arg0: i32, %arg1: memref<1024x128xf32, #tpu.memory_space<vmem>>, %arg2: memref<128x128xf32, #tpu.memory_space<vmem>>, %arg3: memref<32x1024xf32, #tpu.memory_space<vmem>>, %arg4: memref<2x1024x64xf32, #tpu.memory_space<vmem>>) attributes {dimension_semantics = [#tpu.dimension_semantics<arbitrary>], iteration_bounds = array<i64: 10>, scalar_prefetch = 0 : i64, scratch_operands = 0 : i64, tpu.core_type = #tpu.core_type<tc>, window_params = [{transform_indices = @transform_0, window_bounds = array<i64: 1024, 128>}, {pipeline_mode = #tpu.pipeline_mode<synchronous>, transform_indices = @transform_1, window_bounds = array<i64: 128, 128>}, {transform_indices = @transform_2, window_bounds = array<i64: 32, 1024>}, {transform_indices = @transform_3, window_bounds = array<i64: 2, 1024, 64>}]} {
    %get3A = arith.constant 0 : index
    %get3A_0 = arith.constant 0 : index
    %get3A_1 = vector.load %arg3[%get3A, %get3A_0] : memref<32x1024xf32, #tpu.memory_space<vmem>>, vector<32x1024xf32>
    %reduce_sum3A = arith.constant dense<0.000000e+00> : vector<1024xf32>
    %reduce_sum3A_2 = vector.multi_reduction <add>, %get3A_1, %reduce_sum3A [0] : vector<32x1024xf32> to vector<1024xf32>
    %broadcast_in_dim3A = vector.shape_cast %reduce_sum3A_2 : vector<1024xf32> to vector<1024x1xf32>
    %add3A = arith.constant 1.000000e+00 : f32
    %add3A_3 = vector.broadcast %add3A : f32 to vector<1024x1xf32>
    %add3A_4 = arith.addf %broadcast_in_dim3A, %add3A_3 : vector<1024x1xf32>
    %iota3A = tpu.iota {dimensions = array<i32: 0>} : vector<1024x1xi32>
    %mul3A = arith.constant 1024 : i32
    %mul3A_5 = arith.muli %arg0, %mul3A : i32
    %add3A_6 = vector.broadcast %mul3A_5 : i32 to vector<1024x1xi32>
    %add3A_7 = arith.addi %iota3A, %add3A_6 : vector<1024x1xi32>
    %lt3A = arith.constant 10000 : i32
    %lt3A_8 = vector.broadcast %lt3A : i32 to vector<1024x1xi32>
    %lt3A_9 = arith.cmpi slt, %add3A_7, %lt3A_8 : vector<1024x1xi32>
    %rsqrt3A = math.rsqrt %add3A_4 : vector<1024x1xf32>
    %jit3A = arith.constant 0.000000e+00 : f32
    %broadcast_in_dim3A_10 = vector.broadcast %jit3A : f32 to vector<1024x1xf32>
    %select_n3A = arith.select %lt3A_9, %rsqrt3A, %broadcast_in_dim3A_10 : vector<1024x1xi1>, vector<1024x1xf32>
    %get3A_11 = arith.constant 0 : index
    %get3A_12 = arith.constant 0 : index
    %get3A_13 = vector.load %arg1[%get3A_11, %get3A_12] : memref<1024x128xf32, #tpu.memory_space<vmem>>, vector<1024x128xf32>
    %get3A_14 = arith.constant 0 : index
    %get3A_15 = arith.constant 0 : index
    %get3A_16 = vector.load %arg2[%get3A_14, %get3A_15] : memref<128x128xf32, #tpu.memory_space<vmem>>, vector<128x128xf32>
    %dot_general3A = arith.constant dense<0.000000e+00> : vector<1024x128xf32>
    %dot_general3A_17 = tpu.matmul %get3A_13, %get3A_16, %dot_general3A {dimension_numbers = #tpu.dot_dimension_numbers<[1], [0], [0], [1], [0, 0, 1, 1], [], []>, transpose_lhs_hint = false} : vector<1024x128xf32>, vector<128x128xf32>, vector<1024x128xf32> -> vector<1024x128xf32>
    %slice3A = vector.extract_strided_slice %dot_general3A_17 {offsets = [0, 0], sizes = [1024, 64], strides = [1, 1]} : vector<1024x128xf32> to vector<1024x64xf32>
    %mul3A_18 = vector.broadcast %select_n3A : vector<1024x1xf32> to vector<1024x64xf32>
    %mul3A_19 = arith.mulf %slice3A, %mul3A_18 : vector<1024x64xf32>
    %swap3A = arith.constant 0 : index
    %swap3A_20 = arith.constant 0 : index
    %swap3A_21 = arith.constant 0 : index
    %swap3A_22 = vector.load %arg4[%swap3A, %swap3A_20, %swap3A_21] : memref<2x1024x64xf32, #tpu.memory_space<vmem>>, vector<1x1024x64xf32>
    %swap3A_23 = vector.shape_cast %swap3A_22 : vector<1x1024x64xf32> to vector<1024x64xf32>
    %swap3A_24 = vector.shape_cast %mul3A_19 : vector<1024x64xf32> to vector<1x1024x64xf32>
    tpu.vector_store %arg4[%swap3A, %swap3A_20, %swap3A_21], %swap3A_24 {strides = array<i32>} : memref<2x1024x64xf32, #tpu.memory_space<vmem>>, vector<1x1024x64xf32>,
    %slice3A_25 = vector.extract_strided_slice %dot_general3A_17 {offsets = [0, 64], sizes = [1024, 64], strides = [1, 1]} : vector<1024x128xf32> to vector<1024x64xf32>
    %mul3A_26 = vector.broadcast %select_n3A : vector<1024x1xf32> to vector<1024x64xf32>
    %mul3A_27 = arith.mulf %slice3A_25, %mul3A_26 : vector<1024x64xf32>
    %swap3A_28 = arith.constant 1 : index
    %swap3A_29 = arith.constant 0 : index
    %swap3A_30 = arith.constant 0 : index
    %swap3A_31 = vector.load %arg4[%swap3A_28, %swap3A_29, %swap3A_30] : memref<2x1024x64xf32, #tpu.memory_space<vmem>>, vector<1x1024x64xf32>
    %swap3A_32 = vector.shape_cast %swap3A_31 : vector<1x1024x64xf32> to vector<1024x64xf32>
    %swap3A_33 = vector.shape_cast %mul3A_27 : vector<1024x64xf32> to vector<1x1024x64xf32>
    tpu.vector_store %arg4[%swap3A_28, %swap3A_29, %swap3A_30], %swap3A_33 {strides = array<i32>} : memref<2x1024x64xf32, #tpu.memory_space<vmem>>, vector<1x1024x64xf32>,
    return
  }
  func.func @transform_0(%arg0: i32) -> (i32, i32) {
    %c0_i32 = arith.constant 0 : i32
    %c0_i32_0 = arith.constant 0 : i32
    return %arg0, %c0_i32 : i32, i32
  }
  func.func @transform_1(%arg0: i32) -> (i32, i32) {
    %c0_i32 = arith.constant 0 : i32
    %c0_i32_0 = arith.constant 0 : i32
    %c0_i32_1 = arith.constant 0 : i32
    return %c0_i32, %c0_i32_0 : i32, i32
  }
  func.func @transform_2(%arg0: i32) -> (i32, i32) {
    %c0_i32 = arith.constant 0 : i32
    %c0_i32_0 = arith.constant 0 : i32
    return %c0_i32, %arg0 : i32, i32
  }
  func.func @transform_3(%arg0: i32) -> (i32, i32, i32) {
    %c0_i32 = arith.constant 0 : i32
    %c0_i32_0 = arith.constant 0 : i32
    %c0_i32_1 = arith.constant 0 : i32
    return %c0_i32, %arg0, %c0_i32_0 : i32, i32, i32
  }
}

module attributes {stable_mosaic.version = 14 : i64} {
  func.func @_tc2_body(%arg0: i32, %arg1: memref<2x1024x64xf32, #tpu.memory_space<vmem>>, %arg2: memref<2x1024x64xf32, #tpu.memory_space<vmem>>, %arg3: memref<2x1024x64xf32, #tpu.memory_space<vmem>>, %arg4: memref<32x1024xf32, #tpu.memory_space<vmem>>, %arg5: memref<128x64xf32, #tpu.memory_space<vmem>>, %arg6: memref<1x128xf32, #tpu.memory_space<vmem>>, %arg7: memref<1024x64xf32, #tpu.memory_space<vmem>>) attributes {dimension_semantics = [#tpu.dimension_semantics<arbitrary>], iteration_bounds = array<i64: 10>, scalar_prefetch = 0 : i64, scratch_operands = 0 : i64, tpu.core_type = #tpu.core_type<tc>, window_params = [{transform_indices = @transform_0, window_bounds = array<i64: 2, 1024, 64>}, {transform_indices = @transform_1, window_bounds = array<i64: 2, 1024, 64>}, {transform_indices = @transform_2, window_bounds = array<i64: 2, 1024, 64>}, {transform_indices = @transform_3, window_bounds = array<i64: 32, 1024>}, {pipeline_mode = #tpu.pipeline_mode<synchronous>, transform_indices = @transform_4, window_bounds = array<i64: 128, 64>}, {pipeline_mode = #tpu.pipeline_mode<synchronous>, transform_indices = @transform_5, window_bounds = array<i64: 1, 128>}, {transform_indices = @transform_6, window_bounds = array<i64: 1024, 64>}]} {
    %get3A = arith.constant 0 : index
    %get3A_0 = arith.constant 0 : index
    %get3A_1 = vector.load %arg4[%get3A, %get3A_0] : memref<32x1024xf32, #tpu.memory_space<vmem>>, vector<32x1024xf32>
    %reduce_sum3A = arith.constant dense<0.000000e+00> : vector<1024xf32>
    %reduce_sum3A_2 = vector.multi_reduction <add>, %get3A_1, %reduce_sum3A [0] : vector<32x1024xf32> to vector<1024xf32>
    %broadcast_in_dim3A = vector.shape_cast %reduce_sum3A_2 : vector<1024xf32> to vector<1024x1xf32>
    %add3A = arith.constant 1.000000e+00 : f32
    %add3A_3 = vector.broadcast %add3A : f32 to vector<1024x1xf32>
    %add3A_4 = arith.addf %broadcast_in_dim3A, %add3A_3 : vector<1024x1xf32>
    %iota3A = tpu.iota {dimensions = array<i32: 0>} : vector<1024x1xi32>
    %mul3A = arith.constant 1024 : i32
    %mul3A_5 = arith.muli %arg0, %mul3A : i32
    %add3A_6 = vector.broadcast %mul3A_5 : i32 to vector<1024x1xi32>
    %add3A_7 = arith.addi %iota3A, %add3A_6 : vector<1024x1xi32>
    %lt3A = arith.constant 10000 : i32
    %lt3A_8 = vector.broadcast %lt3A : i32 to vector<1024x1xi32>
    %lt3A_9 = arith.cmpi slt, %add3A_7, %lt3A_8 : vector<1024x1xi32>
    %rsqrt3A = math.rsqrt %add3A_4 : vector<1024x1xf32>
    %jit3A = arith.constant 0.000000e+00 : f32
    %broadcast_in_dim3A_10 = vector.broadcast %jit3A : f32 to vector<1024x1xf32>
    %select_n3A = arith.select %lt3A_9, %rsqrt3A, %broadcast_in_dim3A_10 : vector<1024x1xi1>, vector<1024x1xf32>
    %get3A_11 = arith.constant 0 : index
    %get3A_12 = arith.constant 0 : index
    %get3A_13 = arith.constant 0 : index
    %get3A_14 = vector.load %arg1[%get3A_11, %get3A_12, %get3A_13] : memref<2x1024x64xf32, #tpu.memory_space<vmem>>, vector<1x1024x64xf32>
    %get3A_15 = vector.shape_cast %get3A_14 : vector<1x1024x64xf32> to vector<1024x64xf32>
    %get3A_16 = arith.constant 1 : index
    %get3A_17 = arith.constant 0 : index
    %get3A_18 = arith.constant 0 : index
    %get3A_19 = vector.load %arg1[%get3A_16, %get3A_17, %get3A_18] : memref<2x1024x64xf32, #tpu.memory_space<vmem>>, vector<1x1024x64xf32>
    %get3A_20 = vector.shape_cast %get3A_19 : vector<1x1024x64xf32> to vector<1024x64xf32>
    %add3A_21 = arith.addf %get3A_15, %get3A_20 : vector<1024x64xf32>
    %get3A_22 = arith.constant 0 : index
    %get3A_23 = arith.constant 0 : index
    %get3A_24 = arith.constant 0 : index
    %get3A_25 = vector.load %arg3[%get3A_22, %get3A_23, %get3A_24] : memref<2x1024x64xf32, #tpu.memory_space<vmem>>, vector<1x1024x64xf32>
    %get3A_26 = vector.shape_cast %get3A_25 : vector<1x1024x64xf32> to vector<1024x64xf32>
    %add3A_27 = arith.addf %add3A_21, %get3A_26 : vector<1024x64xf32>
    %get3A_28 = arith.constant 0 : index
    %get3A_29 = arith.constant 0 : index
    %get3A_30 = arith.constant 0 : index
    %get3A_31 = vector.load %arg2[%get3A_28, %get3A_29, %get3A_30] : memref<2x1024x64xf32, #tpu.memory_space<vmem>>, vector<1x1024x64xf32>
    %get3A_32 = vector.shape_cast %get3A_31 : vector<1x1024x64xf32> to vector<1024x64xf32>
    %get3A_33 = arith.constant 1 : index
    %get3A_34 = arith.constant 0 : index
    %get3A_35 = arith.constant 0 : index
    %get3A_36 = vector.load %arg2[%get3A_33, %get3A_34, %get3A_35] : memref<2x1024x64xf32, #tpu.memory_space<vmem>>, vector<1x1024x64xf32>
    %get3A_37 = vector.shape_cast %get3A_36 : vector<1x1024x64xf32> to vector<1024x64xf32>
    %add3A_38 = arith.addf %get3A_32, %get3A_37 : vector<1024x64xf32>
    %get3A_39 = arith.constant 1 : index
    %get3A_40 = arith.constant 0 : index
    %get3A_41 = arith.constant 0 : index
    %get3A_42 = vector.load %arg3[%get3A_39, %get3A_40, %get3A_41] : memref<2x1024x64xf32, #tpu.memory_space<vmem>>, vector<1x1024x64xf32>
    %get3A_43 = vector.shape_cast %get3A_42 : vector<1x1024x64xf32> to vector<1024x64xf32>
    %add3A_44 = arith.addf %add3A_38, %get3A_43 : vector<1024x64xf32>
    %mul3A_45 = vector.broadcast %select_n3A : vector<1024x1xf32> to vector<1024x64xf32>
    %mul3A_46 = arith.mulf %mul3A_45, %add3A_27 : vector<1024x64xf32>
    %get3A_47 = arith.constant 0 : index
    %get3A_48 = arith.constant 0 : index
    %get3A_49 = vector.load %arg6[%get3A_47, %get3A_48] : memref<1x128xf32, #tpu.memory_space<vmem>>, vector<1x64xf32>
    %add3A_50 = vector.broadcast %get3A_49 : vector<1x64xf32> to vector<1024x64xf32>
    %add3A_51 = arith.addf %mul3A_46, %add3A_50 : vector<1024x64xf32>
    %max3A = arith.constant 0.000000e+00 : f32
    %max3A_52 = vector.broadcast %max3A : f32 to vector<1024x64xf32>
    %max3A_53 = arith.maximumf %add3A_51, %max3A_52 : vector<1024x64xf32>
    %mul3A_54 = vector.broadcast %select_n3A : vector<1024x1xf32> to vector<1024x64xf32>
    %mul3A_55 = arith.mulf %mul3A_54, %add3A_44 : vector<1024x64xf32>
    %get3A_56 = arith.constant 0 : index
    %get3A_57 = arith.constant 64 : index
    %get3A_58 = vector.load %arg6[%get3A_56, %get3A_57] : memref<1x128xf32, #tpu.memory_space<vmem>>, vector<1x64xf32>
    %add3A_59 = vector.broadcast %get3A_58 : vector<1x64xf32> to vector<1024x64xf32>
    %add3A_60 = arith.addf %mul3A_55, %add3A_59 : vector<1024x64xf32>
    %max3A_61 = arith.constant 0.000000e+00 : f32
    %max3A_62 = vector.broadcast %max3A_61 : f32 to vector<1024x64xf32>
    %max3A_63 = arith.maximumf %add3A_60, %max3A_62 : vector<1024x64xf32>
    %get3A_64 = arith.constant 0 : index
    %get3A_65 = arith.constant 0 : index
    %get3A_66 = vector.load %arg5[%get3A_64, %get3A_65] : memref<128x64xf32, #tpu.memory_space<vmem>>, vector<64x64xf32>
    %dot_general3A = arith.constant dense<0.000000e+00> : vector<1024x64xf32>
    %dot_general3A_67 = tpu.matmul %max3A_53, %get3A_66, %dot_general3A {dimension_numbers = #tpu.dot_dimension_numbers<[1], [0], [0], [1], [0, 0, 1, 1], [], []>, transpose_lhs_hint = false} : vector<1024x64xf32>, vector<64x64xf32>, vector<1024x64xf32> -> vector<1024x64xf32>
    %get3A_68 = arith.constant 64 : index
    %get3A_69 = arith.constant 0 : index
    %get3A_70 = vector.load %arg5[%get3A_68, %get3A_69] : memref<128x64xf32, #tpu.memory_space<vmem>>, vector<64x64xf32>
    %dot_general3A_71 = arith.constant dense<0.000000e+00> : vector<1024x64xf32>
    %dot_general3A_72 = tpu.matmul %max3A_63, %get3A_70, %dot_general3A_71 {dimension_numbers = #tpu.dot_dimension_numbers<[1], [0], [0], [1], [0, 0, 1, 1], [], []>, transpose_lhs_hint = false} : vector<1024x64xf32>, vector<64x64xf32>, vector<1024x64xf32> -> vector<1024x64xf32>
    %add3A_73 = arith.addf %dot_general3A_67, %dot_general3A_72 : vector<1024x64xf32>
    %mul3A_74 = vector.broadcast %select_n3A : vector<1024x1xf32> to vector<1024x64xf32>
    %mul3A_75 = arith.mulf %add3A_73, %mul3A_74 : vector<1024x64xf32>
    %swap3A = arith.constant 0 : index
    %swap3A_76 = arith.constant 0 : index
    %swap3A_77 = vector.load %arg7[%swap3A, %swap3A_76] : memref<1024x64xf32, #tpu.memory_space<vmem>>, vector<1024x64xf32>
    tpu.vector_store %arg7[%swap3A, %swap3A_76], %mul3A_75 {strides = array<i32>} : memref<1024x64xf32, #tpu.memory_space<vmem>>, vector<1024x64xf32>,
    return
  }
  func.func @transform_0(%arg0: i32) -> (i32, i32, i32) {
    %c0_i32 = arith.constant 0 : i32
    %c0_i32_0 = arith.constant 0 : i32
    %c0_i32_1 = arith.constant 0 : i32
    return %c0_i32, %arg0, %c0_i32_0 : i32, i32, i32
  }
  func.func @transform_1(%arg0: i32) -> (i32, i32, i32) {
    %c0_i32 = arith.constant 0 : i32
    %c0_i32_0 = arith.constant 0 : i32
    %c0_i32_1 = arith.constant 0 : i32
    return %c0_i32, %arg0, %c0_i32_0 : i32, i32, i32
  }
  func.func @transform_2(%arg0: i32) -> (i32, i32, i32) {
    %c0_i32 = arith.constant 0 : i32
    %c0_i32_0 = arith.constant 0 : i32
    %c0_i32_1 = arith.constant 0 : i32
    return %c0_i32, %arg0, %c0_i32_0 : i32, i32, i32
  }
  func.func @transform_3(%arg0: i32) -> (i32, i32) {
    %c0_i32 = arith.constant 0 : i32
    %c0_i32_0 = arith.constant 0 : i32
    return %c0_i32, %arg0 : i32, i32
  }
  func.func @transform_4(%arg0: i32) -> (i32, i32) {
    %c0_i32 = arith.constant 0 : i32
    %c0_i32_0 = arith.constant 0 : i32
    %c0_i32_1 = arith.constant 0 : i32
    return %c0_i32, %c0_i32_0 : i32, i32
  }
  func.func @transform_5(%arg0: i32) -> (i32, i32) {
    %c0_i32 = arith.constant 0 : i32
    %c0_i32_0 = arith.constant 0 : i32
    %c0_i32_1 = arith.constant 0 : i32
    return %c0_i32, %c0_i32_0 : i32, i32
  }
  func.func @transform_6(%arg0: i32) -> (i32, i32) {
    %c0_i32 = arith.constant 0 : i32
    %c0_i32_0 = arith.constant 0 : i32
    return %arg0, %c0_i32 : i32, i32
  }
}

module attributes {stable_mosaic.version = 14 : i64} {
  func.func @_tc3_body(%arg0: i32, %arg1: memref<2x1024x64xf32, #tpu.memory_space<vmem>>, %arg2: memref<1024x64xf32, #tpu.memory_space<vmem>>, %arg3: memref<32x1024xf32, #tpu.memory_space<vmem>>, %arg4: memref<1x64xf32, #tpu.memory_space<vmem>>, %arg5: memref<1024x64xf32, #tpu.memory_space<vmem>>) attributes {dimension_semantics = [#tpu.dimension_semantics<arbitrary>], iteration_bounds = array<i64: 10>, scalar_prefetch = 0 : i64, scratch_operands = 0 : i64, tpu.core_type = #tpu.core_type<tc>, window_params = [{transform_indices = @transform_0, window_bounds = array<i64: 2, 1024, 64>}, {transform_indices = @transform_1, window_bounds = array<i64: 1024, 64>}, {transform_indices = @transform_2, window_bounds = array<i64: 32, 1024>}, {pipeline_mode = #tpu.pipeline_mode<synchronous>, transform_indices = @transform_3, window_bounds = array<i64: 1, 64>}, {transform_indices = @transform_4, window_bounds = array<i64: 1024, 64>}]} {
    %get3A = arith.constant 0 : index
    %get3A_0 = arith.constant 0 : index
    %get3A_1 = vector.load %arg3[%get3A, %get3A_0] : memref<32x1024xf32, #tpu.memory_space<vmem>>, vector<32x1024xf32>
    %reduce_sum3A = arith.constant dense<0.000000e+00> : vector<1024xf32>
    %reduce_sum3A_2 = vector.multi_reduction <add>, %get3A_1, %reduce_sum3A [0] : vector<32x1024xf32> to vector<1024xf32>
    %broadcast_in_dim3A = vector.shape_cast %reduce_sum3A_2 : vector<1024xf32> to vector<1024x1xf32>
    %add3A = arith.constant 1.000000e+00 : f32
    %add3A_3 = vector.broadcast %add3A : f32 to vector<1024x1xf32>
    %add3A_4 = arith.addf %broadcast_in_dim3A, %add3A_3 : vector<1024x1xf32>
    %iota3A = tpu.iota {dimensions = array<i32: 0>} : vector<1024x1xi32>
    %mul3A = arith.constant 1024 : i32
    %mul3A_5 = arith.muli %arg0, %mul3A : i32
    %add3A_6 = vector.broadcast %mul3A_5 : i32 to vector<1024x1xi32>
    %add3A_7 = arith.addi %iota3A, %add3A_6 : vector<1024x1xi32>
    %lt3A = arith.constant 10000 : i32
    %lt3A_8 = vector.broadcast %lt3A : i32 to vector<1024x1xi32>
    %lt3A_9 = arith.cmpi slt, %add3A_7, %lt3A_8 : vector<1024x1xi32>
    %rsqrt3A = math.rsqrt %add3A_4 : vector<1024x1xf32>
    %jit3A = arith.constant 0.000000e+00 : f32
    %broadcast_in_dim3A_10 = vector.broadcast %jit3A : f32 to vector<1024x1xf32>
    %select_n3A = arith.select %lt3A_9, %rsqrt3A, %broadcast_in_dim3A_10 : vector<1024x1xi1>, vector<1024x1xf32>
    %get3A_11 = arith.constant 0 : index
    %get3A_12 = arith.constant 0 : index
    %get3A_13 = arith.constant 0 : index
    %get3A_14 = vector.load %arg1[%get3A_11, %get3A_12, %get3A_13] : memref<2x1024x64xf32, #tpu.memory_space<vmem>>, vector<1x1024x64xf32>
    %get3A_15 = vector.shape_cast %get3A_14 : vector<1x1024x64xf32> to vector<1024x64xf32>
    %get3A_16 = arith.constant 1 : index
    %get3A_17 = arith.constant 0 : index
    %get3A_18 = arith.constant 0 : index
    %get3A_19 = vector.load %arg1[%get3A_16, %get3A_17, %get3A_18] : memref<2x1024x64xf32, #tpu.memory_space<vmem>>, vector<1x1024x64xf32>
    %get3A_20 = vector.shape_cast %get3A_19 : vector<1x1024x64xf32> to vector<1024x64xf32>
    %add3A_21 = arith.addf %get3A_15, %get3A_20 : vector<1024x64xf32>
    %get3A_22 = arith.constant 0 : index
    %get3A_23 = arith.constant 0 : index
    %get3A_24 = vector.load %arg2[%get3A_22, %get3A_23] : memref<1024x64xf32, #tpu.memory_space<vmem>>, vector<1024x64xf32>
    %add3A_25 = arith.addf %add3A_21, %get3A_24 : vector<1024x64xf32>
    %mul3A_26 = vector.broadcast %select_n3A : vector<1024x1xf32> to vector<1024x64xf32>
    %mul3A_27 = arith.mulf %mul3A_26, %add3A_25 : vector<1024x64xf32>
    %get3A_28 = arith.constant 0 : index
    %get3A_29 = arith.constant 0 : index
    %get3A_30 = vector.load %arg4[%get3A_28, %get3A_29] : memref<1x64xf32, #tpu.memory_space<vmem>>, vector<1x64xf32>
    %add3A_31 = vector.broadcast %get3A_30 : vector<1x64xf32> to vector<1024x64xf32>
    %add3A_32 = arith.addf %mul3A_27, %add3A_31 : vector<1024x64xf32>
    %swap3A = arith.constant 0 : index
    %swap3A_33 = arith.constant 0 : index
    %swap3A_34 = vector.load %arg5[%swap3A, %swap3A_33] : memref<1024x64xf32, #tpu.memory_space<vmem>>, vector<1024x64xf32>
    tpu.vector_store %arg5[%swap3A, %swap3A_33], %add3A_32 {strides = array<i32>} : memref<1024x64xf32, #tpu.memory_space<vmem>>, vector<1024x64xf32>,
    return
  }
  func.func @transform_0(%arg0: i32) -> (i32, i32, i32) {
    %c0_i32 = arith.constant 0 : i32
    %c0_i32_0 = arith.constant 0 : i32
    %c0_i32_1 = arith.constant 0 : i32
    return %c0_i32, %arg0, %c0_i32_0 : i32, i32, i32
  }
  func.func @transform_1(%arg0: i32) -> (i32, i32) {
    %c0_i32 = arith.constant 0 : i32
    %c0_i32_0 = arith.constant 0 : i32
    return %arg0, %c0_i32 : i32, i32
  }
  func.func @transform_2(%arg0: i32) -> (i32, i32) {
    %c0_i32 = arith.constant 0 : i32
    %c0_i32_0 = arith.constant 0 : i32
    return %c0_i32, %arg0 : i32, i32
  }
  func.func @transform_3(%arg0: i32) -> (i32, i32) {
    %c0_i32 = arith.constant 0 : i32
    %c0_i32_0 = arith.constant 0 : i32
    %c0_i32_1 = arith.constant 0 : i32
    return %c0_i32, %c0_i32_0 : i32, i32
  }
  func.func @transform_4(%arg0: i32) -> (i32, i32) {
    %c0_i32 = arith.constant 0 : i32
    %c0_i32_0 = arith.constant 0 : i32
    return %arg0, %c0_i32 : i32, i32
  }
}

</mosaic_0001>

<sc_bundles>
// kernel: edge_agg_64.11.cloned.1.call-start
scs
__scs_entry_jumppad:
0x0: {  	(pc) =	sbr.rel $0x88, $3  }
0x1: {  	(tag) =	ssettag $0x0;
	lr =	simm.s32 $0x1  }
0x2: {  	[smem:$0x3F9A] =	sst lr;
	_ =	strace $0xD0000000  }
0x3: {  	_ = 	snop  }
0x4: {  	_ = 	snop  }
0x5: {  	_ = 	snop  }
0x6: {  	_ = 	snop  }
0x7: {  	_ = 	snop  }
__scs_overlays_trampoline_lowered:
0x8: {  	[smem:$0x3FA9] =	sst s0  }
0x9: {  	[smem:$0x3FAA] =	sst s1  }
0xa: {  	[smem:$0x3FAB] =	sst s2  }
0xb: {  	[smem:$0x3FAC] =	sst s3  }
0xc: {  	[smem:$0x3FAD] =	sst s4  }
0xd: {  	[smem:$0x3FAE] =	sst s5  }
0xe: {  	[smem:$0x3FAF] =	sst s6  }
0xf: {  	[smem:$0x3FB0] =	sst s7  }
0x10: {  	[smem:$0x3FB1] =	sst s8  }
0x11: {  	[smem:$0x3FB2] =	sst s9;
	s0 =	simm.s32 @!p0 $0x0  }
0x12: {  	s1 =	sld [smem:$0x3F98];
	s0 =	simm.s32 @p0 $0x1  }
0x13: {  	[smem:$0x3FB3] =	sst s0;
	s0 =	simm.s32 @!p1 $0x0  }
0x14: {  	s2 =	sld [smem:$0x3F97];
	s0 =	simm.s32 @p1 $0x1  }
0x15: {  	[smem:$0x3FB4] =	sst s0;
	s0 =	simm.s32 @!p2 $0x0  }
0x16: {  	s3 =	sld [smem:$0x3FDB];
	s0 =	simm.s32 @p2 $0x1  }
0x17: {  	s4 =	simm.s32 $0x1BF5;
	[smem:$0x3FB6] =	sst s0  }
0x18: {  	s0 =	sld [smem:$0x3F99];
	_ =	swait.ge [sflag:s4], $0x0  }
0x19: {  	s7 =	sld [smem:$0x3F9A]  }
0x1a: {  	s8 =	sadd.s32 $0xFFFFE003, lr  }
0x1b: {  	s9 =	sadd.s32 $0xFFFFFEF7, lr;
	s5 =	simm.s32 $0xFFFFFFFF;
	p2 =	slt.u32 s8, $0xFFFFF086  }
0x1c: {  	p1 =	slt.u32 s9, $0xF7A;
	s5 =	simm.s32 @!p2 $0x0  }
0x1d: {  	s5 =	simm.s32 @p1 $0x1;
	p0 =	seq.s32 s7, s2  }
0x1e: {  	s7 =	smul.u32 @!p0 $0xF7A, s2;
	p2 =	seq.s32 @!p0 s5, $0x0  }
0x1f: {  	s9 =	smul.u32 $0xF7A, s1;
	s8 =	simm.s32 @!p0 $0x1BF5;
	p2 =	por !p2, p0  }
0x20: {  	[sflag:s8] =	ssyncset.s32 @!p0 $0xFFFFF086;
	s6 =	sadd.s32 @!p0 s3, s7;
	s7 =	simm.s32 @!p0 $0x108  }
0x21: {  	s3 =	sadd.s32 s3, s9;
	s6 =	sadd.s32 @!p0 $0x88, s6;
	s7 =	simm.s32 @p2 $0x1082  }
0x22: {  	[simem:s7], [sflag:s8] =	dma.local @!p0 [hbm:s6], $0xF7A  }
0x23: {  	s9 =	sor.u32 $0xD0000000, s2;
	s6 =	simm.s32 $0x108;
	_ =	swait.ge @!p0 [sflag:s8], $0x0  }
0x24: {  	s3 =	sadd.s32 $0x88, s3;
	s6 =	simm.s32 @!p1 $0x1082;
	[sflag:s4] =	ssyncset.s32 $0xFFFFF086  }
0x25: {  	[simem:s6], [sflag:s4] =	dma.local [hbm:s3], $0xF7A  }
0x26: {  	[smem:$0x3F9A] =	sst s1;
	(tag) =	ssettag s2;
	_ =	strace s9  }
0x27: {  	s1 =	sld [smem:$0x3FAA]  }
0x28: {  	s2 =	sld [smem:$0x3FAB]  }
0x29: {  	s4 =	sld [smem:$0x3FAD]  }
0x2a: {  	p0 =	seq.s32 s5, $0x0;
	s5 =	sld [smem:$0x3FAE]  }
0x2b: {  	s6 =	sld [smem:$0x3FAF]  }
0x2c: {  	s7 =	sld [smem:$0x3FB0]  }
0x2d: {  	s3 =	simm.s32 $0x108;
	s8 =	sld [smem:$0x3FB1]  }
0x2e: {  	s3 =	simm.s32 @!p0 $0x1082;
	s9 =	sld [smem:$0x3FB2]  }
0x2f: {  	lr =	sadd.s32 s0, s3;
	s0 =	sld [smem:$0x3FA9]  }
0x30: {  	s3 =	sld [smem:$0x3FAC]  }
0x31: {  	[smem:$0x3FB5] =	sst s10  }
0x32: {  	s10 =	sld [smem:$0x3FB3];
	_ =	sdelay $0x3  }
0x33: {  	p0 =	seq.s32 s10, $0x1;
	s10 =	sld [smem:$0x3FB5];
	_ =	sdelay $0x3  }
0x34: {  	[smem:$0x3FB5] =	sst s10  }
0x35: {  	s10 =	sld [smem:$0x3FB4];
	_ =	sdelay $0x3  }
0x36: {  	p1 =	seq.s32 s10, $0x1;
	s10 =	sld [smem:$0x3FB5];
	_ =	sdelay $0x3  }
0x37: {  	[smem:$0x3FB5] =	sst s10  }
0x38: {  	s10 =	sld [smem:$0x3FB6]  }
0x39: {  	_ = 	snop;
	(pc) =	sbr.ind lr, $3  }
0x3a: {  	_ = 	snop  }
0x3b: {  	_ = 	snop  }
0x3c: {  	p2 =	seq.s32 s10, $0x1;
	s10 =	sld [smem:$0x3FB5]  }
0x3d: {  	_ =	shalt  }
0x3e: {  	_ =	shalt  }
0x3f: {  	_ =	shalt  }
0x40: {  	_ =	shalt  }
0x41: {  	_ =	shalt  }
0x42: {  	_ =	shalt  }
0x43: {  	_ =	shalt  }
0x44: {  	_ =	shalt  }
0x45: {  	_ =	shalt  }
0x46: {  	_ =	shalt  }
0x47: {  	_ =	shalt  }
0x48: {  	_ =	shalt  }
0x49: {  	_ =	shalt  }
0x4a: {  	_ =	shalt  }
0x4b: {  	_ =	shalt  }
0x4c: {  	_ =	shalt  }
0x4d: {  	_ =	shalt  }
0x4e: {  	_ =	shalt  }
0x4f: {  	_ =	shalt  }
0x50: {  	_ =	shalt  }
0x51: {  	_ =	shalt  }
0x52: {  	_ =	shalt  }
0x53: {  	_ =	shalt  }
0x54: {  	_ =	shalt  }
0x55: {  	_ =	shalt  }
0x56: {  	_ =	shalt  }
0x57: {  	_ =	shalt  }
0x58: {  	_ =	shalt  }
0x59: {  	_ =	shalt  }
0x5a: {  	_ =	shalt  }
0x5b: {  	_ =	shalt  }
0x5c: {  	_ =	shalt  }
0x5d: {  	_ =	shalt  }
0x5e: {  	_ =	shalt  }
0x5f: {  	_ =	shalt  }
0x60: {  	_ =	shalt  }
0x61: {  	_ =	shalt  }
0x62: {  	_ =	shalt  }
0x63: {  	_ =	shalt  }
0x64: {  	_ =	shalt  }
0x65: {  	_ =	shalt  }
0x66: {  	_ =	shalt  }
0x67: {  	_ =	shalt  }
0x68: {  	_ =	shalt  }
0x69: {  	_ =	shalt  }
0x6a: {  	_ =	shalt  }
0x6b: {  	_ =	shalt  }
0x6c: {  	_ =	shalt  }
0x6d: {  	_ =	shalt  }
0x6e: {  	_ =	shalt  }
0x6f: {  	_ =	shalt  }
0x70: {  	_ =	shalt  }
0x71: {  	_ =	shalt  }
0x72: {  	_ =	shalt  }
0x73: {  	_ =	shalt  }
0x74: {  	_ =	shalt  }
0x75: {  	_ =	shalt  }
0x76: {  	_ =	shalt  }
0x77: {  	_ =	shalt  }
0x78: {  	_ =	shalt  }
0x79: {  	_ =	shalt  }
0x7a: {  	_ =	shalt  }
0x7b: {  	_ =	shalt  }
0x7c: {  	_ =	shalt  }
0x7d: {  	_ =	shalt  }
0x7e: {  	_ =	shalt  }
0x7f: {  	_ =	shalt  }
0x80: {  	_ =	shalt  }
0x81: {  	_ =	shalt  }
0x82: {  	_ =	shalt  }
0x83: {  	_ =	shalt  }
0x84: {  	_ =	shalt  }
0x85: {  	_ =	shalt  }
0x86: {  	_ =	shalt  }
0x87: {  	_ =	shalt  }
.Lfunc_end0:
.L_simem_size_0:
called_computation.3_lowered:
.L_overlay_start_0:
0x88: {  	s2 =	sld [smem:$0x3FD9]  }
0x89: {  	s3 =	sld [smem:$0x3FFE];
	_ =	sdelay $0x1  }
0x8a: {  	s1 =	srdreg.scid  }
0x8b: {  	s0 =	sand.u32 $0x1, s1  }
0x8c: {  	s17 =	sshll.u32 s0, $0xA;
	s2 =	sadd.s32 s3, s2  }
0x8d: {  	s2 =	sadd.s32 s2, s17  }
0x8e: {  	[smem:$0x3FC1] =	sst s2  }
0x8f: {  	_ = 	snop  }
0x90: {  	s2 =	sld [smem:$0x3FD0];
	(tm) =	ssettm $0x1  }
0x91: {  	s18 =	sld [smem:$0x3FFB];
	_ =	sdelay $0x3  }
0x92: {  	_ =	strace s18  }
0x93: {  	s3 =	sld [smem:$0x3FFC];
	_ =	sdelay $0x3  }
0x94: {  	_ =	strace s3  }
0x95: {  	s3 =	sld [smem:$0x3FFD];
	_ =	sdelay $0x3  }
0x96: {  	_ =	strace s3  }
0x97: {  	_ =	strace $0x8FFFFFFF  }
0x98: {  	s19 =	sld [smem:$0x3FDB];
	_ =	sdelay $0x1  }
0x99: {  	s4 =	simm.s32 $_scs_section_size  }
0x9a: {  	s5 =	simm.s32 $_size__tile_overlayer_lowered;
	s6 =	simm.s32 $_tile_overlayer_lowered  }
0x9b: {  	s22 =	simm.s32 $0x1BFF;
	s21 =	sshll.u32 s6, $0x1;
	s3 =	sadd.s32 s4, s19  }
0x9c: {  	s7 =	simm.s32 $0x0;
	s20 =	sshll.u32 s5, $0x1;
	s5 =	sadd.s32 s21, s3  }
0x9d: {  	[timem:s7], [sflag:s22] =	dma.local [hbm:s5], s20  }
0x9e: {  	_ =	swait.ge [sflag:s22], s20  }
0x9f: {  	s4 =	ssub.s32 $0x0, s20;
	[sflag:s22] =	ssyncset.done $0x0  }
0xa0: {  	[sflag:s22] =	ssyncadd.s32 s4;
	_ =	sdelay $0x1  }
0xa1: {  	s23 =	simm.s32 $0x1B8B  }
0xa2: {  	_ =	swait.ge [sflag:s23], $0x1  }
0xa3: {  	[sflag:s23] =	ssyncset.done $0x0  }
0xa4: {  	s25 =	simm.s32 $0x1B8E;
	s24 =	sld [smem:$0x3FFE];
	[sflag:s23] =	ssyncadd.s32 $0xFFFFFFFF  }
0xa5: {  	s26 =	simm.s32 $execute0_lowered;
	[smem:$0x3FD2] =	sst s25  }
0xa6: {  	s5 =	sshll.u32 s26, $0x1;
	_ =	strace $0x8000004F;
	[dreg:$0x1] =	wrdreg $0xFFFFFFFF  }
0xa7: {  	s28 =	simm.s32 $_size_execute0_lowered;
	s3 =	sadd.s32 s3, s5;
	[dreg:$0x0] =	wrdreg $0x0  }
0xa8: {  	s5 =	sshll.u32 s28, $0x1;
	[dreg:$0x2] =	wrdreg s3  }
0xa9: {  	[dreg:$0x3] =	wrdreg s5  }
0xaa: {  	[dreg:$0x4] =	wrdreg $0xC0  }
0xab: {  	_ =	task [dreg:s7], $0x5FFFF  }
0xac: {  	[dreg:$0x1] =	wrdreg $0xFFFFFFFF  }
0xad: {  	[dreg:$0x0] =	wrdreg $0x60  }
0xae: {  	[dreg:$0x2] =	wrdreg s24  }
0xaf: {  	[dreg:$0x3] =	wrdreg s2  }
0xb0: {  	[dreg:$0x4] =	wrdreg $0x90000  }
0xb1: {  	[dreg:$0x5] =	wrdreg $0x130000  }
0xb2: {  	[dreg:$0x6] =	wrdreg $0x9  }
0xb3: {  	_ =	task.clear_ibuf [dreg:s7], $0x7FFFF;
	_ =	strace $0x9000004F  }
0xb4: {  	s29 =	simm.s32 $0x9;
	_ =	strace $0x80000051  }
0xb5: {  	_ =	swait.ge [sflag:s29], $0x1  }
0xb6: {  	[sflag:s29] =	ssyncadd.s32 $0xFFFFFFFF  }
0xb7: {  	_ =	strace $0x90000051  }
0xb8: {  	_ =	sfence  }
0xb9: {  	s30 =	sld [smem:$0x0];
	_ =	sdelay $0x2  }
0xba: {  	s31 =	sshll.u32 s1, $0xD;
	s1 =	sshrl.u32 s1, $0x2  }
0xbb: {  	s3 =	sand.u32 $0x4000, s31;
	s1 =	sadd.s32 s1, s30  }
0xbc: {  	s0 =	sor.u32 s3, s0;
	s1 =	sshll.u32 s1, $0x11  }
0xbd: {  	s0 =	sor.u32 s1, s0  }
0xbe: {  	s0 =	sadd.s32 $0x8F2B, s0  }
0xbf: {  	[sflag:s0] =	ssyncadd.remote.s32 $0x1  }
0xc0: {  	_ =	sfence.sel $0xFFFF  }
0xc1: {  	[dreg:$0x0] =	wrdreg $0xFFFFFFFF;
	(pc) =	sbr.abs _section_cstart, $3  }
0xc2: {  	[dreg:$0x1] =	wrdreg $0xFFFFFFFF  }
0xc3: {  	_ =	task.clear_ibuf [dreg:s7], $0x2FFFF;
	_ =	strace $0x9FFFFFFF  }
0xc4: {  	(tm) =	ssettm $0x7FFFFFFF  }
0xc5: {  	_ =	shalt  }
tec
execute0_lowered:
.L_overlay_start_1:
0x0: {  	(tag) =	ssettag $0x1  }
0x1: {  	s6 =	rddreg [dreg:$0x0]  }
0x2: {  	s8 =	rddreg [dreg:$0x1]  }
0x3: {  	s0 =	stileid.u32;
	s2 =	rddreg [dreg:$0x2]  }
0x4: {  	s1 =	srdreg.scid;
	s3 =	rddreg [dreg:$0x3]  }
0x5: {  	s4 =	simm.s32 $0x0;
	s16 =	simm.s32 $0x80;
	s17 =	simm.s32 $0x5000  }
0x6: {  	s18 =	simm.s32 $0x1;
	s19 =	simm.s32 $0x7000;
	s20 =	simm.s32 $0x2  }
0x7: {  	s21 =	simm.s32 $0x2780;
	s22 =	simm.s32 $0x4F00;
	s23 =	simm.s32 $0x4F80  }
0x8: {  	s24 =	simm.s32 $0x0;
	s5 =	sand.u32 $0x1, s1;
	s1 =	rddreg [dreg:$0x4]  }
0x9: {  	s26 =	sshll.u32 s0, $0x1;
	s9 =	smul.u32 $0xA000, s0;
	[smem:$0x7FF] =	sst s4  }
0xa: {  	s30 =	sshll.u32 s0, $0x6;
	s7 =	sor.u32 s5, s26;
	s11 =	smul.u32 $0xA0000, s5  }
0xb: {  	_ =	strace $0x80000050;
	s13 =	ssub.s32 $0x2, s5;
	s5 =	sadd.s32 $0x1A00, s6  }
0xc: {  	s10 =	smul.u32 $0x500, s7;
	s28 =	sshrl.u32 s9, $0x3;
	s14 =	sshrl.u32 s13, $0x1  }
0xd: {  	s31 =	sadd.s32 s9, s2;
	s15 =	sadd.s32 s9, s3;
	s12 =	sadd.s32 s28, s6  }
0xe: {  	s11 =	sadd.s32 s9, s11;
	s13 =	ssub.s32 s13, s14;
	s14 =	simm.s32 $0x2800  }
0xf: {  	s15 =	sshrl.u32 s15, $0x3;
	s29 =	sadd.s32 s10, s6;
	s11 =	sshrl.u32 s11, $0x3  }
0x10: {  	s8 =	sadd.s32 s8, s10;
	s9 =	sadd.s32 $0x15A00, s12;
	s12 =	sshrl.u32 s31, $0x3  }
0x11: {  	s11 =	sadd.s32 s11, s6;
	s6 =	sor.u32 $0x1C03, s30;
	s7 =	sadd.s32 $0xBA00, s29  }
0x12: {  	s10 =	sadd.s32 $0x29A00, s11;
	s11 =	smax.u32 s13, $0x1;
	s13 =	simm.s32 $0x3  }
.LBB2_1:
0x13: {  	[spmem:s12], [sflag:s6] =	dma.local [hbm:s5], $0x1400  }
0x14: {  	_ =	swait.ge [sflag:s13], $0x1400  }
0x15: {  	[sflag:s13] =	ssyncset.done $0x0  }
0x16: {  	[sflag:s13] =	ssyncadd.s32 $0xFFFFEC00  }
0x17: {  	[tilespmem:s4], [sflag:$0x3] =	stream.linear.gather [hbm4b:s7+s4], $0x2800, $0x38;
	[tilespmem:$0x1D000] =	vst v63  }
0x18: {  	_ =	swait.ge [sflag:s13], $0x2800  }
0x19: {  	[sflag:s13] =	ssyncset.done $0x0  }
0x1a: {  	[sflag:s13] =	ssyncadd.s32 $0xFFFFD800  }
0x1b: {  	[tilespmem:s14], [sflag:$0x3] =	stream.linear.gather [hbm4b:s8+s4], $0x2800, $0x38;
	[tilespmem:$0x1D000] =	vst v63  }
0x1c: {  	_ =	swait.ge [sflag:s13], $0x2800  }
0x1d: {  	[sflag:s13] =	ssyncset.done $0x0  }
0x1e: {  	[sflag:s13] =	ssyncadd.s32 $0xFFFFD800  }
0x1f: {  	[spmem:s15], [sflag:s6] =	dma.local [hbm:s9], $0x1400  }
0x20: {  	_ =	swait.ge [sflag:s13], $0x1400  }
0x21: {  	[sflag:s13] =	ssyncset.done $0x0  }
0x22: {  	[sflag:s13] =	ssyncadd.s32 $0xFFFFEC00  }
0x23: {  	[bflag:$0x0] =	sbarrier.arrive $0xFFFF  }
0x24: {  	[tilespmem:s17], [sflag:$0x1] =	stream.indirect.gather [spmem:s3], $0x40, s4, s16, $0xb8;
	[tilespmem:$0x1D000] =	vst v63  }
0x25: {  	_ =	swait.ge [sflag:s18], $0x2000  }
0x26: {  	[sflag:s18] =	ssyncset.done $0x0  }
0x27: {  	s25 =	simm.s32 $0x80;
	[sflag:s18] =	ssyncadd.s32 $0xFFFFE000  }
0x28: {  	[tilespmem:s19], [sflag:$0x2] =	stream.indirect.gather [spmem:s3], $0x40, s25, s16, $0xb8;
	[tilespmem:$0x1D000] =	vst v63  }
0x29: {  	s29 =	simm.s32 $0x2800  }
0x2a: {  	[spmem:s2] =	stream.indirect.scatter.add.f32 [tilespmem:s17], [sflag:$0x3], $0x40, s29, s16, $0xb8;
	[tilespmem:$0x1D000] =	vst v63  }
0x2b: {  	_ =	swait.ge [sflag:s13], $0x2000  }
0x2c: {  	[sflag:s13] =	ssyncset.done $0x0  }
0x2d: {  	[sflag:s13] =	ssyncadd.s32 $0xFFFFE000  }
0x2e: {  	_ =	swait.ge [sflag:s20], $0x2000  }
0x2f: {  	[sflag:s20] =	ssyncset.done $0x0  }
0x30: {  	s30 =	simm.s32 $0x100;
	[sflag:s20] =	ssyncadd.s32 $0xFFFFE000  }
0x31: {  	[tilespmem:s17], [sflag:$0x1] =	stream.indirect.gather [spmem:s3], $0x40, s30, s16, $0xb8;
	[tilespmem:$0x1D000] =	vst v63  }
0x32: {  	s31 =	simm.s32 $0x2880  }
0x33: {  	[spmem:s2] =	stream.indirect.scatter.add.f32 [tilespmem:s19], [sflag:$0x3], $0x40, s31, s16, $0xb8;
	[tilespmem:$0x1D000] =	vst v63  }
0x34: {  	_ =	swait.ge [sflag:s13], $0x2000  }
0x35: {  	s25 =	simm.s32 $0x400;
	[sflag:s13] =	ssyncset.done $0x0  }
.LBB2_2:
0x36: {  	p0 =	sne.s32 s25, $0x9800  }
0x37: {  	[sflag:s13] =	ssyncadd.s32 $0xFFFFE000;
	s26 =	smov.u32 s25;
	s25 =	sadd.s32 $0x400, s25  }
0x38: {  	_ = 	snop  }
0x39: {  	_ =	swait.ge [sflag:s18], $0x2000  }
0x3a: {  	s26 =	sshra.s32 s26, $0x2;
	[sflag:s18] =	ssyncset.done $0x0  }
0x3b: {  	s28 =	sadd.s32 $0x80, s26;
	[sflag:s18] =	ssyncadd.s32 $0xFFFFE000  }
0x3c: {  	[tilespmem:s19], [sflag:$0x2] =	stream.indirect.gather [spmem:s3], $0x40, s28, s16, $0xb8;
	[tilespmem:$0x1D000] =	vst v63  }
0x3d: {  	s28 =	sadd.s32 $0x2800, s26  }
0x3e: {  	[spmem:s2] =	stream.indirect.scatter.add.f32 [tilespmem:s17], [sflag:$0x3], $0x40, s28, s16, $0xb8;
	[tilespmem:$0x1D000] =	vst v63  }
0x3f: {  	_ =	swait.ge [sflag:s13], $0x2000  }
0x40: {  	[sflag:s13] =	ssyncset.done $0x0  }
0x41: {  	[sflag:s13] =	ssyncadd.s32 $0xFFFFE000  }
0x42: {  	_ =	swait.ge [sflag:s20], $0x2000  }
0x43: {  	[sflag:s20] =	ssyncset.done $0x0  }
0x44: {  	s28 =	sadd.s32 $0x100, s26;
	[sflag:s20] =	ssyncadd.s32 $0xFFFFE000  }
0x45: {  	[tilespmem:s17], [sflag:$0x1] =	stream.indirect.gather [spmem:s3], $0x40, s28, s16, $0xb8;
	[tilespmem:$0x1D000] =	vst v63  }
.Ltmp0:
0x46: {  	_ = 	snop;
	(pc) =	sbr.rel @p0 .LBB2_2-.Ltmp0, $4  }
0x47: {  	s26 =	sadd.s32 $0x2880, s26  }
0x48: {  	[spmem:s2] =	stream.indirect.scatter.add.f32 [tilespmem:s19], [sflag:$0x3], $0x40, s26, s16, $0xb8;
	[tilespmem:$0x1D000] =	vst v63  }
0x49: {  	_ =	swait.ge [sflag:s13], $0x2000  }
0x4a: {  	[sflag:s13] =	ssyncset.done $0x0  }
0x4b: {  	[sflag:s13] =	ssyncadd.s32 $0xFFFFE000  }
0x4c: {  	_ =	swait.ge [sflag:s18], $0x2000  }
0x4d: {  	[sflag:s18] =	ssyncset.done $0x0  }
0x4e: {  	[sflag:s18] =	ssyncadd.s32 $0xFFFFE000  }
0x4f: {  	[tilespmem:s19], [sflag:$0x2] =	stream.indirect.gather [spmem:s3], $0x40, s21, s16, $0xb8;
	[tilespmem:$0x1D000] =	vst v63  }
0x50: {  	_ = 	snop  }
0x51: {  	[spmem:s2] =	stream.indirect.scatter.add.f32 [tilespmem:s17], [sflag:$0x3], $0x40, s22, s16, $0xb8;
	[tilespmem:$0x1D000] =	vst v63  }
0x52: {  	_ =	swait.ge [sflag:s13], $0x2000  }
0x53: {  	[sflag:s13] =	ssyncset.done $0x0  }
0x54: {  	[sflag:s13] =	ssyncadd.s32 $0xFFFFE000  }
0x55: {  	_ =	swait.ge [sflag:s20], $0x2000  }
0x56: {  	[sflag:s20] =	ssyncset.done $0x0  }
0x57: {  	[sflag:s20] =	ssyncadd.s32 $0xFFFFE000  }
0x58: {  	[spmem:s2] =	stream.indirect.scatter.add.f32 [tilespmem:s19], [sflag:$0x3], $0x40, s23, s16, $0xb8;
	[tilespmem:$0x1D000] =	vst v63  }
0x59: {  	_ =	swait.ge [sflag:s13], $0x2000  }
0x5a: {  	s24 =	sadd.s32 $0x1, s24;
	[sflag:s13] =	ssyncset.done $0x0  }
0x5b: {  	p0 =	sne.s32 s24, s11;
	[sflag:s13] =	ssyncadd.s32 $0xFFFFE000  }
.Ltmp1:
0x5c: {  	[bflag:$0x0] =	sbarrier.arrive $0xFFFF;
	(pc) =	sbr.rel @p0 .LBB2_1-.Ltmp1, $4  }
0x5d: {  	[hbm:s10], [sflag:s6] =	dma.local [spmem:s12], $0x1400  }
0x5e: {  	_ =	swait.ge [sflag:s13], $0x1400  }
0x5f: {  	[sflag:s13] =	ssyncset.done $0x0  }
0x60: {  	[sflag:s13] =	ssyncadd.s32 $0xFFFFEC00  }
0x61: {  	_ =	sfence.sel $0x180000  }
0x62: {  	[bflag:$0x0] =	sbarrier.arrive $0xFFFF  }
0x63: {  	p0 =	sne.s32 s0, $0x0;
	_ =	strace $0x90000050  }
0x64: {  	s0 =	sadd.s32 @!p0 $0x100000, s1;
	[bflag:$0x2] =	sbarrier.arrive $0xFFFF  }
0x65: {  	[sflag:s0] =	ssyncadd.tile.s32 @!p0 $0x1;
	_ =	shalt  }
.Lfunc_end2:
_tile_overlayer_lowered:
.L_overlay_start_2:
0x66: {  	(tag) =	ssettag $0x2  }
0x67: {  	s0 =	rddreg [dreg:$0x0];
	s2 =	stileid.u32  }
0x68: {  	s1 =	rddreg [dreg:$0x1];
	p0 =	sne.s32 s2, $0x0  }
0x69: {  	s3 =	rddreg [dreg:$0x2];
	[bflag:$0x3] =	sbarrier.arrive $0xFFFF;
	s2 =	simm.s32 @!p0 $0x1C03  }
0x6a: {  	[timem:s3], [sflag:s2] =	dma.local @!p0 [hbm:s0], s1  }
0x6b: {  	s0 =	simm.s32 @!p0 $0x3  }
0x6c: {  	_ =	swait.ge @!p0 [sflag:s0], s1  }
0x6d: {  	s1 =	ssub.s32 @!p0 $0x0, s1;
	[sflag:s0] =	ssyncset.done @!p0 $0x0  }
0x6e: {  	[sflag:s0] =	ssyncadd.s32 @!p0 s1  }
0x6f: {  	[bflag:$0x3] =	sbarrier.arrive $0xFFFF  }
0x70: {  	_ =	shalt  }

// kernel: edge_agg_64.5.cloned.1.call-start
scs
__scs_entry_jumppad:
0x0: {  	(pc) =	sbr.rel $0x88, $3  }
0x1: {  	(tag) =	ssettag $0x0;
	lr =	simm.s32 $0x1  }
0x2: {  	[smem:$0x3F9A] =	sst lr;
	_ =	strace $0xD0000000  }
0x3: {  	_ = 	snop  }
0x4: {  	_ = 	snop  }
0x5: {  	_ = 	snop  }
0x6: {  	_ = 	snop  }
0x7: {  	_ = 	snop  }
__scs_overlays_trampoline_lowered:
0x8: {  	[smem:$0x3FA9] =	sst s0  }
0x9: {  	[smem:$0x3FAA] =	sst s1  }
0xa: {  	[smem:$0x3FAB] =	sst s2  }
0xb: {  	[smem:$0x3FAC] =	sst s3  }
0xc: {  	[smem:$0x3FAD] =	sst s4  }
0xd: {  	[smem:$0x3FAE] =	sst s5  }
0xe: {  	[smem:$0x3FAF] =	sst s6  }
0xf: {  	[smem:$0x3FB0] =	sst s7  }
0x10: {  	[smem:$0x3FB1] =	sst s8  }
0x11: {  	[smem:$0x3FB2] =	sst s9;
	s0 =	simm.s32 @!p0 $0x0  }
0x12: {  	s1 =	sld [smem:$0x3F98];
	s0 =	simm.s32 @p0 $0x1  }
0x13: {  	[smem:$0x3FB3] =	sst s0;
	s0 =	simm.s32 @!p1 $0x0  }
0x14: {  	s2 =	sld [smem:$0x3F97];
	s0 =	simm.s32 @p1 $0x1  }
0x15: {  	[smem:$0x3FB4] =	sst s0;
	s0 =	simm.s32 @!p2 $0x0  }
0x16: {  	s3 =	sld [smem:$0x3FDB];
	s0 =	simm.s32 @p2 $0x1  }
0x17: {  	s4 =	simm.s32 $0x1BF5;
	[smem:$0x3FB6] =	sst s0  }
0x18: {  	s0 =	sld [smem:$0x3F99];
	_ =	swait.ge [sflag:s4], $0x0  }
0x19: {  	s7 =	sld [smem:$0x3F9A]  }
0x1a: {  	s8 =	sadd.s32 $0xFFFFE003, lr  }
0x1b: {  	s9 =	sadd.s32 $0xFFFFFEF7, lr;
	s5 =	simm.s32 $0xFFFFFFFF;
	p2 =	slt.u32 s8, $0xFFFFF086  }
0x1c: {  	p1 =	slt.u32 s9, $0xF7A;
	s5 =	simm.s32 @!p2 $0x0  }
0x1d: {  	s5 =	simm.s32 @p1 $0x1;
	p0 =	seq.s32 s7, s2  }
0x1e: {  	s7 =	smul.u32 @!p0 $0xF7A, s2;
	p2 =	seq.s32 @!p0 s5, $0x0  }
0x1f: {  	s9 =	smul.u32 $0xF7A, s1;
	s8 =	simm.s32 @!p0 $0x1BF5;
	p2 =	por !p2, p0  }
0x20: {  	[sflag:s8] =	ssyncset.s32 @!p0 $0xFFFFF086;
	s6 =	sadd.s32 @!p0 s3, s7;
	s7 =	simm.s32 @!p0 $0x108  }
0x21: {  	s3 =	sadd.s32 s3, s9;
	s6 =	sadd.s32 @!p0 $0x88, s6;
	s7 =	simm.s32 @p2 $0x1082  }
0x22: {  	[simem:s7], [sflag:s8] =	dma.local @!p0 [hbm:s6], $0xF7A  }
0x23: {  	s9 =	sor.u32 $0xD0000000, s2;
	s6 =	simm.s32 $0x108;
	_ =	swait.ge @!p0 [sflag:s8], $0x0  }
0x24: {  	s3 =	sadd.s32 $0x88, s3;
	s6 =	simm.s32 @!p1 $0x1082;
	[sflag:s4] =	ssyncset.s32 $0xFFFFF086  }
0x25: {  	[simem:s6], [sflag:s4] =	dma.local [hbm:s3], $0xF7A  }
0x26: {  	[smem:$0x3F9A] =	sst s1;
	(tag) =	ssettag s2;
	_ =	strace s9  }
0x27: {  	s1 =	sld [smem:$0x3FAA]  }
0x28: {  	s2 =	sld [smem:$0x3FAB]  }
0x29: {  	s4 =	sld [smem:$0x3FAD]  }
0x2a: {  	p0 =	seq.s32 s5, $0x0;
	s5 =	sld [smem:$0x3FAE]  }
0x2b: {  	s6 =	sld [smem:$0x3FAF]  }
0x2c: {  	s7 =	sld [smem:$0x3FB0]  }
0x2d: {  	s3 =	simm.s32 $0x108;
	s8 =	sld [smem:$0x3FB1]  }
0x2e: {  	s3 =	simm.s32 @!p0 $0x1082;
	s9 =	sld [smem:$0x3FB2]  }
0x2f: {  	lr =	sadd.s32 s0, s3;
	s0 =	sld [smem:$0x3FA9]  }
0x30: {  	s3 =	sld [smem:$0x3FAC]  }
0x31: {  	[smem:$0x3FB5] =	sst s10  }
0x32: {  	s10 =	sld [smem:$0x3FB3];
	_ =	sdelay $0x3  }
0x33: {  	p0 =	seq.s32 s10, $0x1;
	s10 =	sld [smem:$0x3FB5];
	_ =	sdelay $0x3  }
0x34: {  	[smem:$0x3FB5] =	sst s10  }
0x35: {  	s10 =	sld [smem:$0x3FB4];
	_ =	sdelay $0x3  }
0x36: {  	p1 =	seq.s32 s10, $0x1;
	s10 =	sld [smem:$0x3FB5];
	_ =	sdelay $0x3  }
0x37: {  	[smem:$0x3FB5] =	sst s10  }
0x38: {  	s10 =	sld [smem:$0x3FB6]  }
0x39: {  	_ = 	snop;
	(pc) =	sbr.ind lr, $3  }
0x3a: {  	_ = 	snop  }
0x3b: {  	_ = 	snop  }
0x3c: {  	p2 =	seq.s32 s10, $0x1;
	s10 =	sld [smem:$0x3FB5]  }
0x3d: {  	_ =	shalt  }
0x3e: {  	_ =	shalt  }
0x3f: {  	_ =	shalt  }
0x40: {  	_ =	shalt  }
0x41: {  	_ =	shalt  }
0x42: {  	_ =	shalt  }
0x43: {  	_ =	shalt  }
0x44: {  	_ =	shalt  }
0x45: {  	_ =	shalt  }
0x46: {  	_ =	shalt  }
0x47: {  	_ =	shalt  }
0x48: {  	_ =	shalt  }
0x49: {  	_ =	shalt  }
0x4a: {  	_ =	shalt  }
0x4b: {  	_ =	shalt  }
0x4c: {  	_ =	shalt  }
0x4d: {  	_ =	shalt  }
0x4e: {  	_ =	shalt  }
0x4f: {  	_ =	shalt  }
0x50: {  	_ =	shalt  }
0x51: {  	_ =	shalt  }
0x52: {  	_ =	shalt  }
0x53: {  	_ =	shalt  }
0x54: {  	_ =	shalt  }
0x55: {  	_ =	shalt  }
0x56: {  	_ =	shalt  }
0x57: {  	_ =	shalt  }
0x58: {  	_ =	shalt  }
0x59: {  	_ =	shalt  }
0x5a: {  	_ =	shalt  }
0x5b: {  	_ =	shalt  }
0x5c: {  	_ =	shalt  }
0x5d: {  	_ =	shalt  }
0x5e: {  	_ =	shalt  }
0x5f: {  	_ =	shalt  }
0x60: {  	_ =	shalt  }
0x61: {  	_ =	shalt  }
0x62: {  	_ =	shalt  }
0x63: {  	_ =	shalt  }
0x64: {  	_ =	shalt  }
0x65: {  	_ =	shalt  }
0x66: {  	_ =	shalt  }
0x67: {  	_ =	shalt  }
0x68: {  	_ =	shalt  }
0x69: {  	_ =	shalt  }
0x6a: {  	_ =	shalt  }
0x6b: {  	_ =	shalt  }
0x6c: {  	_ =	shalt  }
0x6d: {  	_ =	shalt  }
0x6e: {  	_ =	shalt  }
0x6f: {  	_ =	shalt  }
0x70: {  	_ =	shalt  }
0x71: {  	_ =	shalt  }
0x72: {  	_ =	shalt  }
0x73: {  	_ =	shalt  }
0x74: {  	_ =	shalt  }
0x75: {  	_ =	shalt  }
0x76: {  	_ =	shalt  }
0x77: {  	_ =	shalt  }
0x78: {  	_ =	shalt  }
0x79: {  	_ =	shalt  }
0x7a: {  	_ =	shalt  }
0x7b: {  	_ =	shalt  }
0x7c: {  	_ =	shalt  }
0x7d: {  	_ =	shalt  }
0x7e: {  	_ =	shalt  }
0x7f: {  	_ =	shalt  }
0x80: {  	_ =	shalt  }
0x81: {  	_ =	shalt  }
0x82: {  	_ =	shalt  }
0x83: {  	_ =	shalt  }
0x84: {  	_ =	shalt  }
0x85: {  	_ =	shalt  }
0x86: {  	_ =	shalt  }
0x87: {  	_ =	shalt  }
.Lfunc_end0:
.L_simem_size_0:
called_computation.1_lowered:
.L_overlay_start_0:
0x88: {  	s2 =	sld [smem:$0x3FD9]  }
0x89: {  	s3 =	sld [smem:$0x3FFE];
	_ =	sdelay $0x1  }
0x8a: {  	s1 =	srdreg.scid  }
0x8b: {  	s0 =	sand.u32 $0x1, s1  }
0x8c: {  	s17 =	sshll.u32 s0, $0xA;
	s2 =	sadd.s32 s3, s2  }
0x8d: {  	s2 =	sadd.s32 s2, s17  }
0x8e: {  	[smem:$0x3FC1] =	sst s2  }
0x8f: {  	_ = 	snop  }
0x90: {  	s18 =	sld [smem:$0x3FD0];
	(tm) =	ssettm $0x1  }
0x91: {  	s19 =	sld [smem:$0x3FFB];
	_ =	sdelay $0x3  }
0x92: {  	_ =	strace s19  }
0x93: {  	s2 =	sld [smem:$0x3FFC];
	_ =	sdelay $0x3  }
0x94: {  	_ =	strace s2  }
0x95: {  	s2 =	sld [smem:$0x3FFD];
	_ =	sdelay $0x3  }
0x96: {  	_ =	strace s2  }
0x97: {  	_ =	strace $0x8FFFFFFF  }
0x98: {  	s20 =	sld [smem:$0x3FDB];
	_ =	sdelay $0x1  }
0x99: {  	s4 =	simm.s32 $_scs_section_size  }
0x9a: {  	s5 =	simm.s32 $_size__tile_overlayer_lowered;
	s6 =	simm.s32 $_tile_overlayer_lowered  }
0x9b: {  	s7 =	simm.s32 $0x1BFF;
	s21 =	sshll.u32 s6, $0x1;
	s4 =	sadd.s32 s4, s20  }
0x9c: {  	s22 =	simm.s32 $0x0;
	s5 =	sshll.u32 s5, $0x1;
	s6 =	sadd.s32 s21, s4  }
0x9d: {  	[timem:s22], [sflag:s7] =	dma.local [hbm:s6], s5  }
0x9e: {  	_ =	swait.ge [sflag:s7], s5  }
0x9f: {  	s5 =	ssub.s32 $0x0, s5;
	[sflag:s7] =	ssyncset.done $0x0  }
0xa0: {  	[sflag:s7] =	ssyncadd.s32 s5;
	_ =	sdelay $0x1  }
0xa1: {  	s23 =	simm.s32 $0x1B8B  }
0xa2: {  	_ =	swait.ge [sflag:s23], $0x1  }
0xa3: {  	[sflag:s23] =	ssyncset.done $0x0  }
0xa4: {  	[sflag:s23] =	ssyncadd.s32 $0xFFFFFFFF  }
0xa5: {  	s5 =	sld [smem:$0x0]  }
0xa6: {  	s6 =	sand.u32 $0xFFFFFFFE, s1  }
0xa7: {  	p0 =	sne.s32 s1, s6  }
0xa8: {  	s6 =	sshll.u32 @p0 s6, $0xE  }
0xa9: {  	s6 =	sadd.s32 @p0 $0x11B8D, s6;
	s7 =	sshll.u32 @p0 s5, $0x11  }
0xaa: {  	s6 =	sor.u32 @p0 s7, s6  }
0xab: {  	[sflag:s6] =	ssyncadd.remote.s32 @p0 $0x1;
	_ =	sdelay $0x1  }
0xac: {  	s6 =	simm.s32 @p0 $0x1B8D  }
0xad: {  	_ =	swait.eq @p0 [sflag:s6], $0x1  }
0xae: {  	[sflag:s6] =	ssyncadd.s32 @p0 $0xFFFFFFFF  }
0xaf: {  	s7 =	sshll.u32 @!p0 s1, $0xE  }
0xb0: {  	s7 =	sor.u32 @!p0 $0x4000, s7;
	s6 =	simm.s32 @!p0 $0x1B8D  }
0xb1: {  	s5 =	sshll.u32 @!p0 s5, $0x11;
	s7 =	sadd.s32 @!p0 $0x11B8D, s7;
	_ =	swait.eq @!p0 [sflag:s6], $0x1  }
0xb2: {  	s5 =	sor.u32 @!p0 s5, s7;
	[sflag:s6] =	ssyncadd.s32 @!p0 $0xFFFFFFFF  }
0xb3: {  	s25 =	simm.s32 $0x1B8E;
	s24 =	sld [smem:$0x3FFE];
	[sflag:s5] =	ssyncadd.remote.s32 @!p0 $0x1  }
0xb4: {  	s26 =	simm.s32 $execute0_lowered;
	[smem:$0x3FD2] =	sst s25  }
0xb5: {  	s6 =	sshll.u32 s26, $0x1;
	_ =	strace $0x8000004C;
	[dreg:$0x1] =	wrdreg $0xFFFFFFFF  }
0xb6: {  	s28 =	simm.s32 $_size_execute0_lowered;
	s4 =	sadd.s32 s4, s6;
	[dreg:$0x0] =	wrdreg $0x0  }
0xb7: {  	s6 =	sshll.u32 s28, $0x1;
	[dreg:$0x2] =	wrdreg s4  }
0xb8: {  	[dreg:$0x3] =	wrdreg s6  }
0xb9: {  	[dreg:$0x4] =	wrdreg $0xC0  }
0xba: {  	_ =	task [dreg:s22], $0x5FFFF  }
0xbb: {  	[dreg:$0x1] =	wrdreg $0xFFFFFFFF  }
0xbc: {  	[dreg:$0x0] =	wrdreg $0x60  }
0xbd: {  	[dreg:$0x2] =	wrdreg s24  }
0xbe: {  	[dreg:$0x3] =	wrdreg s18  }
0xbf: {  	[dreg:$0x4] =	wrdreg $0x90000  }
0xc0: {  	[dreg:$0x5] =	wrdreg $0x130000  }
0xc1: {  	[dreg:$0x6] =	wrdreg $0x9  }
0xc2: {  	_ =	task.clear_ibuf [dreg:s22], $0x7FFFF;
	_ =	strace $0x9000004C  }
0xc3: {  	s29 =	simm.s32 $0x9;
	_ =	strace $0x8000004E  }
0xc4: {  	_ =	swait.ge [sflag:s29], $0x1  }
0xc5: {  	[sflag:s29] =	ssyncadd.s32 $0xFFFFFFFF  }
0xc6: {  	_ =	strace $0x9000004E  }
0xc7: {  	_ =	sfence  }
0xc8: {  	s30 =	sld [smem:$0x0];
	_ =	sdelay $0x2  }
0xc9: {  	s31 =	sshll.u32 s1, $0xD;
	s1 =	sshrl.u32 s1, $0x2  }
0xca: {  	s4 =	sand.u32 $0x4000, s31;
	s1 =	sadd.s32 s1, s30  }
0xcb: {  	s0 =	sor.u32 s4, s0;
	s1 =	sshll.u32 s1, $0x11  }
0xcc: {  	s0 =	sor.u32 s1, s0  }
0xcd: {  	s0 =	sadd.s32 $0x8F2B, s0  }
0xce: {  	[sflag:s0] =	ssyncadd.remote.s32 $0x1  }
0xcf: {  	_ =	sfence.sel $0xFFFF  }
0xd0: {  	[dreg:$0x0] =	wrdreg $0xFFFFFFFF;
	(pc) =	sbr.abs _section_cstart, $3  }
0xd1: {  	[dreg:$0x1] =	wrdreg $0xFFFFFFFF  }
0xd2: {  	_ =	task.clear_ibuf [dreg:s22], $0x2FFFF;
	_ =	strace $0x9FFFFFFF  }
0xd3: {  	(tm) =	ssettm $0x7FFFFFFF  }
tec
execute0_lowered:
.L_overlay_start_1:
0x0: {  	(tag) =	ssettag $0x1  }
0x1: {  	s6 =	rddreg [dreg:$0x0]  }
0x2: {  	s8 =	rddreg [dreg:$0x1]  }
0x3: {  	s0 =	stileid.u32;
	s2 =	rddreg [dreg:$0x2]  }
0x4: {  	s1 =	srdreg.scid;
	s3 =	rddreg [dreg:$0x3]  }
0x5: {  	s4 =	simm.s32 $0x0;
	s16 =	simm.s32 $0x80;
	s17 =	simm.s32 $0x5000  }
0x6: {  	s18 =	simm.s32 $0x1;
	s19 =	simm.s32 $0x7000;
	s20 =	simm.s32 $0x2  }
0x7: {  	s21 =	simm.s32 $0x2780;
	s22 =	simm.s32 $0x4F00;
	s23 =	simm.s32 $0x4F80  }
0x8: {  	s24 =	simm.s32 $0x0;
	s5 =	sand.u32 $0x1, s1;
	s1 =	rddreg [dreg:$0x4]  }
0x9: {  	s26 =	sshll.u32 s0, $0x1;
	s9 =	smul.u32 $0xA000, s0;
	[smem:$0x7FF] =	sst s4  }
0xa: {  	s30 =	sshll.u32 s0, $0x6;
	s7 =	sor.u32 s5, s26;
	s11 =	smul.u32 $0xA0000, s5  }
0xb: {  	_ =	strace $0x8000004D;
	s13 =	ssub.s32 $0x2, s5;
	s5 =	sadd.s32 $0x1A00, s6  }
0xc: {  	s10 =	smul.u32 $0x500, s7;
	s28 =	sshrl.u32 s9, $0x3;
	s14 =	sshrl.u32 s13, $0x1  }
0xd: {  	s31 =	sadd.s32 s9, s2;
	s15 =	sadd.s32 s9, s3;
	s12 =	sadd.s32 s28, s6  }
0xe: {  	s11 =	sadd.s32 s9, s11;
	s13 =	ssub.s32 s13, s14;
	s14 =	simm.s32 $0x2800  }
0xf: {  	s15 =	sshrl.u32 s15, $0x3;
	s29 =	sadd.s32 s10, s6;
	s11 =	sshrl.u32 s11, $0x3  }
0x10: {  	s8 =	sadd.s32 s8, s10;
	s9 =	sadd.s32 $0xA1A00, s12;
	s12 =	sshrl.u32 s31, $0x3  }
0x11: {  	s11 =	sadd.s32 s11, s6;
	s6 =	sor.u32 $0x1C03, s30;
	s7 =	sadd.s32 $0xBA00, s29  }
0x12: {  	s10 =	sadd.s32 $0xB5A00, s11;
	s11 =	smax.u32 s13, $0x1;
	s13 =	simm.s32 $0x3  }
.LBB2_1:
0x13: {  	[spmem:s12], [sflag:s6] =	dma.local [hbm:s5], $0x1400  }
0x14: {  	_ =	swait.ge [sflag:s13], $0x1400  }
0x15: {  	[sflag:s13] =	ssyncset.done $0x0  }
0x16: {  	[sflag:s13] =	ssyncadd.s32 $0xFFFFEC00  }
0x17: {  	[tilespmem:s4], [sflag:$0x3] =	stream.linear.gather [hbm4b:s7+s4], $0x2800, $0x38;
	[tilespmem:$0x1D000] =	vst v63  }
0x18: {  	_ =	swait.ge [sflag:s13], $0x2800  }
0x19: {  	[sflag:s13] =	ssyncset.done $0x0  }
0x1a: {  	[sflag:s13] =	ssyncadd.s32 $0xFFFFD800  }
0x1b: {  	[tilespmem:s14], [sflag:$0x3] =	stream.linear.gather [hbm4b:s8+s4], $0x2800, $0x38;
	[tilespmem:$0x1D000] =	vst v63  }
0x1c: {  	_ =	swait.ge [sflag:s13], $0x2800  }
0x1d: {  	[sflag:s13] =	ssyncset.done $0x0  }
0x1e: {  	[sflag:s13] =	ssyncadd.s32 $0xFFFFD800  }
0x1f: {  	[spmem:s15], [sflag:s6] =	dma.local [hbm:s9], $0x1400  }
0x20: {  	_ =	swait.ge [sflag:s13], $0x1400  }
0x21: {  	[sflag:s13] =	ssyncset.done $0x0  }
0x22: {  	[sflag:s13] =	ssyncadd.s32 $0xFFFFEC00  }
0x23: {  	[bflag:$0x0] =	sbarrier.arrive $0xFFFF  }
0x24: {  	[tilespmem:s17], [sflag:$0x1] =	stream.indirect.gather [spmem:s3], $0x40, s4, s16, $0xb8;
	[tilespmem:$0x1D000] =	vst v63  }
0x25: {  	_ =	swait.ge [sflag:s18], $0x2000  }
0x26: {  	[sflag:s18] =	ssyncset.done $0x0  }
0x27: {  	s25 =	simm.s32 $0x80;
	[sflag:s18] =	ssyncadd.s32 $0xFFFFE000  }
0x28: {  	[tilespmem:s19], [sflag:$0x2] =	stream.indirect.gather [spmem:s3], $0x40, s25, s16, $0xb8;
	[tilespmem:$0x1D000] =	vst v63  }
0x29: {  	s29 =	simm.s32 $0x2800  }
0x2a: {  	[spmem:s2] =	stream.indirect.scatter.add.f32 [tilespmem:s17], [sflag:$0x3], $0x40, s29, s16, $0xb8;
	[tilespmem:$0x1D000] =	vst v63  }
0x2b: {  	_ =	swait.ge [sflag:s13], $0x2000  }
0x2c: {  	[sflag:s13] =	ssyncset.done $0x0  }
0x2d: {  	[sflag:s13] =	ssyncadd.s32 $0xFFFFE000  }
0x2e: {  	_ =	swait.ge [sflag:s20], $0x2000  }
0x2f: {  	[sflag:s20] =	ssyncset.done $0x0  }
0x30: {  	s30 =	simm.s32 $0x100;
	[sflag:s20] =	ssyncadd.s32 $0xFFFFE000  }
0x31: {  	[tilespmem:s17], [sflag:$0x1] =	stream.indirect.gather [spmem:s3], $0x40, s30, s16, $0xb8;
	[tilespmem:$0x1D000] =	vst v63  }
0x32: {  	s31 =	simm.s32 $0x2880  }
0x33: {  	[spmem:s2] =	stream.indirect.scatter.add.f32 [tilespmem:s19], [sflag:$0x3], $0x40, s31, s16, $0xb8;
	[tilespmem:$0x1D000] =	vst v63  }
0x34: {  	_ =	swait.ge [sflag:s13], $0x2000  }
0x35: {  	s25 =	simm.s32 $0x400;
	[sflag:s13] =	ssyncset.done $0x0  }
.LBB2_2:
0x36: {  	p0 =	sne.s32 s25, $0x9800  }
0x37: {  	[sflag:s13] =	ssyncadd.s32 $0xFFFFE000;
	s26 =	smov.u32 s25;
	s25 =	sadd.s32 $0x400, s25  }
0x38: {  	_ = 	snop  }
0x39: {  	_ =	swait.ge [sflag:s18], $0x2000  }
0x3a: {  	s26 =	sshra.s32 s26, $0x2;
	[sflag:s18] =	ssyncset.done $0x0  }
0x3b: {  	s28 =	sadd.s32 $0x80, s26;
	[sflag:s18] =	ssyncadd.s32 $0xFFFFE000  }
0x3c: {  	[tilespmem:s19], [sflag:$0x2] =	stream.indirect.gather [spmem:s3], $0x40, s28, s16, $0xb8;
	[tilespmem:$0x1D000] =	vst v63  }
0x3d: {  	s28 =	sadd.s32 $0x2800, s26  }
0x3e: {  	[spmem:s2] =	stream.indirect.scatter.add.f32 [tilespmem:s17], [sflag:$0x3], $0x40, s28, s16, $0xb8;
	[tilespmem:$0x1D000] =	vst v63  }
0x3f: {  	_ =	swait.ge [sflag:s13], $0x2000  }
0x40: {  	[sflag:s13] =	ssyncset.done $0x0  }
0x41: {  	[sflag:s13] =	ssyncadd.s32 $0xFFFFE000  }
0x42: {  	_ =	swait.ge [sflag:s20], $0x2000  }
0x43: {  	[sflag:s20] =	ssyncset.done $0x0  }
0x44: {  	s28 =	sadd.s32 $0x100, s26;
	[sflag:s20] =	ssyncadd.s32 $0xFFFFE000  }
0x45: {  	[tilespmem:s17], [sflag:$0x1] =	stream.indirect.gather [spmem:s3], $0x40, s28, s16, $0xb8;
	[tilespmem:$0x1D000] =	vst v63  }
.Ltmp0:
0x46: {  	_ = 	snop;
	(pc) =	sbr.rel @p0 .LBB2_2-.Ltmp0, $4  }
0x47: {  	s26 =	sadd.s32 $0x2880, s26  }
0x48: {  	[spmem:s2] =	stream.indirect.scatter.add.f32 [tilespmem:s19], [sflag:$0x3], $0x40, s26, s16, $0xb8;
	[tilespmem:$0x1D000] =	vst v63  }
0x49: {  	_ =	swait.ge [sflag:s13], $0x2000  }
0x4a: {  	[sflag:s13] =	ssyncset.done $0x0  }
0x4b: {  	[sflag:s13] =	ssyncadd.s32 $0xFFFFE000  }
0x4c: {  	_ =	swait.ge [sflag:s18], $0x2000  }
0x4d: {  	[sflag:s18] =	ssyncset.done $0x0  }
0x4e: {  	[sflag:s18] =	ssyncadd.s32 $0xFFFFE000  }
0x4f: {  	[tilespmem:s19], [sflag:$0x2] =	stream.indirect.gather [spmem:s3], $0x40, s21, s16, $0xb8;
	[tilespmem:$0x1D000] =	vst v63  }
0x50: {  	_ = 	snop  }
0x51: {  	[spmem:s2] =	stream.indirect.scatter.add.f32 [tilespmem:s17], [sflag:$0x3], $0x40, s22, s16, $0xb8;
	[tilespmem:$0x1D000] =	vst v63  }
0x52: {  	_ =	swait.ge [sflag:s13], $0x2000  }
0x53: {  	[sflag:s13] =	ssyncset.done $0x0  }
0x54: {  	[sflag:s13] =	ssyncadd.s32 $0xFFFFE000  }
0x55: {  	_ =	swait.ge [sflag:s20], $0x2000  }
0x56: {  	[sflag:s20] =	ssyncset.done $0x0  }
0x57: {  	[sflag:s20] =	ssyncadd.s32 $0xFFFFE000  }
0x58: {  	[spmem:s2] =	stream.indirect.scatter.add.f32 [tilespmem:s19], [sflag:$0x3], $0x40, s23, s16, $0xb8;
	[tilespmem:$0x1D000] =	vst v63  }
0x59: {  	_ =	swait.ge [sflag:s13], $0x2000  }
0x5a: {  	s24 =	sadd.s32 $0x1, s24;
	[sflag:s13] =	ssyncset.done $0x0  }
0x5b: {  	p0 =	sne.s32 s24, s11;
	[sflag:s13] =	ssyncadd.s32 $0xFFFFE000  }
.Ltmp1:
0x5c: {  	[bflag:$0x0] =	sbarrier.arrive $0xFFFF;
	(pc) =	sbr.rel @p0 .LBB2_1-.Ltmp1, $4  }
0x5d: {  	[hbm:s10], [sflag:s6] =	dma.local [spmem:s12], $0x1400  }
0x5e: {  	_ =	swait.ge [sflag:s13], $0x1400  }
0x5f: {  	[sflag:s13] =	ssyncset.done $0x0  }
0x60: {  	[sflag:s13] =	ssyncadd.s32 $0xFFFFEC00  }
0x61: {  	_ =	sfence.sel $0x180000  }
0x62: {  	[bflag:$0x0] =	sbarrier.arrive $0xFFFF  }
0x63: {  	p0 =	sne.s32 s0, $0x0;
	_ =	strace $0x9000004D  }
0x64: {  	s0 =	sadd.s32 @!p0 $0x100000, s1;
	[bflag:$0x2] =	sbarrier.arrive $0xFFFF  }
0x65: {  	[sflag:s0] =	ssyncadd.tile.s32 @!p0 $0x1;
	_ =	shalt  }
.Lfunc_end2:
_tile_overlayer_lowered:
.L_overlay_start_2:
0x66: {  	(tag) =	ssettag $0x2  }
0x67: {  	s0 =	rddreg [dreg:$0x0];
	s2 =	stileid.u32  }
0x68: {  	s1 =	rddreg [dreg:$0x1];
	p0 =	sne.s32 s2, $0x0  }
0x69: {  	s3 =	rddreg [dreg:$0x2];
	[bflag:$0x3] =	sbarrier.arrive $0xFFFF;
	s2 =	simm.s32 @!p0 $0x1C03  }
0x6a: {  	[timem:s3], [sflag:s2] =	dma.local @!p0 [hbm:s0], s1  }
0x6b: {  	s0 =	simm.s32 @!p0 $0x3  }
0x6c: {  	_ =	swait.ge @!p0 [sflag:s0], s1  }
0x6d: {  	s1 =	ssub.s32 @!p0 $0x0, s1;
	[sflag:s0] =	ssyncset.done @!p0 $0x0  }
0x6e: {  	[sflag:s0] =	ssyncadd.s32 @!p0 s1  }
0x6f: {  	[bflag:$0x3] =	sbarrier.arrive $0xFFFF  }
0x70: {  	_ =	shalt  }

// kernel: edge_agg_64.8.cloned.1.call-start
scs
__scs_entry_jumppad:
0x0: {  	(pc) =	sbr.rel $0x88, $3  }
0x1: {  	(tag) =	ssettag $0x0;
	lr =	simm.s32 $0x1  }
0x2: {  	[smem:$0x3F9A] =	sst lr;
	_ =	strace $0xD0000000  }
0x3: {  	_ = 	snop  }
0x4: {  	_ = 	snop  }
0x5: {  	_ = 	snop  }
0x6: {  	_ = 	snop  }
0x7: {  	_ = 	snop  }
__scs_overlays_trampoline_lowered:
0x8: {  	[smem:$0x3FA9] =	sst s0  }
0x9: {  	[smem:$0x3FAA] =	sst s1  }
0xa: {  	[smem:$0x3FAB] =	sst s2  }
0xb: {  	[smem:$0x3FAC] =	sst s3  }
0xc: {  	[smem:$0x3FAD] =	sst s4  }
0xd: {  	[smem:$0x3FAE] =	sst s5  }
0xe: {  	[smem:$0x3FAF] =	sst s6  }
0xf: {  	[smem:$0x3FB0] =	sst s7  }
0x10: {  	[smem:$0x3FB1] =	sst s8  }
0x11: {  	[smem:$0x3FB2] =	sst s9;
	s0 =	simm.s32 @!p0 $0x0  }
0x12: {  	s1 =	sld [smem:$0x3F98];
	s0 =	simm.s32 @p0 $0x1  }
0x13: {  	[smem:$0x3FB3] =	sst s0;
	s0 =	simm.s32 @!p1 $0x0  }
0x14: {  	s2 =	sld [smem:$0x3F97];
	s0 =	simm.s32 @p1 $0x1  }
0x15: {  	[smem:$0x3FB4] =	sst s0;
	s0 =	simm.s32 @!p2 $0x0  }
0x16: {  	s3 =	sld [smem:$0x3FDB];
	s0 =	simm.s32 @p2 $0x1  }
0x17: {  	s4 =	simm.s32 $0x1BF5;
	[smem:$0x3FB6] =	sst s0  }
0x18: {  	s0 =	sld [smem:$0x3F99];
	_ =	swait.ge [sflag:s4], $0x0  }
0x19: {  	s7 =	sld [smem:$0x3F9A]  }
0x1a: {  	s8 =	sadd.s32 $0xFFFFE003, lr  }
0x1b: {  	s9 =	sadd.s32 $0xFFFFFEF7, lr;
	s5 =	simm.s32 $0xFFFFFFFF;
	p2 =	slt.u32 s8, $0xFFFFF086  }
0x1c: {  	p1 =	slt.u32 s9, $0xF7A;
	s5 =	simm.s32 @!p2 $0x0  }
0x1d: {  	s5 =	simm.s32 @p1 $0x1;
	p0 =	seq.s32 s7, s2  }
0x1e: {  	s7 =	smul.u32 @!p0 $0xF7A, s2;
	p2 =	seq.s32 @!p0 s5, $0x0  }
0x1f: {  	s9 =	smul.u32 $0xF7A, s1;
	s8 =	simm.s32 @!p0 $0x1BF5;
	p2 =	por !p2, p0  }
0x20: {  	[sflag:s8] =	ssyncset.s32 @!p0 $0xFFFFF086;
	s6 =	sadd.s32 @!p0 s3, s7;
	s7 =	simm.s32 @!p0 $0x108  }
0x21: {  	s3 =	sadd.s32 s3, s9;
	s6 =	sadd.s32 @!p0 $0x88, s6;
	s7 =	simm.s32 @p2 $0x1082  }
0x22: {  	[simem:s7], [sflag:s8] =	dma.local @!p0 [hbm:s6], $0xF7A  }
0x23: {  	s9 =	sor.u32 $0xD0000000, s2;
	s6 =	simm.s32 $0x108;
	_ =	swait.ge @!p0 [sflag:s8], $0x0  }
0x24: {  	s3 =	sadd.s32 $0x88, s3;
	s6 =	simm.s32 @!p1 $0x1082;
	[sflag:s4] =	ssyncset.s32 $0xFFFFF086  }
0x25: {  	[simem:s6], [sflag:s4] =	dma.local [hbm:s3], $0xF7A  }
0x26: {  	[smem:$0x3F9A] =	sst s1;
	(tag) =	ssettag s2;
	_ =	strace s9  }
0x27: {  	s1 =	sld [smem:$0x3FAA]  }
0x28: {  	s2 =	sld [smem:$0x3FAB]  }
0x29: {  	s4 =	sld [smem:$0x3FAD]  }
0x2a: {  	p0 =	seq.s32 s5, $0x0;
	s5 =	sld [smem:$0x3FAE]  }
0x2b: {  	s6 =	sld [smem:$0x3FAF]  }
0x2c: {  	s7 =	sld [smem:$0x3FB0]  }
0x2d: {  	s3 =	simm.s32 $0x108;
	s8 =	sld [smem:$0x3FB1]  }
0x2e: {  	s3 =	simm.s32 @!p0 $0x1082;
	s9 =	sld [smem:$0x3FB2]  }
0x2f: {  	lr =	sadd.s32 s0, s3;
	s0 =	sld [smem:$0x3FA9]  }
0x30: {  	s3 =	sld [smem:$0x3FAC]  }
0x31: {  	[smem:$0x3FB5] =	sst s10  }
0x32: {  	s10 =	sld [smem:$0x3FB3];
	_ =	sdelay $0x3  }
0x33: {  	p0 =	seq.s32 s10, $0x1;
	s10 =	sld [smem:$0x3FB5];
	_ =	sdelay $0x3  }
0x34: {  	[smem:$0x3FB5] =	sst s10  }
0x35: {  	s10 =	sld [smem:$0x3FB4];
	_ =	sdelay $0x3  }
0x36: {  	p1 =	seq.s32 s10, $0x1;
	s10 =	sld [smem:$0x3FB5];
	_ =	sdelay $0x3  }
0x37: {  	[smem:$0x3FB5] =	sst s10  }
0x38: {  	s10 =	sld [smem:$0x3FB6]  }
0x39: {  	_ = 	snop;
	(pc) =	sbr.ind lr, $3  }
0x3a: {  	_ = 	snop  }
0x3b: {  	_ = 	snop  }
0x3c: {  	p2 =	seq.s32 s10, $0x1;
	s10 =	sld [smem:$0x3FB5]  }
0x3d: {  	_ =	shalt  }
0x3e: {  	_ =	shalt  }
0x3f: {  	_ =	shalt  }
0x40: {  	_ =	shalt  }
0x41: {  	_ =	shalt  }
0x42: {  	_ =	shalt  }
0x43: {  	_ =	shalt  }
0x44: {  	_ =	shalt  }
0x45: {  	_ =	shalt  }
0x46: {  	_ =	shalt  }
0x47: {  	_ =	shalt  }
0x48: {  	_ =	shalt  }
0x49: {  	_ =	shalt  }
0x4a: {  	_ =	shalt  }
0x4b: {  	_ =	shalt  }
0x4c: {  	_ =	shalt  }
0x4d: {  	_ =	shalt  }
0x4e: {  	_ =	shalt  }
0x4f: {  	_ =	shalt  }
0x50: {  	_ =	shalt  }
0x51: {  	_ =	shalt  }
0x52: {  	_ =	shalt  }
0x53: {  	_ =	shalt  }
0x54: {  	_ =	shalt  }
0x55: {  	_ =	shalt  }
0x56: {  	_ =	shalt  }
0x57: {  	_ =	shalt  }
0x58: {  	_ =	shalt  }
0x59: {  	_ =	shalt  }
0x5a: {  	_ =	shalt  }
0x5b: {  	_ =	shalt  }
0x5c: {  	_ =	shalt  }
0x5d: {  	_ =	shalt  }
0x5e: {  	_ =	shalt  }
0x5f: {  	_ =	shalt  }
0x60: {  	_ =	shalt  }
0x61: {  	_ =	shalt  }
0x62: {  	_ =	shalt  }
0x63: {  	_ =	shalt  }
0x64: {  	_ =	shalt  }
0x65: {  	_ =	shalt  }
0x66: {  	_ =	shalt  }
0x67: {  	_ =	shalt  }
0x68: {  	_ =	shalt  }
0x69: {  	_ =	shalt  }
0x6a: {  	_ =	shalt  }
0x6b: {  	_ =	shalt  }
0x6c: {  	_ =	shalt  }
0x6d: {  	_ =	shalt  }
0x6e: {  	_ =	shalt  }
0x6f: {  	_ =	shalt  }
0x70: {  	_ =	shalt  }
0x71: {  	_ =	shalt  }
0x72: {  	_ =	shalt  }
0x73: {  	_ =	shalt  }
0x74: {  	_ =	shalt  }
0x75: {  	_ =	shalt  }
0x76: {  	_ =	shalt  }
0x77: {  	_ =	shalt  }
0x78: {  	_ =	shalt  }
0x79: {  	_ =	shalt  }
0x7a: {  	_ =	shalt  }
0x7b: {  	_ =	shalt  }
0x7c: {  	_ =	shalt  }
0x7d: {  	_ =	shalt  }
0x7e: {  	_ =	shalt  }
0x7f: {  	_ =	shalt  }
0x80: {  	_ =	shalt  }
0x81: {  	_ =	shalt  }
0x82: {  	_ =	shalt  }
0x83: {  	_ =	shalt  }
0x84: {  	_ =	shalt  }
0x85: {  	_ =	shalt  }
0x86: {  	_ =	shalt  }
0x87: {  	_ =	shalt  }
.Lfunc_end0:
.L_simem_size_0:
called_computation.2_lowered:
.L_overlay_start_0:
0x88: {  	s2 =	sld [smem:$0x3FD9]  }
0x89: {  	s3 =	sld [smem:$0x3FFE];
	_ =	sdelay $0x1  }
0x8a: {  	s1 =	srdreg.scid  }
0x8b: {  	s0 =	sand.u32 $0x1, s1  }
0x8c: {  	s17 =	sshll.u32 s0, $0xA;
	s2 =	sadd.s32 s3, s2  }
0x8d: {  	s2 =	sadd.s32 s2, s17  }
0x8e: {  	[smem:$0x3FC1] =	sst s2  }
0x8f: {  	_ = 	snop  }
0x90: {  	s2 =	sld [smem:$0x3FD0];
	(tm) =	ssettm $0x1  }
0x91: {  	s18 =	sld [smem:$0x3FFB];
	_ =	sdelay $0x3  }
0x92: {  	_ =	strace s18  }
0x93: {  	s3 =	sld [smem:$0x3FFC];
	_ =	sdelay $0x3  }
0x94: {  	_ =	strace s3  }
0x95: {  	s3 =	sld [smem:$0x3FFD];
	_ =	sdelay $0x3  }
0x96: {  	_ =	strace s3  }
0x97: {  	_ =	strace $0x8FFFFFFF  }
0x98: {  	s19 =	sld [smem:$0x3FDB];
	_ =	sdelay $0x1  }
0x99: {  	s4 =	simm.s32 $_scs_section_size  }
0x9a: {  	s5 =	simm.s32 $_size__tile_overlayer_lowered;
	s6 =	simm.s32 $_tile_overlayer_lowered  }
0x9b: {  	s22 =	simm.s32 $0x1BFF;
	s21 =	sshll.u32 s6, $0x1;
	s3 =	sadd.s32 s4, s19  }
0x9c: {  	s7 =	simm.s32 $0x0;
	s20 =	sshll.u32 s5, $0x1;
	s5 =	sadd.s32 s21, s3  }
0x9d: {  	[timem:s7], [sflag:s22] =	dma.local [hbm:s5], s20  }
0x9e: {  	_ =	swait.ge [sflag:s22], s20  }
0x9f: {  	s4 =	ssub.s32 $0x0, s20;
	[sflag:s22] =	ssyncset.done $0x0  }
0xa0: {  	[sflag:s22] =	ssyncadd.s32 s4;
	_ =	sdelay $0x1  }
0xa1: {  	s23 =	simm.s32 $0x1B8B  }
0xa2: {  	_ =	swait.ge [sflag:s23], $0x1  }
0xa3: {  	[sflag:s23] =	ssyncset.done $0x0  }
0xa4: {  	s25 =	simm.s32 $0x1B8E;
	s24 =	sld [smem:$0x3FFE];
	[sflag:s23] =	ssyncadd.s32 $0xFFFFFFFF  }
0xa5: {  	s26 =	simm.s32 $execute0_lowered;
	[smem:$0x3FD2] =	sst s25  }
0xa6: {  	s5 =	sshll.u32 s26, $0x1;
	_ =	strace $0x80000049;
	[dreg:$0x1] =	wrdreg $0xFFFFFFFF  }
0xa7: {  	s28 =	simm.s32 $_size_execute0_lowered;
	s3 =	sadd.s32 s3, s5;
	[dreg:$0x0] =	wrdreg $0x0  }
0xa8: {  	s5 =	sshll.u32 s28, $0x1;
	[dreg:$0x2] =	wrdreg s3  }
0xa9: {  	[dreg:$0x3] =	wrdreg s5  }
0xaa: {  	[dreg:$0x4] =	wrdreg $0xC0  }
0xab: {  	_ =	task [dreg:s7], $0x5FFFF  }
0xac: {  	[dreg:$0x1] =	wrdreg $0xFFFFFFFF  }
0xad: {  	[dreg:$0x0] =	wrdreg $0x60  }
0xae: {  	[dreg:$0x2] =	wrdreg s24  }
0xaf: {  	[dreg:$0x3] =	wrdreg s2  }
0xb0: {  	[dreg:$0x4] =	wrdreg $0x90000  }
0xb1: {  	[dreg:$0x5] =	wrdreg $0x130000  }
0xb2: {  	[dreg:$0x6] =	wrdreg $0xA  }
0xb3: {  	_ =	task.clear_ibuf [dreg:s7], $0x7FFFF;
	_ =	strace $0x90000049  }
0xb4: {  	s29 =	simm.s32 $0xA;
	_ =	strace $0x8000004B  }
0xb5: {  	_ =	swait.ge [sflag:s29], $0x1  }
0xb6: {  	[sflag:s29] =	ssyncadd.s32 $0xFFFFFFFF  }
0xb7: {  	_ =	strace $0x9000004B  }
0xb8: {  	_ =	sfence  }
0xb9: {  	s30 =	sld [smem:$0x0];
	_ =	sdelay $0x2  }
0xba: {  	s31 =	sshll.u32 s1, $0xD;
	s1 =	sshrl.u32 s1, $0x2  }
0xbb: {  	s3 =	sand.u32 $0x4000, s31;
	s1 =	sadd.s32 s1, s30  }
0xbc: {  	s0 =	sor.u32 s3, s0;
	s1 =	sshll.u32 s1, $0x11  }
0xbd: {  	s0 =	sor.u32 s1, s0  }
0xbe: {  	s0 =	sadd.s32 $0x8F2B, s0  }
0xbf: {  	[sflag:s0] =	ssyncadd.remote.s32 $0x1  }
0xc0: {  	_ =	sfence.sel $0xFFFF  }
0xc1: {  	[dreg:$0x0] =	wrdreg $0xFFFFFFFF;
	(pc) =	sbr.abs _section_cstart, $3  }
0xc2: {  	[dreg:$0x1] =	wrdreg $0xFFFFFFFF  }
0xc3: {  	_ =	task.clear_ibuf [dreg:s7], $0x2FFFF;
	_ =	strace $0x9FFFFFFF  }
0xc4: {  	(tm) =	ssettm $0x7FFFFFFF  }
0xc5: {  	_ =	shalt  }
tec
execute0_lowered:
.L_overlay_start_1:
0x0: {  	(tag) =	ssettag $0x1  }
0x1: {  	s6 =	rddreg [dreg:$0x0]  }
0x2: {  	s8 =	rddreg [dreg:$0x1]  }
0x3: {  	s0 =	stileid.u32;
	s2 =	rddreg [dreg:$0x2]  }
0x4: {  	s1 =	srdreg.scid;
	s3 =	rddreg [dreg:$0x3]  }
0x5: {  	s4 =	simm.s32 $0x0;
	s16 =	simm.s32 $0x80;
	s17 =	simm.s32 $0x5000  }
0x6: {  	s18 =	simm.s32 $0x1;
	s19 =	simm.s32 $0x7000;
	s20 =	simm.s32 $0x2  }
0x7: {  	s21 =	simm.s32 $0x2780;
	s22 =	simm.s32 $0x4F00;
	s23 =	simm.s32 $0x4F80  }
0x8: {  	s24 =	simm.s32 $0x0;
	s5 =	sand.u32 $0x1, s1;
	s1 =	rddreg [dreg:$0x4]  }
0x9: {  	s26 =	sshll.u32 s0, $0x1;
	s9 =	smul.u32 $0xA000, s0;
	[smem:$0x7FF] =	sst s4  }
0xa: {  	s30 =	sshll.u32 s0, $0x6;
	s7 =	sor.u32 s5, s26;
	s11 =	smul.u32 $0xA0000, s5  }
0xb: {  	_ =	strace $0x8000004A;
	s13 =	ssub.s32 $0x2, s5;
	s5 =	sadd.s32 $0x1A00, s6  }
0xc: {  	s10 =	smul.u32 $0x500, s7;
	s28 =	sshrl.u32 s9, $0x3;
	s14 =	sshrl.u32 s13, $0x1  }
0xd: {  	s31 =	sadd.s32 s9, s2;
	s15 =	sadd.s32 s9, s3;
	s12 =	sadd.s32 s28, s6  }
0xe: {  	s11 =	sadd.s32 s9, s11;
	s13 =	ssub.s32 s13, s14;
	s14 =	simm.s32 $0x2800  }
0xf: {  	s15 =	sshrl.u32 s15, $0x3;
	s29 =	sadd.s32 s10, s6;
	s11 =	sshrl.u32 s11, $0x3  }
0x10: {  	s8 =	sadd.s32 s8, s10;
	s9 =	sadd.s32 $0x65A00, s12;
	s12 =	sshrl.u32 s31, $0x3  }
0x11: {  	s11 =	sadd.s32 s11, s6;
	s6 =	sor.u32 $0x1C03, s30;
	s7 =	sadd.s32 $0xBA00, s29  }
0x12: {  	s10 =	sadd.s32 $0x79A00, s11;
	s11 =	smax.u32 s13, $0x1;
	s13 =	simm.s32 $0x3  }
.LBB2_1:
0x13: {  	[spmem:s12], [sflag:s6] =	dma.local [hbm:s5], $0x1400  }
0x14: {  	_ =	swait.ge [sflag:s13], $0x1400  }
0x15: {  	[sflag:s13] =	ssyncset.done $0x0  }
0x16: {  	[sflag:s13] =	ssyncadd.s32 $0xFFFFEC00  }
0x17: {  	[tilespmem:s4], [sflag:$0x3] =	stream.linear.gather [hbm4b:s7+s4], $0x2800, $0x38;
	[tilespmem:$0x1D000] =	vst v63  }
0x18: {  	_ =	swait.ge [sflag:s13], $0x2800  }
0x19: {  	[sflag:s13] =	ssyncset.done $0x0  }
0x1a: {  	[sflag:s13] =	ssyncadd.s32 $0xFFFFD800  }
0x1b: {  	[tilespmem:s14], [sflag:$0x3] =	stream.linear.gather [hbm4b:s8+s4], $0x2800, $0x38;
	[tilespmem:$0x1D000] =	vst v63  }
0x1c: {  	_ =	swait.ge [sflag:s13], $0x2800  }
0x1d: {  	[sflag:s13] =	ssyncset.done $0x0  }
0x1e: {  	[sflag:s13] =	ssyncadd.s32 $0xFFFFD800  }
0x1f: {  	[spmem:s15], [sflag:s6] =	dma.local [hbm:s9], $0x1400  }
0x20: {  	_ =	swait.ge [sflag:s13], $0x1400  }
0x21: {  	[sflag:s13] =	ssyncset.done $0x0  }
0x22: {  	[sflag:s13] =	ssyncadd.s32 $0xFFFFEC00  }
0x23: {  	[bflag:$0x0] =	sbarrier.arrive $0xFFFF  }
0x24: {  	[tilespmem:s17], [sflag:$0x1] =	stream.indirect.gather [spmem:s3], $0x40, s4, s16, $0xb8;
	[tilespmem:$0x1D000] =	vst v63  }
0x25: {  	_ =	swait.ge [sflag:s18], $0x2000  }
0x26: {  	[sflag:s18] =	ssyncset.done $0x0  }
0x27: {  	s25 =	simm.s32 $0x80;
	[sflag:s18] =	ssyncadd.s32 $0xFFFFE000  }
0x28: {  	[tilespmem:s19], [sflag:$0x2] =	stream.indirect.gather [spmem:s3], $0x40, s25, s16, $0xb8;
	[tilespmem:$0x1D000] =	vst v63  }
0x29: {  	s29 =	simm.s32 $0x2800  }
0x2a: {  	[spmem:s2] =	stream.indirect.scatter.add.f32 [tilespmem:s17], [sflag:$0x3], $0x40, s29, s16, $0xb8;
	[tilespmem:$0x1D000] =	vst v63  }
0x2b: {  	_ =	swait.ge [sflag:s13], $0x2000  }
0x2c: {  	[sflag:s13] =	ssyncset.done $0x0  }
0x2d: {  	[sflag:s13] =	ssyncadd.s32 $0xFFFFE000  }
0x2e: {  	_ =	swait.ge [sflag:s20], $0x2000  }
0x2f: {  	[sflag:s20] =	ssyncset.done $0x0  }
0x30: {  	s30 =	simm.s32 $0x100;
	[sflag:s20] =	ssyncadd.s32 $0xFFFFE000  }
0x31: {  	[tilespmem:s17], [sflag:$0x1] =	stream.indirect.gather [spmem:s3], $0x40, s30, s16, $0xb8;
	[tilespmem:$0x1D000] =	vst v63  }
0x32: {  	s31 =	simm.s32 $0x2880  }
0x33: {  	[spmem:s2] =	stream.indirect.scatter.add.f32 [tilespmem:s19], [sflag:$0x3], $0x40, s31, s16, $0xb8;
	[tilespmem:$0x1D000] =	vst v63  }
0x34: {  	_ =	swait.ge [sflag:s13], $0x2000  }
0x35: {  	s25 =	simm.s32 $0x400;
	[sflag:s13] =	ssyncset.done $0x0  }
.LBB2_2:
0x36: {  	p0 =	sne.s32 s25, $0x9800  }
0x37: {  	[sflag:s13] =	ssyncadd.s32 $0xFFFFE000;
	s26 =	smov.u32 s25;
	s25 =	sadd.s32 $0x400, s25  }
0x38: {  	_ = 	snop  }
0x39: {  	_ =	swait.ge [sflag:s18], $0x2000  }
0x3a: {  	s26 =	sshra.s32 s26, $0x2;
	[sflag:s18] =	ssyncset.done $0x0  }
0x3b: {  	s28 =	sadd.s32 $0x80, s26;
	[sflag:s18] =	ssyncadd.s32 $0xFFFFE000  }
0x3c: {  	[tilespmem:s19], [sflag:$0x2] =	stream.indirect.gather [spmem:s3], $0x40, s28, s16, $0xb8;
	[tilespmem:$0x1D000] =	vst v63  }
0x3d: {  	s28 =	sadd.s32 $0x2800, s26  }
0x3e: {  	[spmem:s2] =	stream.indirect.scatter.add.f32 [tilespmem:s17], [sflag:$0x3], $0x40, s28, s16, $0xb8;
	[tilespmem:$0x1D000] =	vst v63  }
0x3f: {  	_ =	swait.ge [sflag:s13], $0x2000  }
0x40: {  	[sflag:s13] =	ssyncset.done $0x0  }
0x41: {  	[sflag:s13] =	ssyncadd.s32 $0xFFFFE000  }
0x42: {  	_ =	swait.ge [sflag:s20], $0x2000  }
0x43: {  	[sflag:s20] =	ssyncset.done $0x0  }
0x44: {  	s28 =	sadd.s32 $0x100, s26;
	[sflag:s20] =	ssyncadd.s32 $0xFFFFE000  }
0x45: {  	[tilespmem:s17], [sflag:$0x1] =	stream.indirect.gather [spmem:s3], $0x40, s28, s16, $0xb8;
	[tilespmem:$0x1D000] =	vst v63  }
.Ltmp0:
0x46: {  	_ = 	snop;
	(pc) =	sbr.rel @p0 .LBB2_2-.Ltmp0, $4  }
0x47: {  	s26 =	sadd.s32 $0x2880, s26  }
0x48: {  	[spmem:s2] =	stream.indirect.scatter.add.f32 [tilespmem:s19], [sflag:$0x3], $0x40, s26, s16, $0xb8;
	[tilespmem:$0x1D000] =	vst v63  }
0x49: {  	_ =	swait.ge [sflag:s13], $0x2000  }
0x4a: {  	[sflag:s13] =	ssyncset.done $0x0  }
0x4b: {  	[sflag:s13] =	ssyncadd.s32 $0xFFFFE000  }
0x4c: {  	_ =	swait.ge [sflag:s18], $0x2000  }
0x4d: {  	[sflag:s18] =	ssyncset.done $0x0  }
0x4e: {  	[sflag:s18] =	ssyncadd.s32 $0xFFFFE000  }
0x4f: {  	[tilespmem:s19], [sflag:$0x2] =	stream.indirect.gather [spmem:s3], $0x40, s21, s16, $0xb8;
	[tilespmem:$0x1D000] =	vst v63  }
0x50: {  	_ = 	snop  }
0x51: {  	[spmem:s2] =	stream.indirect.scatter.add.f32 [tilespmem:s17], [sflag:$0x3], $0x40, s22, s16, $0xb8;
	[tilespmem:$0x1D000] =	vst v63  }
0x52: {  	_ =	swait.ge [sflag:s13], $0x2000  }
0x53: {  	[sflag:s13] =	ssyncset.done $0x0  }
0x54: {  	[sflag:s13] =	ssyncadd.s32 $0xFFFFE000  }
0x55: {  	_ =	swait.ge [sflag:s20], $0x2000  }
0x56: {  	[sflag:s20] =	ssyncset.done $0x0  }
0x57: {  	[sflag:s20] =	ssyncadd.s32 $0xFFFFE000  }
0x58: {  	[spmem:s2] =	stream.indirect.scatter.add.f32 [tilespmem:s19], [sflag:$0x3], $0x40, s23, s16, $0xb8;
	[tilespmem:$0x1D000] =	vst v63  }
0x59: {  	_ =	swait.ge [sflag:s13], $0x2000  }
0x5a: {  	s24 =	sadd.s32 $0x1, s24;
	[sflag:s13] =	ssyncset.done $0x0  }
0x5b: {  	p0 =	sne.s32 s24, s11;
	[sflag:s13] =	ssyncadd.s32 $0xFFFFE000  }
.Ltmp1:
0x5c: {  	[bflag:$0x0] =	sbarrier.arrive $0xFFFF;
	(pc) =	sbr.rel @p0 .LBB2_1-.Ltmp1, $4  }
0x5d: {  	[hbm:s10], [sflag:s6] =	dma.local [spmem:s12], $0x1400  }
0x5e: {  	_ =	swait.ge [sflag:s13], $0x1400  }
0x5f: {  	[sflag:s13] =	ssyncset.done $0x0  }
0x60: {  	[sflag:s13] =	ssyncadd.s32 $0xFFFFEC00  }
0x61: {  	_ =	sfence.sel $0x180000  }
0x62: {  	[bflag:$0x0] =	sbarrier.arrive $0xFFFF  }
0x63: {  	p0 =	sne.s32 s0, $0x0;
	_ =	strace $0x9000004A  }
0x64: {  	s0 =	sadd.s32 @!p0 $0x100000, s1;
	[bflag:$0x2] =	sbarrier.arrive $0xFFFF  }
0x65: {  	[sflag:s0] =	ssyncadd.tile.s32 @!p0 $0x1;
	_ =	shalt  }
.Lfunc_end2:
_tile_overlayer_lowered:
.L_overlay_start_2:
0x66: {  	(tag) =	ssettag $0x2  }
0x67: {  	s0 =	rddreg [dreg:$0x0];
	s2 =	stileid.u32  }
0x68: {  	s1 =	rddreg [dreg:$0x1];
	p0 =	sne.s32 s2, $0x0  }
0x69: {  	s3 =	rddreg [dreg:$0x2];
	[bflag:$0x3] =	sbarrier.arrive $0xFFFF;
	s2 =	simm.s32 @!p0 $0x1C03  }
0x6a: {  	[timem:s3], [sflag:s2] =	dma.local @!p0 [hbm:s0], s1  }
0x6b: {  	s0 =	simm.s32 @!p0 $0x3  }
0x6c: {  	_ =	swait.ge @!p0 [sflag:s0], s1  }
0x6d: {  	s1 =	ssub.s32 @!p0 $0x0, s1;
	[sflag:s0] =	ssyncset.done @!p0 $0x0  }
0x6e: {  	[sflag:s0] =	ssyncadd.s32 @!p0 s1  }
0x6f: {  	[bflag:$0x3] =	sbarrier.arrive $0xFFFF  }
0x70: {  	_ =	shalt  }

// kernel: edge_decoder.3.cloned.1.call-start
scs
__scs_entry_jumppad:
0x0: {  	(pc) =	sbr.rel $0x88, $3  }
0x1: {  	(tag) =	ssettag $0x0;
	lr =	simm.s32 $0x1  }
0x2: {  	[smem:$0x3F9A] =	sst lr;
	_ =	strace $0xD0000000  }
0x3: {  	_ = 	snop  }
0x4: {  	_ = 	snop  }
0x5: {  	_ = 	snop  }
0x6: {  	_ = 	snop  }
0x7: {  	_ = 	snop  }
__scs_overlays_trampoline_lowered:
0x8: {  	[smem:$0x3FA9] =	sst s0  }
0x9: {  	[smem:$0x3FAA] =	sst s1  }
0xa: {  	[smem:$0x3FAB] =	sst s2  }
0xb: {  	[smem:$0x3FAC] =	sst s3  }
0xc: {  	[smem:$0x3FAD] =	sst s4  }
0xd: {  	[smem:$0x3FAE] =	sst s5  }
0xe: {  	[smem:$0x3FAF] =	sst s6  }
0xf: {  	[smem:$0x3FB0] =	sst s7  }
0x10: {  	[smem:$0x3FB1] =	sst s8  }
0x11: {  	[smem:$0x3FB2] =	sst s9;
	s0 =	simm.s32 @!p0 $0x0  }
0x12: {  	s1 =	sld [smem:$0x3F98];
	s0 =	simm.s32 @p0 $0x1  }
0x13: {  	[smem:$0x3FB3] =	sst s0;
	s0 =	simm.s32 @!p1 $0x0  }
0x14: {  	s2 =	sld [smem:$0x3F97];
	s0 =	simm.s32 @p1 $0x1  }
0x15: {  	[smem:$0x3FB4] =	sst s0;
	s0 =	simm.s32 @!p2 $0x0  }
0x16: {  	s3 =	sld [smem:$0x3FDB];
	s0 =	simm.s32 @p2 $0x1  }
0x17: {  	s4 =	simm.s32 $0x1BF5;
	[smem:$0x3FB6] =	sst s0  }
0x18: {  	s0 =	sld [smem:$0x3F99];
	_ =	swait.ge [sflag:s4], $0x0  }
0x19: {  	s7 =	sld [smem:$0x3F9A]  }
0x1a: {  	s8 =	sadd.s32 $0xFFFFE003, lr  }
0x1b: {  	s9 =	sadd.s32 $0xFFFFFEF7, lr;
	s5 =	simm.s32 $0xFFFFFFFF;
	p2 =	slt.u32 s8, $0xFFFFF086  }
0x1c: {  	p1 =	slt.u32 s9, $0xF7A;
	s5 =	simm.s32 @!p2 $0x0  }
0x1d: {  	s5 =	simm.s32 @p1 $0x1;
	p0 =	seq.s32 s7, s2  }
0x1e: {  	s7 =	smul.u32 @!p0 $0xF7A, s2;
	p2 =	seq.s32 @!p0 s5, $0x0  }
0x1f: {  	s9 =	smul.u32 $0xF7A, s1;
	s8 =	simm.s32 @!p0 $0x1BF5;
	p2 =	por !p2, p0  }
0x20: {  	[sflag:s8] =	ssyncset.s32 @!p0 $0xFFFFF086;
	s6 =	sadd.s32 @!p0 s3, s7;
	s7 =	simm.s32 @!p0 $0x108  }
0x21: {  	s3 =	sadd.s32 s3, s9;
	s6 =	sadd.s32 @!p0 $0x88, s6;
	s7 =	simm.s32 @p2 $0x1082  }
0x22: {  	[simem:s7], [sflag:s8] =	dma.local @!p0 [hbm:s6], $0xF7A  }
0x23: {  	s9 =	sor.u32 $0xD0000000, s2;
	s6 =	simm.s32 $0x108;
	_ =	swait.ge @!p0 [sflag:s8], $0x0  }
0x24: {  	s3 =	sadd.s32 $0x88, s3;
	s6 =	simm.s32 @!p1 $0x1082;
	[sflag:s4] =	ssyncset.s32 $0xFFFFF086  }
0x25: {  	[simem:s6], [sflag:s4] =	dma.local [hbm:s3], $0xF7A  }
0x26: {  	[smem:$0x3F9A] =	sst s1;
	(tag) =	ssettag s2;
	_ =	strace s9  }
0x27: {  	s1 =	sld [smem:$0x3FAA]  }
0x28: {  	s2 =	sld [smem:$0x3FAB]  }
0x29: {  	s4 =	sld [smem:$0x3FAD]  }
0x2a: {  	p0 =	seq.s32 s5, $0x0;
	s5 =	sld [smem:$0x3FAE]  }
0x2b: {  	s6 =	sld [smem:$0x3FAF]  }
0x2c: {  	s7 =	sld [smem:$0x3FB0]  }
0x2d: {  	s3 =	simm.s32 $0x108;
	s8 =	sld [smem:$0x3FB1]  }
0x2e: {  	s3 =	simm.s32 @!p0 $0x1082;
	s9 =	sld [smem:$0x3FB2]  }
0x2f: {  	lr =	sadd.s32 s0, s3;
	s0 =	sld [smem:$0x3FA9]  }
0x30: {  	s3 =	sld [smem:$0x3FAC]  }
0x31: {  	[smem:$0x3FB5] =	sst s10  }
0x32: {  	s10 =	sld [smem:$0x3FB3];
	_ =	sdelay $0x3  }
0x33: {  	p0 =	seq.s32 s10, $0x1;
	s10 =	sld [smem:$0x3FB5];
	_ =	sdelay $0x3  }
0x34: {  	[smem:$0x3FB5] =	sst s10  }
0x35: {  	s10 =	sld [smem:$0x3FB4];
	_ =	sdelay $0x3  }
0x36: {  	p1 =	seq.s32 s10, $0x1;
	s10 =	sld [smem:$0x3FB5];
	_ =	sdelay $0x3  }
0x37: {  	[smem:$0x3FB5] =	sst s10  }
0x38: {  	s10 =	sld [smem:$0x3FB6]  }
0x39: {  	_ = 	snop;
	(pc) =	sbr.ind lr, $3  }
0x3a: {  	_ = 	snop  }
0x3b: {  	_ = 	snop  }
0x3c: {  	p2 =	seq.s32 s10, $0x1;
	s10 =	sld [smem:$0x3FB5]  }
0x3d: {  	_ =	shalt  }
0x3e: {  	_ =	shalt  }
0x3f: {  	_ =	shalt  }
0x40: {  	_ =	shalt  }
0x41: {  	_ =	shalt  }
0x42: {  	_ =	shalt  }
0x43: {  	_ =	shalt  }
0x44: {  	_ =	shalt  }
0x45: {  	_ =	shalt  }
0x46: {  	_ =	shalt  }
0x47: {  	_ =	shalt  }
0x48: {  	_ =	shalt  }
0x49: {  	_ =	shalt  }
0x4a: {  	_ =	shalt  }
0x4b: {  	_ =	shalt  }
0x4c: {  	_ =	shalt  }
0x4d: {  	_ =	shalt  }
0x4e: {  	_ =	shalt  }
0x4f: {  	_ =	shalt  }
0x50: {  	_ =	shalt  }
0x51: {  	_ =	shalt  }
0x52: {  	_ =	shalt  }
0x53: {  	_ =	shalt  }
0x54: {  	_ =	shalt  }
0x55: {  	_ =	shalt  }
0x56: {  	_ =	shalt  }
0x57: {  	_ =	shalt  }
0x58: {  	_ =	shalt  }
0x59: {  	_ =	shalt  }
0x5a: {  	_ =	shalt  }
0x5b: {  	_ =	shalt  }
0x5c: {  	_ =	shalt  }
0x5d: {  	_ =	shalt  }
0x5e: {  	_ =	shalt  }
0x5f: {  	_ =	shalt  }
0x60: {  	_ =	shalt  }
0x61: {  	_ =	shalt  }
0x62: {  	_ =	shalt  }
0x63: {  	_ =	shalt  }
0x64: {  	_ =	shalt  }
0x65: {  	_ =	shalt  }
0x66: {  	_ =	shalt  }
0x67: {  	_ =	shalt  }
0x68: {  	_ =	shalt  }
0x69: {  	_ =	shalt  }
0x6a: {  	_ =	shalt  }
0x6b: {  	_ =	shalt  }
0x6c: {  	_ =	shalt  }
0x6d: {  	_ =	shalt  }
0x6e: {  	_ =	shalt  }
0x6f: {  	_ =	shalt  }
0x70: {  	_ =	shalt  }
0x71: {  	_ =	shalt  }
0x72: {  	_ =	shalt  }
0x73: {  	_ =	shalt  }
0x74: {  	_ =	shalt  }
0x75: {  	_ =	shalt  }
0x76: {  	_ =	shalt  }
0x77: {  	_ =	shalt  }
0x78: {  	_ =	shalt  }
0x79: {  	_ =	shalt  }
0x7a: {  	_ =	shalt  }
0x7b: {  	_ =	shalt  }
0x7c: {  	_ =	shalt  }
0x7d: {  	_ =	shalt  }
0x7e: {  	_ =	shalt  }
0x7f: {  	_ =	shalt  }
0x80: {  	_ =	shalt  }
0x81: {  	_ =	shalt  }
0x82: {  	_ =	shalt  }
0x83: {  	_ =	shalt  }
0x84: {  	_ =	shalt  }
0x85: {  	_ =	shalt  }
0x86: {  	_ =	shalt  }
0x87: {  	_ =	shalt  }
.Lfunc_end0:
.L_simem_size_0:
called_computation.4_lowered:
.L_overlay_start_0:
0x88: {  	s2 =	sld [smem:$0x3FD9]  }
0x89: {  	s3 =	sld [smem:$0x3FFE];
	_ =	sdelay $0x1  }
0x8a: {  	s1 =	srdreg.scid  }
0x8b: {  	s0 =	sand.u32 $0x1, s1  }
0x8c: {  	s16 =	sshll.u32 s0, $0xA;
	s2 =	sadd.s32 s3, s2  }
0x8d: {  	s2 =	sadd.s32 s2, s16  }
0x8e: {  	[smem:$0x3FC1] =	sst s2  }
0x8f: {  	_ = 	snop  }
0x90: {  	(tm) =	ssettm $0x1  }
0x91: {  	s17 =	sld [smem:$0x3FFB];
	_ =	sdelay $0x3  }
0x92: {  	_ =	strace s17  }
0x93: {  	s2 =	sld [smem:$0x3FFC];
	_ =	sdelay $0x3  }
0x94: {  	_ =	strace s2  }
0x95: {  	s2 =	sld [smem:$0x3FFD];
	_ =	sdelay $0x3  }
0x96: {  	_ =	strace s2  }
0x97: {  	_ =	strace $0x8FFFFFFF  }
0x98: {  	s18 =	sld [smem:$0x3FDB];
	_ =	sdelay $0x1  }
0x99: {  	s19 =	simm.s32 $_scs_section_size  }
0x9a: {  	s4 =	simm.s32 $_size__tile_overlayer_lowered;
	s5 =	simm.s32 $_tile_overlayer_lowered  }
0x9b: {  	s22 =	simm.s32 $0x1BFF;
	s21 =	sshll.u32 s5, $0x1;
	s2 =	sadd.s32 s19, s18  }
0x9c: {  	s6 =	simm.s32 $0x0;
	s20 =	sshll.u32 s4, $0x1;
	s4 =	sadd.s32 s21, s2  }
0x9d: {  	[timem:s6], [sflag:s22] =	dma.local [hbm:s4], s20  }
0x9e: {  	_ =	swait.ge [sflag:s22], s20  }
0x9f: {  	s3 =	ssub.s32 $0x0, s20;
	[sflag:s22] =	ssyncset.done $0x0  }
0xa0: {  	[sflag:s22] =	ssyncadd.s32 s3;
	_ =	sdelay $0x1  }
0xa1: {  	s23 =	simm.s32 $0x1B8B  }
0xa2: {  	_ =	swait.ge [sflag:s23], $0x1  }
0xa3: {  	[sflag:s23] =	ssyncset.done $0x0  }
0xa4: {  	s25 =	simm.s32 $0x1B8E;
	s24 =	sld [smem:$0x3FFE];
	[sflag:s23] =	ssyncadd.s32 $0xFFFFFFFF  }
0xa5: {  	s26 =	simm.s32 $execute0_lowered;
	[smem:$0x3FD2] =	sst s25  }
0xa6: {  	s4 =	sshll.u32 s26, $0x1;
	_ =	strace $0x80000052;
	[dreg:$0x1] =	wrdreg $0xFFFFFFFF  }
0xa7: {  	s28 =	simm.s32 $_size_execute0_lowered;
	s2 =	sadd.s32 s2, s4;
	[dreg:$0x0] =	wrdreg $0x0  }
0xa8: {  	s4 =	sshll.u32 s28, $0x1;
	[dreg:$0x2] =	wrdreg s2  }
0xa9: {  	[dreg:$0x3] =	wrdreg s4  }
0xaa: {  	[dreg:$0x4] =	wrdreg $0xC0  }
0xab: {  	_ =	task [dreg:s6], $0x5FFFF  }
0xac: {  	[dreg:$0x1] =	wrdreg $0xFFFFFFFF  }
0xad: {  	[dreg:$0x0] =	wrdreg $0x60  }
0xae: {  	[dreg:$0x2] =	wrdreg s24  }
0xaf: {  	[dreg:$0x3] =	wrdreg $0x11F000  }
0xb0: {  	[dreg:$0x4] =	wrdreg $0x9  }
0xb1: {  	_ =	task.clear_ibuf [dreg:s6], $0x5FFFF;
	_ =	strace $0x90000052  }
0xb2: {  	s29 =	simm.s32 $0x9;
	_ =	strace $0x80000054  }
0xb3: {  	_ =	swait.ge [sflag:s29], $0x1  }
0xb4: {  	[sflag:s29] =	ssyncadd.s32 $0xFFFFFFFF  }
0xb5: {  	_ =	strace $0x90000054  }
0xb6: {  	_ =	sfence  }
0xb7: {  	s30 =	sld [smem:$0x0];
	_ =	sdelay $0x2  }
0xb8: {  	s31 =	sshll.u32 s1, $0xD;
	s1 =	sshrl.u32 s1, $0x2  }
0xb9: {  	s3 =	sand.u32 $0x4000, s31;
	s1 =	sadd.s32 s1, s30  }
0xba: {  	s0 =	sor.u32 s3, s0;
	s1 =	sshll.u32 s1, $0x11  }
0xbb: {  	s0 =	sor.u32 s1, s0  }
0xbc: {  	s0 =	sadd.s32 $0x8F2B, s0  }
0xbd: {  	[sflag:s0] =	ssyncadd.remote.s32 $0x1  }
0xbe: {  	_ =	sfence.sel $0xFFFF  }
0xbf: {  	[dreg:$0x0] =	wrdreg $0xFFFFFFFF;
	(pc) =	sbr.abs _section_cstart, $3  }
0xc0: {  	[dreg:$0x1] =	wrdreg $0xFFFFFFFF  }
0xc1: {  	_ =	task.clear_ibuf [dreg:s6], $0x2FFFF;
	_ =	strace $0x9FFFFFFF  }
0xc2: {  	(tm) =	ssettm $0x7FFFFFFF  }
0xc3: {  	_ =	shalt  }
tec
execute0_lowered:
.L_overlay_start_1:
0x0: {  	(tag) =	ssettag $0x1  }
0x1: {  	v11 =	vlaneseq.u32;
	v49 =	vimm.s32 $0x34333231  }
0x2: {  	v1 =	vimm.s32 $0x38373635;
	v2 =	vimm.s32 $0x3C3B3A39;
	v0 =	vadd.s32 $0x1, v11  }
0x3: {  	v3 =	vimm.s32 $0x3F3E3D;
	vm0 =	vcmask $0x1F10;
	v38 =	vadd.s32 $0x2, v11;
	[tilespmem:$0x1FB70] =	vst v0  }
0x4: {  	v57 =	vimm.s32 $0x35343332;
	v6 =	vimm.s32 $0x1003F3E;
	v39 =	vadd.s32 $0x6, v11;
	[tilespmem:$0x1FB80] =	vst v38  }
0x5: {  	v8 =	vimm.s32 $0x3F3E3D3C;
	v40 =	vadd.s32 $0x8, v11;
	v41 =	vadd.s32 $0x9, v11;
	[tilespmem:$0x1FB90] =	vst v39  }
0x6: {  	v4 =	vunpack.c.0.s8.s32 v1;
	v5 =	vunpack.c.0.s8.s32 v2;
	v50 =	vunpack.c.0.s8.s32 v3;
	[tilespmem:$0x1FBA0] =	vst v40  }
0x7: {  	v9 =	vimm.s32 $0x37363534;
	v10 =	vimm.s32 $0x3B3A3938;
	[tilespmem:$0x1FBB0] =	vst v41;
	v0 =	vunpack.c.0.s8.s32 v49  }
0x8: {  	v42 =	vadd.s32 $0xA, v11;
	v43 =	vadd.s32 $0xC, v11;
	[tilespmem:$0x1FC30] =	vst v4;
	v3 =	vsel vm0, v50, v5  }
0x9: {  	[tilespmem:$0x1FC40] =	vst v5;
	v5 =	vimm.s32 $0x3D3C3B3A;
	v0 =	vsel vm0, v4, v0;
	v4 =	vimm.s32 $0x39383736  }
0xa: {  	[tilespmem:$0x1FBC0] =	vst v42;
	v5 =	vunpack.c.0.s8.s32 v5;
	v7 =	vunpack.c.0.s8.s32 v4;
	v4 =	vunpack.c.0.s8.s32 v6  }
0xb: {  	v44 =	vadd.s32 $0xD, v11;
	v45 =	vadd.s32 $0xE, v11;
	v46 =	vadd.s32 $0x12, v11;
	[tilespmem:$0x1FBD0] =	vst v43  }
0xc: {  	v2 =	vunpack.c.0.s8.s32 v57;
	[tilespmem:$0x1FC60] =	vst v5;
	v62 =	vsel vm0, v4, v5;
	v5 =	vimm.s32 $0x36353433  }
0xd: {  	v25 =	vunpack.c.0.s8.s32 v8;
	[tilespmem:$0x1FBE0] =	vst v44;
	v36 =	vunpack.c.0.s8.s32 v5;
	v5 =	vimm.s32 $0x3020100  }
0xe: {  	v8 =	vunpack.c.0.s8.s32 v9;
	v9 =	vunpack.c.0.s8.s32 v10;
	[tilespmem:$0x1FBF0] =	vst v45;
	v5 =	vunpack.c.0.s8.s32 v5  }
0xf: {  	v47 =	vadd.s32 $0x16, v11;
	[tilespmem:$0x1FC50] =	vst v7;
	v60 =	vsel vm0, v7, v2;
	v7 =	vimm.s32 $0x201003F  }
0x10: {  	[tilespmem:$0x1FC00] =	vst v46;
	v26 =	vunpack.c.0.s8.s32 v7;
	v7 =	vsel vm0, v9, v8;
	v5 =	vsel vm0, v5, v25  }
0x11: {  	v48 =	vadd.s32 $0x1A, v11;
	[tilespmem:$0x1FC10] =	vst v47;
	v27 =	vcombine.low v7, v5;
	v5 =	vimm.s32 $0x4030201  }
0x12: {  	[tilespmem:$0x1FC20] =	vst v48;
	v8 =	vimm.s32 $0x5040302;
	v5 =	vunpack.c.0.s8.s32 v5  }
0x13: {  	[tilespmem:$0x1FC70] =	vst v9;
	v8 =	vunpack.c.0.s8.s32 v8  }
0x14: {  	s3 =	srdreg.scid;
	[tilespmem:$0x1FCA0] =	vst v25;
	v6 =	vimm.s32 $0x3A393837;
	v5 =	vsel vm0, v5, v50  }
0x15: {  	s5 =	rddreg [dreg:$0x0];
	s6 =	sand.u32 $0x1, s3;
	s3 =	simm.s32 $0x0;
	v10 =	vunpack.c.0.s8.s32 v6;
	[tilespmem:$0x1FC80] =	vst v5;
	v5 =	vsel vm0, v8, v4  }
0x16: {  	[smem:$0x7FF] =	sst s3;
	v44 =	vimm.s32 $0x3E3D3C3B;
	[tilespmem:$0x1FC90] =	vst v5  }
0x17: {  	s1 =	rddreg [dreg:$0x1];
	v45 =	vunpack.c.0.s8.s32 v44;
	v30 =	vcombine.low v0, v3;
	v0 =	vsel vm0, v10, v36;
	_ =	strace $0x80000053;
	[tilespmem:$0x1FCC0] =	vst v10  }
0x18: {  	[tilespmem:$0x1FCD0] =	vst v0  }
0x19: {  	v12 =	vmul.u32 $0x40, v11;
	[tilespmem:$0x1FCE0] =	vst v45  }
0x1a: {  	[tilespmem:$0x1FCF0] =	vst v26  }
0x1b: {  	v19 =	vadd.s32 $0x3, v11;
	[tilespmem:$0x1FD30] =	vst v12  }
0x1c: {  	v20 =	vadd.s32 $0x4, v11;
	[tilespmem:$0x1FD40] =	vst v19  }
0x1d: {  	v16 =	vadd.s32 $0x5, v11;
	[tilespmem:$0x1FD50] =	vst v20  }
0x1e: {  	v55 =	vadd.s32 $0x7, v11;
	[tilespmem:$0x1FD60] =	vst v16  }
0x1f: {  	v52 =	vadd.s32 $0xB, v11;
	[tilespmem:$0x1FD70] =	vst v55  }
0x20: {  	v17 =	vadd.s32 $0xF, v11;
	[tilespmem:$0x1FD80] =	vst v52  }
0x21: {  	v61 =	vor.u32 $0x10, v11;
	[tilespmem:$0x1FD90] =	vst v17  }
0x22: {  	v63 =	vadd.s32 $0x11, v11;
	[tilespmem:$0x1FDA0] =	vst v61  }
0x23: {  	v13 =	vadd.s32 $0x13, v11;
	[tilespmem:$0x1FDB0] =	vst v63  }
0x24: {  	v58 =	vadd.s32 $0x14, v11;
	[tilespmem:$0x1FDC0] =	vst v13  }
0x25: {  	v59 =	vadd.s32 $0x15, v11;
	[tilespmem:$0x1FDD0] =	vst v58  }
0x26: {  	v14 =	vadd.s32 $0x17, v11;
	[tilespmem:$0x1FDE0] =	vst v59  }
0x27: {  	v54 =	vadd.s32 $0x18, v11;
	[tilespmem:$0x1FDF0] =	vst v14  }
0x28: {  	v56 =	vadd.s32 $0x19, v11;
	[tilespmem:$0x1FE00] =	vst v54  }
0x29: {  	v15 =	vadd.s32 $0x1B, v11;
	[tilespmem:$0x1FE10] =	vst v56  }
0x2a: {  	v48 =	vadd.s32 $0x1C, v11;
	[tilespmem:$0x1FE20] =	vst v15  }
0x2b: {  	v51 =	vadd.s32 $0x1D, v11;
	[tilespmem:$0x1FE30] =	vst v48  }
0x2c: {  	v53 =	vadd.s32 $0x1E, v11;
	[tilespmem:$0x1FE40] =	vst v51  }
0x2d: {  	v18 =	vadd.s32 $0x1F, v11;
	[tilespmem:$0x1FE50] =	vst v53  }
0x2e: {  	v23 =	vor.u32 $0x20, v11;
	[tilespmem:$0x1FE60] =	vst v18  }
0x2f: {  	v24 =	vadd.s32 $0x21, v11;
	v6 =	vimm.s32 $0x87654321;
	[tilespmem:$0x1FE70] =	vst v23  }
0x30: {  	v47 =	vadd.s32 $0x22, v11;
	v6 =	vunpack.c.l.s4.s8 v6;
	[tilespmem:$0x1FE80] =	vst v24  }
0x31: {  	v22 =	vadd.s32 $0x23, v11;
	[tilespmem:$0x1FE90] =	vst v47  }
0x32: {  	v40 =	vadd.s32 $0x24, v11;
	v9 =	vimm.s32 $0x98765432;
	v6 =	vunpack.c.0.s8.s32 v6;
	[tilespmem:$0x1FEA0] =	vst v22  }
0x33: {  	v42 =	vadd.s32 $0x25, v11;
	v9 =	vunpack.c.l.s4.s8 v9;
	[tilespmem:$0x1FEB0] =	vst v40  }
0x34: {  	v43 =	vadd.s32 $0x26, v11;
	v6 =	vand.u32 $0xF, v6;
	[tilespmem:$0x1FEC0] =	vst v42  }
0x35: {  	v32 =	vcombine.low v60, v62;
	v28 =	vcombine.low v3, v6;
	v3 =	vunpack.c.0.s8.s32 v9;
	[tilespmem:$0x1FED0] =	vst v43  }
0x36: {  	vm1 =	vcmask $0x2F10;
	vm2 =	vcmask $0x3F30;
	v57 =	vadd.s32 $0x27, v11;
	[tilespmem:$0x1FEE0] =	vst v30  }
0x37: {  	v33 =	vadd.s32 $0x2C, v11;
	v7 =	vimm.s32 $0x32107654;
	v3 =	vand.u32 $0xF, v3;
	[tilespmem:$0x1FEF0] =	vst v32  }
0x38: {  	v6 =	vimm.s32 $0x43218765;
	v7 =	vunpack.c.l.s4.s8 v7;
	v9 =	vcombine.low v62, v3;
	[tilespmem:$0x1FF00] =	vst v27  }
0x39: {  	v21 =	vadd.s32 $0x2D, v11;
	v35 =	vadd.s32 $0x2E, v11;
	v6 =	vunpack.c.l.s4.s8 v6;
	[tilespmem:$0x1FF10] =	vst v28  }
0x3a: {  	v60 =	vadd.s32 $0x2B, v11;
	v36 =	vadd.s32 $0x28, v11;
	v7 =	vunpack.c.0.s8.s32 v7;
	[tilespmem:$0x1FF20] =	vst v9  }
0x3b: {  	v6 =	vunpack.c.0.s8.s32 v6;
	v62 =	vadd.s32 $0x2F, v11;
	v8 =	vimm.s32 $0x54329876;
	[tilespmem:$0x1FF60] =	vst v57  }
0x3c: {  	v5 =	vand.u32 $0xF, v7;
	v7 =	vimm.s32 $0xB0A0908;
	v37 =	vunpack.c.l.s4.s8 v8;
	[tilespmem:$0x1FF70] =	vst v36  }
0x3d: {  	v3 =	vand.u32 $0xF, v6;
	v6 =	vimm.s32 $0x6543A987;
	v5 =	vsel vm1, v5, v25;
	[tilespmem:$0x1FFA0] =	vst v60  }
0x3e: {  	v7 =	vunpack.c.0.s8.s32 v7;
	v6 =	vunpack.c.l.s4.s8 v6;
	v1 =	vsel vm1, v3, v50;
	[tilespmem:$0x1FFB0] =	vst v33  }
0x3f: {  	v3 =	vimm.s32 $0xA9876543;
	v10 =	vor.u32 $0x30, v11;
	[tilespmem:$0x1FFC0] =	vst v21;
	v2 =	vunpack.c.0.s8.s32 v37  }
0x40: {  	s0 =	stileid.u32;
	s13 =	simm.s32 $0x4F00;
	[tilespmem:$0x1FFD0] =	vst v35;
	v3 =	vunpack.c.l.s4.s8 v3;
	v25 =	vsel vm2, v7, v5;
	v5 =	vimm.s32 $0xC0B0A09  }
0x41: {  	s14 =	simm.s32 $0x80;
	s15 =	simm.s32 $0x9E00;
	s16 =	simm.s32 $0xBE00;
	[tilespmem:$0x1FFE0] =	vst v62;
	v7 =	vimm.s32 $0x6050403;
	v39 =	vunpack.c.0.s8.s32 v6;
	v5 =	vunpack.c.0.s8.s32 v5  }
0x42: {  	s17 =	simm.s32 $0x1;
	s18 =	simm.s32 $0xDE00;
	s19 =	simm.s32 $0xFE00;
	[tilespmem:$0x1FFF0] =	vst v10;
	v38 =	vand.u32 $0xF, v2;
	v6 =	vunpack.c.0.s8.s32 v7;
	v3 =	vunpack.c.0.s8.s32 v3  }
0x43: {  	s20 =	simm.s32 $0x11E00;
	s21 =	simm.s32 $0x2;
	s22 =	simm.s32 $0x11E80;
	[tilespmem:$0x1FF30] =	vst v25;
	v2 =	vand.u32 $0xF, v39;
	v39 =	vadd.s32 $0x2A, v11;
	v29 =	vsel vm2, v5, v1  }
0x44: {  	s23 =	simm.s32 $0x3;
	s24 =	simm.s32 $0x4;
	s4 =	sshll.u32 s0, $0x1;
	v1 =	vsel vm1, v38, v4;
	v4 =	vimm.s32 $0xD0C0B0A;
	v46 =	vsel vm0, v6, v26;
	[tilespmem:$0x1FF90] =	vst v39  }
0x45: {  	s25 =	simm.s32 $0x0;
	s7 =	smul.u32 $0xA000, s0;
	s4 =	sor.u32 s6, s4;
	v5 =	vimm.s32 $0xE0D0C0B;
	v50 =	vand.u32 $0xF, v3;
	v4 =	vunpack.c.0.s8.s32 v4;
	[tilespmem:$0x1FD00] =	vst v46  }
0x46: {  	s11 =	sshll.u32 s0, $0x6;
	s6 =	ssub.s32 $0x2, s6;
	v41 =	vimm.s32 $0x76543210;
	s4 =	smul.u32 $0x4F00, s4;
	v2 =	vsel vm1, v2, v26;
	v5 =	vunpack.c.0.s8.s32 v5;
	[tilespmem:$0x1FD20] =	vst v50  }
0x47: {  	s8 =	sshrl.u32 s7, $0x3;
	s10 =	sshrl.u32 s6, $0x1;
	s12 =	sadd.s32 s7, s1;
	v38 =	vadd.s32 $0x29, v11;
	[tilespmem:$0x1FF40] =	vst v29;
	v4 =	vsel vm2, v4, v1;
	v1 =	vunpack.c.l.s4.s8 v41  }
0x48: {  	s7 =	sor.u32 $0x1C05, s11;
	s8 =	sadd.s32 s8, s5;
	s10 =	ssub.s32 s6, s10;
	[tilespmem:$0x1FF80] =	vst v38;
	v2 =	vsel vm2, v5, v2  }
0x49: {  	s11 =	sshrl.u32 s12, $0x3;
	s12 =	simm.s32 $0x5;
	s9 =	sshrl.u32 s4, $0x3;
	[tilespmem:$0x1FCB0] =	vst v2;
	v49 =	vunpack.c.0.s8.s32 v1  }
0x4a: {  	s6 =	sadd.s32 $0x1A00, s8;
	s10 =	smax.u32 s10, $0x1;
	s9 =	sadd.s32 s9, s5;
	[tilespmem:$0x1FF50] =	vst v4  }
0x4b: {  	s5 =	sadd.s32 $0x15A00, s5;
	s8 =	sadd.s32 $0x65600, s9;
	s9 =	sadd.s32 $0x51A00, s9;
	[tilespmem:$0x1FD10] =	vst v49  }
.LBB2_1:
0x4c: {  	[spmem:s11], [sflag:s7] =	dma.local [hbm:s6], $0x1400  }
0x4d: {  	_ =	swait.ge [sflag:s12], $0x1400  }
0x4e: {  	[sflag:s12] =	ssyncset.done $0x0  }
0x4f: {  	[sflag:s12] =	ssyncadd.s32 $0xFFFFEC00  }
0x50: {  	[tilespmem:s3], [sflag:$0x5] =	stream.linear.gather [hbm4b:s8+s3], $0x4F00, $0x38;
	[tilespmem:$0x1BF00] =	vst v63  }
0x51: {  	_ =	swait.ge [sflag:s12], $0x4F00  }
0x52: {  	[sflag:s12] =	ssyncset.done $0x0  }
0x53: {  	[sflag:s12] =	ssyncadd.s32 $0xFFFFB100  }
0x54: {  	[tilespmem:s13], [sflag:$0x5] =	stream.linear.gather [hbm4b:s9+s3], $0x4F00, $0x38;
	[tilespmem:$0x1BF00] =	vst v63  }
0x55: {  	_ =	swait.ge [sflag:s12], $0x4F00  }
0x56: {  	[sflag:s12] =	ssyncset.done $0x0  }
0x57: {  	[sflag:s12] =	ssyncadd.s32 $0xFFFFB100  }
0x58: {  	[bflag:$0x0] =	sbarrier.arrive $0xFFFF  }
0x59: {  	[tilespmem:s15], [sflag:$0x1] =	stream.indirect.gather [spmem:s1], $0x40, s3, s14, $0xb8;
	[tilespmem:$0x1BF00] =	vst v63  }
0x5a: {  	s26 =	simm.s32 $0x0  }
0x5b: {  	[tilespmem:s16], [sflag:$0x1] =	stream.indirect.gather [spmem:s1], $0x40, s13, s14, $0xb8;
	[tilespmem:$0x1BF00] =	vst v63  }
.LBB2_2:
0x5c: {  	_ =	swait.ge [sflag:s17], $0x2000  }
0x5d: {  	[sflag:s17] =	ssyncset.done $0x0  }
0x5e: {  	[sflag:s17] =	ssyncadd.s32 $0xFFFFE000  }
0x5f: {  	_ =	swait.ge [sflag:s17], $0x2000  }
0x60: {  	s29 =	sshll.u32 s26, $0x8;
	[sflag:s17] =	ssyncset.done $0x0  }
0x61: {  	s30 =	simm.s32 $0x0;
	s28 =	sor.u32 $0x80, s29;
	[sflag:s17] =	ssyncadd.s32 $0xFFFFE000  }
0x62: {  	[tilespmem:s18], [sflag:$0x2] =	stream.indirect.gather [spmem:s1], $0x40, s28, s14, $0xb8;
	[tilespmem:$0x1BF00] =	vst v63  }
0x63: {  	p0 =	seq.s32 s26, $0x0;
	v0 =	vmov s30;
	s30 =	sadd.s32 $0x4F80, s29  }
0x64: {  	[tilespmem:s19], [sflag:$0x2] =	stream.indirect.gather [spmem:s1], $0x40, s30, s14, $0xb8;
	[tilespmem:$0x1BF00] =	vst v63  }
0x65: {  	s30 =	simm.s32 @!p0 $0x3  }
0x66: {  	_ =	swait.ge @!p0 [sflag:s30], $0x80  }
0x67: {  	v2 =	vld [tilespmem:$0x1FCA0]  }
0x68: {  	v3 =	vld [tilespmem:$0x1FC70];
	_ =	sdelay $0x2  }
0x69: {  	v0 =	vshll.u32 v0, $0x6  }
0x6a: {  	v8 =	vor.u32 v12, v0  }
0x6b: {  	v0 =	vor.u32 v25, v8;
	v2 =	vsel vm0, v2, v3;
	v3 =	vld [tilespmem:$0x1FD10];
	_ =	sdelay $0x2  }
0x6c: {  	[sflag:s30] =	ssyncset.done @!p0 $0x0  }
0x6d: {  	[sflag:s30] =	ssyncadd.s32 @!p0 $0xFFFFFF80  }
0x6e: {  	v3 =	vcombine.low v2, v3;
	v2 =	vor.u32 v4, v8;
	v4 =	vld.idx.msk [tilespmem:v0+s15+$0x0], $0xffff  }
0x6f: {  	v1 =	vor.u32 v29, v8;
	v0 =	vld.idx.msk [tilespmem:v0+s16+$0x0], $0xffff;
	_ =	sdelay $0x4  }
0x70: {  	[tilespmem:$0x1F690] =	vst v0;
	v0 =	vld.idx.msk [tilespmem:v1+s15+$0x0], $0xffff;
	_ =	sdelay $0x4  }
0x71: {  	[tilespmem:$0x1F6A0] =	vst v0;
	v0 =	vld.idx.msk [tilespmem:v1+s16+$0x0], $0xffff;
	_ =	sdelay $0x4  }
0x72: {  	[tilespmem:$0x1F6B0] =	vst v0;
	v0 =	vld.idx.msk [tilespmem:v2+s15+$0x0], $0xffff;
	_ =	sdelay $0x4  }
0x73: {  	[tilespmem:$0x1F8D0] =	vst v0;
	v0 =	vld.idx.msk [tilespmem:v2+s16+$0x0], $0xffff;
	_ =	sdelay $0x3  }
0x74: {  	[tilespmem:$0x1F910] =	vst v3;
	v1 =	vld [tilespmem:$0x1FC40]  }
0x75: {  	v3 =	vor.u32 v3, v8;
	[tilespmem:$0x1F8E0] =	vst v0;
	v0 =	vld [tilespmem:$0x1FC30];
	_ =	sdelay $0x4  }
0x76: {  	v6 =	vsel vm0, v1, v0;
	v0 =	vld.idx.msk [tilespmem:v3+s15+$0x0], $0xffff;
	_ =	sdelay $0x4  }
0x77: {  	[tilespmem:$0x1F6C0] =	vst v0;
	v0 =	vld [tilespmem:$0x1FC80];
	_ =	sdelay $0x4  }
0x78: {  	v2 =	vcombine.low v6, v0;
	v0 =	vld.idx.msk [tilespmem:v3+s16+$0x0], $0xffff;
	_ =	sdelay $0x3  }
0x79: {  	[tilespmem:$0x1F680] =	vst v4;
	v1 =	vld [tilespmem:$0x1FC60]  }
0x7a: {  	v4 =	vor.u32 v28, v8;
	[tilespmem:$0x1F6D0] =	vst v0;
	v0 =	vld [tilespmem:$0x1FC50];
	_ =	sdelay $0x4  }
0x7b: {  	v3 =	vsel vm0, v1, v0;
	v0 =	vld.idx.msk [tilespmem:v4+s15+$0x0], $0xffff;
	_ =	sdelay $0x4  }
0x7c: {  	[tilespmem:$0x1F6E0] =	vst v0;
	v0 =	vld [tilespmem:$0x1FC90];
	_ =	sdelay $0x1  }
0x7d: {  	v5 =	vor.u32 v9, v8;
	_ =	sdelay $0x2  }
0x7e: {  	v0 =	vcombine.low v3, v0;
	_ =	sdelay $0x1  }
0x7f: {  	v7 =	vor.u32 v27, v8;
	[tilespmem:$0x1F960] =	vst v0;
	v9 =	vor.u32 v0, v8;
	v0 =	vld.idx.msk [tilespmem:v5+s16+$0x0], $0xffff;
	_ =	sdelay $0x4  }
0x80: {  	v6 =	vor.u32 v2, v8;
	[tilespmem:$0x1F8A0] =	vst v0;
	v0 =	vld.idx.msk [tilespmem:v7+s15+$0x0], $0xffff;
	_ =	sdelay $0x4  }
0x81: {  	[tilespmem:$0x1F700] =	vst v0;
	v0 =	vld.idx.msk [tilespmem:v6+s15+$0x0], $0xffff;
	_ =	sdelay $0x4  }
0x82: {  	[tilespmem:$0x1F710] =	vst v0;
	v0 =	vld.idx.msk [tilespmem:v9+s15+$0x0], $0xffff;
	_ =	sdelay $0x4  }
0x83: {  	v11 =	vor.u32 v32, v8;
	[tilespmem:$0x1F850] =	vst v0;
	v0 =	vld.idx.msk [tilespmem:v9+s16+$0x0], $0xffff;
	_ =	sdelay $0x4  }
0x84: {  	[tilespmem:$0x1F860] =	vst v0;
	v0 =	vld.idx.msk [tilespmem:v11+s15+$0x0], $0xffff;
	_ =	sdelay $0x4  }
0x85: {  	v28 =	vmov v13;
	v13 =	vor.u32 v35, v8;
	[tilespmem:$0x1F810] =	vst v0;
	v0 =	vld.idx.msk [tilespmem:v11+s16+$0x0], $0xffff;
	_ =	sdelay $0x4  }
0x86: {  	[tilespmem:$0x1F820] =	vst v0;
	v0 =	vld.idx.msk [tilespmem:v13+s15+$0x0], $0xffff;
	_ =	sdelay $0x4  }
0x87: {  	v15 =	vor.u32 v39, v8;
	[tilespmem:$0x1F7E0] =	vst v0;
	v0 =	vld.idx.msk [tilespmem:v13+s16+$0x0], $0xffff;
	_ =	sdelay $0x4  }
0x88: {  	[tilespmem:$0x1F7F0] =	vst v0;
	v0 =	vld.idx.msk [tilespmem:v15+s15+$0x0], $0xffff;
	_ =	sdelay $0x4  }
0x89: {  	v18 =	vor.u32 v43, v8;
	[tilespmem:$0x1F7C0] =	vst v0;
	v0 =	vld.idx.msk [tilespmem:v15+s16+$0x0], $0xffff;
	_ =	sdelay $0x2  }
0x8a: {  	v22 =	vmov v17;
	v17 =	vor.u32 v40, v8;
	_ =	sdelay $0x1  }
0x8b: {  	[tilespmem:$0x1F7D0] =	vst v0;
	v0 =	vld.idx.msk [tilespmem:v18+s15+$0x0], $0xffff;
	_ =	sdelay $0x2  }
0x8c: {  	v43 =	vld.idx.msk [tilespmem:v17+s15+$0x0], $0xffff  }
0x8d: {  	v44 =	vld.idx.msk [tilespmem:v17+s16+$0x0], $0xffff  }
0x8e: {  	v17 =	vor.u32 v24, v8;
	v24 =	vor.u32 v47, v8;
	[tilespmem:$0x1F7A0] =	vst v0;
	v0 =	vld.idx.msk [tilespmem:v18+s16+$0x0], $0xffff;
	_ =	sdelay $0x4  }
0x8f: {  	[tilespmem:$0x1F7B0] =	vst v0;
	v0 =	vld.idx.msk [tilespmem:v24+s15+$0x0], $0xffff;
	_ =	sdelay $0x4  }
0x90: {  	v62 =	vor.u32 v53, v8;
	[tilespmem:$0x1F780] =	vst v0;
	v0 =	vld.idx.msk [tilespmem:v24+s16+$0x0], $0xffff;
	_ =	sdelay $0x4  }
0x91: {  	[tilespmem:$0x1F790] =	vst v0;
	v0 =	vld.idx.msk [tilespmem:v62+s15+$0x0], $0xffff;
	_ =	sdelay $0x4  }
0x92: {  	[tilespmem:$0x1F760] =	vst v0;
	v0 =	vld.idx.msk [tilespmem:v62+s16+$0x0], $0xffff;
	_ =	sdelay $0x1  }
0x93: {  	v1 =	vld.idx.msk [tilespmem:v4+s16+$0x0], $0xffff;
	_ =	sdelay $0x1  }
0x94: {  	v10 =	vor.u32 v10, v8  }
0x95: {  	[tilespmem:$0x1F770] =	vst v0;
	v0 =	vld [tilespmem:$0x1FC00]  }
0x96: {  	v12 =	vor.u32 v33, v8  }
0x97: {  	[tilespmem:$0x1F6F0] =	vst v1;
	v1 =	vld.idx.msk [tilespmem:v5+s15+$0x0], $0xffff  }
0x98: {  	v29 =	vmov v14;
	v14 =	vor.u32 v36, v8;
	v26 =	vld.idx.msk [tilespmem:v7+s16+$0x0], $0xffff  }
0x99: {  	v31 =	vld.idx.msk [tilespmem:v10+s15+$0x0], $0xffff  }
0x9a: {  	v32 =	vld.idx.msk [tilespmem:v10+s16+$0x0], $0xffff;
	v0 =	vor.u32 v0, v8  }
0x9b: {  	v36 =	vld.idx.msk [tilespmem:v12+s16+$0x0], $0xffff  }
0x9c: {  	v23 =	vor.u32 v23, v8;
	[tilespmem:$0x1F890] =	vst v1;
	v1 =	vld [tilespmem:$0x1FBD0]  }
0x9d: {  	v39 =	vld.idx.msk [tilespmem:v14+s15+$0x0], $0xffff  }
0x9e: {  	v40 =	vld.idx.msk [tilespmem:v14+s16+$0x0], $0xffff;
	v14 =	vor.u32 v42, v8  }
0x9f: {  	v4 =	vld.idx.msk [tilespmem:v0+s15+$0x0], $0xffff  }
0xa0: {  	v0 =	vld.idx.msk [tilespmem:v0+s16+$0x0], $0xffff  }
0xa1: {  	v47 =	vld.idx.msk [tilespmem:v23+s15+$0x0], $0xffff;
	v1 =	vor.u32 v1, v8  }
0xa2: {  	v49 =	vld.idx.msk [tilespmem:v23+s16+$0x0], $0xffff  }
0xa3: {  	v45 =	vld.idx.msk [tilespmem:v14+s15+$0x0], $0xffff  }
0xa4: {  	v10 =	vor.u32 v21, v8;
	v46 =	vld.idx.msk [tilespmem:v14+s16+$0x0], $0xffff  }
0xa5: {  	[tilespmem:$0x1F730] =	vst v0;
	v0 =	vld [tilespmem:$0x1FBA0]  }
0xa6: {  	v14 =	vld.idx.msk [tilespmem:v1+s16+$0x0], $0xffff  }
0xa7: {  	v15 =	vld.idx.msk [tilespmem:v1+s15+$0x0], $0xffff  }
0xa8: {  	v7 =	vor.u32 v30, v8;
	v1 =	vld [tilespmem:$0x1FBB0]  }
0xa9: {  	v37 =	vld.idx.msk [tilespmem:v10+s15+$0x0], $0xffff  }
0xaa: {  	v50 =	vld.idx.msk [tilespmem:v17+s15+$0x0], $0xffff;
	v0 =	vor.u32 v0, v8  }
0xab: {  	v23 =	vor.u32 v51, v8;
	v51 =	vld.idx.msk [tilespmem:v17+s16+$0x0], $0xffff  }
0xac: {  	v35 =	vld.idx.msk [tilespmem:v12+s15+$0x0], $0xffff  }
0xad: {  	v33 =	vld.idx.msk [tilespmem:v7+s15+$0x0], $0xffff;
	v1 =	vor.u32 v1, v8  }
0xae: {  	v34 =	vld.idx.msk [tilespmem:v7+s16+$0x0], $0xffff  }
0xaf: {  	v3 =	vmov v20;
	v11 =	vld.idx.msk [tilespmem:v0+s15+$0x0], $0xffff  }
0xb0: {  	v7 =	vld.idx.msk [tilespmem:v0+s16+$0x0], $0xffff;
	v0 =	vor.u32 v3, v8  }
0xb1: {  	v12 =	vor.u32 v38, v8;
	v38 =	vld.idx.msk [tilespmem:v10+s16+$0x0], $0xffff  }
0xb2: {  	v10 =	vld.idx.msk [tilespmem:v1+s15+$0x0], $0xffff  }
0xb3: {  	v9 =	vld.idx.msk [tilespmem:v1+s16+$0x0], $0xffff  }
0xb4: {  	[tilespmem:$0x1F720] =	vst v4;
	v4 =	vld [tilespmem:$0x1F690]  }
0xb5: {  	v17 =	vld.idx.msk [tilespmem:v0+s15+$0x0], $0xffff  }
0xb6: {  	v1 =	vor.u32 v16, v8;
	v16 =	vld.idx.msk [tilespmem:v0+s16+$0x0], $0xffff;
	v0 =	vlaneseq.u32  }
0xb7: {  	v3 =	vor.u32 v0, v8;
	v0 =	vld [tilespmem:$0x1F680];
	_ =	sdelay $0x4  }
0xb8: {  	v0 =	vmul.f32 v4, v0  }
0xb9: {  	v4 =	vld [tilespmem:$0x1F6B0]  }
0xba: {  	[tilespmem:$0x1F8F0] =	vst v0;
	v0 =	vld [tilespmem:$0x1F6A0];
	_ =	sdelay $0x1  }
0xbb: {  	[tilespmem:$0x1F940] =	vst v2;
	v2 =	vld [tilespmem:$0x1FBE0];
	_ =	sdelay $0x2  }
0xbc: {  	v0 =	vmul.f32 v4, v0  }
0xbd: {  	v4 =	vld [tilespmem:$0x1F6D0]  }
0xbe: {  	v2 =	vor.u32 v2, v8;
	[tilespmem:$0x1F900] =	vst v0;
	v0 =	vld [tilespmem:$0x1F6C0];
	_ =	sdelay $0x2  }
0xbf: {  	v41 =	vld.idx.msk [tilespmem:v12+s15+$0x0], $0xffff  }
0xc0: {  	v42 =	vld.idx.msk [tilespmem:v12+s16+$0x0], $0xffff  }
0xc1: {  	v12 =	vld.idx.msk [tilespmem:v2+s16+$0x0], $0xffff;
	v0 =	vmul.f32 v4, v0  }
0xc2: {  	v27 =	vld [tilespmem:$0x1F6F0]  }
0xc3: {  	[tilespmem:$0x1F8B0] =	vst v0;
	v0 =	vld [tilespmem:$0x1FB70]  }
0xc4: {  	v30 =	vld.idx.msk [tilespmem:v6+s16+$0x0], $0xffff  }
0xc5: {  	v13 =	vld.idx.msk [tilespmem:v2+s15+$0x0], $0xffff  }
0xc6: {  	v48 =	vor.u32 v48, v8;
	v6 =	vld.idx.msk [tilespmem:v1+s15+$0x0], $0xffff  }
0xc7: {  	v4 =	vld.idx.msk [tilespmem:v1+s16+$0x0], $0xffff  }
0xc8: {  	v56 =	vor.u32 v56, v8;
	v1 =	vor.u32 v0, v8;
	v0 =	vld [tilespmem:$0x1F6E0]  }
0xc9: {  	v2 =	vld [tilespmem:$0x1FBC0];
	_ =	sdelay $0x1  }
0xca: {  	v59 =	vor.u32 v59, v8;
	v53 =	vld.idx.msk [tilespmem:v48+s15+$0x0], $0xffff  }
0xcb: {  	v48 =	vld.idx.msk [tilespmem:v48+s16+$0x0], $0xffff  }
0xcc: {  	v60 =	vld.idx.msk [tilespmem:v56+s15+$0x0], $0xffff;
	v0 =	vmul.f32 v27, v0  }
0xcd: {  	v56 =	vld.idx.msk [tilespmem:v56+s16+$0x0], $0xffff;
	v2 =	vor.u32 v2, v8  }
0xce: {  	v63 =	vor.u32 v63, v8;
	[tilespmem:$0x1F8C0] =	vst v0;
	v0 =	vld [tilespmem:$0x1F700]  }
0xcf: {  	v21 =	vld.idx.msk [tilespmem:v59+s15+$0x0], $0xffff  }
0xd0: {  	v59 =	vld.idx.msk [tilespmem:v59+s16+$0x0], $0xffff  }
0xd1: {  	v57 =	vld.idx.msk [tilespmem:v23+s16+$0x0], $0xffff  }
0xd2: {  	v25 =	vld.idx.msk [tilespmem:v2+s15+$0x0], $0xffff  }
0xd3: {  	v18 =	vld.idx.msk [tilespmem:v63+s15+$0x0], $0xffff;
	v0 =	vmul.f32 v26, v0  }
0xd4: {  	v61 =	vor.u32 v61, v8;
	v24 =	vld.idx.msk [tilespmem:v23+s15+$0x0], $0xffff  }
0xd5: {  	[tilespmem:$0x1F870] =	vst v0;
	v0 =	vld [tilespmem:$0x1F710]  }
0xd6: {  	v54 =	vor.u32 v54, v8;
	v23 =	vld.idx.msk [tilespmem:v2+s16+$0x0], $0xffff  }
0xd7: {  	v2 =	vld [tilespmem:$0x1FB90]  }
0xd8: {  	v12 =	vmul.f32 v12, v13;
	v13 =	vor.u32 v22, v8;
	v63 =	vld.idx.msk [tilespmem:v63+s16+$0x0], $0xffff  }
0xd9: {  	v20 =	vld.idx.msk [tilespmem:v61+s15+$0x0], $0xffff  }
0xda: {  	v61 =	vld.idx.msk [tilespmem:v61+s16+$0x0], $0xffff;
	v5 =	vmov v52;
	v52 =	vor.u32 v58, v8;
	v0 =	vmul.f32 v30, v0  }
0xdb: {  	v58 =	vld.idx.msk [tilespmem:v54+s15+$0x0], $0xffff  }
0xdc: {  	v54 =	vld.idx.msk [tilespmem:v54+s16+$0x0], $0xffff;
	v2 =	vor.u32 v2, v8;
	[tilespmem:$0x1F880] =	vst v0;
	v0 =	vmul.f32 v32, v31  }
0xdd: {  	v18 =	vmul.f32 v63, v18;
	v63 =	vld.idx.msk [tilespmem:v13+s15+$0x0], $0xffff  }
0xde: {  	[tilespmem:$0x1F830] =	vst v0;
	v0 =	vld [tilespmem:$0x1FB80]  }
0xdf: {  	v62 =	vld.idx.msk [tilespmem:v52+s15+$0x0], $0xffff  }
0xe0: {  	v52 =	vld.idx.msk [tilespmem:v52+s16+$0x0], $0xffff  }
0xe1: {  	v26 =	vld.idx.msk [tilespmem:v2+s15+$0x0], $0xffff  }
0xe2: {  	v2 =	vld.idx.msk [tilespmem:v2+s16+$0x0], $0xffff;
	v31 =	vmul.f32 v44, v43;
	v44 =	vmul.f32 v54, v58  }
0xe3: {  	v58 =	vmul.f32 v61, v20;
	v61 =	vld [tilespmem:$0x1FC20];
	v27 =	vor.u32 v0, v8;
	v0 =	vmul.f32 v34, v33  }
0xe4: {  	v34 =	vmul.f32 v38, v37;
	v37 =	vld.idx.msk [tilespmem:v1+s15+$0x0], $0xffff  }
0xe5: {  	v1 =	vld.idx.msk [tilespmem:v1+s16+$0x0], $0xffff;
	[tilespmem:$0x1F840] =	vst v0;
	v0 =	vmul.f32 v36, v35  }
0xe6: {  	v35 =	vld.idx.msk [tilespmem:v3+s16+$0x0], $0xffff;
	v36 =	vor.u32 v19, v8  }
0xe7: {  	[tilespmem:$0x1F800] =	vst v0;
	v0 =	vld.idx.msk [tilespmem:v3+s15+$0x0], $0xffff  }
0xe8: {  	v33 =	vmul.f32 v40, v39;
	v39 =	vor.u32 v55, v8;
	v3 =	vld [tilespmem:$0x1FBF0]  }
0xe9: {  	v30 =	vmul.f32 v42, v41;
	v42 =	vld.idx.msk [tilespmem:v27+s15+$0x0], $0xffff  }
0xea: {  	v32 =	vmul.f32 v46, v45;
	v45 =	vor.u32 v5, v8;
	v27 =	vld.idx.msk [tilespmem:v27+s16+$0x0], $0xffff  }
0xeb: {  	v54 =	vmul.f32 v56, v60;
	v56 =	vld.idx.msk [tilespmem:v36+s15+$0x0], $0xffff  }
0xec: {  	v14 =	vmul.f32 v14, v15;
	v9 =	vmul.f32 v9, v10;
	v36 =	vld.idx.msk [tilespmem:v36+s16+$0x0], $0xffff  }
0xed: {  	v43 =	vmul.f32 v57, v24;
	v57 =	vmul.f32 v59, v21;
	v15 =	vld.idx.msk [tilespmem:v39+s15+$0x0], $0xffff;
	v59 =	vor.u32 v3, v8  }
0xee: {  	v7 =	vmul.f32 v7, v11;
	v2 =	vmul.f32 v2, v26;
	v11 =	vld.idx.msk [tilespmem:v39+s16+$0x0], $0xffff  }
0xef: {  	v5 =	vmul.f32 v16, v17;
	v10 =	vld.idx.msk [tilespmem:v45+s15+$0x0], $0xffff;
	v55 =	vmul.f32 v52, v62  }
0xf0: {  	v1 =	vmul.f32 v1, v37;
	v3 =	vmul.f32 v4, v6;
	v4 =	vld.idx.msk [tilespmem:v45+s16+$0x0], $0xffff  }
0xf1: {  	v13 =	vld.idx.msk [tilespmem:v13+s16+$0x0], $0xffff;
	v62 =	vor.u32 v61, v8;
	v27 =	vmul.f32 v27, v42;
	v36 =	vmul.f32 v36, v56  }
0xf2: {  	v1 =	vadd.f32 $0.0e+00, v1;
	v0 =	vmul.f32 v35, v0;
	v6 =	vor.u32 v28, v8;
	v60 =	vld.idx.msk [tilespmem:v59+s15+$0x0], $0xffff  }
0xf3: {  	v11 =	vmul.f32 v11, v15;
	v15 =	vadd.f32 $0.0e+00, v27;
	v26 =	vld.idx.msk [tilespmem:v59+s16+$0x0], $0xffff;
	v27 =	vadd.f32 $0.0e+00, v36  }
0xf4: {  	v24 =	vld [tilespmem:$0x1FC10];
	v0 =	vadd.f32 $0.0e+00, v0;
	v1 =	vadd.f32 v3, v1;
	v3 =	vmul.f32 v23, v25  }
0xf5: {  	v21 =	vld [tilespmem:$0x1FD20];
	v2 =	vadd.f32 v2, v15;
	v4 =	vmul.f32 v4, v10;
	v11 =	vadd.f32 v11, v27  }
0xf6: {  	v16 =	vld [tilespmem:$0x1FEA0];
	v0 =	vadd.f32 v5, v0  }
0xf7: {  	v2 =	vadd.f32 v3, v2;
	v3 =	vadd.f32 v4, v11;
	v11 =	vmul.f32 v13, v63;
	v13 =	vld [tilespmem:$0x1FCF0]  }
0xf8: {  	v0 =	vadd.f32 v7, v0;
	v7 =	vmul.f32 v26, v60;
	v26 =	vld [tilespmem:$0x1FCE0]  }
0xf9: {  	v1 =	vadd.f32 v9, v1;
	v9 =	vld.idx.msk [tilespmem:v62+s15+$0x0], $0xffff  }
0xfa: {  	v20 =	vld.idx.msk [tilespmem:v6+s15+$0x0], $0xffff  }
0xfb: {  	v6 =	vld.idx.msk [tilespmem:v6+s16+$0x0], $0xffff  }
0xfc: {  	v5 =	vor.u32 v24, v8;
	v10 =	vld [tilespmem:$0x1FE20]  }
0xfd: {  	v15 =	vld [tilespmem:$0x1F730];
	v13 =	vsel vm0, v13, v26  }
0xfe: {  	v19 =	vor.u32 v29, v8;
	v29 =	vcombine.low v13, v21;
	v21 =	vld [tilespmem:$0x1FCD0]  }
0xff: {  	v1 =	vadd.f32 v12, v1;
	v12 =	vld [tilespmem:$0x1FE60]  }
0x100: {  	v0 =	vadd.f32 v14, v0;
	v14 =	vld [tilespmem:$0x1F720]  }
0x101: {  	v4 =	vld.idx.msk [tilespmem:v5+s15+$0x0], $0xffff  }
0x102: {  	v2 =	vadd.f32 v7, v2;
	v7 =	vld [tilespmem:$0x1FCC0]  }
0x103: {  	v22 =	vcombine.low v21, v13;
	v13 =	vld [tilespmem:$0x1FD00]  }
0x104: {  	v5 =	vld.idx.msk [tilespmem:v5+s16+$0x0], $0xffff  }
0x105: {  	v6 =	vmul.f32 v6, v20;
	v20 =	vor.u32 v16, v8;
	v16 =	vld [tilespmem:$0x1FFA0]  }
0x106: {  	v12 =	vor.u32 v12, v8;
	v3 =	vadd.f32 v11, v3;
	v11 =	vld.idx.msk [tilespmem:v62+s16+$0x0], $0xffff  }
0x107: {  	v14 =	vmul.f32 v15, v14;
	v15 =	vld.idx.msk [tilespmem:v19+s15+$0x0], $0xffff;
	v7 =	vsel vm0, v26, v7  }
0x108: {  	v10 =	vor.u32 v10, v8;
	v21 =	vcombine.low v7, v13;
	v13 =	vld [tilespmem:$0x1FF60]  }
0x109: {  	v19 =	vld.idx.msk [tilespmem:v19+s16+$0x0], $0xffff  }
0x10a: {  	v1 =	vadd.f32 v18, v1;
	v18 =	vld.idx.msk [tilespmem:v20+s15+$0x0], $0xffff  }
0x10b: {  	v2 =	vadd.f32 v14, v2;
	v14 =	vld.idx.msk [tilespmem:v12+s15+$0x0], $0xffff  }
0x10c: {  	v12 =	vld.idx.msk [tilespmem:v12+s16+$0x0], $0xffff  }
0x10d: {  	v7 =	vld.idx.msk [tilespmem:v10+s15+$0x0], $0xffff;
	v13 =	vor.u32 v13, v8  }
0x10e: {  	v10 =	vld.idx.msk [tilespmem:v10+s16+$0x0], $0xffff  }
0x10f: {  	v3 =	vadd.f32 v6, v3;
	v26 =	vld [tilespmem:$0x1FCB0];
	v15 =	vmul.f32 v19, v15  }
0x110: {  	v4 =	vmul.f32 v5, v4;
	v19 =	vld [tilespmem:$0x1FFE0]  }
0x111: {  	v3 =	vadd.f32 v15, v3;
	v15 =	vld [tilespmem:$0x1F770]  }
0x112: {  	v2 =	vadd.f32 v4, v2;
	v4 =	vld.idx.msk [tilespmem:v13+s15+$0x0], $0xffff  }
0x113: {  	v16 =	vor.u32 v16, v8;
	v7 =	vmul.f32 v10, v7;
	v10 =	vld.idx.msk [tilespmem:v13+s16+$0x0], $0xffff  }
0x114: {  	v9 =	vmul.f32 v11, v9;
	v6 =	vor.u32 v29, v8;
	v5 =	vor.u32 v26, v8;
	v13 =	vld [tilespmem:$0x1F760]  }
0x115: {  	v11 =	vor.u32 v22, v8;
	v17 =	vor.u32 v21, v8;
	v8 =	vor.u32 v19, v8;
	v19 =	vld.idx.msk [tilespmem:v20+s16+$0x0], $0xffff  }
0x116: {  	v3 =	vadd.f32 v7, v3;
	v7 =	vmul.f32 v12, v14;
	v12 =	vld [tilespmem:$0x1F780]  }
0x117: {  	v14 =	vld [tilespmem:$0x1F790]  }
0x118: {  	v2 =	vadd.f32 v9, v2;
	v9 =	vld.idx.msk [tilespmem:v16+s16+$0x0], $0xffff  }
0x119: {  	v0 =	vadd.f32 v58, v0;
	v13 =	vmul.f32 v15, v13;
	v15 =	vld.idx.msk [tilespmem:v16+s15+$0x0], $0xffff  }
0x11a: {  	v16 =	vld [tilespmem:$0x1F7B0]  }
0x11b: {  	v0 =	vadd.f32 v55, v0;
	v2 =	vadd.f32 v13, v2;
	v13 =	vld [tilespmem:$0x1F7A0]  }
0x11c: {  	v3 =	vadd.f32 v7, v3;
	v7 =	vmul.f32 v19, v18;
	v12 =	vmul.f32 v14, v12;
	v14 =	vld.idx.msk [tilespmem:v8+s15+$0x0], $0xffff  }
0x11d: {  	v41 =	vmul.f32 v48, v53;
	v0 =	vadd.f32 v44, v0;
	v8 =	vld.idx.msk [tilespmem:v8+s16+$0x0], $0xffff  }
0x11e: {  	v3 =	vadd.f32 v7, v3;
	v7 =	vld.idx.msk [tilespmem:v11+s16+$0x0], $0xffff;
	v4 =	vmul.f32 v10, v4  }
0x11f: {  	v38 =	vmul.f32 v49, v47;
	v0 =	vadd.f32 v41, v0;
	v10 =	vld [tilespmem:$0x1F7C0]  }
0x120: {  	v3 =	vadd.f32 v4, v3;
	v4 =	vmul.f32 v9, v15;
	v13 =	vmul.f32 v16, v13;
	v16 =	vld.idx.msk [tilespmem:v11+s15+$0x0], $0xffff  }
0x121: {  	v0 =	vadd.f32 v38, v0;
	v11 =	vld [tilespmem:$0x1F7D0]  }
0x122: {  	v3 =	vadd.f32 v4, v3;
	v4 =	vmul.f32 v8, v14;
	v8 =	vld [tilespmem:$0x1F800]  }
0x123: {  	v0 =	vadd.f32 v31, v0  }
0x124: {  	v1 =	vadd.f32 v57, v1;
	v2 =	vadd.f32 v12, v2;
	v12 =	vld [tilespmem:$0x1F7E0]  }
0x125: {  	v0 =	vadd.f32 v33, v0;
	v9 =	vld.idx.msk [tilespmem:v17+s16+$0x0], $0xffff  }
0x126: {  	v1 =	vadd.f32 v54, v1;
	v2 =	vadd.f32 v13, v2;
	v13 =	vld [tilespmem:$0x1F7F0];
	v10 =	vmul.f32 v11, v10  }
0x127: {  	v0 =	vadd.f32 v8, v0;
	v8 =	vld [tilespmem:$0x1F810]  }
0x128: {  	v40 =	vmul.f32 v51, v50;
	v1 =	vadd.f32 v43, v1;
	v2 =	vadd.f32 v10, v2;
	v10 =	vld [tilespmem:$0x1F820]  }
0x129: {  	v3 =	vadd.f32 v4, v3;
	v4 =	vmul.f32 v7, v16;
	v7 =	vld [tilespmem:$0x1F830]  }
0x12a: {  	v1 =	vadd.f32 v40, v1;
	v11 =	vld.idx.msk [tilespmem:v17+s15+$0x0], $0xffff  }
0x12b: {  	v12 =	vmul.f32 v13, v12;
	v13 =	vld.idx.msk [tilespmem:v6+s15+$0x0], $0xffff  }
0x12c: {  	v1 =	vadd.f32 v32, v1;
	v6 =	vld.idx.msk [tilespmem:v6+s16+$0x0], $0xffff  }
0x12d: {  	v2 =	vadd.f32 v12, v2;
	v8 =	vmul.f32 v10, v8  }
0x12e: {  	v1 =	vadd.f32 v30, v1;
	v0 =	vadd.f32 v7, v0;
	v7 =	vld [tilespmem:$0x1F840]  }
0x12f: {  	v3 =	vadd.f32 v4, v3;
	v4 =	vmul.f32 v9, v11;
	v2 =	vadd.f32 v8, v2;
	v8 =	vld [tilespmem:$0x1F870];
	_ =	sdelay $0x1  }
0x130: {  	v1 =	vadd.f32 v34, v1;
	v3 =	vadd.f32 v4, v3;
	v4 =	vmul.f32 v6, v13;
	v6 =	vld [tilespmem:$0x1F8B0]  }
0x131: {  	v12 =	vld [tilespmem:$0x1F860]  }
0x132: {  	v1 =	vadd.f32 v7, v1;
	v7 =	vld [tilespmem:$0x1F850]  }
0x133: {  	v0 =	vadd.f32 v8, v0;
	v8 =	vld [tilespmem:$0x1F880];
	_ =	sdelay $0x1  }
0x134: {  	v0 =	vadd.f32 v6, v0;
	v6 =	vld [tilespmem:$0x1F8C0];
	_ =	sdelay $0x1  }
0x135: {  	v10 =	vld.idx.msk [tilespmem:v5+s15+$0x0], $0xffff;
	v7 =	vmul.f32 v12, v7  }
0x136: {  	v5 =	vld.idx.msk [tilespmem:v5+s16+$0x0], $0xffff;
	v1 =	vadd.f32 v8, v1  }
0x137: {  	v2 =	vadd.f32 v7, v2;
	v7 =	vld [tilespmem:$0x1F8E0]  }
0x138: {  	v1 =	vadd.f32 v6, v1;
	v6 =	vld [tilespmem:$0x1F8D0];
	_ =	sdelay $0x3  }
0x139: {  	v9 =	vld [tilespmem:$0x1F8A0]  }
0x13a: {  	v3 =	vadd.f32 v4, v3;
	v4 =	vmul.f32 v5, v10;
	v6 =	vmul.f32 v7, v6;
	v7 =	vld [tilespmem:$0x1F8F0]  }
0x13b: {  	v8 =	vld [tilespmem:$0x1F890]  }
0x13c: {  	v3 =	vadd.f32 v4, v3;
	v4 =	vld [tilespmem:$0x1FD30];
	_ =	sdelay $0x1  }
0x13d: {  	s30 =	simm.s32 $0x10  }
0x13e: {  	v5 =	vmov s30;
	v0 =	vadd.f32 v7, v0;
	v7 =	vld [tilespmem:$0x1F900]  }
0x13f: {  	v5 =	vshll.u32 v5, $0x6;
	v8 =	vmul.f32 v9, v8  }
0x140: {  	v9 =	vor.u32 v4, v5;
	v4 =	vld [tilespmem:$0x1FF30]  }
0x141: {  	v2 =	vadd.f32 v8, v2;
	_ =	sdelay $0x1  }
0x142: {  	v2 =	vadd.f32 v6, v2;
	v1 =	vadd.f32 v7, v1;
	_ =	sdelay $0x1  }
0x143: {  	v4 =	vor.u32 v4, v9;
	v0 =	vadd.f32 v1, v0;
	v1 =	vadd.f32 v3, v2;
	v2 =	vld [tilespmem:$0x1FF40];
	_ =	sdelay $0x1  }
0x144: {  	v0 =	vadd.f32 v1, v0  }
0x145: {  	s30 =	simm.s32 $0x11E00  }
0x146: {  	[tilespmem:s30+$0x0] =	vst v0  }
0x147: {  	v2 =	vor.u32 v2, v9;
	v3 =	vld.idx.msk [tilespmem:v4+s16+$0x0], $0xffff  }
0x148: {  	v1 =	vld [tilespmem:$0x1FF50];
	_ =	sdelay $0x3  }
0x149: {  	[tilespmem:$0x1FAA0] =	vst v3;
	v3 =	vld.idx.msk [tilespmem:v2+s15+$0x0], $0xffff  }
0x14a: {  	v1 =	vor.u32 v1, v9;
	v2 =	vld.idx.msk [tilespmem:v2+s16+$0x0], $0xffff;
	_ =	sdelay $0x1  }
0x14b: {  	v0 =	vld [tilespmem:$0x1F910];
	_ =	sdelay $0x2  }
0x14c: {  	[tilespmem:$0x1FAD0] =	vst v2;
	v2 =	vld.idx.msk [tilespmem:v1+s15+$0x0], $0xffff;
	_ =	sdelay $0x1  }
0x14d: {  	v0 =	vor.u32 v0, v9;
	v1 =	vld.idx.msk [tilespmem:v1+s16+$0x0], $0xffff  }
0x14e: {  	[tilespmem:$0x1FAC0] =	vst v3;
	v3 =	vld [tilespmem:$0x1FF10];
	_ =	sdelay $0x1  }
0x14f: {  	[tilespmem:$0x1F920] =	vst v2;
	v2 =	vld [tilespmem:$0x1FF20]  }
0x150: {  	v25 =	vld.idx.msk [tilespmem:v4+s15+$0x0], $0xffff  }
0x151: {  	[tilespmem:$0x1F930] =	vst v1;
	v1 =	vld.idx.msk [tilespmem:v0+s15+$0x0], $0xffff  }
0x152: {  	v4 =	vor.u32 v3, v9;
	v0 =	vld.idx.msk [tilespmem:v0+s16+$0x0], $0xffff;
	_ =	sdelay $0x1  }
0x153: {  	v2 =	vor.u32 v2, v9;
	_ =	sdelay $0x2  }
0x154: {  	[tilespmem:$0x1FB00] =	vst v0;
	v0 =	vld.idx.msk [tilespmem:v4+s15+$0x0], $0xffff;
	_ =	sdelay $0x1  }
0x155: {  	v3 =	vld.idx.msk [tilespmem:v2+s15+$0x0], $0xffff;
	_ =	sdelay $0x1  }
0x156: {  	[tilespmem:$0x1FAF0] =	vst v1;
	v1 =	vld [tilespmem:$0x1FF00]  }
0x157: {  	[tilespmem:$0x1FB20] =	vst v0;
	v0 =	vld [tilespmem:$0x1F940];
	_ =	sdelay $0x1  }
0x158: {  	[tilespmem:$0x1F950] =	vst v3;
	v3 =	vld [tilespmem:$0x1F960];
	_ =	sdelay $0x1  }
0x159: {  	v1 =	vor.u32 v1, v9  }
0x15a: {  	v0 =	vor.u32 v0, v9;
	_ =	sdelay $0x1  }
0x15b: {  	v28 =	vld.idx.msk [tilespmem:v4+s16+$0x0], $0xffff;
	v4 =	vor.u32 v3, v9  }
0x15c: {  	v2 =	vld.idx.msk [tilespmem:v2+s16+$0x0], $0xffff  }
0x15d: {  	v31 =	vld.idx.msk [tilespmem:v1+s15+$0x0], $0xffff  }
0x15e: {  	v27 =	vld.idx.msk [tilespmem:v0+s15+$0x0], $0xffff  }
0x15f: {  	[tilespmem:$0x1F750] =	vst v22;
	v22 =	vld.idx.msk [tilespmem:v0+s16+$0x0], $0xffff  }
0x160: {  	v0 =	vld.idx.msk [tilespmem:v4+s15+$0x0], $0xffff  }
0x161: {  	[tilespmem:$0x1F970] =	vst v2;
	v2 =	vld [tilespmem:$0x1FFF0]  }
0x162: {  	v30 =	vld.idx.msk [tilespmem:v1+s16+$0x0], $0xffff  }
0x163: {  	v1 =	vld [tilespmem:$0x1FEE0];
	_ =	sdelay $0x1  }
0x164: {  	[tilespmem:$0x1F980] =	vst v0;
	v0 =	vld [tilespmem:$0x1FEF0];
	_ =	sdelay $0x1  }
0x165: {  	v2 =	vor.u32 v2, v9  }
0x166: {  	v1 =	vor.u32 v1, v9;
	_ =	sdelay $0x1  }
0x167: {  	v0 =	vor.u32 v0, v9;
	_ =	sdelay $0x1  }
0x168: {  	v32 =	vld.idx.msk [tilespmem:v2+s15+$0x0], $0xffff  }
0x169: {  	v34 =	vld.idx.msk [tilespmem:v1+s15+$0x0], $0xffff  }
0x16a: {  	v35 =	vld.idx.msk [tilespmem:v1+s16+$0x0], $0xffff  }
0x16b: {  	v1 =	vld.idx.msk [tilespmem:v0+s15+$0x0], $0xffff  }
0x16c: {  	v33 =	vld.idx.msk [tilespmem:v2+s16+$0x0], $0xffff  }
0x16d: {  	v2 =	vld [tilespmem:$0x1FFC0];
	_ =	sdelay $0x2  }
0x16e: {  	[tilespmem:$0x1F9A0] =	vst v1;
	v1 =	vld [tilespmem:$0x1FFD0]  }
0x16f: {  	v3 =	vld.idx.msk [tilespmem:v4+s16+$0x0], $0xffff  }
0x170: {  	v2 =	vor.u32 v2, v9;
	_ =	sdelay $0x2  }
0x171: {  	v1 =	vor.u32 v1, v9  }
0x172: {  	[tilespmem:$0x1F990] =	vst v3;
	v3 =	vld [tilespmem:$0x1FFB0]  }
0x173: {  	v42 =	vld.idx.msk [tilespmem:v2+s15+$0x0], $0xffff  }
0x174: {  	v0 =	vld.idx.msk [tilespmem:v0+s16+$0x0], $0xffff  }
0x175: {  	v43 =	vld.idx.msk [tilespmem:v2+s16+$0x0], $0xffff  }
0x176: {  	v2 =	vld.idx.msk [tilespmem:v1+s15+$0x0], $0xffff;
	_ =	sdelay $0x2  }
0x177: {  	[tilespmem:$0x1F9B0] =	vst v0;
	v0 =	vld [tilespmem:$0x1FF70];
	_ =	sdelay $0x1  }
0x178: {  	v4 =	vor.u32 v3, v9;
	[tilespmem:$0x1F9C0] =	vst v2;
	v2 =	vld [tilespmem:$0x1FF90];
	_ =	sdelay $0x2  }
0x179: {  	v0 =	vor.u32 v0, v9  }
0x17a: {  	v3 =	vld [tilespmem:$0x1FF80]  }
0x17b: {  	v36 =	vld.idx.msk [tilespmem:v4+s15+$0x0], $0xffff;
	v2 =	vor.u32 v2, v9  }
0x17c: {  	v39 =	vld.idx.msk [tilespmem:v4+s16+$0x0], $0xffff  }
0x17d: {  	v1 =	vld.idx.msk [tilespmem:v1+s16+$0x0], $0xffff  }
0x17e: {  	v45 =	vld.idx.msk [tilespmem:v0+s15+$0x0], $0xffff  }
0x17f: {  	v53 =	vld.idx.msk [tilespmem:v0+s16+$0x0], $0xffff  }
0x180: {  	v4 =	vor.u32 v3, v9;
	v3 =	vld.idx.msk [tilespmem:v2+s15+$0x0], $0xffff  }
0x181: {  	v0 =	vld [tilespmem:$0x1FEC0];
	_ =	sdelay $0x2  }
0x182: {  	[tilespmem:$0x1F9D0] =	vst v1;
	v1 =	vld [tilespmem:$0x1FEB0]  }
0x183: {  	[tilespmem:$0x1F9E0] =	vst v3;
	v3 =	vld [tilespmem:$0x1FED0]  }
0x184: {  	v0 =	vor.u32 v0, v9;
	_ =	sdelay $0x2  }
0x185: {  	v54 =	vld.idx.msk [tilespmem:v4+s15+$0x0], $0xffff;
	v1 =	vor.u32 v1, v9  }
0x186: {  	v55 =	vld.idx.msk [tilespmem:v4+s16+$0x0], $0xffff;
	v4 =	vor.u32 v3, v9  }
0x187: {  	v57 =	vld.idx.msk [tilespmem:v0+s15+$0x0], $0xffff  }
0x188: {  	v37 =	vld.idx.msk [tilespmem:v0+s16+$0x0], $0xffff  }
0x189: {  	v2 =	vld.idx.msk [tilespmem:v2+s16+$0x0], $0xffff  }
0x18a: {  	v56 =	vld.idx.msk [tilespmem:v1+s15+$0x0], $0xffff  }
0x18b: {  	v0 =	vld.idx.msk [tilespmem:v4+s15+$0x0], $0xffff  }
0x18c: {  	v58 =	vld.idx.msk [tilespmem:v1+s16+$0x0], $0xffff  }
0x18d: {  	v1 =	vld [tilespmem:$0x1FE80];
	_ =	sdelay $0x1  }
0x18e: {  	[tilespmem:$0x1F9F0] =	vst v2;
	v2 =	vld [tilespmem:$0x1FE70]  }
0x18f: {  	[tilespmem:$0x1FA00] =	vst v0;
	v0 =	vld [tilespmem:$0x1FE90];
	_ =	sdelay $0x1  }
0x190: {  	v1 =	vor.u32 v1, v9;
	_ =	sdelay $0x1  }
0x191: {  	v2 =	vor.u32 v2, v9  }
0x192: {  	v0 =	vor.u32 v0, v9;
	_ =	sdelay $0x1  }
0x193: {  	v41 =	vld.idx.msk [tilespmem:v1+s15+$0x0], $0xffff  }
0x194: {  	v47 =	vld.idx.msk [tilespmem:v1+s16+$0x0], $0xffff  }
0x195: {  	v38 =	vld.idx.msk [tilespmem:v2+s15+$0x0], $0xffff  }
0x196: {  	v1 =	vld.idx.msk [tilespmem:v0+s15+$0x0], $0xffff  }
0x197: {  	v40 =	vld.idx.msk [tilespmem:v2+s16+$0x0], $0xffff  }
0x198: {  	v2 =	vld [tilespmem:$0x1FE40];
	_ =	sdelay $0x2  }
0x199: {  	[tilespmem:$0x1FA20] =	vst v1;
	v1 =	vld [tilespmem:$0x1FE50];
	_ =	sdelay $0x1  }
0x19a: {  	v2 =	vor.u32 v2, v9  }
0x19b: {  	v0 =	vld.idx.msk [tilespmem:v0+s16+$0x0], $0xffff;
	_ =	sdelay $0x1  }
0x19c: {  	v1 =	vor.u32 v1, v9  }
0x19d: {  	v3 =	vld.idx.msk [tilespmem:v4+s16+$0x0], $0xffff  }
0x19e: {  	v51 =	vld.idx.msk [tilespmem:v2+s15+$0x0], $0xffff  }
0x19f: {  	[tilespmem:$0x1FA30] =	vst v0;
	v0 =	vld [tilespmem:$0x1FE00]  }
0x1a0: {  	v59 =	vld.idx.msk [tilespmem:v2+s16+$0x0], $0xffff  }
0x1a1: {  	v2 =	vld.idx.msk [tilespmem:v1+s15+$0x0], $0xffff  }
0x1a2: {  	v1 =	vld.idx.msk [tilespmem:v1+s16+$0x0], $0xffff  }
0x1a3: {  	[tilespmem:$0x1FA10] =	vst v3;
	v3 =	vld [tilespmem:$0x1FE30]  }
0x1a4: {  	v0 =	vor.u32 v0, v9;
	_ =	sdelay $0x1  }
0x1a5: {  	[tilespmem:$0x1FA40] =	vst v2  }
0x1a6: {  	v2 =	vor.u32 v61, v9;
	[tilespmem:$0x1FA50] =	vst v1;
	v1 =	vld [tilespmem:$0x1FDE0]  }
0x1a7: {  	v4 =	vor.u32 v3, v9;
	v3 =	vld [tilespmem:$0x1FE10]  }
0x1a8: {  	v62 =	vld.idx.msk [tilespmem:v0+s16+$0x0], $0xffff  }
0x1a9: {  	v61 =	vld.idx.msk [tilespmem:v0+s15+$0x0], $0xffff  }
0x1aa: {  	v0 =	vld [tilespmem:$0x1FDD0]  }
0x1ab: {  	v8 =	vor.u32 v1, v9;
	v1 =	vld.idx.msk [tilespmem:v2+s15+$0x0], $0xffff  }
0x1ac: {  	v48 =	vld.idx.msk [tilespmem:v4+s15+$0x0], $0xffff  }
0x1ad: {  	v52 =	vld.idx.msk [tilespmem:v4+s16+$0x0], $0xffff;
	v4 =	vor.u32 v3, v9;
	_ =	sdelay $0x1  }
0x1ae: {  	v0 =	vor.u32 v0, v9  }
0x1af: {  	[tilespmem:$0x1FA60] =	vst v1;
	v1 =	vld.idx.msk [tilespmem:v2+s16+$0x0], $0xffff;
	_ =	sdelay $0x1  }
0x1b0: {  	v63 =	vld.idx.msk [tilespmem:v4+s15+$0x0], $0xffff  }
0x1b1: {  	v60 =	vld.idx.msk [tilespmem:v4+s16+$0x0], $0xffff  }
0x1b2: {  	v4 =	vld.idx.msk [tilespmem:v0+s16+$0x0], $0xffff  }
0x1b3: {  	[tilespmem:$0x1FA70] =	vst v1;
	v1 =	vld.idx.msk [tilespmem:v0+s15+$0x0], $0xffff  }
0x1b4: {  	v0 =	vld [tilespmem:$0x1FDA0];
	_ =	sdelay $0x4  }
0x1b5: {  	v0 =	vor.u32 v0, v9;
	_ =	sdelay $0x4  }
0x1b6: {  	v12 =	vld.idx.msk [tilespmem:v0+s15+$0x0], $0xffff  }
0x1b7: {  	v13 =	vld.idx.msk [tilespmem:v0+s16+$0x0], $0xffff  }
0x1b8: {  	v0 =	vld [tilespmem:$0x1FBD0];
	_ =	sdelay $0x3  }
0x1b9: {  	v3 =	vld [tilespmem:$0x1FDB0];
	v2 =	vor.u32 v24, v9  }
0x1ba: {  	v0 =	vor.u32 v0, v9;
	_ =	sdelay $0x3  }
0x1bb: {  	v10 =	vor.u32 v3, v9;
	v3 =	vld.idx.msk [tilespmem:v2+s15+$0x0], $0xffff  }
0x1bc: {  	v16 =	vld.idx.msk [tilespmem:v0+s15+$0x0], $0xffff  }
0x1bd: {  	v17 =	vld.idx.msk [tilespmem:v0+s16+$0x0], $0xffff  }
0x1be: {  	v0 =	vld [tilespmem:$0x1FBA0];
	_ =	sdelay $0x3  }
0x1bf: {  	[tilespmem:$0x1FA80] =	vst v3;
	v3 =	vld [tilespmem:$0x1FBE0]  }
0x1c0: {  	v0 =	vor.u32 v0, v9  }
0x1c1: {  	v14 =	vld.idx.msk [tilespmem:v10+s15+$0x0], $0xffff  }
0x1c2: {  	v15 =	vld.idx.msk [tilespmem:v10+s16+$0x0], $0xffff  }
0x1c3: {  	v2 =	vld.idx.msk [tilespmem:v2+s16+$0x0], $0xffff  }
0x1c4: {  	v10 =	vor.u32 v3, v9;
	v3 =	vld [tilespmem:$0x1FBB0]  }
0x1c5: {  	v20 =	vld.idx.msk [tilespmem:v0+s15+$0x0], $0xffff  }
0x1c6: {  	[tilespmem:$0x1F740] =	vst v21;
	v21 =	vld.idx.msk [tilespmem:v0+s16+$0x0], $0xffff  }
0x1c7: {  	v0 =	vld [tilespmem:$0x1FD50];
	_ =	sdelay $0x1  }
0x1c8: {  	v24 =	vld [tilespmem:$0x1FAA0]  }
0x1c9: {  	[tilespmem:$0x1FA90] =	vst v2;
	v2 =	vld [tilespmem:$0x1FC00]  }
0x1ca: {  	v18 =	vld.idx.msk [tilespmem:v10+s15+$0x0], $0xffff  }
0x1cb: {  	v19 =	vld.idx.msk [tilespmem:v10+s16+$0x0], $0xffff;
	v10 =	vor.u32 v3, v9;
	v3 =	vor.u32 v0, v9;
	_ =	sdelay $0x3  }
0x1cc: {  	v25 =	vmul.f32 v24, v25;
	v24 =	vld [tilespmem:$0x1FAD0]  }
0x1cd: {  	v2 =	vor.u32 v2, v9;
	v23 =	vld.idx.msk [tilespmem:v3+s15+$0x0], $0xffff  }
0x1ce: {  	[tilespmem:$0x1FAB0] =	vst v25;
	v25 =	vld.idx.msk [tilespmem:v3+s16+$0x0], $0xffff  }
0x1cf: {  	v3 =	vld [tilespmem:$0x1FAC0];
	_ =	sdelay $0x2  }
0x1d0: {  	v44 =	vld.idx.msk [tilespmem:v2+s15+$0x0], $0xffff  }
0x1d1: {  	v50 =	vld.idx.msk [tilespmem:v2+s16+$0x0], $0xffff  }
0x1d2: {  	v2 =	vld [tilespmem:$0x1FBF0];
	v3 =	vmul.f32 v24, v3  }
0x1d3: {  	v24 =	vld [tilespmem:$0x1FB00]  }
0x1d4: {  	[tilespmem:$0x1FAE0] =	vst v3;
	v3 =	vld [tilespmem:$0x1FAF0]  }
0x1d5: {  	v7 =	vld [tilespmem:$0x1FB90];
	_ =	sdelay $0x1  }
0x1d6: {  	v2 =	vor.u32 v2, v9;
	_ =	sdelay $0x1  }
0x1d7: {  	v3 =	vmul.f32 v24, v3;
	v24 =	vld [tilespmem:$0x1FB20]  }
0x1d8: {  	v7 =	vor.u32 v7, v9  }
0x1d9: {  	v6 =	vld [tilespmem:$0x1FD60]  }
0x1da: {  	v46 =	vld.idx.msk [tilespmem:v2+s15+$0x0], $0xffff  }
0x1db: {  	v22 =	vmul.f32 v22, v27;
	v49 =	vld.idx.msk [tilespmem:v2+s16+$0x0], $0xffff  }
0x1dc: {  	v2 =	vld [tilespmem:$0x1FBC0];
	v28 =	vmul.f32 v28, v24  }
0x1dd: {  	[tilespmem:$0x1FB50] =	vst v22;
	v22 =	vlaneseq.u32;
	v24 =	vld.idx.msk [tilespmem:v7+s16+$0x0], $0xffff  }
0x1de: {  	[tilespmem:$0x1FB30] =	vst v28;
	v28 =	vmul.f32 v30, v31;
	v30 =	vor.u32 v22, v9;
	v22 =	vld.idx.msk [tilespmem:v7+s15+$0x0], $0xffff  }
0x1df: {  	v7 =	vld [tilespmem:$0x1FB70];
	_ =	sdelay $0x1  }
0x1e0: {  	v5 =	vld.idx.msk [tilespmem:v8+s15+$0x0], $0xffff;
	v11 =	vor.u32 v2, v9  }
0x1e1: {  	v8 =	vld.idx.msk [tilespmem:v8+s16+$0x0], $0xffff  }
0x1e2: {  	v6 =	vor.u32 v6, v9;
	v2 =	vld.idx.msk [tilespmem:v10+s16+$0x0], $0xffff  }
0x1e3: {  	[tilespmem:$0x1FB40] =	vst v28;
	v28 =	vor.u32 v7, v9;
	v7 =	vld [tilespmem:$0x1FB80]  }
0x1e4: {  	v0 =	vld.idx.msk [tilespmem:v10+s15+$0x0], $0xffff  }
0x1e5: {  	v10 =	vld.idx.msk [tilespmem:v11+s15+$0x0], $0xffff  }
0x1e6: {  	[tilespmem:$0x1FB60] =	vst v29;
	v11 =	vld.idx.msk [tilespmem:v11+s16+$0x0], $0xffff  }
0x1e7: {  	[tilespmem:$0x1FB10] =	vst v3;
	v3 =	vld.idx.msk [tilespmem:v6+s15+$0x0], $0xffff  }
0x1e8: {  	s31 =	simm.s32 $0x20;
	v26 =	vor.u32 v26, v9;
	v29 =	vor.u32 v29, v9;
	v6 =	vld.idx.msk [tilespmem:v6+s16+$0x0], $0xffff;
	v27 =	vor.u32 v7, v9  }
.LBB2_3:
0x1e9: {  	v31 =	vld.idx.msk [tilespmem:v30+s16+$0x0], $0xffff  }
0x1ea: {  	v30 =	vld.idx.msk [tilespmem:v30+s15+$0x0], $0xffff  }
0x1eb: {  	v7 =	vmul.f32 v33, v32;
	v32 =	vld [tilespmem:$0x1FD40]  }
0x1ec: {  	v42 =	vmul.f32 v43, v42;
	v33 =	vld.idx.msk [tilespmem:v28+s15+$0x0], $0xffff  }
0x1ed: {  	v43 =	vmul.f32 v53, v45;
	v45 =	vmul.f32 v55, v54;
	v54 =	vld [tilespmem:$0x1F750]  }
0x1ee: {  	v28 =	vld.idx.msk [tilespmem:v28+s16+$0x0], $0xffff  }
0x1ef: {  	v55 =	vld [tilespmem:$0x1FD70]  }
0x1f0: {  	v37 =	vmul.f32 v37, v57;
	v57 =	vld [tilespmem:$0x1FFE0]  }
0x1f1: {  	v39 =	vmul.f32 v39, v36;
	v36 =	vmul.f32 v58, v56;
	v58 =	vld [tilespmem:$0x1FD80]  }
0x1f2: {  	v56 =	vmul.f32 v60, v63;
	v60 =	vld [tilespmem:$0x1FFA0]  }
0x1f3: {  	v63 =	vld [tilespmem:$0x1FE20]  }
0x1f4: {  	[tilespmem:$0x1F5D0] =	vst v7;
	v7 =	vld [tilespmem:$0x1F740];
	v1 =	vmul.f32 v4, v1  }
0x1f5: {  	v4 =	vmul.f32 v8, v5;
	v8 =	vmul.f32 v13, v12;
	v13 =	vld [tilespmem:$0x1FF60]  }
0x1f6: {  	v12 =	vmul.f32 v15, v14;
	v15 =	vmul.f32 v17, v16;
	v17 =	vld [tilespmem:$0x1FDC0]  }
0x1f7: {  	v16 =	vmul.f32 v19, v18;
	v19 =	vld [tilespmem:$0x1FEA0]  }
0x1f8: {  	v18 =	vmul.f32 v21, v20;
	v21 =	vld [tilespmem:$0x1FDF0];
	v32 =	vor.u32 v32, v9  }
0x1f9: {  	v35 =	vmul.f32 v35, v34;
	v34 =	vor.u32 v54, v9;
	v54 =	vld.idx.msk [tilespmem:v27+s15+$0x0], $0xffff  }
0x1fa: {  	v38 =	vmul.f32 v40, v38;
	v53 =	vor.u32 v55, v9;
	v27 =	vld.idx.msk [tilespmem:v27+s16+$0x0], $0xffff  }
0x1fb: {  	v40 =	vmul.f32 v47, v41;
	v55 =	vmul.f32 v62, v61;
	v61 =	vld [tilespmem:$0x1FD90]  }
0x1fc: {  	v20 =	vmul.f32 v25, v23;
	v47 =	vor.u32 v58, v9;
	v23 =	vmul.f32 v31, v30;
	v30 =	vld [tilespmem:$0x1FE60]  }
0x1fd: {  	v48 =	vmul.f32 v52, v48;
	v52 =	vld.idx.msk [tilespmem:v32+s15+$0x0], $0xffff  }
0x1fe: {  	v17 =	vor.u32 v17, v9;
	v32 =	vld.idx.msk [tilespmem:v32+s16+$0x0], $0xffff  }
0x1ff: {  	v25 =	vmul.f32 v28, v33;
	v21 =	vor.u32 v21, v9;
	v5 =	vld.idx.msk [tilespmem:v53+s15+$0x0], $0xffff  }
0x200: {  	v58 =	vor.u32 v61, v9;
	v14 =	vld.idx.msk [tilespmem:v53+s16+$0x0], $0xffff  }
0x201: {  	v0 =	vmul.f32 v2, v0;
	v3 =	vmul.f32 v6, v3;
	v25 =	vadd.f32 $0.0e+00, v25;
	v2 =	vld.idx.msk [tilespmem:v47+s15+$0x0], $0xffff  }
0x202: {  	v22 =	vmul.f32 v24, v22;
	v10 =	vmul.f32 v11, v10;
	v41 =	vor.u32 v57, v9;
	v6 =	vld.idx.msk [tilespmem:v47+s16+$0x0], $0xffff  }
0x203: {  	v57 =	vor.u32 v60, v9;
	v7 =	vor.u32 v7, v9;
	v3 =	vadd.f32 v3, v25;
	v24 =	vld.idx.msk [tilespmem:v17+s15+$0x0], $0xffff  }
0x204: {  	v13 =	vor.u32 v13, v9;
	v19 =	vor.u32 v19, v9;
	v27 =	vmul.f32 v27, v54;
	v11 =	vld.idx.msk [tilespmem:v21+s15+$0x0], $0xffff  }
0x205: {  	v30 =	vor.u32 v30, v9;
	v9 =	vor.u32 v63, v9;
	v0 =	vadd.f32 v0, v3;
	v28 =	vld.idx.msk [tilespmem:v58+s15+$0x0], $0xffff  }
0x206: {  	v23 =	vadd.f32 $0.0e+00, v23;
	v27 =	vadd.f32 $0.0e+00, v27;
	v62 =	vld.idx.msk [tilespmem:v58+s16+$0x0], $0xffff  }
0x207: {  	v0 =	vadd.f32 v16, v0;
	v31 =	vmul.f32 v32, v52;
	v5 =	vmul.f32 v14, v5;
	v14 =	vld.idx.msk [tilespmem:v17+s16+$0x0], $0xffff  }
0x208: {  	v17 =	vadd.f32 v20, v23;
	v20 =	vadd.f32 v22, v27;
	v2 =	vmul.f32 v6, v2;
	v6 =	vld.idx.msk [tilespmem:v21+s16+$0x0], $0xffff  }
0x209: {  	v0 =	vadd.f32 v12, v0;
	v12 =	vld [tilespmem:$0x1FA80];
	v31 =	vadd.f32 $0.0e+00, v31  }
0x20a: {  	v17 =	vadd.f32 v18, v17;
	v18 =	vld.idx.msk [tilespmem:v9+s15+$0x0], $0xffff  }
0x20b: {  	v10 =	vadd.f32 v10, v20;
	v9 =	vld.idx.msk [tilespmem:v9+s16+$0x0], $0xffff;
	v5 =	vadd.f32 v5, v31  }
0x20c: {  	v3 =	vmul.f32 v49, v46;
	v0 =	vadd.f32 v4, v0;
	v4 =	vld [tilespmem:$0x1FA60];
	v15 =	vadd.f32 v15, v17  }
0x20d: {  	v17 =	vld.idx.msk [tilespmem:v30+s15+$0x0], $0xffff;
	v2 =	vadd.f32 v2, v5;
	v5 =	vmul.f32 v62, v28  }
0x20e: {  	v3 =	vadd.f32 v3, v10;
	v10 =	vld.idx.msk [tilespmem:v30+s16+$0x0], $0xffff;
	v8 =	vadd.f32 v8, v15  }
0x20f: {  	v2 =	vadd.f32 v5, v2;
	v5 =	vmul.f32 v14, v24;
	v14 =	vld [tilespmem:$0x1FA90]  }
0x210: {  	v1 =	vadd.f32 v1, v8;
	v8 =	vld [tilespmem:$0x1FA70]  }
0x211: {  	v2 =	vadd.f32 v5, v2;
	v5 =	vmul.f32 v6, v11;
	v6 =	vld.idx.msk [tilespmem:v19+s16+$0x0], $0xffff  }
0x212: {  	v16 =	vmul.f32 v50, v44;
	v11 =	vld [tilespmem:$0x1FA40]  }
0x213: {  	v2 =	vadd.f32 v5, v2;
	v5 =	vmul.f32 v9, v18;
	v9 =	vld.idx.msk [tilespmem:v13+s16+$0x0], $0xffff  }
0x214: {  	v3 =	vadd.f32 v16, v3;
	v12 =	vmul.f32 v14, v12;
	v14 =	vld.idx.msk [tilespmem:v19+s15+$0x0], $0xffff  }
0x215: {  	v4 =	vmul.f32 v8, v4;
	v8 =	vld.idx.msk [tilespmem:v13+s15+$0x0], $0xffff  }
0x216: {  	v13 =	vld [tilespmem:$0x1FA30];
	v3 =	vadd.f32 v12, v3  }
0x217: {  	v12 =	vld [tilespmem:$0x1FA50]  }
0x218: {  	v2 =	vadd.f32 v5, v2;
	v5 =	vld.idx.msk [tilespmem:v57+s16+$0x0], $0xffff;
	v3 =	vadd.f32 v4, v3;
	v4 =	vmul.f32 v10, v17  }
0x219: {  	v10 =	vld [tilespmem:$0x1FA20]  }
0x21a: {  	v2 =	vadd.f32 v4, v2;
	v4 =	vmul.f32 v6, v14;
	v6 =	vld.idx.msk [tilespmem:v41+s16+$0x0], $0xffff  }
0x21b: {  	v14 =	vld [tilespmem:$0x1FA10]  }
0x21c: {  	v11 =	vmul.f32 v12, v11;
	v12 =	vld.idx.msk [tilespmem:v57+s15+$0x0], $0xffff  }
0x21d: {  	v2 =	vadd.f32 v4, v2;
	v4 =	vmul.f32 v9, v8;
	v8 =	vld.idx.msk [tilespmem:v34+s16+$0x0], $0xffff  }
0x21e: {  	v9 =	vld [tilespmem:$0x1F9E0];
	v10 =	vmul.f32 v13, v10;
	v3 =	vadd.f32 v11, v3  }
0x21f: {  	v11 =	vld [tilespmem:$0x1FA00]  }
0x220: {  	v3 =	vadd.f32 v10, v3;
	v10 =	vld [tilespmem:$0x1F9F0]  }
0x221: {  	v13 =	vld.idx.msk [tilespmem:v41+s15+$0x0], $0xffff  }
0x222: {  	v1 =	vadd.f32 v55, v1;
	v2 =	vadd.f32 v4, v2;
	v4 =	vmul.f32 v5, v12;
	v5 =	vld.idx.msk [tilespmem:v7+s16+$0x0], $0xffff  }
0x223: {  	v12 =	vld [tilespmem:$0x1F9B0]  }
0x224: {  	v1 =	vadd.f32 v48, v1;
	v11 =	vmul.f32 v14, v11;
	v14 =	vld.idx.msk [tilespmem:v34+s15+$0x0], $0xffff  }
0x225: {  	v9 =	vmul.f32 v10, v9;
	v10 =	vld.idx.msk [tilespmem:v7+s15+$0x0], $0xffff  }
0x226: {  	v51 =	vmul.f32 v59, v51;
	v0 =	vadd.f32 v56, v0;
	v1 =	vadd.f32 v38, v1;
	v7 =	vld [tilespmem:$0x1F9C0]  }
0x227: {  	v2 =	vadd.f32 v4, v2;
	v4 =	vmul.f32 v6, v13;
	v3 =	vadd.f32 v11, v3;
	v11 =	vld [tilespmem:$0x1F9D0]  }
0x228: {  	v1 =	vadd.f32 v36, v1;
	v6 =	vld.idx.msk [tilespmem:v29+s16+$0x0], $0xffff  }
0x229: {  	v0 =	vadd.f32 v51, v0;
	v2 =	vadd.f32 v4, v2;
	v4 =	vmul.f32 v8, v14;
	v8 =	vld [tilespmem:$0x1F5D0]  }
0x22a: {  	v1 =	vadd.f32 v43, v1;
	v3 =	vadd.f32 v9, v3;
	v9 =	vld [tilespmem:$0x1F9A0]  }
0x22b: {  	v0 =	vadd.f32 v40, v0;
	v2 =	vadd.f32 v4, v2;
	v4 =	vmul.f32 v5, v10;
	v5 =	vld [tilespmem:$0x1FB40]  }
0x22c: {  	v1 =	vadd.f32 v39, v1;
	v7 =	vmul.f32 v11, v7;
	v11 =	vld.idx.msk [tilespmem:v29+s15+$0x0], $0xffff  }
0x22d: {  	v0 =	vadd.f32 v37, v0  }
0x22e: {  	v13 =	vld [tilespmem:$0x1F990];
	v1 =	vadd.f32 v8, v1  }
0x22f: {  	v0 =	vadd.f32 v45, v0;
	v9 =	vmul.f32 v12, v9;
	v12 =	vld.idx.msk [tilespmem:v26+s15+$0x0], $0xffff  }
0x230: {  	v1 =	vadd.f32 v5, v1;
	v5 =	vld [tilespmem:$0x1FB50]  }
0x231: {  	v0 =	vadd.f32 v42, v0;
	v2 =	vadd.f32 v4, v2;
	v4 =	vmul.f32 v6, v11;
	v6 =	vld [tilespmem:$0x1FB10]  }
0x232: {  	v3 =	vadd.f32 v7, v3;
	v7 =	vld.idx.msk [tilespmem:v26+s16+$0x0], $0xffff  }
0x233: {  	v0 =	vadd.f32 v35, v0;
	v8 =	vld [tilespmem:$0x1F980]  }
0x234: {  	v3 =	vadd.f32 v9, v3;
	v9 =	vld [tilespmem:$0x1F970]  }
0x235: {  	v0 =	vadd.f32 v5, v0;
	v5 =	vld [tilespmem:$0x1F950]  }
0x236: {  	v1 =	vadd.f32 v6, v1;
	v6 =	vld [tilespmem:$0x1FB30]  }
0x237: {  	v2 =	vadd.f32 v4, v2;
	v4 =	vmul.f32 v7, v12  }
0x238: {  	v7 =	vld [tilespmem:$0x1FAB0];
	v8 =	vmul.f32 v13, v8  }
0x239: {  	v2 =	vadd.f32 v4, v2;
	v4 =	vld [tilespmem:$0x1FD30]  }
0x23a: {  	v3 =	vadd.f32 v8, v3;
	v8 =	vld [tilespmem:$0x1F930]  }
0x23b: {  	v5 =	vmul.f32 v9, v5;
	v0 =	vadd.f32 v6, v0;
	v6 =	vld [tilespmem:$0x1F920];
	_ =	sdelay $0x1  }
0x23c: {  	v1 =	vadd.f32 v7, v1;
	v7 =	vld [tilespmem:$0x1FAE0];
	v3 =	vadd.f32 v5, v3;
	v5 =	vmov s31  }
0x23d: {  	v5 =	vshll.u32 v5, $0x6  }
0x23e: {  	v9 =	vor.u32 v4, v5;
	v4 =	vld [tilespmem:$0x1FF30]  }
0x23f: {  	v6 =	vmul.f32 v8, v6;
	_ =	sdelay $0x1  }
0x240: {  	v0 =	vadd.f32 v7, v0;
	v3 =	vadd.f32 v6, v3;
	_ =	sdelay $0x1  }
0x241: {  	v0 =	vadd.f32 v0, v1;
	v4 =	vor.u32 v4, v9;
	v1 =	vadd.f32 v2, v3;
	v2 =	vld [tilespmem:$0x1FF40];
	_ =	sdelay $0x1  }
0x242: {  	v0 =	vadd.f32 v1, v0  }
0x243: {  	s30 =	sadd.s32 $0x10, s30  }
0x244: {  	[tilespmem:s30+$0x0] =	vst v0  }
0x245: {  	v2 =	vor.u32 v2, v9;
	v3 =	vld.idx.msk [tilespmem:v4+s16+$0x0], $0xffff  }
0x246: {  	v1 =	vld [tilespmem:$0x1FF50];
	_ =	sdelay $0x3  }
0x247: {  	[tilespmem:$0x1F5E0] =	vst v3;
	v3 =	vld.idx.msk [tilespmem:v2+s15+$0x0], $0xffff  }
0x248: {  	v1 =	vor.u32 v1, v9;
	v2 =	vld.idx.msk [tilespmem:v2+s16+$0x0], $0xffff  }
0x249: {  	v0 =	vld [tilespmem:$0x1F910];
	_ =	sdelay $0x3  }
0x24a: {  	[tilespmem:$0x1F600] =	vst v2;
	v2 =	vld.idx.msk [tilespmem:v1+s15+$0x0], $0xffff  }
0x24b: {  	v0 =	vor.u32 v0, v9;
	v1 =	vld.idx.msk [tilespmem:v1+s16+$0x0], $0xffff  }
0x24c: {  	[tilespmem:$0x1F5F0] =	vst v3;
	v3 =	vld [tilespmem:$0x1FF10];
	_ =	sdelay $0x2  }
0x24d: {  	[tilespmem:$0x1F920] =	vst v2;
	v2 =	vld [tilespmem:$0x1FF20]  }
0x24e: {  	[tilespmem:$0x1F930] =	vst v1;
	v1 =	vld.idx.msk [tilespmem:v0+s15+$0x0], $0xffff  }
0x24f: {  	v3 =	vor.u32 v3, v9;
	v0 =	vld.idx.msk [tilespmem:v0+s16+$0x0], $0xffff;
	_ =	sdelay $0x2  }
0x250: {  	v2 =	vor.u32 v2, v9  }
0x251: {  	[tilespmem:$0x1F610] =	vst v1;
	v1 =	vld [tilespmem:$0x1FF00]  }
0x252: {  	[tilespmem:$0x1F620] =	vst v0;
	v0 =	vld.idx.msk [tilespmem:v3+s15+$0x0], $0xffff;
	_ =	sdelay $0x1  }
0x253: {  	v24 =	vld.idx.msk [tilespmem:v3+s16+$0x0], $0xffff  }
0x254: {  	v3 =	vld.idx.msk [tilespmem:v2+s15+$0x0], $0xffff  }
0x255: {  	v1 =	vor.u32 v1, v9;
	v2 =	vld.idx.msk [tilespmem:v2+s16+$0x0], $0xffff  }
0x256: {  	[tilespmem:$0x1F630] =	vst v0;
	v0 =	vld [tilespmem:$0x1F940];
	_ =	sdelay $0x3  }
0x257: {  	[tilespmem:$0x1F970] =	vst v2;
	v2 =	vld.idx.msk [tilespmem:v1+s15+$0x0], $0xffff  }
0x258: {  	v0 =	vor.u32 v0, v9;
	v1 =	vld.idx.msk [tilespmem:v1+s16+$0x0], $0xffff  }
0x259: {  	[tilespmem:$0x1F950] =	vst v3;
	v3 =	vld [tilespmem:$0x1F960];
	_ =	sdelay $0x3  }
0x25a: {  	[tilespmem:$0x1F650] =	vst v1;
	v1 =	vld.idx.msk [tilespmem:v0+s15+$0x0], $0xffff  }
0x25b: {  	v3 =	vor.u32 v3, v9;
	v0 =	vld.idx.msk [tilespmem:v0+s16+$0x0], $0xffff;
	_ =	sdelay $0x4  }
0x25c: {  	[tilespmem:$0x1F670] =	vst v0;
	v0 =	vld.idx.msk [tilespmem:v3+s15+$0x0], $0xffff;
	_ =	sdelay $0x1  }
0x25d: {  	[tilespmem:$0x1F640] =	vst v2;
	v2 =	vld [tilespmem:$0x1FFF0]  }
0x25e: {  	[tilespmem:$0x1F660] =	vst v1;
	v1 =	vld [tilespmem:$0x1FEE0];
	_ =	sdelay $0x1  }
0x25f: {  	[tilespmem:$0x1F980] =	vst v0;
	v0 =	vld [tilespmem:$0x1FEF0];
	_ =	sdelay $0x1  }
0x260: {  	v2 =	vor.u32 v2, v9  }
0x261: {  	v1 =	vor.u32 v1, v9;
	_ =	sdelay $0x1  }
0x262: {  	v0 =	vor.u32 v0, v9  }
0x263: {  	v3 =	vld.idx.msk [tilespmem:v3+s16+$0x0], $0xffff  }
0x264: {  	v32 =	vld.idx.msk [tilespmem:v2+s15+$0x0], $0xffff  }
0x265: {  	v34 =	vld.idx.msk [tilespmem:v1+s15+$0x0], $0xffff  }
0x266: {  	v35 =	vld.idx.msk [tilespmem:v1+s16+$0x0], $0xffff  }
0x267: {  	v1 =	vld.idx.msk [tilespmem:v0+s15+$0x0], $0xffff  }
0x268: {  	[tilespmem:$0x1F990] =	vst v3;
	v3 =	vld [tilespmem:$0x1FFB0]  }
0x269: {  	v33 =	vld.idx.msk [tilespmem:v2+s16+$0x0], $0xffff  }
0x26a: {  	v2 =	vld [tilespmem:$0x1FFC0];
	_ =	sdelay $0x1  }
0x26b: {  	[tilespmem:$0x1F9A0] =	vst v1;
	v1 =	vld [tilespmem:$0x1FFD0]  }
0x26c: {  	v3 =	vor.u32 v3, v9;
	_ =	sdelay $0x1  }
0x26d: {  	v2 =	vor.u32 v2, v9;
	_ =	sdelay $0x1  }
0x26e: {  	v0 =	vld.idx.msk [tilespmem:v0+s16+$0x0], $0xffff;
	v1 =	vor.u32 v1, v9  }
0x26f: {  	v36 =	vld.idx.msk [tilespmem:v3+s15+$0x0], $0xffff  }
0x270: {  	v39 =	vld.idx.msk [tilespmem:v3+s16+$0x0], $0xffff  }
0x271: {  	v42 =	vld.idx.msk [tilespmem:v2+s15+$0x0], $0xffff  }
0x272: {  	v43 =	vld.idx.msk [tilespmem:v2+s16+$0x0], $0xffff  }
0x273: {  	v2 =	vld.idx.msk [tilespmem:v1+s15+$0x0], $0xffff  }
0x274: {  	v3 =	vld [tilespmem:$0x1FF80];
	_ =	sdelay $0x2  }
0x275: {  	[tilespmem:$0x1F9B0] =	vst v0;
	v0 =	vld [tilespmem:$0x1FF70]  }
0x276: {  	[tilespmem:$0x1F9C0] =	vst v2;
	v2 =	vld [tilespmem:$0x1FF90]  }
0x277: {  	v3 =	vor.u32 v3, v9;
	_ =	sdelay $0x2  }
0x278: {  	v0 =	vor.u32 v0, v9  }
0x279: {  	v2 =	vor.u32 v2, v9  }
0x27a: {  	v54 =	vld.idx.msk [tilespmem:v3+s15+$0x0], $0xffff  }
0x27b: {  	v55 =	vld.idx.msk [tilespmem:v3+s16+$0x0], $0xffff  }
0x27c: {  	v1 =	vld.idx.msk [tilespmem:v1+s16+$0x0], $0xffff  }
0x27d: {  	v45 =	vld.idx.msk [tilespmem:v0+s15+$0x0], $0xffff  }
0x27e: {  	v3 =	vld.idx.msk [tilespmem:v2+s15+$0x0], $0xffff  }
0x27f: {  	v53 =	vld.idx.msk [tilespmem:v0+s16+$0x0], $0xffff  }
0x280: {  	v0 =	vld [tilespmem:$0x1FEC0];
	_ =	sdelay $0x2  }
0x281: {  	[tilespmem:$0x1F9E0] =	vst v3;
	v3 =	vld [tilespmem:$0x1FED0]  }
0x282: {  	[tilespmem:$0x1F9D0] =	vst v1;
	v1 =	vld [tilespmem:$0x1FEB0]  }
0x283: {  	v0 =	vor.u32 v0, v9;
	_ =	sdelay $0x2  }
0x284: {  	v3 =	vor.u32 v3, v9  }
0x285: {  	v1 =	vor.u32 v1, v9  }
0x286: {  	v57 =	vld.idx.msk [tilespmem:v0+s15+$0x0], $0xffff  }
0x287: {  	v37 =	vld.idx.msk [tilespmem:v0+s16+$0x0], $0xffff  }
0x288: {  	v2 =	vld.idx.msk [tilespmem:v2+s16+$0x0], $0xffff  }
0x289: {  	v0 =	vld.idx.msk [tilespmem:v3+s15+$0x0], $0xffff  }
0x28a: {  	v56 =	vld.idx.msk [tilespmem:v1+s15+$0x0], $0xffff  }
0x28b: {  	v58 =	vld.idx.msk [tilespmem:v1+s16+$0x0], $0xffff  }
0x28c: {  	v1 =	vld [tilespmem:$0x1FE80];
	_ =	sdelay $0x1  }
0x28d: {  	[tilespmem:$0x1FA00] =	vst v0;
	v0 =	vld [tilespmem:$0x1FE90]  }
0x28e: {  	[tilespmem:$0x1F9F0] =	vst v2;
	v2 =	vld [tilespmem:$0x1FE70];
	_ =	sdelay $0x1  }
0x28f: {  	v1 =	vor.u32 v1, v9;
	_ =	sdelay $0x1  }
0x290: {  	v0 =	vor.u32 v0, v9  }
0x291: {  	v2 =	vor.u32 v2, v9;
	_ =	sdelay $0x1  }
0x292: {  	v41 =	vld.idx.msk [tilespmem:v1+s15+$0x0], $0xffff  }
0x293: {  	v47 =	vld.idx.msk [tilespmem:v1+s16+$0x0], $0xffff  }
0x294: {  	v1 =	vld.idx.msk [tilespmem:v0+s15+$0x0], $0xffff  }
0x295: {  	v38 =	vld.idx.msk [tilespmem:v2+s15+$0x0], $0xffff  }
0x296: {  	v40 =	vld.idx.msk [tilespmem:v2+s16+$0x0], $0xffff  }
0x297: {  	v2 =	vld [tilespmem:$0x1FE40];
	_ =	sdelay $0x1  }
0x298: {  	[tilespmem:$0x1FA20] =	vst v1;
	v1 =	vld [tilespmem:$0x1FE50];
	_ =	sdelay $0x1  }
0x299: {  	v3 =	vld.idx.msk [tilespmem:v3+s16+$0x0], $0xffff  }
0x29a: {  	v2 =	vor.u32 v2, v9;
	_ =	sdelay $0x1  }
0x29b: {  	v1 =	vor.u32 v1, v9;
	_ =	sdelay $0x1  }
0x29c: {  	[tilespmem:$0x1FA10] =	vst v3;
	v3 =	vld [tilespmem:$0x1FE30]  }
0x29d: {  	v51 =	vld.idx.msk [tilespmem:v2+s15+$0x0], $0xffff  }
0x29e: {  	v59 =	vld.idx.msk [tilespmem:v2+s16+$0x0], $0xffff  }
0x29f: {  	v2 =	vld.idx.msk [tilespmem:v1+s15+$0x0], $0xffff  }
0x2a0: {  	v0 =	vld.idx.msk [tilespmem:v0+s16+$0x0], $0xffff;
	_ =	sdelay $0x2  }
0x2a1: {  	v1 =	vld.idx.msk [tilespmem:v1+s16+$0x0], $0xffff  }
0x2a2: {  	[tilespmem:$0x1FA40] =	vst v2;
	v2 =	vld [tilespmem:$0x1FC20]  }
0x2a3: {  	v3 =	vor.u32 v3, v9;
	[tilespmem:$0x1FA30] =	vst v0;
	v0 =	vld [tilespmem:$0x1FE00];
	_ =	sdelay $0x3  }
0x2a4: {  	[tilespmem:$0x1FA50] =	vst v1;
	v1 =	vld [tilespmem:$0x1FDD0];
	v2 =	vor.u32 v2, v9  }
0x2a5: {  	v48 =	vld.idx.msk [tilespmem:v3+s15+$0x0], $0xffff;
	v0 =	vor.u32 v0, v9  }
0x2a6: {  	v52 =	vld.idx.msk [tilespmem:v3+s16+$0x0], $0xffff  }
0x2a7: {  	v3 =	vld [tilespmem:$0x1FE10]  }
0x2a8: {  	v27 =	vld.idx.msk [tilespmem:v4+s15+$0x0], $0xffff  }
0x2a9: {  	v4 =	vor.u32 v1, v9;
	v1 =	vld.idx.msk [tilespmem:v2+s15+$0x0], $0xffff  }
0x2aa: {  	v61 =	vld.idx.msk [tilespmem:v0+s15+$0x0], $0xffff  }
0x2ab: {  	v62 =	vld.idx.msk [tilespmem:v0+s16+$0x0], $0xffff  }
0x2ac: {  	v3 =	vor.u32 v3, v9;
	v0 =	vld [tilespmem:$0x1FDE0];
	_ =	sdelay $0x1  }
0x2ad: {  	[tilespmem:$0x1FA60] =	vst v1;
	v1 =	vld [tilespmem:$0x1FC10];
	_ =	sdelay $0x2  }
0x2ae: {  	v63 =	vld.idx.msk [tilespmem:v3+s15+$0x0], $0xffff;
	v0 =	vor.u32 v0, v9  }
0x2af: {  	v60 =	vld.idx.msk [tilespmem:v3+s16+$0x0], $0xffff  }
0x2b0: {  	v3 =	vor.u32 v1, v9;
	v1 =	vld.idx.msk [tilespmem:v2+s16+$0x0], $0xffff  }
0x2b1: {  	v2 =	vld [tilespmem:$0x1FDA0];
	_ =	sdelay $0x1  }
0x2b2: {  	v5 =	vld.idx.msk [tilespmem:v0+s15+$0x0], $0xffff  }
0x2b3: {  	v8 =	vld.idx.msk [tilespmem:v0+s16+$0x0], $0xffff  }
0x2b4: {  	v0 =	vld.idx.msk [tilespmem:v3+s15+$0x0], $0xffff  }
0x2b5: {  	v2 =	vor.u32 v2, v9;
	_ =	sdelay $0x1  }
0x2b6: {  	v6 =	vld [tilespmem:$0x1FDB0];
	_ =	sdelay $0x1  }
0x2b7: {  	[tilespmem:$0x1FA80] =	vst v0;
	v0 =	vld [tilespmem:$0x1FC00]  }
0x2b8: {  	v12 =	vld.idx.msk [tilespmem:v2+s15+$0x0], $0xffff  }
0x2b9: {  	v13 =	vld.idx.msk [tilespmem:v2+s16+$0x0], $0xffff  }
0x2ba: {  	v6 =	vor.u32 v6, v9;
	v2 =	vld [tilespmem:$0x1FBE0];
	_ =	sdelay $0x2  }
0x2bb: {  	v3 =	vld.idx.msk [tilespmem:v3+s16+$0x0], $0xffff  }
0x2bc: {  	v0 =	vor.u32 v0, v9  }
0x2bd: {  	v14 =	vld.idx.msk [tilespmem:v6+s15+$0x0], $0xffff;
	v2 =	vor.u32 v2, v9  }
0x2be: {  	v15 =	vld.idx.msk [tilespmem:v6+s16+$0x0], $0xffff  }
0x2bf: {  	v6 =	vld [tilespmem:$0x1FBF0]  }
0x2c0: {  	[tilespmem:$0x1FA90] =	vst v3;
	v3 =	vld [tilespmem:$0x1FBD0]  }
0x2c1: {  	v44 =	vld.idx.msk [tilespmem:v0+s15+$0x0], $0xffff  }
0x2c2: {  	v18 =	vld.idx.msk [tilespmem:v2+s15+$0x0], $0xffff  }
0x2c3: {  	v19 =	vld.idx.msk [tilespmem:v2+s16+$0x0], $0xffff  }
0x2c4: {  	v2 =	vld [tilespmem:$0x1FBC0]  }
0x2c5: {  	v3 =	vor.u32 v3, v9;
	v50 =	vld.idx.msk [tilespmem:v0+s16+$0x0], $0xffff  }
0x2c6: {  	v0 =	vld [tilespmem:$0x1FBA0];
	_ =	sdelay $0x1  }
0x2c7: {  	v6 =	vor.u32 v6, v9  }
0x2c8: {  	v11 =	vor.u32 v2, v9;
	v2 =	vld [tilespmem:$0x1FD50]  }
0x2c9: {  	v16 =	vld.idx.msk [tilespmem:v3+s15+$0x0], $0xffff  }
0x2ca: {  	v17 =	vld.idx.msk [tilespmem:v3+s16+$0x0], $0xffff;
	v0 =	vor.u32 v0, v9  }
0x2cb: {  	v3 =	vld [tilespmem:$0x1FBB0]  }
0x2cc: {  	v46 =	vld.idx.msk [tilespmem:v6+s15+$0x0], $0xffff  }
0x2cd: {  	v49 =	vld.idx.msk [tilespmem:v6+s16+$0x0], $0xffff;
	v6 =	vor.u32 v2, v9;
	_ =	sdelay $0x1  }
0x2ce: {  	v20 =	vld.idx.msk [tilespmem:v0+s15+$0x0], $0xffff  }
0x2cf: {  	v3 =	vor.u32 v3, v9;
	v21 =	vld.idx.msk [tilespmem:v0+s16+$0x0], $0xffff  }
0x2d0: {  	v2 =	vld [tilespmem:$0x1FD60]  }
0x2d1: {  	v23 =	vld.idx.msk [tilespmem:v6+s15+$0x0], $0xffff  }
0x2d2: {  	v25 =	vld.idx.msk [tilespmem:v6+s16+$0x0], $0xffff  }
0x2d3: {  	v6 =	vld [tilespmem:$0x1FCB0]  }
0x2d4: {  	v0 =	vld.idx.msk [tilespmem:v3+s15+$0x0], $0xffff  }
0x2d5: {  	v22 =	vor.u32 v2, v9;
	v2 =	vld.idx.msk [tilespmem:v3+s16+$0x0], $0xffff  }
0x2d6: {  	v3 =	vld [tilespmem:$0x1FB90];
	_ =	sdelay $0x1  }
0x2d7: {  	v26 =	vor.u32 v6, v9;
	v6 =	vld [tilespmem:$0x1FB70];
	_ =	sdelay $0x2  }
0x2d8: {  	v31 =	vor.u32 v3, v9;
	v3 =	vlaneseq.u32  }
0x2d9: {  	v30 =	vor.u32 v3, v9;
	v3 =	vld.idx.msk [tilespmem:v22+s15+$0x0], $0xffff  }
0x2da: {  	v28 =	vor.u32 v6, v9;
	v6 =	vld.idx.msk [tilespmem:v22+s16+$0x0], $0xffff  }
0x2db: {  	v22 =	vld [tilespmem:$0x1F5E0];
	_ =	sdelay $0x4  }
0x2dc: {  	v22 =	vmul.f32 v22, v27  }
0x2dd: {  	v27 =	vld [tilespmem:$0x1F600]  }
0x2de: {  	[tilespmem:$0x1FAB0] =	vst v22;
	v22 =	vld [tilespmem:$0x1F5F0];
	_ =	sdelay $0x3  }
0x2df: {  	v29 =	vld [tilespmem:$0x1F620]  }
0x2e0: {  	v22 =	vmul.f32 v27, v22;
	v27 =	vld [tilespmem:$0x1F610];
	_ =	sdelay $0x4  }
0x2e1: {  	v27 =	vmul.f32 v29, v27;
	_ =	sdelay $0x1  }
0x2e2: {  	[tilespmem:$0x1FB10] =	vst v27;
	v27 =	vld [tilespmem:$0x1F630];
	_ =	sdelay $0x4  }
0x2e3: {  	v24 =	vmul.f32 v24, v27;
	_ =	sdelay $0x1  }
0x2e4: {  	[tilespmem:$0x1FB30] =	vst v24;
	v24 =	vld [tilespmem:$0x1FB60];
	_ =	sdelay $0x4  }
0x2e5: {  	v29 =	vor.u32 v24, v9;
	v24 =	vld [tilespmem:$0x1FB80];
	_ =	sdelay $0x2  }
0x2e6: {  	v7 =	vld [tilespmem:$0x1F650]  }
0x2e7: {  	[tilespmem:$0x1FAE0] =	vst v22;
	v22 =	vld.idx.msk [tilespmem:v31+s15+$0x0], $0xffff  }
0x2e8: {  	v27 =	vor.u32 v24, v9;
	v24 =	vld.idx.msk [tilespmem:v31+s16+$0x0], $0xffff  }
0x2e9: {  	v31 =	vld [tilespmem:$0x1F640];
	_ =	sdelay $0x4  }
0x2ea: {  	v31 =	vmul.f32 v7, v31  }
0x2eb: {  	v7 =	vld [tilespmem:$0x1F660]  }
0x2ec: {  	[tilespmem:$0x1FB40] =	vst v31;
	v31 =	vld [tilespmem:$0x1F670];
	_ =	sdelay $0x1  }
0x2ed: {  	p0 =	sne.s32 s31, $0x70  }
.Ltmp0:
0x2ee: {  	_ = 	snop;
	(pc) =	sbr.rel @p0 .LBB2_3-.Ltmp0, $4  }
0x2ef: {  	[tilespmem:$0x1FA70] =	vst v1;
	v1 =	vld.idx.msk [tilespmem:v4+s15+$0x0], $0xffff  }
0x2f0: {  	v4 =	vld.idx.msk [tilespmem:v4+s16+$0x0], $0xffff;
	v7 =	vmul.f32 v31, v7  }
0x2f1: {  	v10 =	vld.idx.msk [tilespmem:v11+s15+$0x0], $0xffff  }
0x2f2: {  	s31 =	sadd.s32 $0x10, s31;
	v11 =	vld.idx.msk [tilespmem:v11+s16+$0x0], $0xffff;
	[tilespmem:$0x1FB50] =	vst v7  }
0x2f3: {  	_ =	sdelay $0x1  }
0x2f4: {  	v7 =	vmul.f32 v35, v34;
	v35 =	vmul.f32 v55, v54;
	v55 =	vld [tilespmem:$0x1FD40];
	_ =	sdelay $0x1  }
0x2f5: {  	v31 =	vld.idx.msk [tilespmem:v30+s16+$0x0], $0xffff  }
0x2f6: {  	v54 =	vmul.f32 v58, v56;
	v56 =	vld.idx.msk [tilespmem:v28+s15+$0x0], $0xffff  }
0x2f7: {  	v28 =	vld.idx.msk [tilespmem:v28+s16+$0x0], $0xffff  }
0x2f8: {  	v58 =	vld [tilespmem:$0x1FD70];
	v61 =	vmul.f32 v62, v61;
	[tilespmem:$0x1F5C0] =	vst v7;
	v7 =	vmul.f32 v39, v36;
	v39 =	vor.u32 v55, v9  }
0x2f9: {  	v62 =	vld.idx.msk [tilespmem:v27+s15+$0x0], $0xffff;
	v5 =	vmul.f32 v8, v5;
	v8 =	vmul.f32 v13, v12  }
0x2fa: {  	v13 =	vmul.f32 v15, v14;
	v14 =	vmul.f32 v17, v16;
	v16 =	vld [tilespmem:$0x1FD90]  }
0x2fb: {  	v1 =	vmul.f32 v4, v1;
	v4 =	vld.idx.msk [tilespmem:v27+s16+$0x0], $0xffff  }
0x2fc: {  	v27 =	vld [tilespmem:$0x1FD80]  }
0x2fd: {  	v12 =	vld.idx.msk [tilespmem:v39+s15+$0x0], $0xffff  }
0x2fe: {  	v33 =	vmul.f32 v33, v32;
	v15 =	vld.idx.msk [tilespmem:v39+s16+$0x0], $0xffff  }
0x2ff: {  	v32 =	vmul.f32 v43, v42;
	v30 =	vld.idx.msk [tilespmem:v30+s15+$0x0], $0xffff;
	v17 =	vmul.f32 v19, v18;
	v43 =	vor.u32 v58, v9  }
0x300: {  	v18 =	vmul.f32 v21, v20;
	v21 =	vmul.f32 v25, v23;
	v25 =	vld [tilespmem:$0x1FDC0]  }
0x301: {  	v23 =	vmul.f32 v28, v56;
	v27 =	vor.u32 v27, v9  }
0x302: {  	v10 =	vmul.f32 v11, v10;
	v11 =	vld [tilespmem:$0x1FE20]  }
0x303: {  	v16 =	vor.u32 v16, v9;
	v12 =	vmul.f32 v15, v12;
	v15 =	vadd.f32 $0.0e+00, v23;
	v23 =	vld [tilespmem:$0x1FDF0]  }
0x304: {  	v0 =	vmul.f32 v2, v0;
	v2 =	vmul.f32 v31, v30;
	v19 =	vld.idx.msk [tilespmem:v43+s15+$0x0], $0xffff  }
0x305: {  	v25 =	vor.u32 v25, v9;
	v20 =	vld.idx.msk [tilespmem:v43+s16+$0x0], $0xffff  }
0x306: {  	v2 =	vadd.f32 $0.0e+00, v2;
	v28 =	vld.idx.msk [tilespmem:v27+s15+$0x0], $0xffff  }
0x307: {  	v3 =	vmul.f32 v6, v3;
	v4 =	vmul.f32 v4, v62;
	v6 =	vld.idx.msk [tilespmem:v27+s16+$0x0], $0xffff  }
0x308: {  	v2 =	vadd.f32 v21, v2;
	v27 =	vld.idx.msk [tilespmem:v16+s15+$0x0], $0xffff;
	v23 =	vor.u32 v23, v9  }
0x309: {  	v22 =	vmul.f32 v24, v22;
	v4 =	vadd.f32 $0.0e+00, v4;
	v16 =	vld.idx.msk [tilespmem:v16+s16+$0x0], $0xffff  }
0x30a: {  	v2 =	vadd.f32 v18, v2;
	v18 =	vld.idx.msk [tilespmem:v25+s16+$0x0], $0xffff;
	v19 =	vmul.f32 v20, v19;
	v12 =	vadd.f32 $0.0e+00, v12  }
0x30b: {  	v11 =	vor.u32 v11, v9;
	v4 =	vadd.f32 v22, v4;
	v3 =	vadd.f32 v3, v15;
	v15 =	vld.idx.msk [tilespmem:v25+s15+$0x0], $0xffff  }
0x30c: {  	v6 =	vmul.f32 v6, v28;
	v12 =	vadd.f32 v19, v12;
	v19 =	vld [tilespmem:$0x1FE60]  }
0x30d: {  	v4 =	vadd.f32 v10, v4;
	v0 =	vadd.f32 v0, v3;
	v20 =	vld.idx.msk [tilespmem:v23+s15+$0x0], $0xffff  }
0x30e: {  	v10 =	vmul.f32 v16, v27;
	v3 =	vmul.f32 v49, v46;
	v6 =	vadd.f32 v6, v12;
	v12 =	vld.idx.msk [tilespmem:v23+s16+$0x0], $0xffff  }
0x30f: {  	v2 =	vadd.f32 v14, v2;
	v0 =	vadd.f32 v17, v0;
	v14 =	vld [tilespmem:$0x1FEA0]  }
0x310: {  	v3 =	vadd.f32 v3, v4;
	v4 =	vadd.f32 v10, v6;
	v6 =	vld.idx.msk [tilespmem:v11+s15+$0x0], $0xffff  }
0x311: {  	v2 =	vadd.f32 v8, v2;
	v8 =	vld [tilespmem:$0x1FF60]  }
0x312: {  	v0 =	vadd.f32 v13, v0;
	v13 =	vld [tilespmem:$0x1FA80]  }
0x313: {  	v10 =	vmul.f32 v18, v15;
	v19 =	vor.u32 v19, v9;
	v15 =	vld [tilespmem:$0x1FA90]  }
0x314: {  	v1 =	vadd.f32 v1, v2;
	v2 =	vld [tilespmem:$0x1FA60]  }
0x315: {  	v0 =	vadd.f32 v5, v0;
	v5 =	vld [tilespmem:$0x1FA70]  }
0x316: {  	v16 =	vmul.f32 v50, v44;
	v11 =	vld.idx.msk [tilespmem:v11+s16+$0x0], $0xffff  }
0x317: {  	v17 =	vld [tilespmem:$0x1FA50]  }
0x318: {  	v3 =	vadd.f32 v16, v3;
	v16 =	vld.idx.msk [tilespmem:v19+s16+$0x0], $0xffff;
	v14 =	vor.u32 v14, v9;
	v13 =	vmul.f32 v15, v13  }
0x319: {  	v4 =	vadd.f32 v10, v4;
	v10 =	vmul.f32 v12, v20;
	v12 =	vld [tilespmem:$0x1FFA0]  }
0x31a: {  	v15 =	vld.idx.msk [tilespmem:v19+s15+$0x0], $0xffff;
	v2 =	vmul.f32 v5, v2;
	v3 =	vadd.f32 v13, v3  }
0x31b: {  	v8 =	vor.u32 v8, v9;
	v4 =	vadd.f32 v10, v4;
	v10 =	vld [tilespmem:$0x1FFE0]  }
0x31c: {  	v2 =	vadd.f32 v2, v3;
	v3 =	vld [tilespmem:$0x1F750]  }
0x31d: {  	v5 =	vld.idx.msk [tilespmem:v14+s15+$0x0], $0xffff  }
0x31e: {  	v12 =	vor.u32 v12, v9;
	v13 =	vld.idx.msk [tilespmem:v14+s16+$0x0], $0xffff  }
0x31f: {  	v14 =	vld [tilespmem:$0x1FA40]  }
0x320: {  	v6 =	vmul.f32 v11, v6;
	v11 =	vld.idx.msk [tilespmem:v8+s15+$0x0], $0xffff  }
0x321: {  	v8 =	vld.idx.msk [tilespmem:v8+s16+$0x0], $0xffff  }
0x322: {  	v4 =	vadd.f32 v6, v4;
	v6 =	vmul.f32 v16, v15;
	v16 =	vld [tilespmem:$0x1FA20]  }
0x323: {  	v37 =	vmul.f32 v37, v57;
	v10 =	vor.u32 v10, v9;
	v15 =	vld.idx.msk [tilespmem:v12+s15+$0x0], $0xffff  }
0x324: {  	v57 =	vmul.f32 v52, v48;
	v1 =	vadd.f32 v61, v1;
	v14 =	vmul.f32 v17, v14;
	v17 =	vld [tilespmem:$0x1FA30]  }
0x325: {  	v12 =	vld.idx.msk [tilespmem:v12+s16+$0x0], $0xffff  }
0x326: {  	v38 =	vmul.f32 v40, v38;
	v1 =	vadd.f32 v57, v1;
	v5 =	vmul.f32 v13, v5;
	v13 =	vld [tilespmem:$0x1FA00]  }
0x327: {  	v2 =	vadd.f32 v14, v2;
	v14 =	vld [tilespmem:$0x1FA10]  }
0x328: {  	v1 =	vadd.f32 v38, v1;
	v4 =	vadd.f32 v6, v4;
	v3 =	vor.u32 v3, v9;
	v6 =	vld.idx.msk [tilespmem:v10+s15+$0x0], $0xffff  }
0x329: {  	v34 =	vmul.f32 v53, v45;
	v63 =	vmul.f32 v60, v63;
	v10 =	vld.idx.msk [tilespmem:v10+s16+$0x0], $0xffff  }
0x32a: {  	v59 =	vmul.f32 v59, v51;
	v1 =	vadd.f32 v54, v1;
	v16 =	vmul.f32 v17, v16;
	v17 =	vld [tilespmem:$0x1F740]  }
0x32b: {  	v0 =	vadd.f32 v63, v0;
	v4 =	vadd.f32 v5, v4;
	v5 =	vmul.f32 v8, v11;
	v11 =	vld [tilespmem:$0x1F9E0]  }
0x32c: {  	v13 =	vmul.f32 v14, v13;
	v14 =	vld [tilespmem:$0x1F9F0]  }
0x32d: {  	v41 =	vmul.f32 v47, v41;
	v1 =	vadd.f32 v34, v1;
	v0 =	vadd.f32 v59, v0;
	v8 =	vld.idx.msk [tilespmem:v3+s15+$0x0], $0xffff  }
0x32e: {  	v3 =	vld.idx.msk [tilespmem:v3+s16+$0x0], $0xffff;
	v2 =	vadd.f32 v16, v2  }
0x32f: {  	v1 =	vadd.f32 v7, v1;
	v7 =	vld [tilespmem:$0x1F9A0];
	v0 =	vadd.f32 v41, v0;
	v9 =	vor.u32 v17, v9  }
0x330: {  	v4 =	vadd.f32 v5, v4;
	v5 =	vmul.f32 v12, v15;
	v2 =	vadd.f32 v13, v2;
	v13 =	vld [tilespmem:$0x1F9C0]  }
0x331: {  	v11 =	vmul.f32 v14, v11;
	v14 =	vld [tilespmem:$0x1F9D0]  }
0x332: {  	v0 =	vadd.f32 v37, v0;
	v4 =	vadd.f32 v5, v4;
	v5 =	vmul.f32 v10, v6;
	v10 =	vld [tilespmem:$0x1F9B0]  }
0x333: {  	v3 =	vmul.f32 v3, v8;
	v8 =	vld [tilespmem:$0x1F5C0]  }
0x334: {  	v0 =	vadd.f32 v35, v0;
	v12 =	vld.idx.msk [tilespmem:v9+s15+$0x0], $0xffff  }
0x335: {  	v9 =	vld.idx.msk [tilespmem:v9+s16+$0x0], $0xffff  }
0x336: {  	v0 =	vadd.f32 v32, v0;
	v6 =	vld.idx.msk [tilespmem:v29+s15+$0x0], $0xffff;
	v2 =	vadd.f32 v11, v2;
	v13 =	vmul.f32 v14, v13  }
0x337: {  	v4 =	vadd.f32 v5, v4;
	v7 =	vmul.f32 v10, v7;
	v10 =	vld.idx.msk [tilespmem:v29+s16+$0x0], $0xffff  }
0x338: {  	v0 =	vadd.f32 v8, v0;
	v8 =	vld [tilespmem:$0x1F980];
	v2 =	vadd.f32 v13, v2  }
0x339: {  	v11 =	vld [tilespmem:$0x1F990]  }
0x33a: {  	v3 =	vadd.f32 v3, v4;
	v4 =	vmul.f32 v9, v12;
	v2 =	vadd.f32 v7, v2;
	v7 =	vld [tilespmem:$0x1FB40];
	_ =	sdelay $0x1  }
0x33b: {  	v3 =	vadd.f32 v4, v3;
	v4 =	vmul.f32 v10, v6;
	v6 =	vld [tilespmem:$0x1FB10]  }
0x33c: {  	v1 =	vadd.f32 v33, v1;
	v5 =	vld.idx.msk [tilespmem:v26+s15+$0x0], $0xffff  }
0x33d: {  	v8 =	vmul.f32 v11, v8;
	v11 =	vld.idx.msk [tilespmem:v26+s16+$0x0], $0xffff  }
0x33e: {  	v1 =	vadd.f32 v7, v1;
	v7 =	vld [tilespmem:$0x1FB50];
	_ =	sdelay $0x1  }
0x33f: {  	v1 =	vadd.f32 v6, v1;
	v6 =	vld [tilespmem:$0x1FB30]  }
0x340: {  	v9 =	vld [tilespmem:$0x1F970]  }
0x341: {  	v3 =	vadd.f32 v4, v3;
	v4 =	vmul.f32 v11, v5;
	v5 =	vld [tilespmem:$0x1FAB0]  }
0x342: {  	v0 =	vadd.f32 v7, v0;
	v7 =	vld [tilespmem:$0x1F950]  }
0x343: {  	v2 =	vadd.f32 v8, v2;
	v8 =	vld [tilespmem:$0x1F930]  }
0x344: {  	v0 =	vadd.f32 v6, v0;
	v6 =	vld [tilespmem:$0x1F920];
	_ =	sdelay $0x1  }
0x345: {  	v1 =	vadd.f32 v5, v1;
	v5 =	vld [tilespmem:$0x1FAE0]  }
0x346: {  	v7 =	vmul.f32 v9, v7;
	_ =	sdelay $0x1  }
0x347: {  	v6 =	vmul.f32 v8, v6;
	v2 =	vadd.f32 v7, v2  }
0x348: {  	v3 =	vadd.f32 v4, v3  }
0x349: {  	v0 =	vadd.f32 v5, v0;
	v2 =	vadd.f32 v6, v2;
	_ =	sdelay $0x1  }
0x34a: {  	v0 =	vadd.f32 v0, v1;
	v1 =	vadd.f32 v3, v2;
	_ =	sdelay $0x1  }
0x34b: {  	s31 =	sadd.s32 s4, s29;
	v0 =	vadd.f32 v1, v0  }
0x34c: {  	s30 =	sadd.s32 $0x10, s30;
	s31 =	sshrl.u32 s31, $0x3  }
0x34d: {  	[tilespmem:s30+$0x0] =	vst v0;
	s30 =	sadd.s32 s5, s31  }
0x34e: {  	[hbm4b:s30+s3] =	stream.linear.scatter [tilespmem:s20], [sflag:$0x3], $0x80, $0x38;
	[tilespmem:$0x1BF00] =	vst v63  }
0x34f: {  	_ =	swait.ge [sflag:s21], $0x2000  }
0x350: {  	[sflag:s21] =	ssyncset.done $0x0  }
0x351: {  	[sflag:s21] =	ssyncadd.s32 $0xFFFFE000  }
0x352: {  	p0 =	seq.s32 s26, $0x4E;
	_ =	swait.ge [sflag:s21], $0x2000  }
0x353: {  	s2 =	simm.s32 @!p0 $0x9E00;
	[sflag:s21] =	ssyncset.done $0x0  }
0x354: {  	s31 =	simm.s32 @!p0 $0x80;
	s30 =	sadd.s32 @!p0 $0x100, s29;
	[sflag:s21] =	ssyncadd.s32 $0xFFFFE000  }
0x355: {  	[tilespmem:s2], [sflag:$0x1] =	stream.indirect.gather @!p0 [spmem:s1], $0x40, s30, s31, $0xb8;
	[tilespmem:$0x1BF00] =	vst v63  }
0x356: {  	p1 =	seq.s32 @!p0 s26, $0x0;
	s2 =	sadd.s32 @!p0 $0x5000, s29;
	s29 =	simm.s32 @!p0 $0xBE00  }
0x357: {  	[tilespmem:s29], [sflag:$0x1] =	stream.indirect.gather @!p0 [spmem:s1], $0x40, s2, s31, $0xb8;
	[tilespmem:$0x1BF00] =	vst v63  }
0x358: {  	p0 =	por p0, !p1  }
0x359: {  	_ =	swait.ge @p0 [sflag:s24], $0x80  }
0x35a: {  	v1 =	vld [tilespmem:$0x1FD30];
	_ =	sdelay $0x1  }
0x35b: {  	s31 =	simm.s32 $0x0  }
0x35c: {  	v0 =	vmov s31  }
0x35d: {  	v0 =	vshll.u32 v0, $0x6  }
0x35e: {  	v11 =	vor.u32 v1, v0;
	v0 =	vld [tilespmem:$0x1FF30];
	_ =	sdelay $0x4  }
0x35f: {  	v0 =	vor.u32 v0, v11  }
0x360: {  	v1 =	vld [tilespmem:$0x1FF40];
	_ =	sdelay $0x1  }
0x361: {  	[sflag:s24] =	ssyncset.done @p0 $0x0  }
0x362: {  	[sflag:s24] =	ssyncadd.s32 @p0 $0xFFFFFF80  }
0x363: {  	v3 =	vld.idx.msk [tilespmem:v0+s18+$0x0], $0xffff  }
0x364: {  	v1 =	vor.u32 v1, v11;
	v0 =	vld.idx.msk [tilespmem:v0+s19+$0x0], $0xffff;
	_ =	sdelay $0x4  }
0x365: {  	[tilespmem:$0x1F1B0] =	vst v0;
	v0 =	vld.idx.msk [tilespmem:v1+s18+$0x0], $0xffff;
	_ =	sdelay $0x3  }
0x366: {  	v2 =	vld [tilespmem:$0x1FF50]  }
0x367: {  	[tilespmem:$0x1F1C0] =	vst v0;
	v0 =	vld [tilespmem:$0x1FF10];
	_ =	sdelay $0x4  }
0x368: {  	v2 =	vor.u32 v2, v11;
	v4 =	vor.u32 v0, v11;
	v0 =	vld.idx.msk [tilespmem:v1+s19+$0x0], $0xffff;
	_ =	sdelay $0x4  }
0x369: {  	[tilespmem:$0x1F1D0] =	vst v0;
	v0 =	vld.idx.msk [tilespmem:v2+s18+$0x0], $0xffff;
	_ =	sdelay $0x3  }
0x36a: {  	[tilespmem:$0x1F1A0] =	vst v3;
	v3 =	vld [tilespmem:$0x1F910]  }
0x36b: {  	[tilespmem:$0x1F350] =	vst v0;
	v0 =	vld [tilespmem:$0x1FF20];
	_ =	sdelay $0x4  }
0x36c: {  	v3 =	vor.u32 v3, v11;
	v5 =	vor.u32 v0, v11;
	v0 =	vld.idx.msk [tilespmem:v2+s19+$0x0], $0xffff;
	_ =	sdelay $0x4  }
0x36d: {  	[tilespmem:$0x1F360] =	vst v0;
	v0 =	vld.idx.msk [tilespmem:v3+s18+$0x0], $0xffff;
	_ =	sdelay $0x4  }
0x36e: {  	[tilespmem:$0x1F1E0] =	vst v0;
	v0 =	vld [tilespmem:$0x1FF00];
	_ =	sdelay $0x4  }
0x36f: {  	v6 =	vor.u32 v0, v11;
	v0 =	vld.idx.msk [tilespmem:v4+s18+$0x0], $0xffff;
	_ =	sdelay $0x4  }
0x370: {  	[tilespmem:$0x1F1F0] =	vst v0;
	v0 =	vld [tilespmem:$0x1F940];
	_ =	sdelay $0x4  }
0x371: {  	v7 =	vor.u32 v0, v11;
	v0 =	vld.idx.msk [tilespmem:v5+s18+$0x0], $0xffff;
	_ =	sdelay $0x4  }
0x372: {  	[tilespmem:$0x1F310] =	vst v0;
	v0 =	vld [tilespmem:$0x1F960];
	_ =	sdelay $0x4  }
0x373: {  	v8 =	vor.u32 v0, v11;
	v0 =	vld.idx.msk [tilespmem:v5+s19+$0x0], $0xffff;
	_ =	sdelay $0x4  }
0x374: {  	[tilespmem:$0x1F320] =	vst v0;
	v0 =	vld [tilespmem:$0x1FFF0];
	_ =	sdelay $0x4  }
0x375: {  	v9 =	vor.u32 v0, v11;
	v0 =	vld [tilespmem:$0x1FEE0];
	_ =	sdelay $0x4  }
0x376: {  	v10 =	vor.u32 v0, v11;
	v0 =	vld.idx.msk [tilespmem:v8+s18+$0x0], $0xffff;
	_ =	sdelay $0x4  }
0x377: {  	[tilespmem:$0x1F2D0] =	vst v0;
	v0 =	vld [tilespmem:$0x1FEF0];
	_ =	sdelay $0x4  }
0x378: {  	v12 =	vor.u32 v0, v11;
	v0 =	vld.idx.msk [tilespmem:v8+s19+$0x0], $0xffff;
	_ =	sdelay $0x4  }
0x379: {  	[tilespmem:$0x1F2E0] =	vst v0;
	v0 =	vld [tilespmem:$0x1FFB0];
	_ =	sdelay $0x4  }
0x37a: {  	v13 =	vor.u32 v0, v11;
	v0 =	vld [tilespmem:$0x1FFC0];
	_ =	sdelay $0x2  }
0x37b: {  	v33 =	vld.idx.msk [tilespmem:v9+s18+$0x0], $0xffff  }
0x37c: {  	v34 =	vld.idx.msk [tilespmem:v9+s19+$0x0], $0xffff  }
0x37d: {  	v9 =	vor.u32 v0, v11;
	v0 =	vld.idx.msk [tilespmem:v12+s18+$0x0], $0xffff;
	_ =	sdelay $0x4  }
0x37e: {  	[tilespmem:$0x1F2B0] =	vst v0;
	v0 =	vld [tilespmem:$0x1FFD0];
	_ =	sdelay $0x2  }
0x37f: {  	v35 =	vld.idx.msk [tilespmem:v10+s18+$0x0], $0xffff  }
0x380: {  	v36 =	vld.idx.msk [tilespmem:v10+s19+$0x0], $0xffff  }
0x381: {  	v10 =	vor.u32 v0, v11;
	v0 =	vld.idx.msk [tilespmem:v12+s19+$0x0], $0xffff;
	_ =	sdelay $0x4  }
0x382: {  	[tilespmem:$0x1F2C0] =	vst v0;
	v0 =	vld [tilespmem:$0x1FF70];
	_ =	sdelay $0x4  }
0x383: {  	v12 =	vor.u32 v0, v11;
	v0 =	vld [tilespmem:$0x1FF80];
	_ =	sdelay $0x2  }
0x384: {  	v37 =	vld.idx.msk [tilespmem:v13+s18+$0x0], $0xffff  }
0x385: {  	v38 =	vld.idx.msk [tilespmem:v13+s19+$0x0], $0xffff  }
0x386: {  	v13 =	vor.u32 v0, v11;
	v0 =	vld.idx.msk [tilespmem:v10+s18+$0x0], $0xffff;
	_ =	sdelay $0x4  }
0x387: {  	[tilespmem:$0x1F290] =	vst v0;
	v0 =	vld [tilespmem:$0x1FF90];
	_ =	sdelay $0x4  }
0x388: {  	v14 =	vor.u32 v0, v11;
	v0 =	vld.idx.msk [tilespmem:v10+s19+$0x0], $0xffff;
	_ =	sdelay $0x4  }
0x389: {  	[tilespmem:$0x1F2A0] =	vst v0;
	v0 =	vld [tilespmem:$0x1FEB0];
	_ =	sdelay $0x4  }
0x38a: {  	v15 =	vor.u32 v0, v11;
	v0 =	vld [tilespmem:$0x1FEC0];
	_ =	sdelay $0x4  }
0x38b: {  	v17 =	vor.u32 v0, v11;
	v0 =	vld.idx.msk [tilespmem:v14+s18+$0x0], $0xffff;
	_ =	sdelay $0x4  }
0x38c: {  	[tilespmem:$0x1F270] =	vst v0;
	v0 =	vld [tilespmem:$0x1FED0];
	_ =	sdelay $0x4  }
0x38d: {  	v18 =	vor.u32 v0, v11;
	v0 =	vld.idx.msk [tilespmem:v14+s19+$0x0], $0xffff;
	_ =	sdelay $0x4  }
0x38e: {  	[tilespmem:$0x1F280] =	vst v0;
	v0 =	vld [tilespmem:$0x1FE70];
	_ =	sdelay $0x4  }
0x38f: {  	v21 =	vor.u32 v0, v11;
	v0 =	vld [tilespmem:$0x1FE80];
	_ =	sdelay $0x4  }
0x390: {  	v24 =	vor.u32 v0, v11;
	v0 =	vld.idx.msk [tilespmem:v18+s18+$0x0], $0xffff;
	_ =	sdelay $0x4  }
0x391: {  	[tilespmem:$0x1F250] =	vst v0;
	v0 =	vld [tilespmem:$0x1FE90];
	_ =	sdelay $0x4  }
0x392: {  	v27 =	vor.u32 v0, v11;
	v0 =	vld.idx.msk [tilespmem:v18+s19+$0x0], $0xffff;
	_ =	sdelay $0x4  }
0x393: {  	[tilespmem:$0x1F260] =	vst v0;
	v0 =	vld [tilespmem:$0x1FE30];
	_ =	sdelay $0x4  }
0x394: {  	v28 =	vor.u32 v0, v11;
	v0 =	vld [tilespmem:$0x1FE40];
	_ =	sdelay $0x2  }
0x395: {  	v49 =	vld.idx.msk [tilespmem:v21+s18+$0x0], $0xffff  }
0x396: {  	v50 =	vld.idx.msk [tilespmem:v21+s19+$0x0], $0xffff  }
0x397: {  	v21 =	vor.u32 v0, v11;
	v0 =	vld.idx.msk [tilespmem:v27+s18+$0x0], $0xffff;
	_ =	sdelay $0x4  }
0x398: {  	[tilespmem:$0x1F230] =	vst v0;
	v0 =	vld [tilespmem:$0x1FE50];
	_ =	sdelay $0x1  }
0x399: {  	v1 =	vld [tilespmem:$0x1FC00]  }
0x39a: {  	v51 =	vld.idx.msk [tilespmem:v24+s18+$0x0], $0xffff  }
0x39b: {  	v52 =	vld.idx.msk [tilespmem:v24+s19+$0x0], $0xffff  }
0x39c: {  	v24 =	vor.u32 v0, v11;
	v0 =	vld.idx.msk [tilespmem:v27+s19+$0x0], $0xffff;
	_ =	sdelay $0x2  }
0x39d: {  	v1 =	vor.u32 v1, v11;
	_ =	sdelay $0x1  }
0x39e: {  	[tilespmem:$0x1F240] =	vst v0;
	v0 =	vld [tilespmem:$0x1FE00]  }
0x39f: {  	v23 =	vld.idx.msk [tilespmem:v3+s19+$0x0], $0xffff  }
0x3a0: {  	v26 =	vld.idx.msk [tilespmem:v4+s19+$0x0], $0xffff  }
0x3a1: {  	v25 =	vld.idx.msk [tilespmem:v1+s18+$0x0], $0xffff  }
0x3a2: {  	v2 =	vld [tilespmem:$0x1FBD0]  }
0x3a3: {  	v27 =	vor.u32 v0, v11;
	v0 =	vld [tilespmem:$0x1FE10]  }
0x3a4: {  	v3 =	vld [tilespmem:$0x1F1A0]  }
0x3a5: {  	v4 =	vld [tilespmem:$0x1F1B0]  }
0x3a6: {  	v53 =	vld.idx.msk [tilespmem:v28+s18+$0x0], $0xffff  }
0x3a7: {  	v54 =	vld.idx.msk [tilespmem:v28+s19+$0x0], $0xffff  }
0x3a8: {  	v28 =	vor.u32 v0, v11;
	v0 =	vld.idx.msk [tilespmem:v24+s18+$0x0], $0xffff  }
0x3a9: {  	v2 =	vor.u32 v2, v11;
	v29 =	vld.idx.msk [tilespmem:v6+s18+$0x0], $0xffff  }
0x3aa: {  	v30 =	vld.idx.msk [tilespmem:v6+s19+$0x0], $0xffff  }
0x3ab: {  	v45 =	vld.idx.msk [tilespmem:v15+s18+$0x0], $0xffff  }
0x3ac: {  	v46 =	vld.idx.msk [tilespmem:v15+s19+$0x0], $0xffff  }
0x3ad: {  	[tilespmem:$0x1F210] =	vst v0;
	v0 =	vld [tilespmem:$0x1FC20]  }
0x3ae: {  	v15 =	vld.idx.msk [tilespmem:v2+s18+$0x0], $0xffff  }
0x3af: {  	v3 =	vmul.f32 v4, v3;
	v14 =	vld.idx.msk [tilespmem:v2+s19+$0x0], $0xffff  }
0x3b0: {  	v2 =	vld [tilespmem:$0x1FBB0]  }
0x3b1: {  	[tilespmem:$0x1F370] =	vst v3;
	v3 =	vld [tilespmem:$0x1F1C0]  }
0x3b2: {  	v57 =	vor.u32 v0, v11;
	v0 =	vld.idx.msk [tilespmem:v24+s19+$0x0], $0xffff  }
0x3b3: {  	v31 =	vld.idx.msk [tilespmem:v7+s18+$0x0], $0xffff  }
0x3b4: {  	v32 =	vld.idx.msk [tilespmem:v7+s19+$0x0], $0xffff  }
0x3b5: {  	v39 =	vld.idx.msk [tilespmem:v9+s18+$0x0], $0xffff;
	v2 =	vor.u32 v2, v11  }
0x3b6: {  	v40 =	vld.idx.msk [tilespmem:v9+s19+$0x0], $0xffff  }
0x3b7: {  	[tilespmem:$0x1F220] =	vst v0;
	v0 =	vld [tilespmem:$0x1FDD0]  }
0x3b8: {  	v41 =	vld.idx.msk [tilespmem:v12+s18+$0x0], $0xffff  }
0x3b9: {  	v42 =	vld.idx.msk [tilespmem:v12+s19+$0x0], $0xffff  }
0x3ba: {  	v9 =	vld.idx.msk [tilespmem:v2+s18+$0x0], $0xffff  }
0x3bb: {  	v8 =	vld.idx.msk [tilespmem:v2+s19+$0x0], $0xffff  }
0x3bc: {  	v59 =	vor.u32 v0, v11;
	v0 =	vld [tilespmem:$0x1FDE0]  }
0x3bd: {  	v2 =	vld [tilespmem:$0x1FD60]  }
0x3be: {  	v43 =	vld.idx.msk [tilespmem:v13+s18+$0x0], $0xffff  }
0x3bf: {  	v44 =	vld.idx.msk [tilespmem:v13+s19+$0x0], $0xffff  }
0x3c0: {  	v47 =	vld.idx.msk [tilespmem:v17+s18+$0x0], $0xffff  }
0x3c1: {  	v62 =	vor.u32 v0, v11;
	v0 =	vld.idx.msk [tilespmem:v57+s18+$0x0], $0xffff  }
0x3c2: {  	v48 =	vld.idx.msk [tilespmem:v17+s19+$0x0], $0xffff;
	v2 =	vor.u32 v2, v11  }
0x3c3: {  	v58 =	vld.idx.msk [tilespmem:v27+s18+$0x0], $0xffff  }
0x3c4: {  	v60 =	vld.idx.msk [tilespmem:v27+s19+$0x0], $0xffff  }
0x3c5: {  	v27 =	vld [tilespmem:$0x1F1D0]  }
0x3c6: {  	[tilespmem:$0x1F200] =	vst v0;
	v0 =	vld [tilespmem:$0x1FDA0]  }
0x3c7: {  	v4 =	vld.idx.msk [tilespmem:v2+s18+$0x0], $0xffff  }
0x3c8: {  	v61 =	vld.idx.msk [tilespmem:v28+s18+$0x0], $0xffff  }
0x3c9: {  	v63 =	vld.idx.msk [tilespmem:v28+s19+$0x0], $0xffff  }
0x3ca: {  	v3 =	vmul.f32 v27, v3;
	v28 =	vld.idx.msk [tilespmem:v57+s19+$0x0], $0xffff  }
0x3cb: {  	v57 =	vor.u32 v0, v11;
	v0 =	vld [tilespmem:$0x1FDB0]  }
0x3cc: {  	[tilespmem:$0x1F380] =	vst v3;
	v3 =	vld [tilespmem:$0x1F1E0]  }
0x3cd: {  	v24 =	vld.idx.msk [tilespmem:v1+s19+$0x0], $0xffff  }
0x3ce: {  	v1 =	vld [tilespmem:$0x1FBA0]  }
0x3cf: {  	v55 =	vld.idx.msk [tilespmem:v21+s18+$0x0], $0xffff  }
0x3d0: {  	v56 =	vld.idx.msk [tilespmem:v21+s19+$0x0], $0xffff;
	v0 =	vor.u32 v0, v11  }
0x3d1: {  	v27 =	vld [tilespmem:$0x1FB60];
	v3 =	vmul.f32 v23, v3  }
0x3d2: {  	v23 =	vld [tilespmem:$0x1F1F0]  }
0x3d3: {  	[tilespmem:$0x1F330] =	vst v3;
	v3 =	vld.idx.msk [tilespmem:v2+s19+$0x0], $0xffff;
	v1 =	vor.u32 v1, v11  }
0x3d4: {  	v2 =	vld [tilespmem:$0x1FB70]  }
0x3d5: {  	v17 =	vld.idx.msk [tilespmem:v0+s18+$0x0], $0xffff  }
0x3d6: {  	v16 =	vld.idx.msk [tilespmem:v0+s19+$0x0], $0xffff  }
0x3d7: {  	v23 =	vmul.f32 v26, v23;
	v0 =	vld [tilespmem:$0x1FBE0]  }
0x3d8: {  	v10 =	vld.idx.msk [tilespmem:v1+s18+$0x0], $0xffff  }
0x3d9: {  	[tilespmem:$0x1F340] =	vst v23;
	v23 =	vmul.f32 v30, v29;
	v7 =	vld.idx.msk [tilespmem:v1+s19+$0x0], $0xffff  }
0x3da: {  	v1 =	vld [tilespmem:$0x1FD50]  }
0x3db: {  	[tilespmem:$0x1F2F0] =	vst v23;
	v23 =	vmul.f32 v32, v31;
	v31 =	vmul.f32 v42, v41;
	v42 =	vld [tilespmem:$0x1FD40]  }
0x3dc: {  	v32 =	vmul.f32 v44, v43;
	v41 =	vmul.f32 v50, v49;
	v50 =	vld [tilespmem:$0x1FD70];
	v0 =	vor.u32 v0, v11  }
0x3dd: {  	v44 =	vmul.f32 v54, v53;
	v54 =	vmul.f32 v56, v55;
	v56 =	vld [tilespmem:$0x1FD80]  }
0x3de: {  	v55 =	vmul.f32 v60, v58;
	v58 =	vmul.f32 v63, v61;
	v61 =	vld [tilespmem:$0x1FDC0]  }
0x3df: {  	v2 =	vor.u32 v2, v11;
	v63 =	vld [tilespmem:$0x1FDF0]  }
0x3e0: {  	[tilespmem:$0x1F300] =	vst v23;
	v23 =	vld [tilespmem:$0x1FBF0]  }
0x3e1: {  	v13 =	vld.idx.msk [tilespmem:v0+s18+$0x0], $0xffff  }
0x3e2: {  	v12 =	vld.idx.msk [tilespmem:v0+s19+$0x0], $0xffff  }
0x3e3: {  	v0 =	vld [tilespmem:$0x1FBC0]  }
0x3e4: {  	v30 =	vmul.f32 v40, v39;
	v39 =	vld.idx.msk [tilespmem:v2+s18+$0x0], $0xffff  }
0x3e5: {  	v2 =	vld.idx.msk [tilespmem:v2+s19+$0x0], $0xffff  }
0x3e6: {  	v20 =	vld.idx.msk [tilespmem:v59+s18+$0x0], $0xffff;
	v1 =	vor.u32 v1, v11  }
0x3e7: {  	v59 =	vld.idx.msk [tilespmem:v59+s19+$0x0], $0xffff  }
0x3e8: {  	v60 =	vor.u32 v23, v11;
	v23 =	vld [tilespmem:$0x1FC10];
	v0 =	vor.u32 v0, v11  }
0x3e9: {  	v19 =	vld.idx.msk [tilespmem:v62+s18+$0x0], $0xffff  }
0x3ea: {  	v62 =	vld.idx.msk [tilespmem:v62+s19+$0x0], $0xffff  }
0x3eb: {  	v29 =	vmul.f32 v38, v37;
	v37 =	vor.u32 v42, v11;
	v6 =	vld.idx.msk [tilespmem:v1+s18+$0x0], $0xffff  }
0x3ec: {  	v5 =	vld.idx.msk [tilespmem:v1+s19+$0x0], $0xffff  }
0x3ed: {  	v42 =	vor.u32 v50, v11;
	v22 =	vld.idx.msk [tilespmem:v0+s18+$0x0], $0xffff  }
0x3ee: {  	v21 =	vld.idx.msk [tilespmem:v0+s19+$0x0], $0xffff  }
0x3ef: {  	v40 =	vmul.f32 v48, v47;
	v48 =	vor.u32 v56, v11;
	v1 =	vlaneseq.u32;
	v0 =	vld [tilespmem:$0x1FB90]  }
0x3f0: {  	v20 =	vmul.f32 v59, v20;
	v1 =	vor.u32 v1, v11;
	v59 =	vld.idx.msk [tilespmem:v37+s18+$0x0], $0xffff  }
0x3f1: {  	v37 =	vld.idx.msk [tilespmem:v37+s19+$0x0], $0xffff  }
0x3f2: {  	v14 =	vmul.f32 v14, v15;
	v15 =	vld.idx.msk [tilespmem:v42+s18+$0x0], $0xffff  }
0x3f3: {  	v7 =	vmul.f32 v7, v10;
	v10 =	vld.idx.msk [tilespmem:v42+s19+$0x0], $0xffff  }
0x3f4: {  	v3 =	vmul.f32 v3, v4;
	v4 =	vld.idx.msk [tilespmem:v48+s19+$0x0], $0xffff;
	v0 =	vor.u32 v0, v11  }
0x3f5: {  	v35 =	vmul.f32 v36, v35;
	v36 =	vld.idx.msk [tilespmem:v1+s19+$0x0], $0xffff  }
0x3f6: {  	v1 =	vld.idx.msk [tilespmem:v1+s18+$0x0], $0xffff  }
0x3f7: {  	v5 =	vmul.f32 v5, v6;
	v6 =	vld.idx.msk [tilespmem:v48+s18+$0x0], $0xffff  }
0x3f8: {  	v12 =	vmul.f32 v12, v13;
	v13 =	vld [tilespmem:$0x1FD90]  }
0x3f9: {  	v2 =	vmul.f32 v2, v39;
	v26 =	vld.idx.msk [tilespmem:v0+s18+$0x0], $0xffff  }
0x3fa: {  	v33 =	vmul.f32 v34, v33;
	v34 =	vld.idx.msk [tilespmem:v0+s19+$0x0], $0xffff  }
0x3fb: {  	v2 =	vadd.f32 $0.0e+00, v2;
	v1 =	vmul.f32 v36, v1;
	v36 =	vor.u32 v61, v11;
	v0 =	vld [tilespmem:$0x1FB80]  }
0x3fc: {  	v19 =	vmul.f32 v62, v19;
	v62 =	vld.idx.msk [tilespmem:v60+s19+$0x0], $0xffff  }
0x3fd: {  	v8 =	vmul.f32 v8, v9;
	v2 =	vadd.f32 v3, v2;
	v18 =	vld.idx.msk [tilespmem:v57+s18+$0x0], $0xffff  }
0x3fe: {  	v57 =	vld.idx.msk [tilespmem:v57+s19+$0x0], $0xffff  }
0x3ff: {  	v2 =	vadd.f32 v8, v2;
	v4 =	vmul.f32 v4, v6;
	v6 =	vld [tilespmem:$0x1FE20];
	v13 =	vor.u32 v13, v11  }
0x400: {  	v8 =	vld.idx.msk [tilespmem:v36+s19+$0x0], $0xffff;
	v0 =	vor.u32 v0, v11  }
0x401: {  	v16 =	vmul.f32 v16, v17;
	v17 =	vld.idx.msk [tilespmem:v60+s18+$0x0], $0xffff;
	v2 =	vadd.f32 v12, v2  }
0x402: {  	v12 =	vld [tilespmem:$0x1FEA0]  }
0x403: {  	v9 =	vor.u32 v23, v11;
	v2 =	vadd.f32 v16, v2;
	v16 =	vld [tilespmem:$0x1FFE0]  }
0x404: {  	v10 =	vmul.f32 v10, v15;
	v15 =	vld.idx.msk [tilespmem:v13+s18+$0x0], $0xffff  }
0x405: {  	v38 =	vmul.f32 v46, v45;
	v1 =	vadd.f32 $0.0e+00, v1;
	v45 =	vld.idx.msk [tilespmem:v0+s18+$0x0], $0xffff  }
0x406: {  	v37 =	vmul.f32 v37, v59;
	v0 =	vld.idx.msk [tilespmem:v0+s19+$0x0], $0xffff  }
0x407: {  	v1 =	vadd.f32 v5, v1;
	v5 =	vld.idx.msk [tilespmem:v13+s19+$0x0], $0xffff  }
0x408: {  	v13 =	vadd.f32 $0.0e+00, v37;
	v37 =	vor.u32 v63, v11;
	v3 =	vmul.f32 v21, v22;
	v21 =	vld.idx.msk [tilespmem:v9+s18+$0x0], $0xffff  }
0x409: {  	v9 =	vld.idx.msk [tilespmem:v9+s19+$0x0], $0xffff  }
0x40a: {  	v22 =	vmul.f32 v24, v25;
	v24 =	vld [tilespmem:$0x1F740];
	v10 =	vadd.f32 v10, v13  }
0x40b: {  	v12 =	vor.u32 v12, v11;
	v25 =	vld [tilespmem:$0x1FFA0];
	v0 =	vmul.f32 v0, v45  }
0x40c: {  	v13 =	vld.idx.msk [tilespmem:v36+s18+$0x0], $0xffff;
	v4 =	vadd.f32 v4, v10  }
0x40d: {  	v5 =	vmul.f32 v5, v15;
	v15 =	vld.idx.msk [tilespmem:v37+s18+$0x0], $0xffff;
	v26 =	vmul.f32 v34, v26;
	v0 =	vadd.f32 $0.0e+00, v0  }
0x40e: {  	v1 =	vadd.f32 v7, v1;
	v7 =	vmul.f32 v62, v17;
	v17 =	vld.idx.msk [tilespmem:v37+s19+$0x0], $0xffff  }
0x40f: {  	v6 =	vor.u32 v6, v11;
	v4 =	vadd.f32 v5, v4;
	v5 =	vld [tilespmem:$0x1FF60];
	v0 =	vadd.f32 v26, v0  }
0x410: {  	v9 =	vmul.f32 v9, v21;
	v21 =	vld.idx.msk [tilespmem:v12+s18+$0x0], $0xffff  }
0x411: {  	v0 =	vadd.f32 v3, v0;
	v3 =	vld [tilespmem:$0x1FE60]  }
0x412: {  	v8 =	vmul.f32 v8, v13;
	v13 =	vld [tilespmem:$0x1F750]  }
0x413: {  	v26 =	vld [tilespmem:$0x1FCB0]  }
0x414: {  	v5 =	vor.u32 v5, v11;
	v0 =	vadd.f32 v7, v0;
	v7 =	vld.idx.msk [tilespmem:v6+s18+$0x0], $0xffff  }
0x415: {  	v6 =	vld.idx.msk [tilespmem:v6+s19+$0x0], $0xffff  }
0x416: {  	v12 =	vld.idx.msk [tilespmem:v12+s19+$0x0], $0xffff;
	v4 =	vadd.f32 v8, v4;
	v8 =	vmul.f32 v17, v15;
	v3 =	vor.u32 v3, v11  }
0x417: {  	v18 =	vmul.f32 v57, v18;
	v1 =	vadd.f32 v14, v1;
	v14 =	vor.u32 v27, v11;
	v15 =	vld [tilespmem:$0x1F200]  }
0x418: {  	v16 =	vor.u32 v16, v11;
	v24 =	vor.u32 v24, v11;
	v4 =	vadd.f32 v8, v4;
	v8 =	vld [tilespmem:$0x1F220]  }
0x419: {  	v13 =	vor.u32 v13, v11;
	v17 =	vld.idx.msk [tilespmem:v5+s18+$0x0], $0xffff;
	v10 =	vor.u32 v26, v11;
	v11 =	vor.u32 v25, v11  }
0x41a: {  	v6 =	vmul.f32 v6, v7;
	v7 =	vld [tilespmem:$0x1F210]  }
0x41b: {  	v1 =	vadd.f32 v18, v1;
	v0 =	vadd.f32 v22, v0;
	v18 =	vld.idx.msk [tilespmem:v3+s18+$0x0], $0xffff  }
0x41c: {  	v3 =	vld.idx.msk [tilespmem:v3+s19+$0x0], $0xffff  }
0x41d: {  	v0 =	vadd.f32 v9, v0;
	v9 =	vld [tilespmem:$0x1F230]  }
0x41e: {  	v4 =	vadd.f32 v6, v4;
	v6 =	vld.idx.msk [tilespmem:v11+s19+$0x0], $0xffff  }
0x41f: {  	v7 =	vmul.f32 v8, v7;
	v8 =	vld.idx.msk [tilespmem:v11+s18+$0x0], $0xffff  }
0x420: {  	v15 =	vmul.f32 v28, v15;
	v11 =	vld [tilespmem:$0x1F240]  }
0x421: {  	v5 =	vld.idx.msk [tilespmem:v5+s19+$0x0], $0xffff;
	v3 =	vmul.f32 v3, v18  }
0x422: {  	v0 =	vadd.f32 v15, v0;
	v15 =	vld [tilespmem:$0x1F260]  }
0x423: {  	v3 =	vadd.f32 v3, v4;
	v4 =	vmul.f32 v12, v21;
	v12 =	vld [tilespmem:$0x1F250];
	_ =	sdelay $0x1  }
0x424: {  	v0 =	vadd.f32 v7, v0;
	v7 =	vld.idx.msk [tilespmem:v16+s19+$0x0], $0xffff;
	v9 =	vmul.f32 v11, v9  }
0x425: {  	v3 =	vadd.f32 v4, v3;
	v4 =	vmul.f32 v5, v17;
	v5 =	vld.idx.msk [tilespmem:v13+s19+$0x0], $0xffff  }
0x426: {  	v0 =	vadd.f32 v9, v0;
	v9 =	vld [tilespmem:$0x1F270]  }
0x427: {  	v1 =	vadd.f32 v20, v1;
	v12 =	vmul.f32 v15, v12;
	v15 =	vld.idx.msk [tilespmem:v13+s18+$0x0], $0xffff  }
0x428: {  	v13 =	vld [tilespmem:$0x1F280]  }
0x429: {  	v1 =	vadd.f32 v55, v1;
	v11 =	vld.idx.msk [tilespmem:v16+s18+$0x0], $0xffff;
	_ =	sdelay $0x1  }
0x42a: {  	v1 =	vadd.f32 v44, v1  }
0x42b: {  	v2 =	vadd.f32 v19, v2;
	v3 =	vadd.f32 v4, v3;
	v4 =	vmul.f32 v6, v8;
	v6 =	vld.idx.msk [tilespmem:v24+s19+$0x0], $0xffff  }
0x42c: {  	v1 =	vadd.f32 v41, v1;
	v9 =	vmul.f32 v13, v9;
	v13 =	vld.idx.msk [tilespmem:v24+s18+$0x0], $0xffff  }
0x42d: {  	v2 =	vadd.f32 v58, v2;
	v8 =	vld [tilespmem:$0x1F290];
	v3 =	vadd.f32 v4, v3;
	v4 =	vmul.f32 v7, v11  }
0x42e: {  	v43 =	vmul.f32 v52, v51;
	v1 =	vadd.f32 v38, v1;
	v0 =	vadd.f32 v12, v0;
	v12 =	vld [tilespmem:$0x1F2A0]  }
0x42f: {  	v2 =	vadd.f32 v54, v2;
	v7 =	vld.idx.msk [tilespmem:v14+s19+$0x0], $0xffff;
	v3 =	vadd.f32 v4, v3;
	v4 =	vmul.f32 v5, v15  }
0x430: {  	v1 =	vadd.f32 v31, v1;
	v11 =	vld [tilespmem:$0x1F2C0]  }
0x431: {  	v2 =	vadd.f32 v43, v2;
	v3 =	vadd.f32 v4, v3;
	v4 =	vmul.f32 v6, v13;
	v6 =	vld [tilespmem:$0x1F2F0]  }
0x432: {  	v1 =	vadd.f32 v29, v1;
	v0 =	vadd.f32 v9, v0;
	v9 =	vld [tilespmem:$0x1F2B0]  }
0x433: {  	v2 =	vadd.f32 v40, v2;
	v5 =	vld.idx.msk [tilespmem:v10+s19+$0x0], $0xffff;
	v8 =	vmul.f32 v12, v8  }
0x434: {  	v1 =	vadd.f32 v33, v1;
	v12 =	vld.idx.msk [tilespmem:v14+s18+$0x0], $0xffff  }
0x435: {  	v2 =	vadd.f32 v32, v2;
	v0 =	vadd.f32 v8, v0;
	v8 =	vld [tilespmem:$0x1F2D0]  }
0x436: {  	v1 =	vadd.f32 v6, v1;
	v6 =	vld [tilespmem:$0x1F300]  }
0x437: {  	v2 =	vadd.f32 v30, v2;
	v9 =	vmul.f32 v11, v9;
	v11 =	vld.idx.msk [tilespmem:v10+s18+$0x0], $0xffff  }
0x438: {  	v10 =	vld [tilespmem:$0x1F2E0]  }
0x439: {  	v2 =	vadd.f32 v35, v2;
	v3 =	vadd.f32 v4, v3;
	v4 =	vmul.f32 v7, v12;
	v7 =	vld [tilespmem:$0x1F330]  }
0x43a: {  	v0 =	vadd.f32 v9, v0;
	v9 =	vld [tilespmem:$0x1F320]  }
0x43b: {  	v2 =	vadd.f32 v6, v2;
	v6 =	vld [tilespmem:$0x1F310];
	_ =	sdelay $0x2  }
0x43c: {  	v8 =	vmul.f32 v10, v8;
	_ =	sdelay $0x1  }
0x43d: {  	v1 =	vadd.f32 v7, v1;
	v7 =	vld [tilespmem:$0x1F340];
	v0 =	vadd.f32 v8, v0;
	v6 =	vmul.f32 v9, v6;
	_ =	sdelay $0x1  }
0x43e: {  	v3 =	vadd.f32 v4, v3;
	v4 =	vmul.f32 v5, v11;
	v0 =	vadd.f32 v6, v0;
	v6 =	vld [tilespmem:$0x1F370]  }
0x43f: {  	v8 =	vld [tilespmem:$0x1F360]  }
0x440: {  	v3 =	vadd.f32 v4, v3;
	v4 =	vld [tilespmem:$0x1FD30]  }
0x441: {  	v2 =	vadd.f32 v7, v2;
	v7 =	vld [tilespmem:$0x1F350]  }
0x442: {  	s31 =	simm.s32 $0x10  }
0x443: {  	v5 =	vmov s31;
	v1 =	vadd.f32 v6, v1;
	v6 =	vld [tilespmem:$0x1F380]  }
0x444: {  	v5 =	vshll.u32 v5, $0x6  }
0x445: {  	v11 =	vor.u32 v4, v5;
	v4 =	vld [tilespmem:$0x1FF30]  }
0x446: {  	v7 =	vmul.f32 v8, v7;
	_ =	sdelay $0x1  }
0x447: {  	v0 =	vadd.f32 v7, v0;
	v2 =	vadd.f32 v6, v2;
	_ =	sdelay $0x1  }
0x448: {  	v4 =	vor.u32 v4, v11;
	v0 =	vadd.f32 v3, v0;
	v1 =	vadd.f32 v2, v1;
	v2 =	vld [tilespmem:$0x1FF40];
	_ =	sdelay $0x1  }
0x449: {  	v0 =	vadd.f32 v0, v1  }
0x44a: {  	s29 =	simm.s32 $0x11E80  }
0x44b: {  	[tilespmem:s29+$0x0] =	vst v0  }
0x44c: {  	v2 =	vor.u32 v2, v11;
	v3 =	vld.idx.msk [tilespmem:v4+s19+$0x0], $0xffff  }
0x44d: {  	v1 =	vld [tilespmem:$0x1FF50];
	_ =	sdelay $0x1  }
0x44e: {  	v0 =	vld.idx.msk [tilespmem:v4+s18+$0x0], $0xffff;
	_ =	sdelay $0x1  }
0x44f: {  	[tilespmem:$0x1F500] =	vst v3;
	v3 =	vld.idx.msk [tilespmem:v2+s18+$0x0], $0xffff  }
0x450: {  	v1 =	vor.u32 v1, v11;
	v2 =	vld.idx.msk [tilespmem:v2+s19+$0x0], $0xffff;
	_ =	sdelay $0x1  }
0x451: {  	[tilespmem:$0x1F4F0] =	vst v0;
	v0 =	vld [tilespmem:$0x1F910];
	_ =	sdelay $0x2  }
0x452: {  	[tilespmem:$0x1F530] =	vst v2;
	v2 =	vld.idx.msk [tilespmem:v1+s18+$0x0], $0xffff;
	_ =	sdelay $0x1  }
0x453: {  	v0 =	vor.u32 v0, v11;
	v1 =	vld.idx.msk [tilespmem:v1+s19+$0x0], $0xffff  }
0x454: {  	[tilespmem:$0x1F520] =	vst v3;
	v3 =	vld [tilespmem:$0x1FF10];
	_ =	sdelay $0x1  }
0x455: {  	[tilespmem:$0x1F390] =	vst v2;
	v2 =	vld [tilespmem:$0x1FF20];
	_ =	sdelay $0x1  }
0x456: {  	[tilespmem:$0x1F3A0] =	vst v1;
	v1 =	vld.idx.msk [tilespmem:v0+s18+$0x0], $0xffff  }
0x457: {  	v4 =	vor.u32 v3, v11;
	v0 =	vld.idx.msk [tilespmem:v0+s19+$0x0], $0xffff;
	_ =	sdelay $0x1  }
0x458: {  	v2 =	vor.u32 v2, v11;
	_ =	sdelay $0x2  }
0x459: {  	[tilespmem:$0x1F560] =	vst v0;
	v0 =	vld.idx.msk [tilespmem:v4+s18+$0x0], $0xffff;
	_ =	sdelay $0x1  }
0x45a: {  	v3 =	vld.idx.msk [tilespmem:v2+s18+$0x0], $0xffff;
	_ =	sdelay $0x1  }
0x45b: {  	[tilespmem:$0x1F550] =	vst v1;
	v1 =	vld [tilespmem:$0x1FF00]  }
0x45c: {  	[tilespmem:$0x1F580] =	vst v0;
	v0 =	vld [tilespmem:$0x1F940];
	_ =	sdelay $0x1  }
0x45d: {  	[tilespmem:$0x1F3B0] =	vst v3;
	v3 =	vld [tilespmem:$0x1F960];
	_ =	sdelay $0x1  }
0x45e: {  	v1 =	vor.u32 v1, v11  }
0x45f: {  	v0 =	vor.u32 v0, v11;
	_ =	sdelay $0x1  }
0x460: {  	v28 =	vld.idx.msk [tilespmem:v4+s19+$0x0], $0xffff;
	v4 =	vor.u32 v3, v11  }
0x461: {  	v2 =	vld.idx.msk [tilespmem:v2+s19+$0x0], $0xffff  }
0x462: {  	v29 =	vld.idx.msk [tilespmem:v1+s18+$0x0], $0xffff  }
0x463: {  	v24 =	vld.idx.msk [tilespmem:v0+s18+$0x0], $0xffff  }
0x464: {  	v22 =	vld.idx.msk [tilespmem:v0+s19+$0x0], $0xffff  }
0x465: {  	v0 =	vld.idx.msk [tilespmem:v4+s18+$0x0], $0xffff  }
0x466: {  	[tilespmem:$0x1F3C0] =	vst v2;
	v2 =	vld [tilespmem:$0x1FFF0]  }
0x467: {  	v30 =	vld.idx.msk [tilespmem:v1+s19+$0x0], $0xffff  }
0x468: {  	v1 =	vld [tilespmem:$0x1FEE0];
	_ =	sdelay $0x1  }
0x469: {  	[tilespmem:$0x1F3D0] =	vst v0;
	v0 =	vld [tilespmem:$0x1FEF0];
	_ =	sdelay $0x1  }
0x46a: {  	v2 =	vor.u32 v2, v11  }
0x46b: {  	v1 =	vor.u32 v1, v11;
	_ =	sdelay $0x1  }
0x46c: {  	v0 =	vor.u32 v0, v11;
	_ =	sdelay $0x1  }
0x46d: {  	v32 =	vld.idx.msk [tilespmem:v2+s18+$0x0], $0xffff  }
0x46e: {  	v34 =	vld.idx.msk [tilespmem:v1+s18+$0x0], $0xffff  }
0x46f: {  	v35 =	vld.idx.msk [tilespmem:v1+s19+$0x0], $0xffff  }
0x470: {  	v1 =	vld.idx.msk [tilespmem:v0+s18+$0x0], $0xffff  }
0x471: {  	v33 =	vld.idx.msk [tilespmem:v2+s19+$0x0], $0xffff  }
0x472: {  	v2 =	vld [tilespmem:$0x1FFC0];
	_ =	sdelay $0x2  }
0x473: {  	[tilespmem:$0x1F3F0] =	vst v1;
	v1 =	vld [tilespmem:$0x1FFD0];
	_ =	sdelay $0x1  }
0x474: {  	v2 =	vor.u32 v2, v11;
	_ =	sdelay $0x2  }
0x475: {  	v1 =	vor.u32 v1, v11  }
0x476: {  	v3 =	vld.idx.msk [tilespmem:v4+s19+$0x0], $0xffff  }
0x477: {  	v42 =	vld.idx.msk [tilespmem:v2+s18+$0x0], $0xffff  }
0x478: {  	v43 =	vld.idx.msk [tilespmem:v2+s19+$0x0], $0xffff  }
0x479: {  	v0 =	vld.idx.msk [tilespmem:v0+s19+$0x0], $0xffff  }
0x47a: {  	v2 =	vld.idx.msk [tilespmem:v1+s18+$0x0], $0xffff  }
0x47b: {  	[tilespmem:$0x1F3E0] =	vst v3;
	v3 =	vld [tilespmem:$0x1FFB0];
	_ =	sdelay $0x2  }
0x47c: {  	[tilespmem:$0x1F400] =	vst v0;
	v0 =	vld [tilespmem:$0x1FF70]  }
0x47d: {  	[tilespmem:$0x1F410] =	vst v2;
	v2 =	vld [tilespmem:$0x1FF90]  }
0x47e: {  	v4 =	vor.u32 v3, v11;
	_ =	sdelay $0x2  }
0x47f: {  	v0 =	vor.u32 v0, v11  }
0x480: {  	v3 =	vld [tilespmem:$0x1FF80];
	v2 =	vor.u32 v2, v11  }
0x481: {  	v36 =	vld.idx.msk [tilespmem:v4+s18+$0x0], $0xffff  }
0x482: {  	v39 =	vld.idx.msk [tilespmem:v4+s19+$0x0], $0xffff  }
0x483: {  	v1 =	vld.idx.msk [tilespmem:v1+s19+$0x0], $0xffff  }
0x484: {  	v45 =	vld.idx.msk [tilespmem:v0+s18+$0x0], $0xffff  }
0x485: {  	v4 =	vor.u32 v3, v11;
	v3 =	vld.idx.msk [tilespmem:v2+s18+$0x0], $0xffff  }
0x486: {  	v53 =	vld.idx.msk [tilespmem:v0+s19+$0x0], $0xffff  }
0x487: {  	v0 =	vld [tilespmem:$0x1FEC0];
	_ =	sdelay $0x2  }
0x488: {  	[tilespmem:$0x1F430] =	vst v3;
	v3 =	vld [tilespmem:$0x1FED0]  }
0x489: {  	[tilespmem:$0x1F420] =	vst v1;
	v1 =	vld [tilespmem:$0x1FEB0]  }
0x48a: {  	v0 =	vor.u32 v0, v11;
	_ =	sdelay $0x1  }
0x48b: {  	v54 =	vld.idx.msk [tilespmem:v4+s18+$0x0], $0xffff  }
0x48c: {  	v55 =	vld.idx.msk [tilespmem:v4+s19+$0x0], $0xffff;
	v4 =	vor.u32 v3, v11  }
0x48d: {  	v1 =	vor.u32 v1, v11  }
0x48e: {  	v57 =	vld.idx.msk [tilespmem:v0+s18+$0x0], $0xffff  }
0x48f: {  	v37 =	vld.idx.msk [tilespmem:v0+s19+$0x0], $0xffff  }
0x490: {  	v2 =	vld.idx.msk [tilespmem:v2+s19+$0x0], $0xffff  }
0x491: {  	v0 =	vld.idx.msk [tilespmem:v4+s18+$0x0], $0xffff  }
0x492: {  	v56 =	vld.idx.msk [tilespmem:v1+s18+$0x0], $0xffff  }
0x493: {  	v58 =	vld.idx.msk [tilespmem:v1+s19+$0x0], $0xffff  }
0x494: {  	v1 =	vld [tilespmem:$0x1FE80];
	_ =	sdelay $0x1  }
0x495: {  	[tilespmem:$0x1F450] =	vst v0;
	v0 =	vld [tilespmem:$0x1FE90]  }
0x496: {  	[tilespmem:$0x1F440] =	vst v2;
	v2 =	vld [tilespmem:$0x1FE70];
	_ =	sdelay $0x1  }
0x497: {  	v1 =	vor.u32 v1, v11;
	_ =	sdelay $0x1  }
0x498: {  	v0 =	vor.u32 v0, v11  }
0x499: {  	v2 =	vor.u32 v2, v11;
	_ =	sdelay $0x1  }
0x49a: {  	v41 =	vld.idx.msk [tilespmem:v1+s18+$0x0], $0xffff  }
0x49b: {  	v47 =	vld.idx.msk [tilespmem:v1+s19+$0x0], $0xffff  }
0x49c: {  	v1 =	vld.idx.msk [tilespmem:v0+s18+$0x0], $0xffff  }
0x49d: {  	v38 =	vld.idx.msk [tilespmem:v2+s18+$0x0], $0xffff  }
0x49e: {  	v40 =	vld.idx.msk [tilespmem:v2+s19+$0x0], $0xffff  }
0x49f: {  	v2 =	vld [tilespmem:$0x1FE40];
	_ =	sdelay $0x1  }
0x4a0: {  	[tilespmem:$0x1F470] =	vst v1;
	v1 =	vld [tilespmem:$0x1FE50];
	_ =	sdelay $0x2  }
0x4a1: {  	v2 =	vor.u32 v2, v11;
	_ =	sdelay $0x1  }
0x4a2: {  	v1 =	vor.u32 v1, v11  }
0x4a3: {  	v0 =	vld.idx.msk [tilespmem:v0+s19+$0x0], $0xffff  }
0x4a4: {  	v3 =	vld.idx.msk [tilespmem:v4+s19+$0x0], $0xffff  }
0x4a5: {  	v51 =	vld.idx.msk [tilespmem:v2+s18+$0x0], $0xffff  }
0x4a6: {  	v59 =	vld.idx.msk [tilespmem:v2+s19+$0x0], $0xffff  }
0x4a7: {  	v2 =	vld.idx.msk [tilespmem:v1+s18+$0x0], $0xffff  }
0x4a8: {  	[tilespmem:$0x1F480] =	vst v0;
	v0 =	vld [tilespmem:$0x1FE00];
	_ =	sdelay $0x1  }
0x4a9: {  	[tilespmem:$0x1F460] =	vst v3;
	v3 =	vld [tilespmem:$0x1FE30]  }
0x4aa: {  	v1 =	vld.idx.msk [tilespmem:v1+s19+$0x0], $0xffff  }
0x4ab: {  	[tilespmem:$0x1F490] =	vst v2;
	v2 =	vld [tilespmem:$0x1FC20]  }
0x4ac: {  	v0 =	vor.u32 v0, v11;
	_ =	sdelay $0x2  }
0x4ad: {  	v4 =	vor.u32 v3, v11;
	v3 =	vld [tilespmem:$0x1FE10]  }
0x4ae: {  	[tilespmem:$0x1F4A0] =	vst v1;
	v1 =	vld [tilespmem:$0x1FDD0];
	v2 =	vor.u32 v2, v11  }
0x4af: {  	v61 =	vld.idx.msk [tilespmem:v0+s18+$0x0], $0xffff  }
0x4b0: {  	v62 =	vld.idx.msk [tilespmem:v0+s19+$0x0], $0xffff  }
0x4b1: {  	v0 =	vld [tilespmem:$0x1FDE0]  }
0x4b2: {  	v48 =	vld.idx.msk [tilespmem:v4+s18+$0x0], $0xffff  }
0x4b3: {  	v5 =	vor.u32 v1, v11;
	v1 =	vld.idx.msk [tilespmem:v2+s18+$0x0], $0xffff  }
0x4b4: {  	v52 =	vld.idx.msk [tilespmem:v4+s19+$0x0], $0xffff;
	v4 =	vor.u32 v3, v11;
	_ =	sdelay $0x1  }
0x4b5: {  	v0 =	vor.u32 v0, v11;
	_ =	sdelay $0x1  }
0x4b6: {  	[tilespmem:$0x1F4B0] =	vst v1;
	v1 =	vld.idx.msk [tilespmem:v2+s19+$0x0], $0xffff  }
0x4b7: {  	v63 =	vld.idx.msk [tilespmem:v4+s18+$0x0], $0xffff  }
0x4b8: {  	v60 =	vld.idx.msk [tilespmem:v4+s19+$0x0], $0xffff  }
0x4b9: {  	v8 =	vld.idx.msk [tilespmem:v0+s19+$0x0], $0xffff  }
0x4ba: {  	v4 =	vld.idx.msk [tilespmem:v5+s19+$0x0], $0xffff  }
0x4bb: {  	[tilespmem:$0x1F4C0] =	vst v1;
	v1 =	vld.idx.msk [tilespmem:v5+s18+$0x0], $0xffff  }
0x4bc: {  	v5 =	vld.idx.msk [tilespmem:v0+s18+$0x0], $0xffff  }
0x4bd: {  	v0 =	vld [tilespmem:$0x1FDB0];
	_ =	sdelay $0x2  }
0x4be: {  	v9 =	vor.u32 v23, v11  }
0x4bf: {  	v2 =	vld [tilespmem:$0x1FDA0]  }
0x4c0: {  	v0 =	vor.u32 v0, v11;
	_ =	sdelay $0x2  }
0x4c1: {  	v3 =	vld.idx.msk [tilespmem:v9+s18+$0x0], $0xffff  }
0x4c2: {  	v2 =	vor.u32 v2, v11  }
0x4c3: {  	v14 =	vld.idx.msk [tilespmem:v0+s18+$0x0], $0xffff  }
0x4c4: {  	v15 =	vld.idx.msk [tilespmem:v0+s19+$0x0], $0xffff  }
0x4c5: {  	v0 =	vld [tilespmem:$0x1FBE0]  }
0x4c6: {  	[tilespmem:$0x1F4D0] =	vst v3;
	v3 =	vld.idx.msk [tilespmem:v9+s19+$0x0], $0xffff  }
0x4c7: {  	v12 =	vld.idx.msk [tilespmem:v2+s18+$0x0], $0xffff  }
0x4c8: {  	v13 =	vld.idx.msk [tilespmem:v2+s19+$0x0], $0xffff  }
0x4c9: {  	v2 =	vld [tilespmem:$0x1FBD0]  }
0x4ca: {  	v0 =	vor.u32 v0, v11;
	_ =	sdelay $0x1  }
0x4cb: {  	v25 =	vld [tilespmem:$0x1F4F0]  }
0x4cc: {  	[tilespmem:$0x1F4E0] =	vst v3;
	v3 =	vld [tilespmem:$0x1FC00]  }
0x4cd: {  	v31 =	vld [tilespmem:$0x1F500];
	v2 =	vor.u32 v2, v11  }
0x4ce: {  	v18 =	vld.idx.msk [tilespmem:v0+s18+$0x0], $0xffff  }
0x4cf: {  	v19 =	vld.idx.msk [tilespmem:v0+s19+$0x0], $0xffff  }
0x4d0: {  	v0 =	vld [tilespmem:$0x1FBB0]  }
0x4d1: {  	v9 =	vor.u32 v3, v11;
	v3 =	vld [tilespmem:$0x1FBF0]  }
0x4d2: {  	v16 =	vld.idx.msk [tilespmem:v2+s18+$0x0], $0xffff  }
0x4d3: {  	v17 =	vld.idx.msk [tilespmem:v2+s19+$0x0], $0xffff  }
0x4d4: {  	v2 =	vld [tilespmem:$0x1FBA0]  }
0x4d5: {  	v10 =	vor.u32 v0, v11;
	v0 =	vld [tilespmem:$0x1FBC0]  }
0x4d6: {  	v44 =	vld.idx.msk [tilespmem:v9+s18+$0x0], $0xffff  }
0x4d7: {  	v50 =	vld.idx.msk [tilespmem:v9+s19+$0x0], $0xffff;
	v9 =	vor.u32 v3, v11;
	_ =	sdelay $0x1  }
0x4d8: {  	v2 =	vor.u32 v2, v11  }
0x4d9: {  	v23 =	vor.u32 v0, v11;
	v0 =	vld [tilespmem:$0x1FD50]  }
0x4da: {  	v25 =	vmul.f32 v31, v25;
	v31 =	vld [tilespmem:$0x1F530]  }
0x4db: {  	v46 =	vld.idx.msk [tilespmem:v9+s18+$0x0], $0xffff  }
0x4dc: {  	v49 =	vld.idx.msk [tilespmem:v9+s19+$0x0], $0xffff  }
0x4dd: {  	v20 =	vld.idx.msk [tilespmem:v2+s18+$0x0], $0xffff  }
0x4de: {  	v21 =	vld.idx.msk [tilespmem:v2+s19+$0x0], $0xffff;
	v3 =	vor.u32 v0, v11  }
0x4df: {  	v2 =	vld.idx.msk [tilespmem:v10+s19+$0x0], $0xffff  }
0x4e0: {  	v0 =	vld.idx.msk [tilespmem:v10+s18+$0x0], $0xffff  }
0x4e1: {  	v9 =	vld.idx.msk [tilespmem:v23+s18+$0x0], $0xffff  }
0x4e2: {  	v10 =	vld.idx.msk [tilespmem:v23+s19+$0x0], $0xffff  }
0x4e3: {  	v23 =	vld.idx.msk [tilespmem:v3+s18+$0x0], $0xffff  }
0x4e4: {  	[tilespmem:$0x1F510] =	vst v25;
	v25 =	vld.idx.msk [tilespmem:v3+s19+$0x0], $0xffff  }
0x4e5: {  	v3 =	vld [tilespmem:$0x1F520];
	_ =	sdelay $0x4  }
0x4e6: {  	v3 =	vmul.f32 v31, v3  }
0x4e7: {  	v31 =	vld [tilespmem:$0x1F560]  }
0x4e8: {  	[tilespmem:$0x1F540] =	vst v3;
	v3 =	vld [tilespmem:$0x1F550]  }
0x4e9: {  	v7 =	vld [tilespmem:$0x1FB90];
	_ =	sdelay $0x3  }
0x4ea: {  	v3 =	vmul.f32 v31, v3;
	v31 =	vld [tilespmem:$0x1F580]  }
0x4eb: {  	v7 =	vor.u32 v7, v11;
	_ =	sdelay $0x2  }
0x4ec: {  	v22 =	vmul.f32 v22, v24  }
0x4ed: {  	v6 =	vld [tilespmem:$0x1FD60];
	v28 =	vmul.f32 v28, v31  }
0x4ee: {  	v24 =	vld.idx.msk [tilespmem:v7+s19+$0x0], $0xffff;
	[tilespmem:$0x1F5B0] =	vst v22;
	v22 =	vlaneseq.u32  }
0x4ef: {  	[tilespmem:$0x1F590] =	vst v28;
	v28 =	vmul.f32 v30, v29;
	v30 =	vor.u32 v22, v11;
	v22 =	vld.idx.msk [tilespmem:v7+s18+$0x0], $0xffff  }
0x4f0: {  	v7 =	vld [tilespmem:$0x1FB70];
	_ =	sdelay $0x3  }
0x4f1: {  	v6 =	vor.u32 v6, v11  }
0x4f2: {  	[tilespmem:$0x1F5A0] =	vst v28;
	v28 =	vor.u32 v7, v11;
	v7 =	vld [tilespmem:$0x1FB80];
	_ =	sdelay $0x3  }
0x4f3: {  	[tilespmem:$0x1F570] =	vst v3;
	v3 =	vld.idx.msk [tilespmem:v6+s18+$0x0], $0xffff  }
0x4f4: {  	s30 =	simm.s32 $0x20;
	v26 =	vor.u32 v26, v11;
	v6 =	vld.idx.msk [tilespmem:v6+s19+$0x0], $0xffff;
	v29 =	vor.u32 v27, v11;
	v27 =	vor.u32 v7, v11  }
.LBB2_5:
0x4f5: {  	v31 =	vld.idx.msk [tilespmem:v30+s19+$0x0], $0xffff  }
0x4f6: {  	v30 =	vld.idx.msk [tilespmem:v30+s18+$0x0], $0xffff  }
0x4f7: {  	v7 =	vmul.f32 v33, v32;
	v32 =	vld [tilespmem:$0x1FD40]  }
0x4f8: {  	v42 =	vmul.f32 v43, v42;
	v33 =	vld.idx.msk [tilespmem:v28+s18+$0x0], $0xffff  }
0x4f9: {  	v43 =	vmul.f32 v53, v45;
	v45 =	vmul.f32 v55, v54;
	v54 =	vld [tilespmem:$0x1F750]  }
0x4fa: {  	v28 =	vld.idx.msk [tilespmem:v28+s19+$0x0], $0xffff  }
0x4fb: {  	v55 =	vld [tilespmem:$0x1FD70]  }
0x4fc: {  	v37 =	vmul.f32 v37, v57;
	v57 =	vld [tilespmem:$0x1FFE0]  }
0x4fd: {  	v39 =	vmul.f32 v39, v36;
	v36 =	vmul.f32 v58, v56;
	v58 =	vld [tilespmem:$0x1FD80]  }
0x4fe: {  	v56 =	vmul.f32 v60, v63;
	v60 =	vld [tilespmem:$0x1FFA0]  }
0x4ff: {  	v63 =	vld [tilespmem:$0x1FE20]  }
0x500: {  	[tilespmem:$0x1F0F0] =	vst v7;
	v7 =	vld [tilespmem:$0x1F740];
	v1 =	vmul.f32 v4, v1  }
0x501: {  	v4 =	vmul.f32 v8, v5;
	v8 =	vmul.f32 v13, v12;
	v13 =	vld [tilespmem:$0x1FF60]  }
0x502: {  	v12 =	vmul.f32 v15, v14;
	v15 =	vmul.f32 v17, v16;
	v17 =	vld [tilespmem:$0x1FDC0]  }
0x503: {  	v16 =	vmul.f32 v19, v18;
	v19 =	vld [tilespmem:$0x1FEA0]  }
0x504: {  	v18 =	vmul.f32 v21, v20;
	v21 =	vld [tilespmem:$0x1FDF0];
	v32 =	vor.u32 v32, v11  }
0x505: {  	v35 =	vmul.f32 v35, v34;
	v34 =	vor.u32 v54, v11;
	v54 =	vld.idx.msk [tilespmem:v27+s18+$0x0], $0xffff  }
0x506: {  	v38 =	vmul.f32 v40, v38;
	v53 =	vor.u32 v55, v11;
	v27 =	vld.idx.msk [tilespmem:v27+s19+$0x0], $0xffff  }
0x507: {  	v40 =	vmul.f32 v47, v41;
	v55 =	vmul.f32 v62, v61;
	v61 =	vld [tilespmem:$0x1FD90]  }
0x508: {  	v20 =	vmul.f32 v25, v23;
	v47 =	vor.u32 v58, v11;
	v23 =	vmul.f32 v31, v30;
	v30 =	vld [tilespmem:$0x1FE60]  }
0x509: {  	v48 =	vmul.f32 v52, v48;
	v52 =	vld.idx.msk [tilespmem:v32+s18+$0x0], $0xffff  }
0x50a: {  	v17 =	vor.u32 v17, v11;
	v32 =	vld.idx.msk [tilespmem:v32+s19+$0x0], $0xffff  }
0x50b: {  	v25 =	vmul.f32 v28, v33;
	v21 =	vor.u32 v21, v11;
	v5 =	vld.idx.msk [tilespmem:v53+s18+$0x0], $0xffff  }
0x50c: {  	v58 =	vor.u32 v61, v11;
	v14 =	vld.idx.msk [tilespmem:v53+s19+$0x0], $0xffff  }
0x50d: {  	v0 =	vmul.f32 v2, v0;
	v3 =	vmul.f32 v6, v3;
	v25 =	vadd.f32 $0.0e+00, v25;
	v2 =	vld.idx.msk [tilespmem:v47+s18+$0x0], $0xffff  }
0x50e: {  	v22 =	vmul.f32 v24, v22;
	v9 =	vmul.f32 v10, v9;
	v41 =	vor.u32 v57, v11;
	v6 =	vld.idx.msk [tilespmem:v47+s19+$0x0], $0xffff  }
0x50f: {  	v57 =	vor.u32 v60, v11;
	v7 =	vor.u32 v7, v11;
	v3 =	vadd.f32 v3, v25;
	v24 =	vld.idx.msk [tilespmem:v17+s18+$0x0], $0xffff  }
0x510: {  	v13 =	vor.u32 v13, v11;
	v19 =	vor.u32 v19, v11;
	v27 =	vmul.f32 v27, v54;
	v10 =	vld.idx.msk [tilespmem:v21+s18+$0x0], $0xffff  }
0x511: {  	v30 =	vor.u32 v30, v11;
	v11 =	vor.u32 v63, v11;
	v0 =	vadd.f32 v0, v3;
	v28 =	vld.idx.msk [tilespmem:v58+s18+$0x0], $0xffff  }
0x512: {  	v23 =	vadd.f32 $0.0e+00, v23;
	v27 =	vadd.f32 $0.0e+00, v27;
	v62 =	vld.idx.msk [tilespmem:v58+s19+$0x0], $0xffff  }
0x513: {  	v0 =	vadd.f32 v16, v0;
	v31 =	vmul.f32 v32, v52;
	v5 =	vmul.f32 v14, v5;
	v14 =	vld.idx.msk [tilespmem:v17+s19+$0x0], $0xffff  }
0x514: {  	v17 =	vadd.f32 v20, v23;
	v20 =	vadd.f32 v22, v27;
	v2 =	vmul.f32 v6, v2;
	v6 =	vld.idx.msk [tilespmem:v21+s19+$0x0], $0xffff  }
0x515: {  	v0 =	vadd.f32 v12, v0;
	v12 =	vld [tilespmem:$0x1F4D0];
	v31 =	vadd.f32 $0.0e+00, v31  }
0x516: {  	v17 =	vadd.f32 v18, v17;
	v18 =	vld.idx.msk [tilespmem:v11+s18+$0x0], $0xffff  }
0x517: {  	v9 =	vadd.f32 v9, v20;
	v11 =	vld.idx.msk [tilespmem:v11+s19+$0x0], $0xffff;
	v5 =	vadd.f32 v5, v31  }
0x518: {  	v3 =	vmul.f32 v49, v46;
	v0 =	vadd.f32 v4, v0;
	v4 =	vld [tilespmem:$0x1F4B0];
	v15 =	vadd.f32 v15, v17  }
0x519: {  	v17 =	vld.idx.msk [tilespmem:v30+s18+$0x0], $0xffff;
	v2 =	vadd.f32 v2, v5;
	v5 =	vmul.f32 v62, v28  }
0x51a: {  	v3 =	vadd.f32 v3, v9;
	v9 =	vld.idx.msk [tilespmem:v30+s19+$0x0], $0xffff;
	v8 =	vadd.f32 v8, v15  }
0x51b: {  	v2 =	vadd.f32 v5, v2;
	v5 =	vmul.f32 v14, v24;
	v14 =	vld [tilespmem:$0x1F4E0]  }
0x51c: {  	v1 =	vadd.f32 v1, v8;
	v8 =	vld [tilespmem:$0x1F4C0]  }
0x51d: {  	v2 =	vadd.f32 v5, v2;
	v5 =	vmul.f32 v6, v10;
	v6 =	vld.idx.msk [tilespmem:v19+s19+$0x0], $0xffff  }
0x51e: {  	v16 =	vmul.f32 v50, v44;
	v10 =	vld.idx.msk [tilespmem:v13+s19+$0x0], $0xffff  }
0x51f: {  	v2 =	vadd.f32 v5, v2;
	v5 =	vmul.f32 v11, v18;
	v11 =	vld [tilespmem:$0x1F490]  }
0x520: {  	v3 =	vadd.f32 v16, v3;
	v12 =	vmul.f32 v14, v12;
	v14 =	vld.idx.msk [tilespmem:v19+s18+$0x0], $0xffff  }
0x521: {  	v4 =	vmul.f32 v8, v4;
	v8 =	vld.idx.msk [tilespmem:v13+s18+$0x0], $0xffff  }
0x522: {  	v13 =	vld [tilespmem:$0x1F480];
	v3 =	vadd.f32 v12, v3  }
0x523: {  	v12 =	vld [tilespmem:$0x1F4A0]  }
0x524: {  	v2 =	vadd.f32 v5, v2;
	v5 =	vld.idx.msk [tilespmem:v57+s19+$0x0], $0xffff;
	v3 =	vadd.f32 v4, v3;
	v4 =	vmul.f32 v9, v17  }
0x525: {  	v9 =	vld [tilespmem:$0x1F470]  }
0x526: {  	v2 =	vadd.f32 v4, v2;
	v4 =	vmul.f32 v6, v14;
	v6 =	vld.idx.msk [tilespmem:v41+s19+$0x0], $0xffff  }
0x527: {  	v14 =	vld [tilespmem:$0x1F460]  }
0x528: {  	v11 =	vmul.f32 v12, v11;
	v12 =	vld.idx.msk [tilespmem:v57+s18+$0x0], $0xffff  }
0x529: {  	v2 =	vadd.f32 v4, v2;
	v4 =	vmul.f32 v10, v8;
	v8 =	vld.idx.msk [tilespmem:v34+s19+$0x0], $0xffff  }
0x52a: {  	v10 =	vld [tilespmem:$0x1F440];
	v9 =	vmul.f32 v13, v9;
	v3 =	vadd.f32 v11, v3  }
0x52b: {  	v11 =	vld [tilespmem:$0x1F450]  }
0x52c: {  	v3 =	vadd.f32 v9, v3;
	v9 =	vld [tilespmem:$0x1F430]  }
0x52d: {  	v13 =	vld.idx.msk [tilespmem:v41+s18+$0x0], $0xffff  }
0x52e: {  	v1 =	vadd.f32 v55, v1;
	v2 =	vadd.f32 v4, v2;
	v4 =	vmul.f32 v5, v12;
	v5 =	vld.idx.msk [tilespmem:v7+s19+$0x0], $0xffff  }
0x52f: {  	v12 =	vld [tilespmem:$0x1F400]  }
0x530: {  	v1 =	vadd.f32 v48, v1;
	v11 =	vmul.f32 v14, v11;
	v14 =	vld.idx.msk [tilespmem:v34+s18+$0x0], $0xffff  }
0x531: {  	v9 =	vmul.f32 v10, v9;
	v10 =	vld.idx.msk [tilespmem:v7+s18+$0x0], $0xffff  }
0x532: {  	v51 =	vmul.f32 v59, v51;
	v0 =	vadd.f32 v56, v0;
	v1 =	vadd.f32 v38, v1;
	v7 =	vld [tilespmem:$0x1F410]  }
0x533: {  	v2 =	vadd.f32 v4, v2;
	v4 =	vmul.f32 v6, v13;
	v3 =	vadd.f32 v11, v3;
	v11 =	vld [tilespmem:$0x1F420]  }
0x534: {  	v1 =	vadd.f32 v36, v1;
	v6 =	vld.idx.msk [tilespmem:v29+s19+$0x0], $0xffff  }
0x535: {  	v0 =	vadd.f32 v51, v0;
	v2 =	vadd.f32 v4, v2;
	v4 =	vmul.f32 v8, v14;
	v8 =	vld [tilespmem:$0x1F0F0]  }
0x536: {  	v1 =	vadd.f32 v43, v1;
	v3 =	vadd.f32 v9, v3;
	v9 =	vld [tilespmem:$0x1F3F0]  }
0x537: {  	v0 =	vadd.f32 v40, v0;
	v2 =	vadd.f32 v4, v2;
	v4 =	vmul.f32 v5, v10;
	v5 =	vld [tilespmem:$0x1F5A0]  }
0x538: {  	v1 =	vadd.f32 v39, v1;
	v7 =	vmul.f32 v11, v7;
	v11 =	vld.idx.msk [tilespmem:v29+s18+$0x0], $0xffff  }
0x539: {  	v0 =	vadd.f32 v37, v0  }
0x53a: {  	v13 =	vld [tilespmem:$0x1F3E0];
	v1 =	vadd.f32 v8, v1  }
0x53b: {  	v0 =	vadd.f32 v45, v0;
	v9 =	vmul.f32 v12, v9;
	v12 =	vld.idx.msk [tilespmem:v26+s18+$0x0], $0xffff  }
0x53c: {  	v1 =	vadd.f32 v5, v1;
	v5 =	vld [tilespmem:$0x1F5B0]  }
0x53d: {  	v0 =	vadd.f32 v42, v0;
	v2 =	vadd.f32 v4, v2;
	v4 =	vmul.f32 v6, v11;
	v6 =	vld [tilespmem:$0x1F570]  }
0x53e: {  	v3 =	vadd.f32 v7, v3;
	v7 =	vld.idx.msk [tilespmem:v26+s19+$0x0], $0xffff  }
0x53f: {  	v0 =	vadd.f32 v35, v0;
	v8 =	vld [tilespmem:$0x1F3D0]  }
0x540: {  	v3 =	vadd.f32 v9, v3;
	v9 =	vld [tilespmem:$0x1F3C0]  }
0x541: {  	v0 =	vadd.f32 v5, v0;
	v5 =	vld [tilespmem:$0x1F3B0]  }
0x542: {  	v1 =	vadd.f32 v6, v1;
	v6 =	vld [tilespmem:$0x1F590]  }
0x543: {  	v2 =	vadd.f32 v4, v2;
	v4 =	vmul.f32 v7, v12  }
0x544: {  	v7 =	vld [tilespmem:$0x1F510];
	v8 =	vmul.f32 v13, v8  }
0x545: {  	v2 =	vadd.f32 v4, v2;
	v4 =	vld [tilespmem:$0x1FD30]  }
0x546: {  	v3 =	vadd.f32 v8, v3;
	v8 =	vld [tilespmem:$0x1F3A0]  }
0x547: {  	v5 =	vmul.f32 v9, v5;
	v0 =	vadd.f32 v6, v0;
	v6 =	vld [tilespmem:$0x1F390];
	_ =	sdelay $0x1  }
0x548: {  	v1 =	vadd.f32 v7, v1;
	v7 =	vld [tilespmem:$0x1F540];
	v3 =	vadd.f32 v5, v3;
	v5 =	vmov s30  }
0x549: {  	v5 =	vshll.u32 v5, $0x6  }
0x54a: {  	v11 =	vor.u32 v4, v5;
	v4 =	vld [tilespmem:$0x1FF30]  }
0x54b: {  	v6 =	vmul.f32 v8, v6;
	_ =	sdelay $0x1  }
0x54c: {  	v0 =	vadd.f32 v7, v0;
	v3 =	vadd.f32 v6, v3;
	_ =	sdelay $0x1  }
0x54d: {  	v0 =	vadd.f32 v0, v1;
	v4 =	vor.u32 v4, v11;
	v1 =	vadd.f32 v2, v3;
	v2 =	vld [tilespmem:$0x1FF40];
	_ =	sdelay $0x1  }
0x54e: {  	v0 =	vadd.f32 v1, v0  }
0x54f: {  	s29 =	sadd.s32 $0x10, s29  }
0x550: {  	[tilespmem:s29+$0x0] =	vst v0  }
0x551: {  	v2 =	vor.u32 v2, v11;
	v3 =	vld.idx.msk [tilespmem:v4+s19+$0x0], $0xffff  }
0x552: {  	v1 =	vld [tilespmem:$0x1FF50];
	_ =	sdelay $0x3  }
0x553: {  	[tilespmem:$0x1F100] =	vst v3;
	v3 =	vld.idx.msk [tilespmem:v2+s18+$0x0], $0xffff  }
0x554: {  	v1 =	vor.u32 v1, v11;
	v2 =	vld.idx.msk [tilespmem:v2+s19+$0x0], $0xffff  }
0x555: {  	v0 =	vld [tilespmem:$0x1F910];
	_ =	sdelay $0x3  }
0x556: {  	[tilespmem:$0x1F120] =	vst v2;
	v2 =	vld.idx.msk [tilespmem:v1+s18+$0x0], $0xffff  }
0x557: {  	v0 =	vor.u32 v0, v11;
	v1 =	vld.idx.msk [tilespmem:v1+s19+$0x0], $0xffff  }
0x558: {  	[tilespmem:$0x1F110] =	vst v3;
	v3 =	vld [tilespmem:$0x1FF10];
	_ =	sdelay $0x2  }
0x559: {  	[tilespmem:$0x1F390] =	vst v2;
	v2 =	vld [tilespmem:$0x1FF20]  }
0x55a: {  	[tilespmem:$0x1F3A0] =	vst v1;
	v1 =	vld.idx.msk [tilespmem:v0+s18+$0x0], $0xffff  }
0x55b: {  	v3 =	vor.u32 v3, v11;
	v0 =	vld.idx.msk [tilespmem:v0+s19+$0x0], $0xffff;
	_ =	sdelay $0x2  }
0x55c: {  	v2 =	vor.u32 v2, v11  }
0x55d: {  	[tilespmem:$0x1F130] =	vst v1;
	v1 =	vld [tilespmem:$0x1FF00]  }
0x55e: {  	[tilespmem:$0x1F140] =	vst v0;
	v0 =	vld.idx.msk [tilespmem:v3+s18+$0x0], $0xffff;
	_ =	sdelay $0x1  }
0x55f: {  	v24 =	vld.idx.msk [tilespmem:v3+s19+$0x0], $0xffff  }
0x560: {  	v3 =	vld.idx.msk [tilespmem:v2+s18+$0x0], $0xffff  }
0x561: {  	v1 =	vor.u32 v1, v11;
	v2 =	vld.idx.msk [tilespmem:v2+s19+$0x0], $0xffff  }
0x562: {  	[tilespmem:$0x1F150] =	vst v0;
	v0 =	vld [tilespmem:$0x1F940];
	_ =	sdelay $0x3  }
0x563: {  	[tilespmem:$0x1F3C0] =	vst v2;
	v2 =	vld.idx.msk [tilespmem:v1+s18+$0x0], $0xffff  }
0x564: {  	v0 =	vor.u32 v0, v11;
	v1 =	vld.idx.msk [tilespmem:v1+s19+$0x0], $0xffff  }
0x565: {  	[tilespmem:$0x1F3B0] =	vst v3;
	v3 =	vld [tilespmem:$0x1F960];
	_ =	sdelay $0x3  }
0x566: {  	[tilespmem:$0x1F170] =	vst v1;
	v1 =	vld.idx.msk [tilespmem:v0+s18+$0x0], $0xffff  }
0x567: {  	v3 =	vor.u32 v3, v11;
	v0 =	vld.idx.msk [tilespmem:v0+s19+$0x0], $0xffff;
	_ =	sdelay $0x4  }
0x568: {  	[tilespmem:$0x1F190] =	vst v0;
	v0 =	vld.idx.msk [tilespmem:v3+s18+$0x0], $0xffff;
	_ =	sdelay $0x1  }
0x569: {  	[tilespmem:$0x1F160] =	vst v2;
	v2 =	vld [tilespmem:$0x1FFF0]  }
0x56a: {  	[tilespmem:$0x1F180] =	vst v1;
	v1 =	vld [tilespmem:$0x1FEE0];
	_ =	sdelay $0x1  }
0x56b: {  	[tilespmem:$0x1F3D0] =	vst v0;
	v0 =	vld [tilespmem:$0x1FEF0];
	_ =	sdelay $0x1  }
0x56c: {  	v2 =	vor.u32 v2, v11  }
0x56d: {  	v1 =	vor.u32 v1, v11;
	_ =	sdelay $0x1  }
0x56e: {  	v0 =	vor.u32 v0, v11  }
0x56f: {  	v3 =	vld.idx.msk [tilespmem:v3+s19+$0x0], $0xffff  }
0x570: {  	v32 =	vld.idx.msk [tilespmem:v2+s18+$0x0], $0xffff  }
0x571: {  	v34 =	vld.idx.msk [tilespmem:v1+s18+$0x0], $0xffff  }
0x572: {  	v35 =	vld.idx.msk [tilespmem:v1+s19+$0x0], $0xffff  }
0x573: {  	v1 =	vld.idx.msk [tilespmem:v0+s18+$0x0], $0xffff  }
0x574: {  	[tilespmem:$0x1F3E0] =	vst v3;
	v3 =	vld [tilespmem:$0x1FFB0]  }
0x575: {  	v33 =	vld.idx.msk [tilespmem:v2+s19+$0x0], $0xffff  }
0x576: {  	v2 =	vld [tilespmem:$0x1FFC0];
	_ =	sdelay $0x1  }
0x577: {  	[tilespmem:$0x1F3F0] =	vst v1;
	v1 =	vld [tilespmem:$0x1FFD0]  }
0x578: {  	v3 =	vor.u32 v3, v11;
	_ =	sdelay $0x1  }
0x579: {  	v2 =	vor.u32 v2, v11;
	_ =	sdelay $0x1  }
0x57a: {  	v0 =	vld.idx.msk [tilespmem:v0+s19+$0x0], $0xffff;
	v1 =	vor.u32 v1, v11  }
0x57b: {  	v36 =	vld.idx.msk [tilespmem:v3+s18+$0x0], $0xffff  }
0x57c: {  	v39 =	vld.idx.msk [tilespmem:v3+s19+$0x0], $0xffff  }
0x57d: {  	v42 =	vld.idx.msk [tilespmem:v2+s18+$0x0], $0xffff  }
0x57e: {  	v43 =	vld.idx.msk [tilespmem:v2+s19+$0x0], $0xffff  }
0x57f: {  	v2 =	vld.idx.msk [tilespmem:v1+s18+$0x0], $0xffff  }
0x580: {  	v3 =	vld [tilespmem:$0x1FF80];
	_ =	sdelay $0x2  }
0x581: {  	[tilespmem:$0x1F400] =	vst v0;
	v0 =	vld [tilespmem:$0x1FF70]  }
0x582: {  	[tilespmem:$0x1F410] =	vst v2;
	v2 =	vld [tilespmem:$0x1FF90]  }
0x583: {  	v3 =	vor.u32 v3, v11;
	_ =	sdelay $0x2  }
0x584: {  	v0 =	vor.u32 v0, v11  }
0x585: {  	v2 =	vor.u32 v2, v11  }
0x586: {  	v54 =	vld.idx.msk [tilespmem:v3+s18+$0x0], $0xffff  }
0x587: {  	v55 =	vld.idx.msk [tilespmem:v3+s19+$0x0], $0xffff  }
0x588: {  	v1 =	vld.idx.msk [tilespmem:v1+s19+$0x0], $0xffff  }
0x589: {  	v45 =	vld.idx.msk [tilespmem:v0+s18+$0x0], $0xffff  }
0x58a: {  	v3 =	vld.idx.msk [tilespmem:v2+s18+$0x0], $0xffff  }
0x58b: {  	v53 =	vld.idx.msk [tilespmem:v0+s19+$0x0], $0xffff  }
0x58c: {  	v0 =	vld [tilespmem:$0x1FEC0];
	_ =	sdelay $0x2  }
0x58d: {  	[tilespmem:$0x1F430] =	vst v3;
	v3 =	vld [tilespmem:$0x1FED0]  }
0x58e: {  	[tilespmem:$0x1F420] =	vst v1;
	v1 =	vld [tilespmem:$0x1FEB0]  }
0x58f: {  	v0 =	vor.u32 v0, v11;
	_ =	sdelay $0x2  }
0x590: {  	v3 =	vor.u32 v3, v11  }
0x591: {  	v1 =	vor.u32 v1, v11  }
0x592: {  	v57 =	vld.idx.msk [tilespmem:v0+s18+$0x0], $0xffff  }
0x593: {  	v37 =	vld.idx.msk [tilespmem:v0+s19+$0x0], $0xffff  }
0x594: {  	v2 =	vld.idx.msk [tilespmem:v2+s19+$0x0], $0xffff  }
0x595: {  	v0 =	vld.idx.msk [tilespmem:v3+s18+$0x0], $0xffff  }
0x596: {  	v56 =	vld.idx.msk [tilespmem:v1+s18+$0x0], $0xffff  }
0x597: {  	v58 =	vld.idx.msk [tilespmem:v1+s19+$0x0], $0xffff  }
0x598: {  	v1 =	vld [tilespmem:$0x1FE80];
	_ =	sdelay $0x1  }
0x599: {  	[tilespmem:$0x1F450] =	vst v0;
	v0 =	vld [tilespmem:$0x1FE90]  }
0x59a: {  	[tilespmem:$0x1F440] =	vst v2;
	v2 =	vld [tilespmem:$0x1FE70];
	_ =	sdelay $0x1  }
0x59b: {  	v1 =	vor.u32 v1, v11;
	_ =	sdelay $0x1  }
0x59c: {  	v0 =	vor.u32 v0, v11  }
0x59d: {  	v2 =	vor.u32 v2, v11;
	_ =	sdelay $0x1  }
0x59e: {  	v41 =	vld.idx.msk [tilespmem:v1+s18+$0x0], $0xffff  }
0x59f: {  	v47 =	vld.idx.msk [tilespmem:v1+s19+$0x0], $0xffff  }
0x5a0: {  	v1 =	vld.idx.msk [tilespmem:v0+s18+$0x0], $0xffff  }
0x5a1: {  	v38 =	vld.idx.msk [tilespmem:v2+s18+$0x0], $0xffff  }
0x5a2: {  	v40 =	vld.idx.msk [tilespmem:v2+s19+$0x0], $0xffff  }
0x5a3: {  	v2 =	vld [tilespmem:$0x1FE40];
	_ =	sdelay $0x1  }
0x5a4: {  	[tilespmem:$0x1F470] =	vst v1;
	v1 =	vld [tilespmem:$0x1FE50];
	_ =	sdelay $0x1  }
0x5a5: {  	v3 =	vld.idx.msk [tilespmem:v3+s19+$0x0], $0xffff  }
0x5a6: {  	v2 =	vor.u32 v2, v11;
	_ =	sdelay $0x1  }
0x5a7: {  	v1 =	vor.u32 v1, v11;
	_ =	sdelay $0x1  }
0x5a8: {  	[tilespmem:$0x1F460] =	vst v3;
	v3 =	vld [tilespmem:$0x1FE30]  }
0x5a9: {  	v51 =	vld.idx.msk [tilespmem:v2+s18+$0x0], $0xffff  }
0x5aa: {  	v59 =	vld.idx.msk [tilespmem:v2+s19+$0x0], $0xffff  }
0x5ab: {  	v2 =	vld.idx.msk [tilespmem:v1+s18+$0x0], $0xffff  }
0x5ac: {  	v0 =	vld.idx.msk [tilespmem:v0+s19+$0x0], $0xffff;
	_ =	sdelay $0x2  }
0x5ad: {  	v1 =	vld.idx.msk [tilespmem:v1+s19+$0x0], $0xffff  }
0x5ae: {  	[tilespmem:$0x1F490] =	vst v2;
	v2 =	vld [tilespmem:$0x1FC20]  }
0x5af: {  	v3 =	vor.u32 v3, v11;
	[tilespmem:$0x1F480] =	vst v0;
	v0 =	vld [tilespmem:$0x1FE00];
	_ =	sdelay $0x3  }
0x5b0: {  	[tilespmem:$0x1F4A0] =	vst v1;
	v1 =	vld [tilespmem:$0x1FDD0];
	v2 =	vor.u32 v2, v11  }
0x5b1: {  	v48 =	vld.idx.msk [tilespmem:v3+s18+$0x0], $0xffff;
	v0 =	vor.u32 v0, v11  }
0x5b2: {  	v52 =	vld.idx.msk [tilespmem:v3+s19+$0x0], $0xffff  }
0x5b3: {  	v3 =	vld [tilespmem:$0x1FE10]  }
0x5b4: {  	v27 =	vld.idx.msk [tilespmem:v4+s18+$0x0], $0xffff  }
0x5b5: {  	v4 =	vor.u32 v1, v11;
	v1 =	vld.idx.msk [tilespmem:v2+s18+$0x0], $0xffff  }
0x5b6: {  	v61 =	vld.idx.msk [tilespmem:v0+s18+$0x0], $0xffff  }
0x5b7: {  	v62 =	vld.idx.msk [tilespmem:v0+s19+$0x0], $0xffff  }
0x5b8: {  	v3 =	vor.u32 v3, v11;
	v0 =	vld [tilespmem:$0x1FDE0];
	_ =	sdelay $0x1  }
0x5b9: {  	[tilespmem:$0x1F4B0] =	vst v1;
	v1 =	vld [tilespmem:$0x1FC10];
	_ =	sdelay $0x2  }
0x5ba: {  	v63 =	vld.idx.msk [tilespmem:v3+s18+$0x0], $0xffff;
	v0 =	vor.u32 v0, v11  }
0x5bb: {  	v60 =	vld.idx.msk [tilespmem:v3+s19+$0x0], $0xffff  }
0x5bc: {  	v3 =	vor.u32 v1, v11;
	v1 =	vld.idx.msk [tilespmem:v2+s19+$0x0], $0xffff  }
0x5bd: {  	v2 =	vld [tilespmem:$0x1FDA0];
	_ =	sdelay $0x1  }
0x5be: {  	v5 =	vld.idx.msk [tilespmem:v0+s18+$0x0], $0xffff  }
0x5bf: {  	v8 =	vld.idx.msk [tilespmem:v0+s19+$0x0], $0xffff  }
0x5c0: {  	v0 =	vld.idx.msk [tilespmem:v3+s18+$0x0], $0xffff  }
0x5c1: {  	v2 =	vor.u32 v2, v11;
	_ =	sdelay $0x1  }
0x5c2: {  	v6 =	vld [tilespmem:$0x1FDB0];
	_ =	sdelay $0x1  }
0x5c3: {  	[tilespmem:$0x1F4D0] =	vst v0;
	v0 =	vld [tilespmem:$0x1FC00]  }
0x5c4: {  	v12 =	vld.idx.msk [tilespmem:v2+s18+$0x0], $0xffff  }
0x5c5: {  	v13 =	vld.idx.msk [tilespmem:v2+s19+$0x0], $0xffff  }
0x5c6: {  	v6 =	vor.u32 v6, v11;
	v2 =	vld [tilespmem:$0x1FBE0];
	_ =	sdelay $0x2  }
0x5c7: {  	v3 =	vld.idx.msk [tilespmem:v3+s19+$0x0], $0xffff  }
0x5c8: {  	v0 =	vor.u32 v0, v11  }
0x5c9: {  	v14 =	vld.idx.msk [tilespmem:v6+s18+$0x0], $0xffff;
	v2 =	vor.u32 v2, v11  }
0x5ca: {  	v15 =	vld.idx.msk [tilespmem:v6+s19+$0x0], $0xffff  }
0x5cb: {  	v6 =	vld [tilespmem:$0x1FBF0]  }
0x5cc: {  	[tilespmem:$0x1F4E0] =	vst v3;
	v3 =	vld [tilespmem:$0x1FBD0]  }
0x5cd: {  	v44 =	vld.idx.msk [tilespmem:v0+s18+$0x0], $0xffff  }
0x5ce: {  	v18 =	vld.idx.msk [tilespmem:v2+s18+$0x0], $0xffff  }
0x5cf: {  	v19 =	vld.idx.msk [tilespmem:v2+s19+$0x0], $0xffff  }
0x5d0: {  	v2 =	vld [tilespmem:$0x1FBC0]  }
0x5d1: {  	v3 =	vor.u32 v3, v11;
	v50 =	vld.idx.msk [tilespmem:v0+s19+$0x0], $0xffff  }
0x5d2: {  	v0 =	vld [tilespmem:$0x1FBA0];
	_ =	sdelay $0x1  }
0x5d3: {  	v6 =	vor.u32 v6, v11  }
0x5d4: {  	v10 =	vor.u32 v2, v11;
	v2 =	vld [tilespmem:$0x1FD50]  }
0x5d5: {  	v16 =	vld.idx.msk [tilespmem:v3+s18+$0x0], $0xffff  }
0x5d6: {  	v17 =	vld.idx.msk [tilespmem:v3+s19+$0x0], $0xffff;
	v0 =	vor.u32 v0, v11  }
0x5d7: {  	v3 =	vld [tilespmem:$0x1FBB0]  }
0x5d8: {  	v46 =	vld.idx.msk [tilespmem:v6+s18+$0x0], $0xffff  }
0x5d9: {  	v49 =	vld.idx.msk [tilespmem:v6+s19+$0x0], $0xffff;
	v6 =	vor.u32 v2, v11;
	_ =	sdelay $0x1  }
0x5da: {  	v20 =	vld.idx.msk [tilespmem:v0+s18+$0x0], $0xffff  }
0x5db: {  	v3 =	vor.u32 v3, v11;
	v21 =	vld.idx.msk [tilespmem:v0+s19+$0x0], $0xffff  }
0x5dc: {  	v2 =	vld [tilespmem:$0x1FD60]  }
0x5dd: {  	v23 =	vld.idx.msk [tilespmem:v6+s18+$0x0], $0xffff  }
0x5de: {  	v25 =	vld.idx.msk [tilespmem:v6+s19+$0x0], $0xffff  }
0x5df: {  	v6 =	vld [tilespmem:$0x1FCB0]  }
0x5e0: {  	v0 =	vld.idx.msk [tilespmem:v3+s18+$0x0], $0xffff  }
0x5e1: {  	v22 =	vor.u32 v2, v11;
	v2 =	vld.idx.msk [tilespmem:v3+s19+$0x0], $0xffff  }
0x5e2: {  	v3 =	vld [tilespmem:$0x1FB90];
	_ =	sdelay $0x1  }
0x5e3: {  	v26 =	vor.u32 v6, v11;
	v6 =	vld [tilespmem:$0x1FB70];
	_ =	sdelay $0x2  }
0x5e4: {  	v31 =	vor.u32 v3, v11;
	v3 =	vlaneseq.u32  }
0x5e5: {  	v30 =	vor.u32 v3, v11;
	v3 =	vld.idx.msk [tilespmem:v22+s18+$0x0], $0xffff  }
0x5e6: {  	v28 =	vor.u32 v6, v11;
	v6 =	vld.idx.msk [tilespmem:v22+s19+$0x0], $0xffff  }
0x5e7: {  	v22 =	vld [tilespmem:$0x1F100];
	_ =	sdelay $0x4  }
0x5e8: {  	v22 =	vmul.f32 v22, v27  }
0x5e9: {  	v27 =	vld [tilespmem:$0x1F120]  }
0x5ea: {  	[tilespmem:$0x1F510] =	vst v22;
	v22 =	vld [tilespmem:$0x1F110];
	_ =	sdelay $0x3  }
0x5eb: {  	v29 =	vld [tilespmem:$0x1F140]  }
0x5ec: {  	v22 =	vmul.f32 v27, v22;
	v27 =	vld [tilespmem:$0x1F130];
	_ =	sdelay $0x4  }
0x5ed: {  	v27 =	vmul.f32 v29, v27;
	_ =	sdelay $0x1  }
0x5ee: {  	[tilespmem:$0x1F570] =	vst v27;
	v27 =	vld [tilespmem:$0x1F150];
	_ =	sdelay $0x4  }
0x5ef: {  	v24 =	vmul.f32 v24, v27;
	_ =	sdelay $0x1  }
0x5f0: {  	[tilespmem:$0x1F590] =	vst v24;
	v24 =	vld [tilespmem:$0x1FB60];
	_ =	sdelay $0x4  }
0x5f1: {  	v29 =	vor.u32 v24, v11;
	v24 =	vld [tilespmem:$0x1FB80];
	_ =	sdelay $0x2  }
0x5f2: {  	v7 =	vld [tilespmem:$0x1F170]  }
0x5f3: {  	[tilespmem:$0x1F540] =	vst v22;
	v22 =	vld.idx.msk [tilespmem:v31+s18+$0x0], $0xffff  }
0x5f4: {  	v27 =	vor.u32 v24, v11;
	v24 =	vld.idx.msk [tilespmem:v31+s19+$0x0], $0xffff  }
0x5f5: {  	v31 =	vld [tilespmem:$0x1F160];
	_ =	sdelay $0x4  }
0x5f6: {  	v31 =	vmul.f32 v7, v31  }
0x5f7: {  	v7 =	vld [tilespmem:$0x1F180]  }
0x5f8: {  	[tilespmem:$0x1F5A0] =	vst v31;
	v31 =	vld [tilespmem:$0x1F190];
	_ =	sdelay $0x1  }
0x5f9: {  	p0 =	sne.s32 s30, $0x70  }
.Ltmp1:
0x5fa: {  	_ = 	snop;
	(pc) =	sbr.rel @p0 .LBB2_5-.Ltmp1, $4  }
0x5fb: {  	[tilespmem:$0x1F4C0] =	vst v1;
	v1 =	vld.idx.msk [tilespmem:v4+s18+$0x0], $0xffff  }
0x5fc: {  	v4 =	vld.idx.msk [tilespmem:v4+s19+$0x0], $0xffff;
	v7 =	vmul.f32 v31, v7  }
0x5fd: {  	v9 =	vld.idx.msk [tilespmem:v10+s18+$0x0], $0xffff  }
0x5fe: {  	s30 =	sadd.s32 $0x10, s30;
	v10 =	vld.idx.msk [tilespmem:v10+s19+$0x0], $0xffff;
	[tilespmem:$0x1F5B0] =	vst v7  }
0x5ff: {  	_ =	sdelay $0x3  }
0x600: {  	v31 =	vld.idx.msk [tilespmem:v30+s19+$0x0], $0xffff  }
0x601: {  	v30 =	vld.idx.msk [tilespmem:v30+s18+$0x0], $0xffff  }
0x602: {  	v7 =	vmul.f32 v35, v34;
	v34 =	vmul.f32 v53, v45;
	v53 =	vld [tilespmem:$0x1FD40]  }
0x603: {  	v38 =	vmul.f32 v40, v38;
	v40 =	vld.idx.msk [tilespmem:v28+s18+$0x0], $0xffff  }
0x604: {  	v28 =	vld.idx.msk [tilespmem:v28+s19+$0x0], $0xffff  }
0x605: {  	v33 =	vmul.f32 v33, v32;
	v35 =	vmul.f32 v55, v54;
	v55 =	vld [tilespmem:$0x1FD70]  }
0x606: {  	v41 =	vmul.f32 v47, v41;
	v47 =	vmul.f32 v62, v61;
	v62 =	vld.idx.msk [tilespmem:v27+s18+$0x0], $0xffff  }
0x607: {  	v32 =	vmul.f32 v43, v42;
	v42 =	vmul.f32 v52, v48;
	v52 =	vld [tilespmem:$0x1FD80]  }
0x608: {  	v37 =	vmul.f32 v37, v57;
	v57 =	vld [tilespmem:$0x1FD90]  }
0x609: {  	v45 =	vmul.f32 v59, v51;
	v59 =	vld [tilespmem:$0x1FF60]  }
0x60a: {  	v61 =	vld [tilespmem:$0x1F4B0]  }
0x60b: {  	v54 =	vld [tilespmem:$0x1FE00]  }
0x60c: {  	v5 =	vmul.f32 v8, v5;
	v48 =	vld [tilespmem:$0x1FE30]  }
0x60d: {  	v8 =	vmul.f32 v13, v12;
	v13 =	vmul.f32 v15, v14;
	v51 =	vld [tilespmem:$0x1FE40]  }
0x60e: {  	v22 =	vmul.f32 v24, v22;
	v1 =	vmul.f32 v4, v1;
	v4 =	vld.idx.msk [tilespmem:v27+s19+$0x0], $0xffff  }
0x60f: {  	v24 =	vld [tilespmem:$0x1FE80];
	[tilespmem:$0x1F0E0] =	vst v7;
	v7 =	vmul.f32 v39, v36;
	v36 =	vmul.f32 v58, v56;
	v58 =	vor.u32 v53, v11  }
0x610: {  	v14 =	vmul.f32 v17, v16;
	v56 =	vmul.f32 v60, v63;
	v60 =	vld [tilespmem:$0x1FFA0]  }
0x611: {  	v17 =	vmul.f32 v19, v18;
	v18 =	vmul.f32 v21, v20;
	v39 =	vld [tilespmem:$0x1FF90];
	v43 =	vor.u32 v55, v11  }
0x612: {  	v21 =	vmul.f32 v25, v23;
	v23 =	vmul.f32 v28, v40;
	v40 =	vld [tilespmem:$0x1FEB0]  }
0x613: {  	v4 =	vmul.f32 v4, v62;
	v62 =	vld [tilespmem:$0x1FFE0]  }
0x614: {  	v27 =	vor.u32 v52, v11;
	v12 =	vld.idx.msk [tilespmem:v58+s18+$0x0], $0xffff  }
0x615: {  	v15 =	vld.idx.msk [tilespmem:v58+s19+$0x0], $0xffff  }
0x616: {  	v19 =	vld.idx.msk [tilespmem:v43+s18+$0x0], $0xffff  }
0x617: {  	v16 =	vor.u32 v57, v11;
	v20 =	vld.idx.msk [tilespmem:v43+s19+$0x0], $0xffff  }
0x618: {  	v58 =	vmul.f32 v31, v30;
	v30 =	vld [tilespmem:$0x1FDC0]  }
0x619: {  	v28 =	vld.idx.msk [tilespmem:v27+s18+$0x0], $0xffff  }
0x61a: {  	v3 =	vmul.f32 v6, v3;
	v6 =	vld.idx.msk [tilespmem:v27+s19+$0x0], $0xffff  }
0x61b: {  	v31 =	vld [tilespmem:$0x1FDF0]  }
0x61c: {  	v27 =	vld.idx.msk [tilespmem:v16+s18+$0x0], $0xffff  }
0x61d: {  	v0 =	vmul.f32 v2, v0;
	v4 =	vadd.f32 $0.0e+00, v4;
	v16 =	vld.idx.msk [tilespmem:v16+s19+$0x0], $0xffff;
	v2 =	vadd.f32 $0.0e+00, v58  }
0x61e: {  	v43 =	vld [tilespmem:$0x1FED0]  }
0x61f: {  	v9 =	vmul.f32 v10, v9;
	v4 =	vadd.f32 v22, v4;
	v2 =	vadd.f32 v21, v2;
	v21 =	vld [tilespmem:$0x1FE20]  }
0x620: {  	v22 =	vld [tilespmem:$0x1FE60];
	v25 =	vor.u32 v30, v11  }
0x621: {  	v58 =	vld [tilespmem:$0x1FDD0];
	v4 =	vadd.f32 v9, v4;
	v12 =	vmul.f32 v15, v12  }
0x622: {  	v15 =	vadd.f32 $0.0e+00, v23;
	v23 =	vor.u32 v31, v11;
	v9 =	vmul.f32 v16, v27;
	v27 =	vld [tilespmem:$0x1FF00]  }
0x623: {  	v6 =	vmul.f32 v6, v28;
	v28 =	vld [tilespmem:$0x1FF10]  }
0x624: {  	v10 =	vor.u32 v21, v11;
	v21 =	vld [tilespmem:$0x1FFC0]  }
0x625: {  	v2 =	vadd.f32 v18, v2;
	v3 =	vadd.f32 v3, v15;
	v15 =	vld.idx.msk [tilespmem:v25+s18+$0x0], $0xffff  }
0x626: {  	v19 =	vmul.f32 v20, v19;
	v12 =	vadd.f32 $0.0e+00, v12;
	v18 =	vld.idx.msk [tilespmem:v25+s19+$0x0], $0xffff  }
0x627: {  	v2 =	vadd.f32 v14, v2;
	v20 =	vld.idx.msk [tilespmem:v23+s18+$0x0], $0xffff  }
0x628: {  	v12 =	vadd.f32 v19, v12;
	v0 =	vadd.f32 v0, v3;
	v25 =	vld [tilespmem:$0x1FEA0]  }
0x629: {  	v2 =	vadd.f32 v8, v2;
	v8 =	vor.u32 v59, v11;
	v59 =	vld [tilespmem:$0x1FDE0]  }
0x62a: {  	v19 =	vor.u32 v22, v11;
	v6 =	vadd.f32 v6, v12;
	v12 =	vld.idx.msk [tilespmem:v23+s19+$0x0], $0xffff;
	v0 =	vadd.f32 v17, v0  }
0x62b: {  	v3 =	vmul.f32 v49, v46;
	v17 =	vld [tilespmem:$0x1F740]  }
0x62c: {  	v0 =	vadd.f32 v13, v0;
	v13 =	vld [tilespmem:$0x1F4D0]  }
0x62d: {  	v16 =	vmul.f32 v50, v44;
	v3 =	vadd.f32 v3, v4;
	v4 =	vadd.f32 v9, v6;
	v6 =	vld.idx.msk [tilespmem:v10+s18+$0x0], $0xffff  }
0x62e: {  	v10 =	vld.idx.msk [tilespmem:v10+s19+$0x0], $0xffff  }
0x62f: {  	v3 =	vadd.f32 v16, v3;
	v16 =	vld.idx.msk [tilespmem:v19+s19+$0x0], $0xffff;
	v9 =	vmul.f32 v18, v15  }
0x630: {  	v14 =	vor.u32 v25, v11;
	v15 =	vld [tilespmem:$0x1F4E0]  }
0x631: {  	v0 =	vadd.f32 v5, v0;
	v5 =	vld [tilespmem:$0x1F4C0];
	v4 =	vadd.f32 v9, v4;
	v9 =	vmul.f32 v12, v20  }
0x632: {  	v18 =	vld [tilespmem:$0x1F750]  }
0x633: {  	v4 =	vadd.f32 v9, v4;
	v9 =	vld.idx.msk [tilespmem:v8+s18+$0x0], $0xffff  }
0x634: {  	v6 =	vmul.f32 v10, v6;
	v10 =	vld [tilespmem:$0x1F490]  }
0x635: {  	v12 =	vor.u32 v60, v11;
	v13 =	vmul.f32 v15, v13;
	v15 =	vld.idx.msk [tilespmem:v19+s18+$0x0], $0xffff  }
0x636: {  	v1 =	vadd.f32 v1, v2;
	v2 =	vmul.f32 v5, v61;
	v5 =	vld.idx.msk [tilespmem:v14+s18+$0x0], $0xffff  }
0x637: {  	v3 =	vadd.f32 v13, v3;
	v13 =	vld [tilespmem:$0x1F4A0]  }
0x638: {  	v14 =	vld.idx.msk [tilespmem:v14+s19+$0x0], $0xffff  }
0x639: {  	v8 =	vld.idx.msk [tilespmem:v8+s19+$0x0], $0xffff  }
0x63a: {  	v2 =	vadd.f32 v2, v3;
	v3 =	vadd.f32 v6, v4;
	v6 =	vld.idx.msk [tilespmem:v12+s18+$0x0], $0xffff  }
0x63b: {  	v17 =	vor.u32 v17, v11;
	v4 =	vmul.f32 v16, v15;
	v15 =	vld [tilespmem:$0x1F480]  }
0x63c: {  	v18 =	vor.u32 v18, v11;
	v11 =	vor.u32 v62, v11;
	v10 =	vmul.f32 v13, v10;
	v13 =	vld [tilespmem:$0x1F470]  }
0x63d: {  	v3 =	vadd.f32 v4, v3;
	v4 =	vmul.f32 v14, v5;
	v14 =	vld [tilespmem:$0x1F460]  }
0x63e: {  	v2 =	vadd.f32 v10, v2;
	v10 =	vld [tilespmem:$0x1F450]  }
0x63f: {  	v12 =	vld.idx.msk [tilespmem:v12+s19+$0x0], $0xffff  }
0x640: {  	v23 =	vld [tilespmem:$0x1FE70]  }
0x641: {  	v5 =	vld.idx.msk [tilespmem:v11+s18+$0x0], $0xffff;
	v13 =	vmul.f32 v15, v13  }
0x642: {  	v3 =	vadd.f32 v4, v3;
	v4 =	vmul.f32 v8, v9;
	v9 =	vld [tilespmem:$0x1F430]  }
0x643: {  	v1 =	vadd.f32 v47, v1;
	v10 =	vmul.f32 v14, v10;
	v2 =	vadd.f32 v13, v2;
	v13 =	vld [tilespmem:$0x1F440]  }
0x644: {  	v3 =	vadd.f32 v4, v3;
	v4 =	vmul.f32 v12, v6;
	v12 =	vld [tilespmem:$0x1F420]  }
0x645: {  	v1 =	vadd.f32 v42, v1;
	v2 =	vadd.f32 v10, v2;
	v10 =	vld [tilespmem:$0x1F410]  }
0x646: {  	v11 =	vld.idx.msk [tilespmem:v11+s19+$0x0], $0xffff  }
0x647: {  	v1 =	vadd.f32 v38, v1;
	v8 =	vld.idx.msk [tilespmem:v18+s18+$0x0], $0xffff  }
0x648: {  	v9 =	vmul.f32 v13, v9;
	v13 =	vld.idx.msk [tilespmem:v18+s19+$0x0], $0xffff  }
0x649: {  	v1 =	vadd.f32 v36, v1;
	v6 =	vld.idx.msk [tilespmem:v17+s18+$0x0], $0xffff  }
0x64a: {  	v0 =	vadd.f32 v56, v0;
	v10 =	vmul.f32 v12, v10;
	v12 =	vld.idx.msk [tilespmem:v17+s19+$0x0], $0xffff  }
0x64b: {  	v47 =	vld [tilespmem:$0x1FE90];
	v1 =	vadd.f32 v34, v1;
	v3 =	vadd.f32 v4, v3;
	v4 =	vmul.f32 v11, v5  }
0x64c: {  	v25 =	vld [tilespmem:$0x1FF30];
	v0 =	vadd.f32 v45, v0  }
0x64d: {  	v1 =	vadd.f32 v7, v1;
	v7 =	vld [tilespmem:$0x1F3F0];
	v3 =	vadd.f32 v4, v3;
	v4 =	vmul.f32 v13, v8  }
0x64e: {  	v0 =	vadd.f32 v41, v0;
	v2 =	vadd.f32 v9, v2;
	v9 =	vld [tilespmem:$0x1F400]  }
0x64f: {  	v3 =	vadd.f32 v4, v3;
	v4 =	vmul.f32 v12, v6;
	v6 =	vld [tilespmem:$0x1F5A0]  }
0x650: {  	v42 =	vld [tilespmem:$0x1FEC0];
	v0 =	vadd.f32 v37, v0  }
0x651: {  	v2 =	vadd.f32 v10, v2;
	v10 =	vld [tilespmem:$0x1F0E0]  }
0x652: {  	v0 =	vadd.f32 v35, v0;
	v1 =	vadd.f32 v33, v1;
	v5 =	vld.idx.msk [tilespmem:v29+s18+$0x0], $0xffff  }
0x653: {  	v7 =	vmul.f32 v9, v7;
	v9 =	vld.idx.msk [tilespmem:v29+s19+$0x0], $0xffff  }
0x654: {  	v0 =	vadd.f32 v32, v0;
	v1 =	vadd.f32 v6, v1;
	v6 =	vld [tilespmem:$0x1F5B0]  }
0x655: {  	v11 =	vld [tilespmem:$0x1F3E0]  }
0x656: {  	v0 =	vadd.f32 v10, v0;
	v10 =	vld [tilespmem:$0x1F3D0]  }
0x657: {  	v2 =	vadd.f32 v7, v2;
	v7 =	vld [tilespmem:$0x1F3C0]  }
0x658: {  	v3 =	vadd.f32 v4, v3;
	v4 =	vmul.f32 v9, v5;
	v5 =	vld [tilespmem:$0x1F570]  }
0x659: {  	v0 =	vadd.f32 v6, v0;
	v6 =	vld [tilespmem:$0x1F3B0]  }
0x65a: {  	v20 =	vld [tilespmem:$0x1FD50]  }
0x65b: {  	v56 =	vld [tilespmem:$0x1FE10]  }
0x65c: {  	v38 =	vld [tilespmem:$0x1FF80];
	v10 =	vmul.f32 v11, v10  }
0x65d: {  	v1 =	vadd.f32 v5, v1;
	v5 =	vld [tilespmem:$0x1F590]  }
0x65e: {  	v61 =	vld [tilespmem:$0x1FDA0];
	v2 =	vadd.f32 v10, v2;
	v6 =	vmul.f32 v7, v6  }
0x65f: {  	v8 =	vld.idx.msk [tilespmem:v26+s18+$0x0], $0xffff  }
0x660: {  	v2 =	vadd.f32 v6, v2;
	v6 =	vld [tilespmem:$0x1F510]  }
0x661: {  	v11 =	vld.idx.msk [tilespmem:v26+s19+$0x0], $0xffff  }
0x662: {  	v0 =	vadd.f32 v5, v0;
	v5 =	vld [tilespmem:$0x1F390]  }
0x663: {  	v7 =	vld [tilespmem:$0x1F3A0]  }
0x664: {  	v19 =	vmov v53;
	v53 =	vld [tilespmem:$0x1FE50]  }
0x665: {  	v1 =	vadd.f32 v6, v1;
	v6 =	vld [tilespmem:$0x1F540]  }
0x666: {  	v36 =	vld [tilespmem:$0x1FF70]  }
0x667: {  	v16 =	vld [tilespmem:$0x1FD60];
	v3 =	vadd.f32 v4, v3;
	v4 =	vmul.f32 v11, v8  }
0x668: {  	v35 =	vld [tilespmem:$0x1FFD0];
	v5 =	vmul.f32 v7, v5  }
0x669: {  	v33 =	vld [tilespmem:$0x1FFB0];
	v3 =	vadd.f32 v4, v3  }
0x66a: {  	v32 =	vld [tilespmem:$0x1FEF0];
	v2 =	vadd.f32 v5, v2;
	v0 =	vadd.f32 v6, v0  }
0x66b: {  	s26 =	sadd.s32 $0x1, s26;
	v13 =	vmov v30;
	v30 =	vld [tilespmem:$0x1FEE0]  }
0x66c: {  	p0 =	sne.s32 s26, $0x4F;
	v12 =	vld [tilespmem:$0x1FD30];
	v63 =	vadd.f32 v3, v2;
	v0 =	vadd.f32 v0, v1  }
.Ltmp2:
0x66d: {  	v29 =	vld [tilespmem:$0x1FF40];
	(pc) =	sbr.rel @p0 .LBB2_2-.Ltmp2, $4  }
0x66e: {  	s2 =	sadd.s32 s4, s28;
	v9 =	vld [tilespmem:$0x1FF20];
	v0 =	vadd.f32 v63, v0  }
0x66f: {  	s31 =	sadd.s32 $0x10, s29;
	s2 =	sshrl.u32 s2, $0x3;
	v10 =	vld [tilespmem:$0x1FFF0]  }
0x670: {  	s2 =	sadd.s32 s5, s2;
	v4 =	vld [tilespmem:$0x1FF50];
	[tilespmem:s31+$0x0] =	vst v0  }
0x671: {  	v14 =	vmov v31;
	v17 =	vmov v57;
	v63 =	vld [tilespmem:$0x1FDB0];
	[hbm4b:s2+s3] =	stream.linear.scatter [tilespmem:s22], [sflag:$0x4], $0x80, $0x38  }
0x672: {  	s25 =	sadd.s32 $0x1, s25  }
0x673: {  	_ =	swait.ge [sflag:s23], $0x80;
	p0 =	sne.s32 s25, s10  }
.Ltmp3:
0x674: {  	[sflag:s23] =	ssyncset.done $0x0;
	(pc) =	sbr.rel @p0 .LBB2_1-.Ltmp3, $4  }
0x675: {  	[sflag:s23] =	ssyncadd.s32 $0xFFFFFF80  }
0x676: {  	_ =	swait.ge [sflag:s24], $0x80  }
0x677: {  	[sflag:s24] =	ssyncset.done $0x0  }
0x678: {  	[sflag:s24] =	ssyncadd.s32 $0xFFFFFF80  }
0x679: {  	_ =	sfence.sel $0x180000  }
0x67a: {  	[bflag:$0x0] =	sbarrier.arrive $0xFFFF  }
0x67b: {  	_ =	strace $0x90000053  }
0x67c: {  	[bflag:$0x2] =	sbarrier.arrive $0xFFFF  }
0x67d: {  	p0 =	sne.s32 s0, $0x0;
	s0 =	rddreg [dreg:$0x2]  }
0x67e: {  	s0 =	sadd.s32 @!p0 $0x100000, s0  }
0x67f: {  	[sflag:s0] =	ssyncadd.tile.s32 @!p0 $0x1;
	_ =	shalt  }
.Lfunc_end2:
_tile_overlayer_lowered:
.L_overlay_start_2:
0x680: {  	(tag) =	ssettag $0x2  }
0x681: {  	s0 =	rddreg [dreg:$0x0];
	s2 =	stileid.u32  }
0x682: {  	s1 =	rddreg [dreg:$0x1];
	p0 =	sne.s32 s2, $0x0  }
0x683: {  	s3 =	rddreg [dreg:$0x2];
	[bflag:$0x3] =	sbarrier.arrive $0xFFFF;
	s2 =	simm.s32 @!p0 $0x1C05  }
0x684: {  	[timem:s3], [sflag:s2] =	dma.local @!p0 [hbm:s0], s1  }
0x685: {  	s0 =	simm.s32 @!p0 $0x5  }
0x686: {  	_ =	swait.ge @!p0 [sflag:s0], s1  }
0x687: {  	s1 =	ssub.s32 @!p0 $0x0, s1;
	[sflag:s0] =	ssyncset.done @!p0 $0x0  }
0x688: {  	[sflag:s0] =	ssyncadd.s32 @!p0 s1  }
0x689: {  	[bflag:$0x3] =	sbarrier.arrive $0xFFFF  }
0x68a: {  	_ =	shalt  }

// kernel: kernel.6.cloned.1.call-start
scs
__scs_entry_jumppad:
0x0: {  	(pc) =	sbr.rel $0x88, $3  }
0x1: {  	(tag) =	ssettag $0x0;
	lr =	simm.s32 $0x1  }
0x2: {  	[smem:$0x3F9A] =	sst lr;
	_ =	strace $0xD0000000  }
0x3: {  	_ = 	snop  }
0x4: {  	_ = 	snop  }
0x5: {  	_ = 	snop  }
0x6: {  	_ = 	snop  }
0x7: {  	_ = 	snop  }
__scs_overlays_trampoline_lowered:
0x8: {  	[smem:$0x3FA9] =	sst s0  }
0x9: {  	[smem:$0x3FAA] =	sst s1  }
0xa: {  	[smem:$0x3FAB] =	sst s2  }
0xb: {  	[smem:$0x3FAC] =	sst s3  }
0xc: {  	[smem:$0x3FAD] =	sst s4  }
0xd: {  	[smem:$0x3FAE] =	sst s5  }
0xe: {  	[smem:$0x3FAF] =	sst s6  }
0xf: {  	[smem:$0x3FB0] =	sst s7  }
0x10: {  	[smem:$0x3FB1] =	sst s8  }
0x11: {  	[smem:$0x3FB2] =	sst s9;
	s0 =	simm.s32 @!p0 $0x0  }
0x12: {  	s1 =	sld [smem:$0x3F98];
	s0 =	simm.s32 @p0 $0x1  }
0x13: {  	[smem:$0x3FB3] =	sst s0;
	s0 =	simm.s32 @!p1 $0x0  }
0x14: {  	s2 =	sld [smem:$0x3F97];
	s0 =	simm.s32 @p1 $0x1  }
0x15: {  	[smem:$0x3FB4] =	sst s0;
	s0 =	simm.s32 @!p2 $0x0  }
0x16: {  	s3 =	sld [smem:$0x3FDB];
	s0 =	simm.s32 @p2 $0x1  }
0x17: {  	s4 =	simm.s32 $0x1BF5;
	[smem:$0x3FB6] =	sst s0  }
0x18: {  	s0 =	sld [smem:$0x3F99];
	_ =	swait.ge [sflag:s4], $0x0  }
0x19: {  	s7 =	sld [smem:$0x3F9A]  }
0x1a: {  	s8 =	sadd.s32 $0xFFFFE003, lr  }
0x1b: {  	s9 =	sadd.s32 $0xFFFFFEF7, lr;
	s5 =	simm.s32 $0xFFFFFFFF;
	p2 =	slt.u32 s8, $0xFFFFF086  }
0x1c: {  	p1 =	slt.u32 s9, $0xF7A;
	s5 =	simm.s32 @!p2 $0x0  }
0x1d: {  	s5 =	simm.s32 @p1 $0x1;
	p0 =	seq.s32 s7, s2  }
0x1e: {  	s7 =	smul.u32 @!p0 $0xF7A, s2;
	p2 =	seq.s32 @!p0 s5, $0x0  }
0x1f: {  	s9 =	smul.u32 $0xF7A, s1;
	s8 =	simm.s32 @!p0 $0x1BF5;
	p2 =	por !p2, p0  }
0x20: {  	[sflag:s8] =	ssyncset.s32 @!p0 $0xFFFFF086;
	s6 =	sadd.s32 @!p0 s3, s7;
	s7 =	simm.s32 @!p0 $0x108  }
0x21: {  	s3 =	sadd.s32 s3, s9;
	s6 =	sadd.s32 @!p0 $0x88, s6;
	s7 =	simm.s32 @p2 $0x1082  }
0x22: {  	[simem:s7], [sflag:s8] =	dma.local @!p0 [hbm:s6], $0xF7A  }
0x23: {  	s9 =	sor.u32 $0xD0000000, s2;
	s6 =	simm.s32 $0x108;
	_ =	swait.ge @!p0 [sflag:s8], $0x0  }
0x24: {  	s3 =	sadd.s32 $0x88, s3;
	s6 =	simm.s32 @!p1 $0x1082;
	[sflag:s4] =	ssyncset.s32 $0xFFFFF086  }
0x25: {  	[simem:s6], [sflag:s4] =	dma.local [hbm:s3], $0xF7A  }
0x26: {  	[smem:$0x3F9A] =	sst s1;
	(tag) =	ssettag s2;
	_ =	strace s9  }
0x27: {  	s1 =	sld [smem:$0x3FAA]  }
0x28: {  	s2 =	sld [smem:$0x3FAB]  }
0x29: {  	s4 =	sld [smem:$0x3FAD]  }
0x2a: {  	p0 =	seq.s32 s5, $0x0;
	s5 =	sld [smem:$0x3FAE]  }
0x2b: {  	s6 =	sld [smem:$0x3FAF]  }
0x2c: {  	s7 =	sld [smem:$0x3FB0]  }
0x2d: {  	s3 =	simm.s32 $0x108;
	s8 =	sld [smem:$0x3FB1]  }
0x2e: {  	s3 =	simm.s32 @!p0 $0x1082;
	s9 =	sld [smem:$0x3FB2]  }
0x2f: {  	lr =	sadd.s32 s0, s3;
	s0 =	sld [smem:$0x3FA9]  }
0x30: {  	s3 =	sld [smem:$0x3FAC]  }
0x31: {  	[smem:$0x3FB5] =	sst s10  }
0x32: {  	s10 =	sld [smem:$0x3FB3];
	_ =	sdelay $0x3  }
0x33: {  	p0 =	seq.s32 s10, $0x1;
	s10 =	sld [smem:$0x3FB5];
	_ =	sdelay $0x3  }
0x34: {  	[smem:$0x3FB5] =	sst s10  }
0x35: {  	s10 =	sld [smem:$0x3FB4];
	_ =	sdelay $0x3  }
0x36: {  	p1 =	seq.s32 s10, $0x1;
	s10 =	sld [smem:$0x3FB5];
	_ =	sdelay $0x3  }
0x37: {  	[smem:$0x3FB5] =	sst s10  }
0x38: {  	s10 =	sld [smem:$0x3FB6]  }
0x39: {  	_ = 	snop;
	(pc) =	sbr.ind lr, $3  }
0x3a: {  	_ = 	snop  }
0x3b: {  	_ = 	snop  }
0x3c: {  	p2 =	seq.s32 s10, $0x1;
	s10 =	sld [smem:$0x3FB5]  }
0x3d: {  	_ =	shalt  }
0x3e: {  	_ =	shalt  }
0x3f: {  	_ =	shalt  }
0x40: {  	_ =	shalt  }
0x41: {  	_ =	shalt  }
0x42: {  	_ =	shalt  }
0x43: {  	_ =	shalt  }
0x44: {  	_ =	shalt  }
0x45: {  	_ =	shalt  }
0x46: {  	_ =	shalt  }
0x47: {  	_ =	shalt  }
0x48: {  	_ =	shalt  }
0x49: {  	_ =	shalt  }
0x4a: {  	_ =	shalt  }
0x4b: {  	_ =	shalt  }
0x4c: {  	_ =	shalt  }
0x4d: {  	_ =	shalt  }
0x4e: {  	_ =	shalt  }
0x4f: {  	_ =	shalt  }
0x50: {  	_ =	shalt  }
0x51: {  	_ =	shalt  }
0x52: {  	_ =	shalt  }
0x53: {  	_ =	shalt  }
0x54: {  	_ =	shalt  }
0x55: {  	_ =	shalt  }
0x56: {  	_ =	shalt  }
0x57: {  	_ =	shalt  }
0x58: {  	_ =	shalt  }
0x59: {  	_ =	shalt  }
0x5a: {  	_ =	shalt  }
0x5b: {  	_ =	shalt  }
0x5c: {  	_ =	shalt  }
0x5d: {  	_ =	shalt  }
0x5e: {  	_ =	shalt  }
0x5f: {  	_ =	shalt  }
0x60: {  	_ =	shalt  }
0x61: {  	_ =	shalt  }
0x62: {  	_ =	shalt  }
0x63: {  	_ =	shalt  }
0x64: {  	_ =	shalt  }
0x65: {  	_ =	shalt  }
0x66: {  	_ =	shalt  }
0x67: {  	_ =	shalt  }
0x68: {  	_ =	shalt  }
0x69: {  	_ =	shalt  }
0x6a: {  	_ =	shalt  }
0x6b: {  	_ =	shalt  }
0x6c: {  	_ =	shalt  }
0x6d: {  	_ =	shalt  }
0x6e: {  	_ =	shalt  }
0x6f: {  	_ =	shalt  }
0x70: {  	_ =	shalt  }
0x71: {  	_ =	shalt  }
0x72: {  	_ =	shalt  }
0x73: {  	_ =	shalt  }
0x74: {  	_ =	shalt  }
0x75: {  	_ =	shalt  }
0x76: {  	_ =	shalt  }
0x77: {  	_ =	shalt  }
0x78: {  	_ =	shalt  }
0x79: {  	_ =	shalt  }
0x7a: {  	_ =	shalt  }
0x7b: {  	_ =	shalt  }
0x7c: {  	_ =	shalt  }
0x7d: {  	_ =	shalt  }
0x7e: {  	_ =	shalt  }
0x7f: {  	_ =	shalt  }
0x80: {  	_ =	shalt  }
0x81: {  	_ =	shalt  }
0x82: {  	_ =	shalt  }
0x83: {  	_ =	shalt  }
0x84: {  	_ =	shalt  }
0x85: {  	_ =	shalt  }
0x86: {  	_ =	shalt  }
0x87: {  	_ =	shalt  }
.Lfunc_end0:
.L_simem_size_0:
called_computation_lowered:
.L_overlay_start_0:
0x88: {  	s2 =	sld [smem:$0x3FD9]  }
0x89: {  	s3 =	sld [smem:$0x3FFE];
	_ =	sdelay $0x1  }
0x8a: {  	s1 =	srdreg.scid  }
0x8b: {  	s0 =	sand.u32 $0x1, s1  }
0x8c: {  	s17 =	sshll.u32 s0, $0xA;
	s2 =	sadd.s32 s3, s2  }
0x8d: {  	s2 =	sadd.s32 s2, s17  }
0x8e: {  	[smem:$0x3FC1] =	sst s2  }
0x8f: {  	_ = 	snop  }
0x90: {  	s2 =	sld [smem:$0x3FD0];
	(tm) =	ssettm $0x1  }
0x91: {  	s18 =	sld [smem:$0x3FFB];
	_ =	sdelay $0x3  }
0x92: {  	_ =	strace s18  }
0x93: {  	s3 =	sld [smem:$0x3FFC];
	_ =	sdelay $0x3  }
0x94: {  	_ =	strace s3  }
0x95: {  	s3 =	sld [smem:$0x3FFD];
	_ =	sdelay $0x3  }
0x96: {  	_ =	strace s3  }
0x97: {  	_ =	strace $0x8FFFFFFF  }
0x98: {  	s19 =	sld [smem:$0x3FDB];
	_ =	sdelay $0x1  }
0x99: {  	s4 =	simm.s32 $_scs_section_size  }
0x9a: {  	s5 =	simm.s32 $_size__tile_overlayer_lowered;
	s6 =	simm.s32 $_tile_overlayer_lowered  }
0x9b: {  	s22 =	simm.s32 $0x1BFF;
	s21 =	sshll.u32 s6, $0x1;
	s3 =	sadd.s32 s4, s19  }
0x9c: {  	s7 =	simm.s32 $0x0;
	s20 =	sshll.u32 s5, $0x1;
	s5 =	sadd.s32 s21, s3  }
0x9d: {  	[timem:s7], [sflag:s22] =	dma.local [hbm:s5], s20  }
0x9e: {  	_ =	swait.ge [sflag:s22], s20  }
0x9f: {  	s4 =	ssub.s32 $0x0, s20;
	[sflag:s22] =	ssyncset.done $0x0  }
0xa0: {  	[sflag:s22] =	ssyncadd.s32 s4;
	_ =	sdelay $0x1  }
0xa1: {  	s23 =	simm.s32 $0x1B8B  }
0xa2: {  	_ =	swait.ge [sflag:s23], $0x1  }
0xa3: {  	[sflag:s23] =	ssyncset.done $0x0  }
0xa4: {  	s25 =	simm.s32 $0x1B8E;
	s24 =	sld [smem:$0x3FFE];
	[sflag:s23] =	ssyncadd.s32 $0xFFFFFFFF  }
0xa5: {  	s26 =	simm.s32 $execute0_lowered;
	[smem:$0x3FD2] =	sst s25  }
0xa6: {  	s5 =	sshll.u32 s26, $0x1;
	_ =	strace $0x80000046;
	[dreg:$0x1] =	wrdreg $0xFFFFFFFF  }
0xa7: {  	s28 =	simm.s32 $_size_execute0_lowered;
	s3 =	sadd.s32 s3, s5;
	[dreg:$0x0] =	wrdreg $0x0  }
0xa8: {  	s5 =	sshll.u32 s28, $0x1;
	[dreg:$0x2] =	wrdreg s3  }
0xa9: {  	[dreg:$0x3] =	wrdreg s5  }
0xaa: {  	[dreg:$0x4] =	wrdreg $0xC0  }
0xab: {  	_ =	task [dreg:s7], $0x5FFFF  }
0xac: {  	[dreg:$0x1] =	wrdreg $0xFFFFFFFF  }
0xad: {  	[dreg:$0x0] =	wrdreg $0x60  }
0xae: {  	[dreg:$0x2] =	wrdreg s2  }
0xaf: {  	[dreg:$0x3] =	wrdreg s24  }
0xb0: {  	[dreg:$0x4] =	wrdreg $0x9  }
0xb1: {  	_ =	task.clear_ibuf [dreg:s7], $0x5FFFF;
	_ =	strace $0x90000046  }
0xb2: {  	s29 =	simm.s32 $0x9;
	_ =	strace $0x80000048  }
0xb3: {  	_ =	swait.ge [sflag:s29], $0x1  }
0xb4: {  	[sflag:s29] =	ssyncadd.s32 $0xFFFFFFFF  }
0xb5: {  	_ =	strace $0x90000048  }
0xb6: {  	_ =	sfence  }
0xb7: {  	s30 =	sld [smem:$0x0];
	_ =	sdelay $0x2  }
0xb8: {  	s31 =	sshll.u32 s1, $0xD;
	s1 =	sshrl.u32 s1, $0x2  }
0xb9: {  	s3 =	sand.u32 $0x4000, s31;
	s1 =	sadd.s32 s1, s30  }
0xba: {  	s0 =	sor.u32 s3, s0;
	s1 =	sshll.u32 s1, $0x11  }
0xbb: {  	s0 =	sor.u32 s1, s0  }
0xbc: {  	s0 =	sadd.s32 $0x8F2B, s0  }
0xbd: {  	[sflag:s0] =	ssyncadd.remote.s32 $0x1  }
0xbe: {  	_ =	sfence.sel $0xFFFF  }
0xbf: {  	[dreg:$0x0] =	wrdreg $0xFFFFFFFF;
	(pc) =	sbr.abs _section_cstart, $3  }
0xc0: {  	[dreg:$0x1] =	wrdreg $0xFFFFFFFF  }
0xc1: {  	_ =	task.clear_ibuf [dreg:s7], $0x2FFFF;
	_ =	strace $0x9FFFFFFF  }
0xc2: {  	(tm) =	ssettm $0x7FFFFFFF  }
0xc3: {  	_ =	shalt  }
tec
execute0_lowered:
.L_overlay_start_1:
0x0: {  	(tag) =	ssettag $0x1  }
0x1: {  	s3 =	rddreg [dreg:$0x0];
	s1 =	srdreg.scid  }
0x2: {  	s0 =	stileid.u32;
	s4 =	rddreg [dreg:$0x1]  }
0x3: {  	s8 =	simm.s32 $0x0;
	s5 =	sand.u32 $0x1, s1;
	s2 =	sshll.u32 s0, $0x1  }
0x4: {  	s6 =	sor.u32 s5, s2;
	s2 =	simm.s32 $0x0;
	s5 =	ssub.s32 $0x2, s5  }
0x5: {  	s6 =	smul.u32 $0x500, s6;
	[smem:$0x7FF] =	sst s2;
	s7 =	sshrl.u32 s5, $0x1  }
0x6: {  	s1 =	rddreg [dreg:$0x2];
	_ =	strace $0x80000047;
	s5 =	ssub.s32 s5, s7  }
0x7: {  	s7 =	simm.s32 $0x2800;
	s4 =	sadd.s32 s6, s4;
	s3 =	sadd.s32 s3, s6  }
0x8: {  	v0 =	vimm.f32 $0.0e+00;
	v1 =	vimm.f32 $1.000000000e+00;
	s5 =	smax.u32 s5, $0x1;
	s6 =	simm.s32 $0x1;
	s4 =	sadd.s32 $0x1A00, s4  }
.LBB2_1:
0x9: {  	[tilespmem:s2], [sflag:$0x1] =	stream.linear.gather [hbm4b:s3+s2], $0x2800, $0x38;
	[tilespmem:$0x5000] =	vst v63  }
0xa: {  	_ =	swait.ge [sflag:s6], $0x2800  }
0xb: {  	[sflag:s6] =	ssyncset.done $0x0  }
0xc: {  	s9 =	simm.s32 $0x0;
	[sflag:s6] =	ssyncadd.s32 $0xFFFFD800  }
.LBB2_2:
0xd: {  	p0 =	sne.s32 s9, $0x9FC0  }
.Ltmp0:
0xe: {  	_ = 	snop;
	(pc) =	sbr.rel @p0 .LBB2_2-.Ltmp0, $3  }
0xf: {  	_ =	sdelay $0x1  }
0x10: {  	s10 =	sshra.s32 s9, $0x2  }
0x11: {  	s9 =	sadd.s32 $0x40, s9;
	[tilespmem:s10+$0x2800] =	vst v0  }
0x12: {  	s9 =	simm.s32 $0x0  }
.LBB2_4:
0x13: {  	s10 =	sshra.s32 s9, $0x2  }
0x14: {  	v2 =	vld [tilespmem:s10+$0x0];
	_ =	sdelay $0x7  }
0x15: {  	[tilespmem:v2+s7+$0x0] =	vst.idx.add.f32.msk $0xffff, v1  }
0x16: {  	v2 =	vld [tilespmem:s10+$0x10];
	_ =	sdelay $0x7  }
0x17: {  	[tilespmem:v2+s7+$0x0] =	vst.idx.add.f32.msk $0xffff, v1  }
0x18: {  	v2 =	vld [tilespmem:s10+$0x20];
	_ =	sdelay $0x7  }
0x19: {  	[tilespmem:v2+s7+$0x0] =	vst.idx.add.f32.msk $0xffff, v1  }
0x1a: {  	v2 =	vld [tilespmem:s10+$0x30];
	_ =	sdelay $0x7  }
0x1b: {  	[tilespmem:v2+s7+$0x0] =	vst.idx.add.f32.msk $0xffff, v1  }
0x1c: {  	v2 =	vld [tilespmem:s10+$0x40];
	_ =	sdelay $0x7  }
0x1d: {  	[tilespmem:v2+s7+$0x0] =	vst.idx.add.f32.msk $0xffff, v1  }
0x1e: {  	v2 =	vld [tilespmem:s10+$0x50];
	_ =	sdelay $0x7  }
0x1f: {  	[tilespmem:v2+s7+$0x0] =	vst.idx.add.f32.msk $0xffff, v1  }
0x20: {  	v2 =	vld [tilespmem:s10+$0x60];
	_ =	sdelay $0x7  }
0x21: {  	[tilespmem:v2+s7+$0x0] =	vst.idx.add.f32.msk $0xffff, v1  }
0x22: {  	v2 =	vld [tilespmem:s10+$0x70];
	_ =	sdelay $0x2  }
0x23: {  	p0 =	sne.s32 s9, $0x9E00  }
.Ltmp1:
0x24: {  	_ = 	snop;
	(pc) =	sbr.rel @p0 .LBB2_4-.Ltmp1, $2  }
0x25: {  	_ =	sdelay $0x2  }
0x26: {  	s9 =	sadd.s32 $0x200, s9;
	[tilespmem:v2+s7+$0x0] =	vst.idx.add.f32.msk $0xffff, v1  }
0x27: {  	s8 =	sadd.s32 $0x1, s8  }
0x28: {  	p0 =	sne.s32 s8, s5  }
.Ltmp2:
0x29: {  	_ = 	snop;
	(pc) =	sbr.rel @p0 .LBB2_1-.Ltmp2, $4  }
0x2a: {  	[hbm4b:s4+s2] =	stream.linear.scatter [tilespmem:s7], [sflag:$0x1], $0x2800, $0x38;
	[tilespmem:$0x5000] =	vst v63  }
0x2b: {  	_ =	swait.ge [sflag:s6], $0x2800  }
0x2c: {  	[sflag:s6] =	ssyncset.done $0x0  }
0x2d: {  	[sflag:s6] =	ssyncadd.s32 $0xFFFFD800  }
0x2e: {  	_ =	sfence.sel $0x180000  }
0x2f: {  	[bflag:$0x0] =	sbarrier.arrive $0xFFFF  }
0x30: {  	p0 =	sne.s32 s0, $0x0;
	_ =	strace $0x90000047  }
0x31: {  	s0 =	sadd.s32 @!p0 $0x100000, s1;
	[bflag:$0x2] =	sbarrier.arrive $0xFFFF  }
0x32: {  	[sflag:s0] =	ssyncadd.tile.s32 @!p0 $0x1;
	_ =	shalt  }
.Lfunc_end2:
_tile_overlayer_lowered:
.L_overlay_start_2:
0x33: {  	(tag) =	ssettag $0x2  }
0x34: {  	s0 =	rddreg [dreg:$0x0];
	s2 =	stileid.u32  }
0x35: {  	s1 =	rddreg [dreg:$0x1];
	p0 =	sne.s32 s2, $0x0  }
0x36: {  	s3 =	rddreg [dreg:$0x2];
	[bflag:$0x3] =	sbarrier.arrive $0xFFFF;
	s2 =	simm.s32 @!p0 $0x1C01  }
0x37: {  	[timem:s3], [sflag:s2] =	dma.local @!p0 [hbm:s0], s1  }
0x38: {  	s0 =	simm.s32 @!p0 $0x1  }
0x39: {  	_ =	swait.ge @!p0 [sflag:s0], s1  }
0x3a: {  	s1 =	ssub.s32 @!p0 $0x0, s1;
	[sflag:s0] =	ssyncset.done @!p0 $0x0  }
0x3b: {  	[sflag:s0] =	ssyncadd.s32 @!p0 s1  }
0x3c: {  	[bflag:$0x3] =	sbarrier.arrive $0xFFFF  }
0x3d: {  	_ =	shalt  }

</sc_bundles>
